<compile_context>
chip_gen: v7x
topology: tpu7x:2x2x1
jax: 0.10.2.dev20260603
libtpu: 0.0.44.dev20260713+nightly
codegen_flags: <defaults>
</compile_context>

<pallas_src>
import functools

import jax
import jax.numpy as jnp
from jax import lax
from jax.experimental import pallas as pl
from jax.experimental.pallas import tpu as pltpu
from jax.experimental.pallas import tpu_sc as plsc

N_NODES = 10000
N_EDGES = 320000
NC = 2
NS = 16
NW = NC * NS
CH = 128
GCH = 2
GROUP = GCH * CH
GPR0 = 20
REPS0 = 2
GPR1 = 20
REPS1 = 2
G0 = GPR0 * REPS0
G1 = GPR1 * REPS1
NBUF = 2
GPRMAX = max(GPR0, GPR1)
TOT = NS * (G0 + G1) * GROUP
NCHD = TOT // CH
DEG_G = NCHD // NW
NROWS = 10112
RPT = NROWS // NS
DEG_W = 16
H = 64



def _deg_body(dstc_hbm, ones_hbm, zeros_hbm, out_hbm, didx, onev, accum):
    c = lax.axis_index("c")
    s = lax.axis_index("s")
    wid = c * NS + s
    r0 = s * RPT
    pltpu.sync_copy(zeros_hbm.at[pl.ds(r0, RPT)], accum.at[pl.ds(r0, RPT)])
    pltpu.sync_copy(ones_hbm, onev)
    pltpu.sync_copy(dstc_hbm.at[pl.ds(wid * DEG_G, DEG_G)], didx)
    plsc.subcore_barrier()

    def body(j, carry):
        pltpu.sync_copy(onev, accum.at[didx.at[j]], add=True)
        return carry

    lax.fori_loop(0, DEG_G, body, 0)
    plsc.subcore_barrier()
    pltpu.sync_copy(accum.at[pl.ds(r0, RPT)], out_hbm.at[c, pl.ds(r0, RPT)])



def _scatter_body(src_hbm, dstc_hbm, vals_hbm, zeros_hbm, out_hbm,
                  sidx, didx, *rest):
    rows = rest[:NBUF]
    accum = rest[NBUF]
    vals_sh = rest[NBUF + 1]
    sems = rest[NBUF + 2:]
    c = lax.axis_index("c")
    s = lax.axis_index("s")
    r0 = s * RPT
    pltpu.sync_copy(zeros_hbm.at[pl.ds(r0, RPT)], accum.at[pl.ds(r0, RPT)])
    pltpu.sync_copy(vals_hbm.at[pl.ds(r0, RPT)], vals_sh.at[pl.ds(r0, RPT)])

    def gather(j, b):
        off = pl.multiple_of(j * GROUP, GROUP)
        return pltpu.async_copy(vals_sh.at[sidx.at[pl.ds(off, GROUP)]],
                                rows[b], sems[b])

    def gwait(b):
        pltpu.make_async_copy(zeros_hbm.at[pl.ds(0, GROUP)], rows[b],
                              sems[b]).wait()

    def scat(j, b):
        for k in range(GCH):
            pltpu.sync_copy(rows[b].at[pl.ds(k * CH, CH)],
                            accum.at[didx.at[j * GCH + k]], add=True)

    def run(gpr, reps, ebase, cbase):
        assert gpr % NBUF == 0
        for rep in range(reps):
            eb = ebase + rep * (gpr * GROUP)
            cb = cbase + rep * (gpr * GCH)
            n_ed = gpr * GROUP
            pltpu.sync_copy(
                src_hbm.at[pl.ds(pl.multiple_of(eb, GROUP), n_ed)],
                sidx.at[pl.ds(0, n_ed)])
            pltpu.sync_copy(dstc_hbm.at[pl.ds(cb, gpr * GCH)],
                            didx.at[pl.ds(0, gpr * GCH)])
            if rep == 0:
                plsc.subcore_barrier()
            for b in range(NBUF):
                gather(b, b)

            def body(i, carry):
                for b in range(NBUF):
                    j = i * NBUF + b
                    gwait(b)
                    scat(j, b)

                    @pl.when(j + NBUF < gpr)
                    def _():
                        gather(j + NBUF, b)
                return carry

            lax.fori_loop(0, gpr // NBUF, body, 0)
        plsc.subcore_barrier()
        pltpu.sync_copy(accum.at[pl.ds(r0, RPT)], out_hbm.at[c, pl.ds(r0, RPT)])

    @pl.when(c == 0)
    def _():
        run(GPR0, REPS0, s * (G0 * GROUP), s * (G0 * GCH))

    @pl.when(c == 1)
    def _():
        run(GPR1, REPS1, NS * (G0 * GROUP) + s * (G1 * GROUP),
            NS * (G0 * GCH) + s * (G1 * GCH))


@functools.lru_cache(maxsize=None)
def _build_sc_kernels():
    mesh = plsc.VectorSubcoreMesh(core_axis_name="c", subcore_axis_name="s",
                                  num_cores=NC, num_subcores=NS)
    cparams = pltpu.CompilerParams(use_tc_tiling_on_sc=False)
    deg_k = pl.kernel(
        _deg_body,
        out_type=jax.ShapeDtypeStruct((NC, NROWS, DEG_W), jnp.float32),
        mesh=mesh,
        scratch_types=[
            pltpu.VMEM((DEG_G, CH), jnp.int32),
            pltpu.VMEM((CH, DEG_W), jnp.float32),
            pltpu.VMEM_SHARED((NROWS, DEG_W), jnp.float32),
        ],
        compiler_params=cparams,
    )
    scat_k = pl.kernel(
        _scatter_body,
        out_type=jax.ShapeDtypeStruct((NC, NROWS, H), jnp.float32),
        mesh=mesh,
        scratch_types=[
            pltpu.VMEM((GPRMAX * GROUP,), jnp.int32),
            pltpu.VMEM((GPRMAX * GCH, CH), jnp.int32),
            *[pltpu.VMEM((GROUP, H), jnp.float32) for _ in range(NBUF)],
            pltpu.VMEM_SHARED((NROWS, H), jnp.float32),
            pltpu.VMEM_SHARED((NROWS, H), jnp.float32),
            *[pltpu.SemaphoreType.DMA for _ in range(NBUF)],
        ],
        compiler_params=cparams,
    )
    return deg_k, scat_k


def _seg_scatter(src_flat, dstc, vals, zeros_h):
    return _build_sc_kernels()[1](src_flat, dstc, vals, zeros_h)


def _deg_count(dstc, ones_deg, zeros_deg):
    return _build_sc_kernels()[0](dstc, ones_deg, zeros_deg)



def _mm1_body(x_ref, w_ref, dp_ref, o_ref):
    deg = dp_ref[0, :N_NODES, 0:1] + dp_ref[1, :N_NODES, 0:1] + 1.0
    dinv = lax.rsqrt(deg)
    o_ref[:N_NODES, :] = jnp.dot(x_ref[...], w_ref[...],
                                 preferred_element_type=jnp.float32) * dinv


def _mid_body(p_ref, hs_ref, dp_ref, b1_ref, mt_ref,
              sqt_ref, tst_ref, al_ref, gh_ref, gy_ref, bh_ref, by_ref,
              w2h_ref, w2y_ref, o_ref):
    deg2 = dp_ref[0, :N_NODES, 0:1] + dp_ref[1, :N_NODES, 0:1]
    dinv = lax.rsqrt(deg2 + 1.0)
    h = jnp.maximum((p_ref[0, :N_NODES, :] + p_ref[1, :N_NODES, :]
                     + hs_ref[:N_NODES, :]) * dinv + b1_ref[...], 0.0)
    hm = jnp.dot(h, mt_ref[...], preferred_element_type=jnp.float32)
    d_feat = (jnp.sum(h * h, axis=1, keepdims=True) - 2.0 * hm + sqt_ref[...])
    deg_n = deg2 / jnp.maximum(jnp.max(deg2), 1.0)
    d_struct = (deg_n - tst_ref[...]) ** 2
    alpha = al_ref[0, 0]
    y = (1.0 - alpha) * d_feat + alpha * d_struct
    eps = 1e-5
    muh = jnp.mean(h, axis=0, keepdims=True)
    varh = jnp.mean((h - muh) ** 2, axis=0, keepdims=True)
    zh = gh_ref[...] * (h - muh) / jnp.sqrt(varh + eps) + bh_ref[...]
    muy = jnp.mean(y, axis=0, keepdims=True)
    vary = jnp.mean((y - muy) ** 2, axis=0, keepdims=True)
    zy = gy_ref[...] * (y - muy) / jnp.sqrt(vary + eps) + by_ref[...]
    ts = jnp.dot(zh, w2h_ref[...], preferred_element_type=jnp.float32)
    ts = ts + jnp.dot(zy, w2y_ref[...], preferred_element_type=jnp.float32)
    o_ref[:N_NODES, :] = ts * dinv


def _fin_body(p_ref, ts_ref, dp_ref, b2_ref, wl_ref,
              bl_ref, out_ref, z_ref):
    deg = dp_ref[0, :N_NODES, 0:1] + dp_ref[1, :N_NODES, 0:1] + 1.0
    dinv = lax.rsqrt(deg)
    z = jnp.maximum((p_ref[0, :N_NODES, :] + p_ref[1, :N_NODES, :]
                     + ts_ref[:N_NODES, :]) * dinv + b2_ref[...], 0.0)
    z_ref[...] = z
    out_ref[...] = jnp.dot(z, wl_ref[...],
                           preferred_element_type=jnp.float32) + bl_ref[...]


def _mm1_call(x, W1, degp):
    return pl.pallas_call(
        _mm1_body,
        out_shape=jax.ShapeDtypeStruct((NROWS, H), jnp.float32),
    )(x, W1, degp)


def _mid_call(p1, hs, degp, b1, mt, sqt, tst, al, gh, gy, bh, by,
              w2h, w2y):
    return pl.pallas_call(
        _mid_body,
        out_shape=jax.ShapeDtypeStruct((NROWS, H), jnp.float32),
    )(p1, hs, degp, b1, mt, sqt, tst, al, gh, gy, bh, by, w2h, w2y)


def _fin_call(p2, ts, degp, b2, Wl, bl):
    return pl.pallas_call(
        _fin_body,
        out_shape=(jax.ShapeDtypeStruct((N_NODES, 16), jnp.float32),
                   jax.ShapeDtypeStruct((N_NODES, H), jnp.float32)),
    )(p2, ts, degp, b2, Wl, bl)



def kernel(x, edge_index, W1, b1, Tf, TA, qw, alpha0, gamma, beta, W2, b2,
           Wl, bl):
    pad = TOT - N_EDGES
    src_flat = jnp.concatenate([edge_index[0],
                                jnp.zeros((pad,), edge_index.dtype)])
    dst = jnp.concatenate([edge_index[1],
                           jnp.full((pad,), N_NODES, edge_index.dtype)])
    dstc = dst.reshape(NCHD, CH)
    zeros_h = jnp.zeros((NROWS, H), jnp.float32)
    zeros_deg = jnp.zeros((NROWS, DEG_W), jnp.float32)
    ones_deg = jnp.ones((CH, DEG_W), jnp.float32)

    q = jax.nn.softmax(qw, axis=1)
    alpha = jax.nn.sigmoid(alpha0)
    mean_t = jnp.einsum('tk,tkd->td', q, Tf)
    sq_t = jnp.einsum('tk,tk->t', q, jnp.sum(Tf * Tf, axis=-1))
    t_struct = jnp.einsum('tk,tkl,tl->t', q, TA, q)

    degp = _deg_count(dstc, ones_deg, zeros_deg)

    hs0 = _mm1_call(x, W1, degp)
    p1 = _seg_scatter(src_flat, dstc, hs0, zeros_h)
    ts = _mid_call(p1, hs0, degp,
                   b1.reshape(1, H), mean_t.T, sq_t.reshape(1, -1),
                   t_struct.reshape(1, -1), alpha.reshape(1, 1),
                   gamma[:H].reshape(1, H), gamma[H:].reshape(1, -1),
                   beta[:H].reshape(1, H), beta[H:].reshape(1, -1),
                   W2[:H], W2[H:])

    p2 = _seg_scatter(src_flat, dstc, ts, zeros_h)
    out, z2 = _fin_call(p2, ts, degp,
                        b2.reshape(1, H), Wl, bl.reshape(1, -1))
    return (out, z2)

# --- scband reference (transcript-rebuilt; emitter-appended) ---
"""Pipeline reference for scband-gcn-ltfgw-43061342110385 (READ-ONLY COPY).

The authoritative reference and input builder live on the scoring server;
editing this copy changes nothing except your own understanding.
"""

import jax, jax.numpy as jnp
import numpy as np

N_NODES = 10000
N_EDGES = 320000
N_FEAT = 128
HIDDEN = 64
N_TMPL = 16
TMPL_NODES = 8
N_CLASSES = 16


def setup_inputs(seed: int = 0) -> dict:
    key = jax.random.key(seed)
    ks = jax.random.split(key, 12)
    x = jax.random.normal(ks[0], (N_NODES, N_FEAT), dtype=jnp.float32)
    edge_index = jax.random.randint(ks[1], (2, N_EDGES), 0, N_NODES, dtype=jnp.int32)
    W1 = jax.random.normal(ks[2], (N_FEAT, HIDDEN), dtype=jnp.float32) * 0.05
    b1 = jnp.zeros((HIDDEN,), jnp.float32)
    Tf = jax.random.normal(ks[3], (N_TMPL, TMPL_NODES, HIDDEN), dtype=jnp.float32) * 0.1
    TA = jax.random.uniform(ks[4], (N_TMPL, TMPL_NODES, TMPL_NODES), dtype=jnp.float32)
    qw = jnp.zeros((N_TMPL, TMPL_NODES), jnp.float32)
    alpha0 = jnp.zeros((), jnp.float32)
    gamma = jnp.ones((HIDDEN + N_TMPL,), jnp.float32)
    beta = jnp.zeros((HIDDEN + N_TMPL,), jnp.float32)
    W2 = jax.random.normal(ks[5], (HIDDEN + N_TMPL, HIDDEN), dtype=jnp.float32) * 0.05
    b2 = jnp.zeros((HIDDEN,), jnp.float32)
    Wl = jax.random.normal(ks[6], (HIDDEN, N_CLASSES), dtype=jnp.float32) * 0.05
    bl = jnp.zeros((N_CLASSES,), jnp.float32)
    return {"x": x, "edge_index": edge_index, "W1": W1, "b1": b1, "Tf": Tf, "TA": TA, "qw": qw, "alpha0": alpha0, "gamma": gamma, "beta": beta, "W2": W2, "b2": b2, "Wl": Wl, "bl": bl}


def _gcn_conv(x, edge_index, W, b):
    n = x.shape[0]
    h = x @ W
    loops = jnp.arange(n, dtype=edge_index.dtype)
    src = jnp.concatenate([edge_index[0], loops])
    dst = jnp.concatenate([edge_index[1], loops])
    deg = jnp.zeros((n,), h.dtype).at[dst].add(1.0)
    dinv = jax.lax.rsqrt(jnp.maximum(deg, 1.0))
    norm = dinv[src] * dinv[dst]
    msg = jnp.take(h, src, axis=0) * norm[:, None]
    out = jnp.zeros((n, h.shape[1]), h.dtype).at[dst].add(msg)
    return out + b


def _ltfgw(h, edge_index, Tf, TA, qw, alpha0):
    n = h.shape[0]
    q = jax.nn.softmax(qw, axis=1)
    alpha = jax.nn.sigmoid(alpha0)
    mean_t = jnp.einsum('tk,tkd->td', q, Tf)
    sq_t = jnp.einsum('tk,tk->t', q, jnp.sum(Tf * Tf, axis=-1))
    d_feat = jnp.sum(h * h, axis=1)[:, None] - 2.0 * (h @ mean_t.T) + sq_t[None, :]
    deg = jnp.zeros((n,), h.dtype).at[edge_index[1]].add(1.0)
    deg_n = deg / jnp.maximum(jnp.max(deg), 1.0)
    t_struct = jnp.einsum('tk,tkl,tl->t', q, TA, q)
    d_struct = (deg_n[:, None] - t_struct[None, :]) ** 2
    return (1.0 - alpha) * d_feat + alpha * d_struct


def _batch_norm(z, gamma, beta, eps=1e-5):
    mu = jnp.mean(z, axis=0)
    var = jnp.var(z, axis=0)
    return gamma * (z - mu) / jnp.sqrt(var + eps) + beta


def reference(x, edge_index, W1, b1, Tf, TA, qw, alpha0, gamma, beta, W2, b2, Wl, bl):
    h = jax.nn.relu(_gcn_conv(x, edge_index, W1, b1))
    y = _ltfgw(h, edge_index, Tf, TA, qw, alpha0)
    z = jnp.hstack([h, y])
    z = _batch_norm(z, gamma, beta)
    z = jax.nn.relu(_gcn_conv(z, edge_index, W2, b2))
    x_latent = z
    out = z @ Wl + bl
    return (out, x_latent)

if __name__ == "__main__":
    import jax
    _d = setup_inputs()
    print(jax.jit(kernel)(*tuple(_d.values())))

</pallas_src>

<mosaic_0001>
#map = affine_map<(d0, d1) -> (0, 0)>
#map1 = affine_map<(d0, d1) -> (0, 0, 0)>
module attributes {stable_mosaic.version = 14 : i64} {
  func.func @_deg_body(%arg0: i32, %arg1: i32, %arg2: memref<2560x128xi32, #tpu.memory_space<hbm>>, %arg3: memref<128x16xf32, #tpu.memory_space<hbm>>, %arg4: memref<10112x16xf32, #tpu.memory_space<hbm>>, %arg5: memref<2x10112x16xf32, #tpu.memory_space<hbm>>, %arg6: memref<80x128xi32, #tpu.memory_space<vmem>>, %arg7: memref<128x16xf32, #tpu.memory_space<vmem>>, %arg8: memref<10112x16xf32, #tpu.memory_space<vmem_shared>>) attributes {dimension_semantics = [#tpu.dimension_semantics<core_parallel>, #tpu.dimension_semantics<subcore_parallel>], iteration_bounds = array<i64: 2, 16>, scalar_prefetch = 0 : i64, scratch_operands = 3 : i64, tpu.core_type = #tpu.core_type<sc_vector_subcore>, window_params = [{transform_indices = #map}, {transform_indices = #map}, {transform_indices = #map}, {transform_indices = #map1}]} {
    %mul3A = arith.constant 16 : i32
    %mul3A_0 = arith.muli %arg0, %mul3A : i32
    %add3A = arith.addi %mul3A_0, %arg1 : i32
    %mul3A_1 = arith.constant 632 : i32
    %mul3A_2 = arith.muli %arg1, %mul3A_1 : i32
    "tpu.region"() ({
      %run_scoped3A = tpu.sem_alloc : memref<!tpu.dma_semaphore, #tpu.memory_space<semaphore_mem>>
      %dma_start3A = arith.constant 0 : i32
      %dma_start3A_11 = tpu.memref_slice %arg8[%mul3A_2, %dma_start3A] : memref<10112x16xf32, #tpu.memory_space<vmem_shared>> -> memref<632x16xf32, #tpu.memory_space<vmem_shared>>
      %dma_start3A_12 = arith.constant 0 : i32
      %dma_start3A_13 = tpu.memref_slice %arg4[%mul3A_2, %dma_start3A_12] : memref<10112x16xf32, #tpu.memory_space<hbm>> -> memref<632x16xf32, #tpu.memory_space<hbm>>
      tpu.enqueue_dma source(%dma_start3A_13 : memref<632x16xf32, #tpu.memory_space<hbm>>) target(%dma_start3A_11 : memref<632x16xf32, #tpu.memory_space<vmem_shared>>) target_semaphore(%run_scoped3A : memref<!tpu.dma_semaphore, #tpu.memory_space<semaphore_mem>>)
      %dma_wait3A = arith.constant 0 : i32
      %dma_wait3A_14 = tpu.memref_slice %arg8[%mul3A_2, %dma_wait3A] : memref<10112x16xf32, #tpu.memory_space<vmem_shared>> -> memref<632x16xf32, #tpu.memory_space<vmem_shared>>
      %dma_wait3A_15 = arith.constant 0 : i32
      %dma_wait3A_16 = tpu.memref_slice %arg4[%mul3A_2, %dma_wait3A_15] : memref<10112x16xf32, #tpu.memory_space<hbm>> -> memref<632x16xf32, #tpu.memory_space<hbm>>
      tpu.wait_dma2 semaphore(%run_scoped3A : memref<!tpu.dma_semaphore, #tpu.memory_space<semaphore_mem>>) src(%dma_wait3A_16 : memref<632x16xf32, #tpu.memory_space<hbm>>) dst(%dma_wait3A_14 : memref<632x16xf32, #tpu.memory_space<vmem_shared>>)
      tpu.yield
    }) : () -> ()
    "tpu.region"() ({
      %run_scoped3A = tpu.sem_alloc : memref<!tpu.dma_semaphore, #tpu.memory_space<semaphore_mem>>
      tpu.enqueue_dma source(%arg3 : memref<128x16xf32, #tpu.memory_space<hbm>>) target(%arg7 : memref<128x16xf32, #tpu.memory_space<vmem>>) target_semaphore(%run_scoped3A : memref<!tpu.dma_semaphore, #tpu.memory_space<semaphore_mem>>)
      tpu.wait_dma2 semaphore(%run_scoped3A : memref<!tpu.dma_semaphore, #tpu.memory_space<semaphore_mem>>) src(%arg3 : memref<128x16xf32, #tpu.memory_space<hbm>>) dst(%arg7 : memref<128x16xf32, #tpu.memory_space<vmem>>)
      tpu.yield
    }) : () -> ()
    %mul3A_3 = arith.constant 80 : i32
    %mul3A_4 = arith.muli %add3A, %mul3A_3 : i32
    "tpu.region"() ({
      %run_scoped3A = tpu.sem_alloc : memref<!tpu.dma_semaphore, #tpu.memory_space<semaphore_mem>>
      %dma_start3A = arith.constant 0 : i32
      %dma_start3A_11 = tpu.memref_slice %arg2[%mul3A_4, %dma_start3A] : memref<2560x128xi32, #tpu.memory_space<hbm>> -> memref<80x128xi32, #tpu.memory_space<hbm>>
      %dma_start3A_12 = arith.constant 0 : i32
      %dma_start3A_13 = tpu.memref_slice %arg2[%mul3A_4, %dma_start3A_12] : memref<2560x128xi32, #tpu.memory_space<hbm>> -> memref<80x128xi32, #tpu.memory_space<hbm>>
      tpu.enqueue_dma source(%dma_start3A_13 : memref<80x128xi32, #tpu.memory_space<hbm>>) target(%arg6 : memref<80x128xi32, #tpu.memory_space<vmem>>) target_semaphore(%run_scoped3A : memref<!tpu.dma_semaphore, #tpu.memory_space<semaphore_mem>>)
      %dma_wait3A = arith.constant 0 : i32
      %dma_wait3A_14 = tpu.memref_slice %arg2[%mul3A_4, %dma_wait3A] : memref<2560x128xi32, #tpu.memory_space<hbm>> -> memref<80x128xi32, #tpu.memory_space<hbm>>
      %dma_wait3A_15 = arith.constant 0 : i32
      %dma_wait3A_16 = tpu.memref_slice %arg2[%mul3A_4, %dma_wait3A_15] : memref<2560x128xi32, #tpu.memory_space<hbm>> -> memref<80x128xi32, #tpu.memory_space<hbm>>
      tpu.wait_dma2 semaphore(%run_scoped3A : memref<!tpu.dma_semaphore, #tpu.memory_space<semaphore_mem>>) src(%dma_wait3A_16 : memref<80x128xi32, #tpu.memory_space<hbm>>) dst(%arg6 : memref<80x128xi32, #tpu.memory_space<vmem>>)
      tpu.yield
    }) : () -> ()
    %barrier3A = arith.constant 0 : index
    tpu.barrier barrier_id(%barrier3A)
    %scan3A = arith.constant 0 : i32
    %scan3A_5 = arith.constant 0 : i32
    %scan3A_6 = arith.constant 80 : i32
    %scan3A_7 = arith.addi %scan3A_5, %scan3A_6 : i32
    %scan3A_8 = arith.constant 1 : i32
    scf.for %scan3A_11 = %scan3A_5 to %scan3A_7 step %scan3A_8  : i32 {
      "tpu.region"() ({
        %run_scoped3A = tpu.sem_alloc : memref<!tpu.dma_semaphore, #tpu.memory_space<semaphore_mem>>
        %dma_start3A = arith.constant 0 : i32
        %dma_start3A_12 = tpu.memref_slice %arg6[%scan3A_11, %dma_start3A] : memref<80x128xi32, #tpu.memory_space<vmem>> -> memref<1x128xi32, #tpu.memory_space<vmem>>
        %dma_start3A_13 = tpu.memref_squeeze %dma_start3A_12 : memref<1x128xi32, #tpu.memory_space<vmem>> -> memref<128xi32, #tpu.memory_space<vmem>>
        %dma_start3A_14 = arith.constant 0 : i32
        %dma_start3A_15 = arith.constant 0 : i32
        %dma_start3A_16 = tpu.memref_slice %arg8[%dma_start3A_14, %dma_start3A_15] : memref<10112x16xf32, #tpu.memory_space<vmem_shared>> -> memref<10112x16xf32, #tpu.memory_space<vmem_shared>>
        tpu.enqueue_indirect_dma source(%arg7 : memref<128x16xf32, #tpu.memory_space<vmem>>) target(%dma_start3A_16 : memref<10112x16xf32, #tpu.memory_space<vmem_shared>>) offsets(%dma_start3A_13 : memref<128xi32, #tpu.memory_space<vmem>>) semaphore(%run_scoped3A : memref<!tpu.dma_semaphore, #tpu.memory_space<semaphore_mem>>) {add = true}
        %dma_wait3A = arith.constant 0 : i32
        %dma_wait3A_17 = tpu.memref_slice %arg6[%scan3A_11, %dma_wait3A] : memref<80x128xi32, #tpu.memory_space<vmem>> -> memref<1x128xi32, #tpu.memory_space<vmem>>
        %dma_wait3A_18 = tpu.memref_squeeze %dma_wait3A_17 : memref<1x128xi32, #tpu.memory_space<vmem>> -> memref<128xi32, #tpu.memory_space<vmem>>
        %dma_wait3A_19 = arith.constant 0 : i32
        %dma_wait3A_20 = arith.constant 0 : i32
        %dma_wait3A_21 = tpu.memref_slice %arg8[%dma_wait3A_19, %dma_wait3A_20] : memref<10112x16xf32, #tpu.memory_space<vmem_shared>> -> memref<10112x16xf32, #tpu.memory_space<vmem_shared>>
        tpu.wait_indirect_dma semaphore(%run_scoped3A : memref<!tpu.dma_semaphore, #tpu.memory_space<semaphore_mem>>) src(%arg7 : memref<128x16xf32, #tpu.memory_space<vmem>>) dst(%dma_wait3A_21 : memref<10112x16xf32, #tpu.memory_space<vmem_shared>>)
        tpu.yield
      }) : () -> ()
    }
    %scan3A_9 = arith.constant 80 : i32
    %barrier3A_10 = arith.constant 0 : index
    tpu.barrier barrier_id(%barrier3A_10)
    "tpu.region"() ({
      %run_scoped3A = tpu.sem_alloc : memref<!tpu.dma_semaphore, #tpu.memory_space<semaphore_mem>>
      %dma_start3A = arith.constant 0 : i32
      %dma_start3A_11 = tpu.memref_slice %arg5[%arg0, %mul3A_2, %dma_start3A] : memref<2x10112x16xf32, #tpu.memory_space<hbm>> -> memref<1x632x16xf32, #tpu.memory_space<hbm>>
      %dma_start3A_12 = tpu.memref_squeeze %dma_start3A_11 : memref<1x632x16xf32, #tpu.memory_space<hbm>> -> memref<632x16xf32, #tpu.memory_space<hbm>>
      %dma_start3A_13 = arith.constant 0 : i32
      %dma_start3A_14 = tpu.memref_slice %arg8[%mul3A_2, %dma_start3A_13] : memref<10112x16xf32, #tpu.memory_space<vmem_shared>> -> memref<632x16xf32, #tpu.memory_space<vmem_shared>>
      tpu.enqueue_dma source(%dma_start3A_14 : memref<632x16xf32, #tpu.memory_space<vmem_shared>>) target(%dma_start3A_12 : memref<632x16xf32, #tpu.memory_space<hbm>>) target_semaphore(%run_scoped3A : memref<!tpu.dma_semaphore, #tpu.memory_space<semaphore_mem>>)
      %dma_wait3A = arith.constant 0 : i32
      %dma_wait3A_15 = tpu.memref_slice %arg5[%arg0, %mul3A_2, %dma_wait3A] : memref<2x10112x16xf32, #tpu.memory_space<hbm>> -> memref<1x632x16xf32, #tpu.memory_space<hbm>>
      %dma_wait3A_16 = tpu.memref_squeeze %dma_wait3A_15 : memref<1x632x16xf32, #tpu.memory_space<hbm>> -> memref<632x16xf32, #tpu.memory_space<hbm>>
      %dma_wait3A_17 = arith.constant 0 : i32
      %dma_wait3A_18 = tpu.memref_slice %arg8[%mul3A_2, %dma_wait3A_17] : memref<10112x16xf32, #tpu.memory_space<vmem_shared>> -> memref<632x16xf32, #tpu.memory_space<vmem_shared>>
      tpu.wait_dma2 semaphore(%run_scoped3A : memref<!tpu.dma_semaphore, #tpu.memory_space<semaphore_mem>>) src(%dma_wait3A_18 : memref<632x16xf32, #tpu.memory_space<vmem_shared>>) dst(%dma_wait3A_16 : memref<632x16xf32, #tpu.memory_space<hbm>>)
      tpu.yield
    }) : () -> ()
    return
  }
}

#map = affine_map<(d0, d1) -> (0)>
#map1 = affine_map<(d0, d1) -> (0, 0)>
#map2 = affine_map<(d0, d1) -> (0, 0, 0)>
module attributes {stable_mosaic.version = 14 : i64} {
  func.func @_scatter_body(%arg0: i32, %arg1: i32, %arg2: memref<327680xi32, #tpu.memory_space<hbm>>, %arg3: memref<2560x128xi32, #tpu.memory_space<hbm>>, %arg4: memref<10112x64xf32, #tpu.memory_space<hbm>>, %arg5: memref<10112x64xf32, #tpu.memory_space<hbm>>, %arg6: memref<2x10112x64xf32, #tpu.memory_space<hbm>>, %arg7: memref<5120xi32, #tpu.memory_space<vmem>>, %arg8: memref<40x128xi32, #tpu.memory_space<vmem>>, %arg9: memref<256x64xf32, #tpu.memory_space<vmem>>, %arg10: memref<256x64xf32, #tpu.memory_space<vmem>>, %arg11: memref<10112x64xf32, #tpu.memory_space<vmem_shared>>, %arg12: memref<10112x64xf32, #tpu.memory_space<vmem_shared>>, %arg13: memref<!tpu.dma_semaphore, #tpu.memory_space<semaphore_mem>>, %arg14: memref<!tpu.dma_semaphore, #tpu.memory_space<semaphore_mem>>) attributes {dimension_semantics = [#tpu.dimension_semantics<core_parallel>, #tpu.dimension_semantics<subcore_parallel>], iteration_bounds = array<i64: 2, 16>, scalar_prefetch = 0 : i64, scratch_operands = 8 : i64, tpu.core_type = #tpu.core_type<sc_vector_subcore>, window_params = [{transform_indices = #map}, {transform_indices = #map1}, {transform_indices = #map1}, {transform_indices = #map1}, {transform_indices = #map2}]} {
    %mul3A = arith.constant 632 : i32
    %mul3A_0 = arith.muli %arg1, %mul3A : i32
    "tpu.region"() ({
      %run_scoped3A = tpu.sem_alloc : memref<!tpu.dma_semaphore, #tpu.memory_space<semaphore_mem>>
      %dma_start3A = arith.constant 0 : i32
      %dma_start3A_8 = tpu.memref_slice %arg11[%mul3A_0, %dma_start3A] : memref<10112x64xf32, #tpu.memory_space<vmem_shared>> -> memref<632x64xf32, #tpu.memory_space<vmem_shared>>
      %dma_start3A_9 = arith.constant 0 : i32
      %dma_start3A_10 = tpu.memref_slice %arg5[%mul3A_0, %dma_start3A_9] : memref<10112x64xf32, #tpu.memory_space<hbm>> -> memref<632x64xf32, #tpu.memory_space<hbm>>
      tpu.enqueue_dma source(%dma_start3A_10 : memref<632x64xf32, #tpu.memory_space<hbm>>) target(%dma_start3A_8 : memref<632x64xf32, #tpu.memory_space<vmem_shared>>) target_semaphore(%run_scoped3A : memref<!tpu.dma_semaphore, #tpu.memory_space<semaphore_mem>>)
      %dma_wait3A = arith.constant 0 : i32
      %dma_wait3A_11 = tpu.memref_slice %arg11[%mul3A_0, %dma_wait3A] : memref<10112x64xf32, #tpu.memory_space<vmem_shared>> -> memref<632x64xf32, #tpu.memory_space<vmem_shared>>
      %dma_wait3A_12 = arith.constant 0 : i32
      %dma_wait3A_13 = tpu.memref_slice %arg5[%mul3A_0, %dma_wait3A_12] : memref<10112x64xf32, #tpu.memory_space<hbm>> -> memref<632x64xf32, #tpu.memory_space<hbm>>
      tpu.wait_dma2 semaphore(%run_scoped3A : memref<!tpu.dma_semaphore, #tpu.memory_space<semaphore_mem>>) src(%dma_wait3A_13 : memref<632x64xf32, #tpu.memory_space<hbm>>) dst(%dma_wait3A_11 : memref<632x64xf32, #tpu.memory_space<vmem_shared>>)
      tpu.yield
    }) : () -> ()
    "tpu.region"() ({
      %run_scoped3A = tpu.sem_alloc : memref<!tpu.dma_semaphore, #tpu.memory_space<semaphore_mem>>
      %dma_start3A = arith.constant 0 : i32
      %dma_start3A_8 = tpu.memref_slice %arg12[%mul3A_0, %dma_start3A] : memref<10112x64xf32, #tpu.memory_space<vmem_shared>> -> memref<632x64xf32, #tpu.memory_space<vmem_shared>>
      %dma_start3A_9 = arith.constant 0 : i32
      %dma_start3A_10 = tpu.memref_slice %arg4[%mul3A_0, %dma_start3A_9] : memref<10112x64xf32, #tpu.memory_space<hbm>> -> memref<632x64xf32, #tpu.memory_space<hbm>>
      tpu.enqueue_dma source(%dma_start3A_10 : memref<632x64xf32, #tpu.memory_space<hbm>>) target(%dma_start3A_8 : memref<632x64xf32, #tpu.memory_space<vmem_shared>>) target_semaphore(%run_scoped3A : memref<!tpu.dma_semaphore, #tpu.memory_space<semaphore_mem>>)
      %dma_wait3A = arith.constant 0 : i32
      %dma_wait3A_11 = tpu.memref_slice %arg12[%mul3A_0, %dma_wait3A] : memref<10112x64xf32, #tpu.memory_space<vmem_shared>> -> memref<632x64xf32, #tpu.memory_space<vmem_shared>>
      %dma_wait3A_12 = arith.constant 0 : i32
      %dma_wait3A_13 = tpu.memref_slice %arg4[%mul3A_0, %dma_wait3A_12] : memref<10112x64xf32, #tpu.memory_space<hbm>> -> memref<632x64xf32, #tpu.memory_space<hbm>>
      tpu.wait_dma2 semaphore(%run_scoped3A : memref<!tpu.dma_semaphore, #tpu.memory_space<semaphore_mem>>) src(%dma_wait3A_13 : memref<632x64xf32, #tpu.memory_space<hbm>>) dst(%dma_wait3A_11 : memref<632x64xf32, #tpu.memory_space<vmem_shared>>)
      tpu.yield
    }) : () -> ()
    %eq3A = arith.constant 0 : i32
    %eq3A_1 = arith.cmpi eq, %arg0, %eq3A : i32
    %convert_element_type3A = arith.extui %eq3A_1 : i1 to i32
    %cond3A = arith.constant 0 : i32
    %cond3A_2 = arith.cmpi ne, %convert_element_type3A, %cond3A : i32
    scf.if %cond3A_2 {
      %mul3A_8 = arith.constant 10240 : i32
      %mul3A_9 = arith.muli %arg1, %mul3A_8 : i32
      %mul3A_10 = arith.constant 80 : i32
      %mul3A_11 = arith.muli %arg1, %mul3A_10 : i32
      %add3A = arith.constant 0 : i32
      %add3A_12 = arith.addi %mul3A_9, %add3A : i32
      %add3A_13 = arith.constant 0 : i32
      %add3A_14 = arith.addi %mul3A_11, %add3A_13 : i32
      %multiple_of3A = tpu.assume_multiple %add3A_12, 256 : i32
      "tpu.region"() ({
        %run_scoped3A = tpu.sem_alloc : memref<!tpu.dma_semaphore, #tpu.memory_space<semaphore_mem>>
        %dma_start3A_55 = arith.constant 0 : i32
        %dma_start3A_56 = tpu.memref_slice %arg7[%dma_start3A_55] : memref<5120xi32, #tpu.memory_space<vmem>> -> memref<5120xi32, #tpu.memory_space<vmem>>
        %dma_start3A_57 = tpu.memref_slice %arg2[%multiple_of3A] : memref<327680xi32, #tpu.memory_space<hbm>> -> memref<5120xi32, #tpu.memory_space<hbm>>
        %dma_start3A_58 = arith.constant 0 : i32
        %dma_start3A_59 = tpu.memref_slice %arg7[%dma_start3A_58] : memref<5120xi32, #tpu.memory_space<vmem>> -> memref<5120xi32, #tpu.memory_space<vmem>>
        %dma_start3A_60 = tpu.memref_slice %arg2[%multiple_of3A] : memref<327680xi32, #tpu.memory_space<hbm>> -> memref<5120xi32, #tpu.memory_space<hbm>>
        tpu.enqueue_dma source(%dma_start3A_60 : memref<5120xi32, #tpu.memory_space<hbm>>) target(%dma_start3A_59 : memref<5120xi32, #tpu.memory_space<vmem>>) target_semaphore(%run_scoped3A : memref<!tpu.dma_semaphore, #tpu.memory_space<semaphore_mem>>)
        %dma_wait3A = arith.constant 0 : i32
        %dma_wait3A_61 = tpu.memref_slice %arg7[%dma_wait3A] : memref<5120xi32, #tpu.memory_space<vmem>> -> memref<5120xi32, #tpu.memory_space<vmem>>
        %dma_wait3A_62 = tpu.memref_slice %arg2[%multiple_of3A] : memref<327680xi32, #tpu.memory_space<hbm>> -> memref<5120xi32, #tpu.memory_space<hbm>>
        %dma_wait3A_63 = arith.constant 0 : i32
        %dma_wait3A_64 = tpu.memref_slice %arg7[%dma_wait3A_63] : memref<5120xi32, #tpu.memory_space<vmem>> -> memref<5120xi32, #tpu.memory_space<vmem>>
        %dma_wait3A_65 = tpu.memref_slice %arg2[%multiple_of3A] : memref<327680xi32, #tpu.memory_space<hbm>> -> memref<5120xi32, #tpu.memory_space<hbm>>
        tpu.wait_dma2 semaphore(%run_scoped3A : memref<!tpu.dma_semaphore, #tpu.memory_space<semaphore_mem>>) src(%dma_wait3A_65 : memref<5120xi32, #tpu.memory_space<hbm>>) dst(%dma_wait3A_64 : memref<5120xi32, #tpu.memory_space<vmem>>)
        tpu.yield
      }) : () -> ()
      "tpu.region"() ({
        %run_scoped3A = tpu.sem_alloc : memref<!tpu.dma_semaphore, #tpu.memory_space<semaphore_mem>>
        %dma_start3A_55 = arith.constant 0 : i32
        %dma_start3A_56 = arith.constant 0 : i32
        %dma_start3A_57 = tpu.memref_slice %arg8[%dma_start3A_55, %dma_start3A_56] : memref<40x128xi32, #tpu.memory_space<vmem>> -> memref<40x128xi32, #tpu.memory_space<vmem>>
        %dma_start3A_58 = arith.constant 0 : i32
        %dma_start3A_59 = tpu.memref_slice %arg3[%add3A_14, %dma_start3A_58] : memref<2560x128xi32, #tpu.memory_space<hbm>> -> memref<40x128xi32, #tpu.memory_space<hbm>>
        %dma_start3A_60 = arith.constant 0 : i32
        %dma_start3A_61 = arith.constant 0 : i32
        %dma_start3A_62 = tpu.memref_slice %arg8[%dma_start3A_60, %dma_start3A_61] : memref<40x128xi32, #tpu.memory_space<vmem>> -> memref<40x128xi32, #tpu.memory_space<vmem>>
        %dma_start3A_63 = arith.constant 0 : i32
        %dma_start3A_64 = tpu.memref_slice %arg3[%add3A_14, %dma_start3A_63] : memref<2560x128xi32, #tpu.memory_space<hbm>> -> memref<40x128xi32, #tpu.memory_space<hbm>>
        tpu.enqueue_dma source(%dma_start3A_64 : memref<40x128xi32, #tpu.memory_space<hbm>>) target(%dma_start3A_62 : memref<40x128xi32, #tpu.memory_space<vmem>>) target_semaphore(%run_scoped3A : memref<!tpu.dma_semaphore, #tpu.memory_space<semaphore_mem>>)
        %dma_wait3A = arith.constant 0 : i32
        %dma_wait3A_65 = arith.constant 0 : i32
        %dma_wait3A_66 = tpu.memref_slice %arg8[%dma_wait3A, %dma_wait3A_65] : memref<40x128xi32, #tpu.memory_space<vmem>> -> memref<40x128xi32, #tpu.memory_space<vmem>>
        %dma_wait3A_67 = arith.constant 0 : i32
        %dma_wait3A_68 = tpu.memref_slice %arg3[%add3A_14, %dma_wait3A_67] : memref<2560x128xi32, #tpu.memory_space<hbm>> -> memref<40x128xi32, #tpu.memory_space<hbm>>
        %dma_wait3A_69 = arith.constant 0 : i32
        %dma_wait3A_70 = arith.constant 0 : i32
        %dma_wait3A_71 = tpu.memref_slice %arg8[%dma_wait3A_69, %dma_wait3A_70] : memref<40x128xi32, #tpu.memory_space<vmem>> -> memref<40x128xi32, #tpu.memory_space<vmem>>
        %dma_wait3A_72 = arith.constant 0 : i32
        %dma_wait3A_73 = tpu.memref_slice %arg3[%add3A_14, %dma_wait3A_72] : memref<2560x128xi32, #tpu.memory_space<hbm>> -> memref<40x128xi32, #tpu.memory_space<hbm>>
        tpu.wait_dma2 semaphore(%run_scoped3A : memref<!tpu.dma_semaphore, #tpu.memory_space<semaphore_mem>>) src(%dma_wait3A_73 : memref<40x128xi32, #tpu.memory_space<hbm>>) dst(%dma_wait3A_71 : memref<40x128xi32, #tpu.memory_space<vmem>>)
        tpu.yield
      }) : () -> ()
      %barrier3A = arith.constant 0 : index
      tpu.barrier barrier_id(%barrier3A)
      %multiple_of3A_15 = arith.constant 0 : i32
      %multiple_of3A_16 = tpu.assume_multiple %multiple_of3A_15, 256 : i32
      %dma_start3A = tpu.memref_slice %arg7[%multiple_of3A_16] : memref<5120xi32, #tpu.memory_space<vmem>> -> memref<256xi32, #tpu.memory_space<vmem>>
      %dma_start3A_17 = arith.constant 0 : i32
      %dma_start3A_18 = arith.constant 0 : i32
      %dma_start3A_19 = tpu.memref_slice %arg12[%dma_start3A_17, %dma_start3A_18] : memref<10112x64xf32, #tpu.memory_space<vmem_shared>> -> memref<10112x64xf32, #tpu.memory_space<vmem_shared>>
      tpu.enqueue_indirect_dma source(%dma_start3A_19 : memref<10112x64xf32, #tpu.memory_space<vmem_shared>>) target(%arg9 : memref<256x64xf32, #tpu.memory_space<vmem>>) offsets(%dma_start3A : memref<256xi32, #tpu.memory_space<vmem>>) semaphore(%arg13 : memref<!tpu.dma_semaphore, #tpu.memory_space<semaphore_mem>>)
      %multiple_of3A_20 = arith.constant 256 : i32
      %multiple_of3A_21 = tpu.assume_multiple %multiple_of3A_20, 256 : i32
      %dma_start3A_22 = tpu.memref_slice %arg7[%multiple_of3A_21] : memref<5120xi32, #tpu.memory_space<vmem>> -> memref<256xi32, #tpu.memory_space<vmem>>
      %dma_start3A_23 = arith.constant 0 : i32
      %dma_start3A_24 = arith.constant 0 : i32
      %dma_start3A_25 = tpu.memref_slice %arg12[%dma_start3A_23, %dma_start3A_24] : memref<10112x64xf32, #tpu.memory_space<vmem_shared>> -> memref<10112x64xf32, #tpu.memory_space<vmem_shared>>
      tpu.enqueue_indirect_dma source(%dma_start3A_25 : memref<10112x64xf32, #tpu.memory_space<vmem_shared>>) target(%arg10 : memref<256x64xf32, #tpu.memory_space<vmem>>) offsets(%dma_start3A_22 : memref<256xi32, #tpu.memory_space<vmem>>) semaphore(%arg14 : memref<!tpu.dma_semaphore, #tpu.memory_space<semaphore_mem>>)
      %scan3A = arith.constant 0 : i32
      %scan3A_26 = arith.constant 0 : i32
      %scan3A_27 = arith.constant 10 : i32
      %scan3A_28 = arith.addi %scan3A_26, %scan3A_27 : i32
      %scan3A_29 = arith.constant 1 : i32
      scf.for %scan3A_55 = %scan3A_26 to %scan3A_28 step %scan3A_29  : i32 {
        %mul3A_56 = arith.constant 2 : i32
        %mul3A_57 = arith.muli %scan3A_55, %mul3A_56 : i32
        %add3A_58 = arith.constant 0 : i32
        %add3A_59 = arith.addi %mul3A_57, %add3A_58 : i32
        %dma_wait3A = arith.constant 0 : i32
        %dma_wait3A_60 = arith.constant 0 : i32
        %dma_wait3A_61 = tpu.memref_slice %arg5[%dma_wait3A, %dma_wait3A_60] : memref<10112x64xf32, #tpu.memory_space<hbm>> -> memref<256x64xf32, #tpu.memory_space<hbm>>
        %dma_wait3A_62 = arith.constant 0 : i32
        %dma_wait3A_63 = arith.constant 0 : i32
        %dma_wait3A_64 = tpu.memref_slice %arg5[%dma_wait3A_62, %dma_wait3A_63] : memref<10112x64xf32, #tpu.memory_space<hbm>> -> memref<256x64xf32, #tpu.memory_space<hbm>>
        tpu.wait_dma2 semaphore(%arg13 : memref<!tpu.dma_semaphore, #tpu.memory_space<semaphore_mem>>) src(%dma_wait3A_64 : memref<256x64xf32, #tpu.memory_space<hbm>>) dst(%arg9 : memref<256x64xf32, #tpu.memory_space<vmem>>)
        %mul3A_65 = arith.constant 2 : i32
        %mul3A_66 = arith.muli %add3A_59, %mul3A_65 : i32
        %add3A_67 = arith.constant 0 : i32
        %add3A_68 = arith.addi %mul3A_66, %add3A_67 : i32
        "tpu.region"() ({
          %run_scoped3A = tpu.sem_alloc : memref<!tpu.dma_semaphore, #tpu.memory_space<semaphore_mem>>
          %dma_start3A_104 = arith.constant 0 : i32
          %dma_start3A_105 = arith.constant 0 : i32
          %dma_start3A_106 = tpu.memref_slice %arg9[%dma_start3A_104, %dma_start3A_105] : memref<256x64xf32, #tpu.memory_space<vmem>> -> memref<128x64xf32, #tpu.memory_space<vmem>>
          %dma_start3A_107 = arith.constant 0 : i32
          %dma_start3A_108 = tpu.memref_slice %arg8[%add3A_68, %dma_start3A_107] : memref<40x128xi32, #tpu.memory_space<vmem>> -> memref<1x128xi32, #tpu.memory_space<vmem>>
          %dma_start3A_109 = tpu.memref_squeeze %dma_start3A_108 : memref<1x128xi32, #tpu.memory_space<vmem>> -> memref<128xi32, #tpu.memory_space<vmem>>
          %dma_start3A_110 = arith.constant 0 : i32
          %dma_start3A_111 = arith.constant 0 : i32
          %dma_start3A_112 = tpu.memref_slice %arg11[%dma_start3A_110, %dma_start3A_111] : memref<10112x64xf32, #tpu.memory_space<vmem_shared>> -> memref<10112x64xf32, #tpu.memory_space<vmem_shared>>
          tpu.enqueue_indirect_dma source(%dma_start3A_106 : memref<128x64xf32, #tpu.memory_space<vmem>>) target(%dma_start3A_112 : memref<10112x64xf32, #tpu.memory_space<vmem_shared>>) offsets(%dma_start3A_109 : memref<128xi32, #tpu.memory_space<vmem>>) semaphore(%run_scoped3A : memref<!tpu.dma_semaphore, #tpu.memory_space<semaphore_mem>>) {add = true}
          %dma_wait3A_113 = arith.constant 0 : i32
          %dma_wait3A_114 = arith.constant 0 : i32
          %dma_wait3A_115 = tpu.memref_slice %arg9[%dma_wait3A_113, %dma_wait3A_114] : memref<256x64xf32, #tpu.memory_space<vmem>> -> memref<128x64xf32, #tpu.memory_space<vmem>>
          %dma_wait3A_116 = arith.constant 0 : i32
          %dma_wait3A_117 = tpu.memref_slice %arg8[%add3A_68, %dma_wait3A_116] : memref<40x128xi32, #tpu.memory_space<vmem>> -> memref<1x128xi32, #tpu.memory_space<vmem>>
          %dma_wait3A_118 = tpu.memref_squeeze %dma_wait3A_117 : memref<1x128xi32, #tpu.memory_space<vmem>> -> memref<128xi32, #tpu.memory_space<vmem>>
          %dma_wait3A_119 = arith.constant 0 : i32
          %dma_wait3A_120 = arith.constant 0 : i32
          %dma_wait3A_121 = tpu.memref_slice %arg11[%dma_wait3A_119, %dma_wait3A_120] : memref<10112x64xf32, #tpu.memory_space<vmem_shared>> -> memref<10112x64xf32, #tpu.memory_space<vmem_shared>>
          tpu.wait_indirect_dma semaphore(%run_scoped3A : memref<!tpu.dma_semaphore, #tpu.memory_space<semaphore_mem>>) src(%dma_wait3A_115 : memref<128x64xf32, #tpu.memory_space<vmem>>) dst(%dma_wait3A_121 : memref<10112x64xf32, #tpu.memory_space<vmem_shared>>)
          tpu.yield
        }) : () -> ()
        %mul3A_69 = arith.constant 2 : i32
        %mul3A_70 = arith.muli %add3A_59, %mul3A_69 : i32
        %add3A_71 = arith.constant 1 : i32
        %add3A_72 = arith.addi %mul3A_70, %add3A_71 : i32
        "tpu.region"() ({
          %run_scoped3A = tpu.sem_alloc : memref<!tpu.dma_semaphore, #tpu.memory_space<semaphore_mem>>
          %dma_start3A_104 = arith.constant 128 : i32
          %dma_start3A_105 = arith.constant 0 : i32
          %dma_start3A_106 = tpu.memref_slice %arg9[%dma_start3A_104, %dma_start3A_105] : memref<256x64xf32, #tpu.memory_space<vmem>> -> memref<128x64xf32, #tpu.memory_space<vmem>>
          %dma_start3A_107 = arith.constant 0 : i32
          %dma_start3A_108 = tpu.memref_slice %arg8[%add3A_72, %dma_start3A_107] : memref<40x128xi32, #tpu.memory_space<vmem>> -> memref<1x128xi32, #tpu.memory_space<vmem>>
          %dma_start3A_109 = tpu.memref_squeeze %dma_start3A_108 : memref<1x128xi32, #tpu.memory_space<vmem>> -> memref<128xi32, #tpu.memory_space<vmem>>
          %dma_start3A_110 = arith.constant 0 : i32
          %dma_start3A_111 = arith.constant 0 : i32
          %dma_start3A_112 = tpu.memref_slice %arg11[%dma_start3A_110, %dma_start3A_111] : memref<10112x64xf32, #tpu.memory_space<vmem_shared>> -> memref<10112x64xf32, #tpu.memory_space<vmem_shared>>
          tpu.enqueue_indirect_dma source(%dma_start3A_106 : memref<128x64xf32, #tpu.memory_space<vmem>>) target(%dma_start3A_112 : memref<10112x64xf32, #tpu.memory_space<vmem_shared>>) offsets(%dma_start3A_109 : memref<128xi32, #tpu.memory_space<vmem>>) semaphore(%run_scoped3A : memref<!tpu.dma_semaphore, #tpu.memory_space<semaphore_mem>>) {add = true}
          %dma_wait3A_113 = arith.constant 128 : i32
          %dma_wait3A_114 = arith.constant 0 : i32
          %dma_wait3A_115 = tpu.memref_slice %arg9[%dma_wait3A_113, %dma_wait3A_114] : memref<256x64xf32, #tpu.memory_space<vmem>> -> memref<128x64xf32, #tpu.memory_space<vmem>>
          %dma_wait3A_116 = arith.constant 0 : i32
          %dma_wait3A_117 = tpu.memref_slice %arg8[%add3A_72, %dma_wait3A_116] : memref<40x128xi32, #tpu.memory_space<vmem>> -> memref<1x128xi32, #tpu.memory_space<vmem>>
          %dma_wait3A_118 = tpu.memref_squeeze %dma_wait3A_117 : memref<1x128xi32, #tpu.memory_space<vmem>> -> memref<128xi32, #tpu.memory_space<vmem>>
          %dma_wait3A_119 = arith.constant 0 : i32
          %dma_wait3A_120 = arith.constant 0 : i32
          %dma_wait3A_121 = tpu.memref_slice %arg11[%dma_wait3A_119, %dma_wait3A_120] : memref<10112x64xf32, #tpu.memory_space<vmem_shared>> -> memref<10112x64xf32, #tpu.memory_space<vmem_shared>>
          tpu.wait_indirect_dma semaphore(%run_scoped3A : memref<!tpu.dma_semaphore, #tpu.memory_space<semaphore_mem>>) src(%dma_wait3A_115 : memref<128x64xf32, #tpu.memory_space<vmem>>) dst(%dma_wait3A_121 : memref<10112x64xf32, #tpu.memory_space<vmem_shared>>)
          tpu.yield
        }) : () -> ()
        %add3A_73 = arith.constant 2 : i32
        %add3A_74 = arith.addi %add3A_59, %add3A_73 : i32
        %lt3A = arith.constant 20 : i32
        %lt3A_75 = arith.cmpi slt, %add3A_74, %lt3A : i32
        %convert_element_type3A_76 = arith.extui %lt3A_75 : i1 to i32
        %cond3A_77 = arith.constant 0 : i32
        %cond3A_78 = arith.cmpi ne, %convert_element_type3A_76, %cond3A_77 : i32
        scf.if %cond3A_78 {
          %add3A_104 = arith.constant 2 : i32
          %add3A_105 = arith.addi %add3A_59, %add3A_104 : i32
          %mul3A_106 = arith.constant 256 : i32
          %mul3A_107 = arith.muli %add3A_105, %mul3A_106 : i32
          %multiple_of3A_108 = tpu.assume_multiple %mul3A_107, 256 : i32
          %dma_start3A_109 = tpu.memref_slice %arg7[%multiple_of3A_108] : memref<5120xi32, #tpu.memory_space<vmem>> -> memref<256xi32, #tpu.memory_space<vmem>>
          %dma_start3A_110 = arith.constant 0 : i32
          %dma_start3A_111 = arith.constant 0 : i32
          %dma_start3A_112 = tpu.memref_slice %arg12[%dma_start3A_110, %dma_start3A_111] : memref<10112x64xf32, #tpu.memory_space<vmem_shared>> -> memref<10112x64xf32, #tpu.memory_space<vmem_shared>>
          tpu.enqueue_indirect_dma source(%dma_start3A_112 : memref<10112x64xf32, #tpu.memory_space<vmem_shared>>) target(%arg9 : memref<256x64xf32, #tpu.memory_space<vmem>>) offsets(%dma_start3A_109 : memref<256xi32, #tpu.memory_space<vmem>>) semaphore(%arg13 : memref<!tpu.dma_semaphore, #tpu.memory_space<semaphore_mem>>)
        } else {
        }
        %mul3A_79 = arith.constant 2 : i32
        %mul3A_80 = arith.muli %scan3A_55, %mul3A_79 : i32
        %add3A_81 = arith.constant 1 : i32
        %add3A_82 = arith.addi %mul3A_80, %add3A_81 : i32
        %dma_wait3A_83 = arith.constant 0 : i32
        %dma_wait3A_84 = arith.constant 0 : i32
        %dma_wait3A_85 = tpu.memref_slice %arg5[%dma_wait3A_83, %dma_wait3A_84] : memref<10112x64xf32, #tpu.memory_space<hbm>> -> memref<256x64xf32, #tpu.memory_space<hbm>>
        %dma_wait3A_86 = arith.constant 0 : i32
        %dma_wait3A_87 = arith.constant 0 : i32
        %dma_wait3A_88 = tpu.memref_slice %arg5[%dma_wait3A_86, %dma_wait3A_87] : memref<10112x64xf32, #tpu.memory_space<hbm>> -> memref<256x64xf32, #tpu.memory_space<hbm>>
        tpu.wait_dma2 semaphore(%arg14 : memref<!tpu.dma_semaphore, #tpu.memory_space<semaphore_mem>>) src(%dma_wait3A_88 : memref<256x64xf32, #tpu.memory_space<hbm>>) dst(%arg10 : memref<256x64xf32, #tpu.memory_space<vmem>>)
        %mul3A_89 = arith.constant 2 : i32
        %mul3A_90 = arith.muli %add3A_82, %mul3A_89 : i32
        %add3A_91 = arith.constant 0 : i32
        %add3A_92 = arith.addi %mul3A_90, %add3A_91 : i32
        "tpu.region"() ({
          %run_scoped3A = tpu.sem_alloc : memref<!tpu.dma_semaphore, #tpu.memory_space<semaphore_mem>>
          %dma_start3A_104 = arith.constant 0 : i32
          %dma_start3A_105 = arith.constant 0 : i32
          %dma_start3A_106 = tpu.memref_slice %arg10[%dma_start3A_104, %dma_start3A_105] : memref<256x64xf32, #tpu.memory_space<vmem>> -> memref<128x64xf32, #tpu.memory_space<vmem>>
          %dma_start3A_107 = arith.constant 0 : i32
          %dma_start3A_108 = tpu.memref_slice %arg8[%add3A_92, %dma_start3A_107] : memref<40x128xi32, #tpu.memory_space<vmem>> -> memref<1x128xi32, #tpu.memory_space<vmem>>
          %dma_start3A_109 = tpu.memref_squeeze %dma_start3A_108 : memref<1x128xi32, #tpu.memory_space<vmem>> -> memref<128xi32, #tpu.memory_space<vmem>>
          %dma_start3A_110 = arith.constant 0 : i32
          %dma_start3A_111 = arith.constant 0 : i32
          %dma_start3A_112 = tpu.memref_slice %arg11[%dma_start3A_110, %dma_start3A_111] : memref<10112x64xf32, #tpu.memory_space<vmem_shared>> -> memref<10112x64xf32, #tpu.memory_space<vmem_shared>>
          tpu.enqueue_indirect_dma source(%dma_start3A_106 : memref<128x64xf32, #tpu.memory_space<vmem>>) target(%dma_start3A_112 : memref<10112x64xf32, #tpu.memory_space<vmem_shared>>) offsets(%dma_start3A_109 : memref<128xi32, #tpu.memory_space<vmem>>) semaphore(%run_scoped3A : memref<!tpu.dma_semaphore, #tpu.memory_space<semaphore_mem>>) {add = true}
          %dma_wait3A_113 = arith.constant 0 : i32
          %dma_wait3A_114 = arith.constant 0 : i32
          %dma_wait3A_115 = tpu.memref_slice %arg10[%dma_wait3A_113, %dma_wait3A_114] : memref<256x64xf32, #tpu.memory_space<vmem>> -> memref<128x64xf32, #tpu.memory_space<vmem>>
          %dma_wait3A_116 = arith.constant 0 : i32
          %dma_wait3A_117 = tpu.memref_slice %arg8[%add3A_92, %dma_wait3A_116] : memref<40x128xi32, #tpu.memory_space<vmem>> -> memref<1x128xi32, #tpu.memory_space<vmem>>
          %dma_wait3A_118 = tpu.memref_squeeze %dma_wait3A_117 : memref<1x128xi32, #tpu.memory_space<vmem>> -> memref<128xi32, #tpu.memory_space<vmem>>
          %dma_wait3A_119 = arith.constant 0 : i32
          %dma_wait3A_120 = arith.constant 0 : i32
          %dma_wait3A_121 = tpu.memref_slice %arg11[%dma_wait3A_119, %dma_wait3A_120] : memref<10112x64xf32, #tpu.memory_space<vmem_shared>> -> memref<10112x64xf32, #tpu.memory_space<vmem_shared>>
          tpu.wait_indirect_dma semaphore(%run_scoped3A : memref<!tpu.dma_semaphore, #tpu.memory_space<semaphore_mem>>) src(%dma_wait3A_115 : memref<128x64xf32, #tpu.memory_space<vmem>>) dst(%dma_wait3A_121 : memref<10112x64xf32, #tpu.memory_space<vmem_shared>>)
          tpu.yield
        }) : () -> ()
        %mul3A_93 = arith.constant 2 : i32
        %mul3A_94 = arith.muli %add3A_82, %mul3A_93 : i32
        %add3A_95 = arith.constant 1 : i32
        %add3A_96 = arith.addi %mul3A_94, %add3A_95 : i32
        "tpu.region"() ({
          %run_scoped3A = tpu.sem_alloc : memref<!tpu.dma_semaphore, #tpu.memory_space<semaphore_mem>>
          %dma_start3A_104 = arith.constant 128 : i32
          %dma_start3A_105 = arith.constant 0 : i32
          %dma_start3A_106 = tpu.memref_slice %arg10[%dma_start3A_104, %dma_start3A_105] : memref<256x64xf32, #tpu.memory_space<vmem>> -> memref<128x64xf32, #tpu.memory_space<vmem>>
          %dma_start3A_107 = arith.constant 0 : i32
          %dma_start3A_108 = tpu.memref_slice %arg8[%add3A_96, %dma_start3A_107] : memref<40x128xi32, #tpu.memory_space<vmem>> -> memref<1x128xi32, #tpu.memory_space<vmem>>
          %dma_start3A_109 = tpu.memref_squeeze %dma_start3A_108 : memref<1x128xi32, #tpu.memory_space<vmem>> -> memref<128xi32, #tpu.memory_space<vmem>>
          %dma_start3A_110 = arith.constant 0 : i32
          %dma_start3A_111 = arith.constant 0 : i32
          %dma_start3A_112 = tpu.memref_slice %arg11[%dma_start3A_110, %dma_start3A_111] : memref<10112x64xf32, #tpu.memory_space<vmem_shared>> -> memref<10112x64xf32, #tpu.memory_space<vmem_shared>>
          tpu.enqueue_indirect_dma source(%dma_start3A_106 : memref<128x64xf32, #tpu.memory_space<vmem>>) target(%dma_start3A_112 : memref<10112x64xf32, #tpu.memory_space<vmem_shared>>) offsets(%dma_start3A_109 : memref<128xi32, #tpu.memory_space<vmem>>) semaphore(%run_scoped3A : memref<!tpu.dma_semaphore, #tpu.memory_space<semaphore_mem>>) {add = true}
          %dma_wait3A_113 = arith.constant 128 : i32
          %dma_wait3A_114 = arith.constant 0 : i32
          %dma_wait3A_115 = tpu.memref_slice %arg10[%dma_wait3A_113, %dma_wait3A_114] : memref<256x64xf32, #tpu.memory_space<vmem>> -> memref<128x64xf32, #tpu.memory_space<vmem>>
          %dma_wait3A_116 = arith.constant 0 : i32
          %dma_wait3A_117 = tpu.memref_slice %arg8[%add3A_96, %dma_wait3A_116] : memref<40x128xi32, #tpu.memory_space<vmem>> -> memref<1x128xi32, #tpu.memory_space<vmem>>
          %dma_wait3A_118 = tpu.memref_squeeze %dma_wait3A_117 : memref<1x128xi32, #tpu.memory_space<vmem>> -> memref<128xi32, #tpu.memory_space<vmem>>
          %dma_wait3A_119 = arith.constant 0 : i32
          %dma_wait3A_120 = arith.constant 0 : i32
          %dma_wait3A_121 = tpu.memref_slice %arg11[%dma_wait3A_119, %dma_wait3A_120] : memref<10112x64xf32, #tpu.memory_space<vmem_shared>> -> memref<10112x64xf32, #tpu.memory_space<vmem_shared>>
          tpu.wait_indirect_dma semaphore(%run_scoped3A : memref<!tpu.dma_semaphore, #tpu.memory_space<semaphore_mem>>) src(%dma_wait3A_115 : memref<128x64xf32, #tpu.memory_space<vmem>>) dst(%dma_wait3A_121 : memref<10112x64xf32, #tpu.memory_space<vmem_shared>>)
          tpu.yield
        }) : () -> ()
        %add3A_97 = arith.constant 2 : i32
        %add3A_98 = arith.addi %add3A_82, %add3A_97 : i32
        %lt3A_99 = arith.constant 20 : i32
        %lt3A_100 = arith.cmpi slt, %add3A_98, %lt3A_99 : i32
        %convert_element_type3A_101 = arith.extui %lt3A_100 : i1 to i32
        %cond3A_102 = arith.constant 0 : i32
        %cond3A_103 = arith.cmpi ne, %convert_element_type3A_101, %cond3A_102 : i32
        scf.if %cond3A_103 {
          %add3A_104 = arith.constant 2 : i32
          %add3A_105 = arith.addi %add3A_82, %add3A_104 : i32
          %mul3A_106 = arith.constant 256 : i32
          %mul3A_107 = arith.muli %add3A_105, %mul3A_106 : i32
          %multiple_of3A_108 = tpu.assume_multiple %mul3A_107, 256 : i32
          %dma_start3A_109 = tpu.memref_slice %arg7[%multiple_of3A_108] : memref<5120xi32, #tpu.memory_space<vmem>> -> memref<256xi32, #tpu.memory_space<vmem>>
          %dma_start3A_110 = arith.constant 0 : i32
          %dma_start3A_111 = arith.constant 0 : i32
          %dma_start3A_112 = tpu.memref_slice %arg12[%dma_start3A_110, %dma_start3A_111] : memref<10112x64xf32, #tpu.memory_space<vmem_shared>> -> memref<10112x64xf32, #tpu.memory_space<vmem_shared>>
          tpu.enqueue_indirect_dma source(%dma_start3A_112 : memref<10112x64xf32, #tpu.memory_space<vmem_shared>>) target(%arg10 : memref<256x64xf32, #tpu.memory_space<vmem>>) offsets(%dma_start3A_109 : memref<256xi32, #tpu.memory_space<vmem>>) semaphore(%arg14 : memref<!tpu.dma_semaphore, #tpu.memory_space<semaphore_mem>>)
        } else {
        }
      }
      %scan3A_30 = arith.constant 10 : i32
      %add3A_31 = arith.constant 5120 : i32
      %add3A_32 = arith.addi %mul3A_9, %add3A_31 : i32
      %add3A_33 = arith.constant 40 : i32
      %add3A_34 = arith.addi %mul3A_11, %add3A_33 : i32
      %multiple_of3A_35 = tpu.assume_multiple %add3A_32, 256 : i32
      "tpu.region"() ({
        %run_scoped3A = tpu.sem_alloc : memref<!tpu.dma_semaphore, #tpu.memory_space<semaphore_mem>>
        %dma_start3A_55 = arith.constant 0 : i32
        %dma_start3A_56 = tpu.memref_slice %arg7[%dma_start3A_55] : memref<5120xi32, #tpu.memory_space<vmem>> -> memref<5120xi32, #tpu.memory_space<vmem>>
        %dma_start3A_57 = tpu.memref_slice %arg2[%multiple_of3A_35] : memref<327680xi32, #tpu.memory_space<hbm>> -> memref<5120xi32, #tpu.memory_space<hbm>>
        %dma_start3A_58 = arith.constant 0 : i32
        %dma_start3A_59 = tpu.memref_slice %arg7[%dma_start3A_58] : memref<5120xi32, #tpu.memory_space<vmem>> -> memref<5120xi32, #tpu.memory_space<vmem>>
        %dma_start3A_60 = tpu.memref_slice %arg2[%multiple_of3A_35] : memref<327680xi32, #tpu.memory_space<hbm>> -> memref<5120xi32, #tpu.memory_space<hbm>>
        tpu.enqueue_dma source(%dma_start3A_60 : memref<5120xi32, #tpu.memory_space<hbm>>) target(%dma_start3A_59 : memref<5120xi32, #tpu.memory_space<vmem>>) target_semaphore(%run_scoped3A : memref<!tpu.dma_semaphore, #tpu.memory_space<semaphore_mem>>)
        %dma_wait3A = arith.constant 0 : i32
        %dma_wait3A_61 = tpu.memref_slice %arg7[%dma_wait3A] : memref<5120xi32, #tpu.memory_space<vmem>> -> memref<5120xi32, #tpu.memory_space<vmem>>
        %dma_wait3A_62 = tpu.memref_slice %arg2[%multiple_of3A_35] : memref<327680xi32, #tpu.memory_space<hbm>> -> memref<5120xi32, #tpu.memory_space<hbm>>
        %dma_wait3A_63 = arith.constant 0 : i32
        %dma_wait3A_64 = tpu.memref_slice %arg7[%dma_wait3A_63] : memref<5120xi32, #tpu.memory_space<vmem>> -> memref<5120xi32, #tpu.memory_space<vmem>>
        %dma_wait3A_65 = tpu.memref_slice %arg2[%multiple_of3A_35] : memref<327680xi32, #tpu.memory_space<hbm>> -> memref<5120xi32, #tpu.memory_space<hbm>>
        tpu.wait_dma2 semaphore(%run_scoped3A : memref<!tpu.dma_semaphore, #tpu.memory_space<semaphore_mem>>) src(%dma_wait3A_65 : memref<5120xi32, #tpu.memory_space<hbm>>) dst(%dma_wait3A_64 : memref<5120xi32, #tpu.memory_space<vmem>>)
        tpu.yield
      }) : () -> ()
      "tpu.region"() ({
        %run_scoped3A = tpu.sem_alloc : memref<!tpu.dma_semaphore, #tpu.memory_space<semaphore_mem>>
        %dma_start3A_55 = arith.constant 0 : i32
        %dma_start3A_56 = arith.constant 0 : i32
        %dma_start3A_57 = tpu.memref_slice %arg8[%dma_start3A_55, %dma_start3A_56] : memref<40x128xi32, #tpu.memory_space<vmem>> -> memref<40x128xi32, #tpu.memory_space<vmem>>
        %dma_start3A_58 = arith.constant 0 : i32
        %dma_start3A_59 = tpu.memref_slice %arg3[%add3A_34, %dma_start3A_58] : memref<2560x128xi32, #tpu.memory_space<hbm>> -> memref<40x128xi32, #tpu.memory_space<hbm>>
        %dma_start3A_60 = arith.constant 0 : i32
        %dma_start3A_61 = arith.constant 0 : i32
        %dma_start3A_62 = tpu.memref_slice %arg8[%dma_start3A_60, %dma_start3A_61] : memref<40x128xi32, #tpu.memory_space<vmem>> -> memref<40x128xi32, #tpu.memory_space<vmem>>
        %dma_start3A_63 = arith.constant 0 : i32
        %dma_start3A_64 = tpu.memref_slice %arg3[%add3A_34, %dma_start3A_63] : memref<2560x128xi32, #tpu.memory_space<hbm>> -> memref<40x128xi32, #tpu.memory_space<hbm>>
        tpu.enqueue_dma source(%dma_start3A_64 : memref<40x128xi32, #tpu.memory_space<hbm>>) target(%dma_start3A_62 : memref<40x128xi32, #tpu.memory_space<vmem>>) target_semaphore(%run_scoped3A : memref<!tpu.dma_semaphore, #tpu.memory_space<semaphore_mem>>)
        %dma_wait3A = arith.constant 0 : i32
        %dma_wait3A_65 = arith.constant 0 : i32
        %dma_wait3A_66 = tpu.memref_slice %arg8[%dma_wait3A, %dma_wait3A_65] : memref<40x128xi32, #tpu.memory_space<vmem>> -> memref<40x128xi32, #tpu.memory_space<vmem>>
        %dma_wait3A_67 = arith.constant 0 : i32
        %dma_wait3A_68 = tpu.memref_slice %arg3[%add3A_34, %dma_wait3A_67] : memref<2560x128xi32, #tpu.memory_space<hbm>> -> memref<40x128xi32, #tpu.memory_space<hbm>>
        %dma_wait3A_69 = arith.constant 0 : i32
        %dma_wait3A_70 = arith.constant 0 : i32
        %dma_wait3A_71 = tpu.memref_slice %arg8[%dma_wait3A_69, %dma_wait3A_70] : memref<40x128xi32, #tpu.memory_space<vmem>> -> memref<40x128xi32, #tpu.memory_space<vmem>>
        %dma_wait3A_72 = arith.constant 0 : i32
        %dma_wait3A_73 = tpu.memref_slice %arg3[%add3A_34, %dma_wait3A_72] : memref<2560x128xi32, #tpu.memory_space<hbm>> -> memref<40x128xi32, #tpu.memory_space<hbm>>
        tpu.wait_dma2 semaphore(%run_scoped3A : memref<!tpu.dma_semaphore, #tpu.memory_space<semaphore_mem>>) src(%dma_wait3A_73 : memref<40x128xi32, #tpu.memory_space<hbm>>) dst(%dma_wait3A_71 : memref<40x128xi32, #tpu.memory_space<vmem>>)
        tpu.yield
      }) : () -> ()
      %multiple_of3A_36 = arith.constant 0 : i32
      %multiple_of3A_37 = tpu.assume_multiple %multiple_of3A_36, 256 : i32
      %dma_start3A_38 = tpu.memref_slice %arg7[%multiple_of3A_37] : memref<5120xi32, #tpu.memory_space<vmem>> -> memref<256xi32, #tpu.memory_space<vmem>>
      %dma_start3A_39 = arith.constant 0 : i32
      %dma_start3A_40 = arith.constant 0 : i32
      %dma_start3A_41 = tpu.memref_slice %arg12[%dma_start3A_39, %dma_start3A_40] : memref<10112x64xf32, #tpu.memory_space<vmem_shared>> -> memref<10112x64xf32, #tpu.memory_space<vmem_shared>>
      tpu.enqueue_indirect_dma source(%dma_start3A_41 : memref<10112x64xf32, #tpu.memory_space<vmem_shared>>) target(%arg9 : memref<256x64xf32, #tpu.memory_space<vmem>>) offsets(%dma_start3A_38 : memref<256xi32, #tpu.memory_space<vmem>>) semaphore(%arg13 : memref<!tpu.dma_semaphore, #tpu.memory_space<semaphore_mem>>)
      %multiple_of3A_42 = arith.constant 256 : i32
      %multiple_of3A_43 = tpu.assume_multiple %multiple_of3A_42, 256 : i32
      %dma_start3A_44 = tpu.memref_slice %arg7[%multiple_of3A_43] : memref<5120xi32, #tpu.memory_space<vmem>> -> memref<256xi32, #tpu.memory_space<vmem>>
      %dma_start3A_45 = arith.constant 0 : i32
      %dma_start3A_46 = arith.constant 0 : i32
      %dma_start3A_47 = tpu.memref_slice %arg12[%dma_start3A_45, %dma_start3A_46] : memref<10112x64xf32, #tpu.memory_space<vmem_shared>> -> memref<10112x64xf32, #tpu.memory_space<vmem_shared>>
      tpu.enqueue_indirect_dma source(%dma_start3A_47 : memref<10112x64xf32, #tpu.memory_space<vmem_shared>>) target(%arg10 : memref<256x64xf32, #tpu.memory_space<vmem>>) offsets(%dma_start3A_44 : memref<256xi32, #tpu.memory_space<vmem>>) semaphore(%arg14 : memref<!tpu.dma_semaphore, #tpu.memory_space<semaphore_mem>>)
      %scan3A_48 = arith.constant 0 : i32
      %scan3A_49 = arith.constant 0 : i32
      %scan3A_50 = arith.constant 10 : i32
      %scan3A_51 = arith.addi %scan3A_49, %scan3A_50 : i32
      %scan3A_52 = arith.constant 1 : i32
      scf.for %scan3A_55 = %scan3A_49 to %scan3A_51 step %scan3A_52  : i32 {
        %mul3A_56 = arith.constant 2 : i32
        %mul3A_57 = arith.muli %scan3A_55, %mul3A_56 : i32
        %add3A_58 = arith.constant 0 : i32
        %add3A_59 = arith.addi %mul3A_57, %add3A_58 : i32
        %dma_wait3A = arith.constant 0 : i32
        %dma_wait3A_60 = arith.constant 0 : i32
        %dma_wait3A_61 = tpu.memref_slice %arg5[%dma_wait3A, %dma_wait3A_60] : memref<10112x64xf32, #tpu.memory_space<hbm>> -> memref<256x64xf32, #tpu.memory_space<hbm>>
        %dma_wait3A_62 = arith.constant 0 : i32
        %dma_wait3A_63 = arith.constant 0 : i32
        %dma_wait3A_64 = tpu.memref_slice %arg5[%dma_wait3A_62, %dma_wait3A_63] : memref<10112x64xf32, #tpu.memory_space<hbm>> -> memref<256x64xf32, #tpu.memory_space<hbm>>
        tpu.wait_dma2 semaphore(%arg13 : memref<!tpu.dma_semaphore, #tpu.memory_space<semaphore_mem>>) src(%dma_wait3A_64 : memref<256x64xf32, #tpu.memory_space<hbm>>) dst(%arg9 : memref<256x64xf32, #tpu.memory_space<vmem>>)
        %mul3A_65 = arith.constant 2 : i32
        %mul3A_66 = arith.muli %add3A_59, %mul3A_65 : i32
        %add3A_67 = arith.constant 0 : i32
        %add3A_68 = arith.addi %mul3A_66, %add3A_67 : i32
        "tpu.region"() ({
          %run_scoped3A = tpu.sem_alloc : memref<!tpu.dma_semaphore, #tpu.memory_space<semaphore_mem>>
          %dma_start3A_104 = arith.constant 0 : i32
          %dma_start3A_105 = arith.constant 0 : i32
          %dma_start3A_106 = tpu.memref_slice %arg9[%dma_start3A_104, %dma_start3A_105] : memref<256x64xf32, #tpu.memory_space<vmem>> -> memref<128x64xf32, #tpu.memory_space<vmem>>
          %dma_start3A_107 = arith.constant 0 : i32
          %dma_start3A_108 = tpu.memref_slice %arg8[%add3A_68, %dma_start3A_107] : memref<40x128xi32, #tpu.memory_space<vmem>> -> memref<1x128xi32, #tpu.memory_space<vmem>>
          %dma_start3A_109 = tpu.memref_squeeze %dma_start3A_108 : memref<1x128xi32, #tpu.memory_space<vmem>> -> memref<128xi32, #tpu.memory_space<vmem>>
          %dma_start3A_110 = arith.constant 0 : i32
          %dma_start3A_111 = arith.constant 0 : i32
          %dma_start3A_112 = tpu.memref_slice %arg11[%dma_start3A_110, %dma_start3A_111] : memref<10112x64xf32, #tpu.memory_space<vmem_shared>> -> memref<10112x64xf32, #tpu.memory_space<vmem_shared>>
          tpu.enqueue_indirect_dma source(%dma_start3A_106 : memref<128x64xf32, #tpu.memory_space<vmem>>) target(%dma_start3A_112 : memref<10112x64xf32, #tpu.memory_space<vmem_shared>>) offsets(%dma_start3A_109 : memref<128xi32, #tpu.memory_space<vmem>>) semaphore(%run_scoped3A : memref<!tpu.dma_semaphore, #tpu.memory_space<semaphore_mem>>) {add = true}
          %dma_wait3A_113 = arith.constant 0 : i32
          %dma_wait3A_114 = arith.constant 0 : i32
          %dma_wait3A_115 = tpu.memref_slice %arg9[%dma_wait3A_113, %dma_wait3A_114] : memref<256x64xf32, #tpu.memory_space<vmem>> -> memref<128x64xf32, #tpu.memory_space<vmem>>
          %dma_wait3A_116 = arith.constant 0 : i32
          %dma_wait3A_117 = tpu.memref_slice %arg8[%add3A_68, %dma_wait3A_116] : memref<40x128xi32, #tpu.memory_space<vmem>> -> memref<1x128xi32, #tpu.memory_space<vmem>>
          %dma_wait3A_118 = tpu.memref_squeeze %dma_wait3A_117 : memref<1x128xi32, #tpu.memory_space<vmem>> -> memref<128xi32, #tpu.memory_space<vmem>>
          %dma_wait3A_119 = arith.constant 0 : i32
          %dma_wait3A_120 = arith.constant 0 : i32
          %dma_wait3A_121 = tpu.memref_slice %arg11[%dma_wait3A_119, %dma_wait3A_120] : memref<10112x64xf32, #tpu.memory_space<vmem_shared>> -> memref<10112x64xf32, #tpu.memory_space<vmem_shared>>
          tpu.wait_indirect_dma semaphore(%run_scoped3A : memref<!tpu.dma_semaphore, #tpu.memory_space<semaphore_mem>>) src(%dma_wait3A_115 : memref<128x64xf32, #tpu.memory_space<vmem>>) dst(%dma_wait3A_121 : memref<10112x64xf32, #tpu.memory_space<vmem_shared>>)
          tpu.yield
        }) : () -> ()
        %mul3A_69 = arith.constant 2 : i32
        %mul3A_70 = arith.muli %add3A_59, %mul3A_69 : i32
        %add3A_71 = arith.constant 1 : i32
        %add3A_72 = arith.addi %mul3A_70, %add3A_71 : i32
        "tpu.region"() ({
          %run_scoped3A = tpu.sem_alloc : memref<!tpu.dma_semaphore, #tpu.memory_space<semaphore_mem>>
          %dma_start3A_104 = arith.constant 128 : i32
          %dma_start3A_105 = arith.constant 0 : i32
          %dma_start3A_106 = tpu.memref_slice %arg9[%dma_start3A_104, %dma_start3A_105] : memref<256x64xf32, #tpu.memory_space<vmem>> -> memref<128x64xf32, #tpu.memory_space<vmem>>
          %dma_start3A_107 = arith.constant 0 : i32
          %dma_start3A_108 = tpu.memref_slice %arg8[%add3A_72, %dma_start3A_107] : memref<40x128xi32, #tpu.memory_space<vmem>> -> memref<1x128xi32, #tpu.memory_space<vmem>>
          %dma_start3A_109 = tpu.memref_squeeze %dma_start3A_108 : memref<1x128xi32, #tpu.memory_space<vmem>> -> memref<128xi32, #tpu.memory_space<vmem>>
          %dma_start3A_110 = arith.constant 0 : i32
          %dma_start3A_111 = arith.constant 0 : i32
          %dma_start3A_112 = tpu.memref_slice %arg11[%dma_start3A_110, %dma_start3A_111] : memref<10112x64xf32, #tpu.memory_space<vmem_shared>> -> memref<10112x64xf32, #tpu.memory_space<vmem_shared>>
          tpu.enqueue_indirect_dma source(%dma_start3A_106 : memref<128x64xf32, #tpu.memory_space<vmem>>) target(%dma_start3A_112 : memref<10112x64xf32, #tpu.memory_space<vmem_shared>>) offsets(%dma_start3A_109 : memref<128xi32, #tpu.memory_space<vmem>>) semaphore(%run_scoped3A : memref<!tpu.dma_semaphore, #tpu.memory_space<semaphore_mem>>) {add = true}
          %dma_wait3A_113 = arith.constant 128 : i32
          %dma_wait3A_114 = arith.constant 0 : i32
          %dma_wait3A_115 = tpu.memref_slice %arg9[%dma_wait3A_113, %dma_wait3A_114] : memref<256x64xf32, #tpu.memory_space<vmem>> -> memref<128x64xf32, #tpu.memory_space<vmem>>
          %dma_wait3A_116 = arith.constant 0 : i32
          %dma_wait3A_117 = tpu.memref_slice %arg8[%add3A_72, %dma_wait3A_116] : memref<40x128xi32, #tpu.memory_space<vmem>> -> memref<1x128xi32, #tpu.memory_space<vmem>>
          %dma_wait3A_118 = tpu.memref_squeeze %dma_wait3A_117 : memref<1x128xi32, #tpu.memory_space<vmem>> -> memref<128xi32, #tpu.memory_space<vmem>>
          %dma_wait3A_119 = arith.constant 0 : i32
          %dma_wait3A_120 = arith.constant 0 : i32
          %dma_wait3A_121 = tpu.memref_slice %arg11[%dma_wait3A_119, %dma_wait3A_120] : memref<10112x64xf32, #tpu.memory_space<vmem_shared>> -> memref<10112x64xf32, #tpu.memory_space<vmem_shared>>
          tpu.wait_indirect_dma semaphore(%run_scoped3A : memref<!tpu.dma_semaphore, #tpu.memory_space<semaphore_mem>>) src(%dma_wait3A_115 : memref<128x64xf32, #tpu.memory_space<vmem>>) dst(%dma_wait3A_121 : memref<10112x64xf32, #tpu.memory_space<vmem_shared>>)
          tpu.yield
        }) : () -> ()
        %add3A_73 = arith.constant 2 : i32
        %add3A_74 = arith.addi %add3A_59, %add3A_73 : i32
        %lt3A = arith.constant 20 : i32
        %lt3A_75 = arith.cmpi slt, %add3A_74, %lt3A : i32
        %convert_element_type3A_76 = arith.extui %lt3A_75 : i1 to i32
        %cond3A_77 = arith.constant 0 : i32
        %cond3A_78 = arith.cmpi ne, %convert_element_type3A_76, %cond3A_77 : i32
        scf.if %cond3A_78 {
          %add3A_104 = arith.constant 2 : i32
          %add3A_105 = arith.addi %add3A_59, %add3A_104 : i32
          %mul3A_106 = arith.constant 256 : i32
          %mul3A_107 = arith.muli %add3A_105, %mul3A_106 : i32
          %multiple_of3A_108 = tpu.assume_multiple %mul3A_107, 256 : i32
          %dma_start3A_109 = tpu.memref_slice %arg7[%multiple_of3A_108] : memref<5120xi32, #tpu.memory_space<vmem>> -> memref<256xi32, #tpu.memory_space<vmem>>
          %dma_start3A_110 = arith.constant 0 : i32
          %dma_start3A_111 = arith.constant 0 : i32
          %dma_start3A_112 = tpu.memref_slice %arg12[%dma_start3A_110, %dma_start3A_111] : memref<10112x64xf32, #tpu.memory_space<vmem_shared>> -> memref<10112x64xf32, #tpu.memory_space<vmem_shared>>
          tpu.enqueue_indirect_dma source(%dma_start3A_112 : memref<10112x64xf32, #tpu.memory_space<vmem_shared>>) target(%arg9 : memref<256x64xf32, #tpu.memory_space<vmem>>) offsets(%dma_start3A_109 : memref<256xi32, #tpu.memory_space<vmem>>) semaphore(%arg13 : memref<!tpu.dma_semaphore, #tpu.memory_space<semaphore_mem>>)
        } else {
        }
        %mul3A_79 = arith.constant 2 : i32
        %mul3A_80 = arith.muli %scan3A_55, %mul3A_79 : i32
        %add3A_81 = arith.constant 1 : i32
        %add3A_82 = arith.addi %mul3A_80, %add3A_81 : i32
        %dma_wait3A_83 = arith.constant 0 : i32
        %dma_wait3A_84 = arith.constant 0 : i32
        %dma_wait3A_85 = tpu.memref_slice %arg5[%dma_wait3A_83, %dma_wait3A_84] : memref<10112x64xf32, #tpu.memory_space<hbm>> -> memref<256x64xf32, #tpu.memory_space<hbm>>
        %dma_wait3A_86 = arith.constant 0 : i32
        %dma_wait3A_87 = arith.constant 0 : i32
        %dma_wait3A_88 = tpu.memref_slice %arg5[%dma_wait3A_86, %dma_wait3A_87] : memref<10112x64xf32, #tpu.memory_space<hbm>> -> memref<256x64xf32, #tpu.memory_space<hbm>>
        tpu.wait_dma2 semaphore(%arg14 : memref<!tpu.dma_semaphore, #tpu.memory_space<semaphore_mem>>) src(%dma_wait3A_88 : memref<256x64xf32, #tpu.memory_space<hbm>>) dst(%arg10 : memref<256x64xf32, #tpu.memory_space<vmem>>)
        %mul3A_89 = arith.constant 2 : i32
        %mul3A_90 = arith.muli %add3A_82, %mul3A_89 : i32
        %add3A_91 = arith.constant 0 : i32
        %add3A_92 = arith.addi %mul3A_90, %add3A_91 : i32
        "tpu.region"() ({
          %run_scoped3A = tpu.sem_alloc : memref<!tpu.dma_semaphore, #tpu.memory_space<semaphore_mem>>
          %dma_start3A_104 = arith.constant 0 : i32
          %dma_start3A_105 = arith.constant 0 : i32
          %dma_start3A_106 = tpu.memref_slice %arg10[%dma_start3A_104, %dma_start3A_105] : memref<256x64xf32, #tpu.memory_space<vmem>> -> memref<128x64xf32, #tpu.memory_space<vmem>>
          %dma_start3A_107 = arith.constant 0 : i32
          %dma_start3A_108 = tpu.memref_slice %arg8[%add3A_92, %dma_start3A_107] : memref<40x128xi32, #tpu.memory_space<vmem>> -> memref<1x128xi32, #tpu.memory_space<vmem>>
          %dma_start3A_109 = tpu.memref_squeeze %dma_start3A_108 : memref<1x128xi32, #tpu.memory_space<vmem>> -> memref<128xi32, #tpu.memory_space<vmem>>
          %dma_start3A_110 = arith.constant 0 : i32
          %dma_start3A_111 = arith.constant 0 : i32
          %dma_start3A_112 = tpu.memref_slice %arg11[%dma_start3A_110, %dma_start3A_111] : memref<10112x64xf32, #tpu.memory_space<vmem_shared>> -> memref<10112x64xf32, #tpu.memory_space<vmem_shared>>
          tpu.enqueue_indirect_dma source(%dma_start3A_106 : memref<128x64xf32, #tpu.memory_space<vmem>>) target(%dma_start3A_112 : memref<10112x64xf32, #tpu.memory_space<vmem_shared>>) offsets(%dma_start3A_109 : memref<128xi32, #tpu.memory_space<vmem>>) semaphore(%run_scoped3A : memref<!tpu.dma_semaphore, #tpu.memory_space<semaphore_mem>>) {add = true}
          %dma_wait3A_113 = arith.constant 0 : i32
          %dma_wait3A_114 = arith.constant 0 : i32
          %dma_wait3A_115 = tpu.memref_slice %arg10[%dma_wait3A_113, %dma_wait3A_114] : memref<256x64xf32, #tpu.memory_space<vmem>> -> memref<128x64xf32, #tpu.memory_space<vmem>>
          %dma_wait3A_116 = arith.constant 0 : i32
          %dma_wait3A_117 = tpu.memref_slice %arg8[%add3A_92, %dma_wait3A_116] : memref<40x128xi32, #tpu.memory_space<vmem>> -> memref<1x128xi32, #tpu.memory_space<vmem>>
          %dma_wait3A_118 = tpu.memref_squeeze %dma_wait3A_117 : memref<1x128xi32, #tpu.memory_space<vmem>> -> memref<128xi32, #tpu.memory_space<vmem>>
          %dma_wait3A_119 = arith.constant 0 : i32
          %dma_wait3A_120 = arith.constant 0 : i32
          %dma_wait3A_121 = tpu.memref_slice %arg11[%dma_wait3A_119, %dma_wait3A_120] : memref<10112x64xf32, #tpu.memory_space<vmem_shared>> -> memref<10112x64xf32, #tpu.memory_space<vmem_shared>>
          tpu.wait_indirect_dma semaphore(%run_scoped3A : memref<!tpu.dma_semaphore, #tpu.memory_space<semaphore_mem>>) src(%dma_wait3A_115 : memref<128x64xf32, #tpu.memory_space<vmem>>) dst(%dma_wait3A_121 : memref<10112x64xf32, #tpu.memory_space<vmem_shared>>)
          tpu.yield
        }) : () -> ()
        %mul3A_93 = arith.constant 2 : i32
        %mul3A_94 = arith.muli %add3A_82, %mul3A_93 : i32
        %add3A_95 = arith.constant 1 : i32
        %add3A_96 = arith.addi %mul3A_94, %add3A_95 : i32
        "tpu.region"() ({
          %run_scoped3A = tpu.sem_alloc : memref<!tpu.dma_semaphore, #tpu.memory_space<semaphore_mem>>
          %dma_start3A_104 = arith.constant 128 : i32
          %dma_start3A_105 = arith.constant 0 : i32
          %dma_start3A_106 = tpu.memref_slice %arg10[%dma_start3A_104, %dma_start3A_105] : memref<256x64xf32, #tpu.memory_space<vmem>> -> memref<128x64xf32, #tpu.memory_space<vmem>>
          %dma_start3A_107 = arith.constant 0 : i32
          %dma_start3A_108 = tpu.memref_slice %arg8[%add3A_96, %dma_start3A_107] : memref<40x128xi32, #tpu.memory_space<vmem>> -> memref<1x128xi32, #tpu.memory_space<vmem>>
          %dma_start3A_109 = tpu.memref_squeeze %dma_start3A_108 : memref<1x128xi32, #tpu.memory_space<vmem>> -> memref<128xi32, #tpu.memory_space<vmem>>
          %dma_start3A_110 = arith.constant 0 : i32
          %dma_start3A_111 = arith.constant 0 : i32
          %dma_start3A_112 = tpu.memref_slice %arg11[%dma_start3A_110, %dma_start3A_111] : memref<10112x64xf32, #tpu.memory_space<vmem_shared>> -> memref<10112x64xf32, #tpu.memory_space<vmem_shared>>
          tpu.enqueue_indirect_dma source(%dma_start3A_106 : memref<128x64xf32, #tpu.memory_space<vmem>>) target(%dma_start3A_112 : memref<10112x64xf32, #tpu.memory_space<vmem_shared>>) offsets(%dma_start3A_109 : memref<128xi32, #tpu.memory_space<vmem>>) semaphore(%run_scoped3A : memref<!tpu.dma_semaphore, #tpu.memory_space<semaphore_mem>>) {add = true}
          %dma_wait3A_113 = arith.constant 128 : i32
          %dma_wait3A_114 = arith.constant 0 : i32
          %dma_wait3A_115 = tpu.memref_slice %arg10[%dma_wait3A_113, %dma_wait3A_114] : memref<256x64xf32, #tpu.memory_space<vmem>> -> memref<128x64xf32, #tpu.memory_space<vmem>>
          %dma_wait3A_116 = arith.constant 0 : i32
          %dma_wait3A_117 = tpu.memref_slice %arg8[%add3A_96, %dma_wait3A_116] : memref<40x128xi32, #tpu.memory_space<vmem>> -> memref<1x128xi32, #tpu.memory_space<vmem>>
          %dma_wait3A_118 = tpu.memref_squeeze %dma_wait3A_117 : memref<1x128xi32, #tpu.memory_space<vmem>> -> memref<128xi32, #tpu.memory_space<vmem>>
          %dma_wait3A_119 = arith.constant 0 : i32
          %dma_wait3A_120 = arith.constant 0 : i32
          %dma_wait3A_121 = tpu.memref_slice %arg11[%dma_wait3A_119, %dma_wait3A_120] : memref<10112x64xf32, #tpu.memory_space<vmem_shared>> -> memref<10112x64xf32, #tpu.memory_space<vmem_shared>>
          tpu.wait_indirect_dma semaphore(%run_scoped3A : memref<!tpu.dma_semaphore, #tpu.memory_space<semaphore_mem>>) src(%dma_wait3A_115 : memref<128x64xf32, #tpu.memory_space<vmem>>) dst(%dma_wait3A_121 : memref<10112x64xf32, #tpu.memory_space<vmem_shared>>)
          tpu.yield
        }) : () -> ()
        %add3A_97 = arith.constant 2 : i32
        %add3A_98 = arith.addi %add3A_82, %add3A_97 : i32
        %lt3A_99 = arith.constant 20 : i32
        %lt3A_100 = arith.cmpi slt, %add3A_98, %lt3A_99 : i32
        %convert_element_type3A_101 = arith.extui %lt3A_100 : i1 to i32
        %cond3A_102 = arith.constant 0 : i32
        %cond3A_103 = arith.cmpi ne, %convert_element_type3A_101, %cond3A_102 : i32
        scf.if %cond3A_103 {
          %add3A_104 = arith.constant 2 : i32
          %add3A_105 = arith.addi %add3A_82, %add3A_104 : i32
          %mul3A_106 = arith.constant 256 : i32
          %mul3A_107 = arith.muli %add3A_105, %mul3A_106 : i32
          %multiple_of3A_108 = tpu.assume_multiple %mul3A_107, 256 : i32
          %dma_start3A_109 = tpu.memref_slice %arg7[%multiple_of3A_108] : memref<5120xi32, #tpu.memory_space<vmem>> -> memref<256xi32, #tpu.memory_space<vmem>>
          %dma_start3A_110 = arith.constant 0 : i32
          %dma_start3A_111 = arith.constant 0 : i32
          %dma_start3A_112 = tpu.memref_slice %arg12[%dma_start3A_110, %dma_start3A_111] : memref<10112x64xf32, #tpu.memory_space<vmem_shared>> -> memref<10112x64xf32, #tpu.memory_space<vmem_shared>>
          tpu.enqueue_indirect_dma source(%dma_start3A_112 : memref<10112x64xf32, #tpu.memory_space<vmem_shared>>) target(%arg10 : memref<256x64xf32, #tpu.memory_space<vmem>>) offsets(%dma_start3A_109 : memref<256xi32, #tpu.memory_space<vmem>>) semaphore(%arg14 : memref<!tpu.dma_semaphore, #tpu.memory_space<semaphore_mem>>)
        } else {
        }
      }
      %scan3A_53 = arith.constant 10 : i32
      %barrier3A_54 = arith.constant 0 : index
      tpu.barrier barrier_id(%barrier3A_54)
      "tpu.region"() ({
        %run_scoped3A = tpu.sem_alloc : memref<!tpu.dma_semaphore, #tpu.memory_space<semaphore_mem>>
        %dma_start3A_55 = arith.constant 0 : i32
        %dma_start3A_56 = tpu.memref_slice %arg6[%arg0, %mul3A_0, %dma_start3A_55] : memref<2x10112x64xf32, #tpu.memory_space<hbm>> -> memref<1x632x64xf32, #tpu.memory_space<hbm>>
        %dma_start3A_57 = tpu.memref_squeeze %dma_start3A_56 : memref<1x632x64xf32, #tpu.memory_space<hbm>> -> memref<632x64xf32, #tpu.memory_space<hbm>>
        %dma_start3A_58 = arith.constant 0 : i32
        %dma_start3A_59 = tpu.memref_slice %arg11[%mul3A_0, %dma_start3A_58] : memref<10112x64xf32, #tpu.memory_space<vmem_shared>> -> memref<632x64xf32, #tpu.memory_space<vmem_shared>>
        tpu.enqueue_dma source(%dma_start3A_59 : memref<632x64xf32, #tpu.memory_space<vmem_shared>>) target(%dma_start3A_57 : memref<632x64xf32, #tpu.memory_space<hbm>>) target_semaphore(%run_scoped3A : memref<!tpu.dma_semaphore, #tpu.memory_space<semaphore_mem>>)
        %dma_wait3A = arith.constant 0 : i32
        %dma_wait3A_60 = tpu.memref_slice %arg6[%arg0, %mul3A_0, %dma_wait3A] : memref<2x10112x64xf32, #tpu.memory_space<hbm>> -> memref<1x632x64xf32, #tpu.memory_space<hbm>>
        %dma_wait3A_61 = tpu.memref_squeeze %dma_wait3A_60 : memref<1x632x64xf32, #tpu.memory_space<hbm>> -> memref<632x64xf32, #tpu.memory_space<hbm>>
        %dma_wait3A_62 = arith.constant 0 : i32
        %dma_wait3A_63 = tpu.memref_slice %arg11[%mul3A_0, %dma_wait3A_62] : memref<10112x64xf32, #tpu.memory_space<vmem_shared>> -> memref<632x64xf32, #tpu.memory_space<vmem_shared>>
        tpu.wait_dma2 semaphore(%run_scoped3A : memref<!tpu.dma_semaphore, #tpu.memory_space<semaphore_mem>>) src(%dma_wait3A_63 : memref<632x64xf32, #tpu.memory_space<vmem_shared>>) dst(%dma_wait3A_61 : memref<632x64xf32, #tpu.memory_space<hbm>>)
        tpu.yield
      }) : () -> ()
    } else {
    }
    %eq3A_3 = arith.constant 1 : i32
    %eq3A_4 = arith.cmpi eq, %arg0, %eq3A_3 : i32
    %convert_element_type3A_5 = arith.extui %eq3A_4 : i1 to i32
    %cond3A_6 = arith.constant 0 : i32
    %cond3A_7 = arith.cmpi ne, %convert_element_type3A_5, %cond3A_6 : i32
    scf.if %cond3A_7 {
      %mul3A_8 = arith.constant 10240 : i32
      %mul3A_9 = arith.muli %arg1, %mul3A_8 : i32
      %add3A = arith.constant 163840 : i32
      %add3A_10 = arith.addi %add3A, %mul3A_9 : i32
      %mul3A_11 = arith.constant 80 : i32
      %mul3A_12 = arith.muli %arg1, %mul3A_11 : i32
      %add3A_13 = arith.constant 1280 : i32
      %add3A_14 = arith.addi %add3A_13, %mul3A_12 : i32
      %add3A_15 = arith.constant 0 : i32
      %add3A_16 = arith.addi %add3A_10, %add3A_15 : i32
      %add3A_17 = arith.constant 0 : i32
      %add3A_18 = arith.addi %add3A_14, %add3A_17 : i32
      %multiple_of3A = tpu.assume_multiple %add3A_16, 256 : i32
      "tpu.region"() ({
        %run_scoped3A = tpu.sem_alloc : memref<!tpu.dma_semaphore, #tpu.memory_space<semaphore_mem>>
        %dma_start3A_59 = arith.constant 0 : i32
        %dma_start3A_60 = tpu.memref_slice %arg7[%dma_start3A_59] : memref<5120xi32, #tpu.memory_space<vmem>> -> memref<5120xi32, #tpu.memory_space<vmem>>
        %dma_start3A_61 = tpu.memref_slice %arg2[%multiple_of3A] : memref<327680xi32, #tpu.memory_space<hbm>> -> memref<5120xi32, #tpu.memory_space<hbm>>
        %dma_start3A_62 = arith.constant 0 : i32
        %dma_start3A_63 = tpu.memref_slice %arg7[%dma_start3A_62] : memref<5120xi32, #tpu.memory_space<vmem>> -> memref<5120xi32, #tpu.memory_space<vmem>>
        %dma_start3A_64 = tpu.memref_slice %arg2[%multiple_of3A] : memref<327680xi32, #tpu.memory_space<hbm>> -> memref<5120xi32, #tpu.memory_space<hbm>>
        tpu.enqueue_dma source(%dma_start3A_64 : memref<5120xi32, #tpu.memory_space<hbm>>) target(%dma_start3A_63 : memref<5120xi32, #tpu.memory_space<vmem>>) target_semaphore(%run_scoped3A : memref<!tpu.dma_semaphore, #tpu.memory_space<semaphore_mem>>)
        %dma_wait3A = arith.constant 0 : i32
        %dma_wait3A_65 = tpu.memref_slice %arg7[%dma_wait3A] : memref<5120xi32, #tpu.memory_space<vmem>> -> memref<5120xi32, #tpu.memory_space<vmem>>
        %dma_wait3A_66 = tpu.memref_slice %arg2[%multiple_of3A] : memref<327680xi32, #tpu.memory_space<hbm>> -> memref<5120xi32, #tpu.memory_space<hbm>>
        %dma_wait3A_67 = arith.constant 0 : i32
        %dma_wait3A_68 = tpu.memref_slice %arg7[%dma_wait3A_67] : memref<5120xi32, #tpu.memory_space<vmem>> -> memref<5120xi32, #tpu.memory_space<vmem>>
        %dma_wait3A_69 = tpu.memref_slice %arg2[%multiple_of3A] : memref<327680xi32, #tpu.memory_space<hbm>> -> memref<5120xi32, #tpu.memory_space<hbm>>
        tpu.wait_dma2 semaphore(%run_scoped3A : memref<!tpu.dma_semaphore, #tpu.memory_space<semaphore_mem>>) src(%dma_wait3A_69 : memref<5120xi32, #tpu.memory_space<hbm>>) dst(%dma_wait3A_68 : memref<5120xi32, #tpu.memory_space<vmem>>)
        tpu.yield
      }) : () -> ()
      "tpu.region"() ({
        %run_scoped3A = tpu.sem_alloc : memref<!tpu.dma_semaphore, #tpu.memory_space<semaphore_mem>>
        %dma_start3A_59 = arith.constant 0 : i32
        %dma_start3A_60 = arith.constant 0 : i32
        %dma_start3A_61 = tpu.memref_slice %arg8[%dma_start3A_59, %dma_start3A_60] : memref<40x128xi32, #tpu.memory_space<vmem>> -> memref<40x128xi32, #tpu.memory_space<vmem>>
        %dma_start3A_62 = arith.constant 0 : i32
        %dma_start3A_63 = tpu.memref_slice %arg3[%add3A_18, %dma_start3A_62] : memref<2560x128xi32, #tpu.memory_space<hbm>> -> memref<40x128xi32, #tpu.memory_space<hbm>>
        %dma_start3A_64 = arith.constant 0 : i32
        %dma_start3A_65 = arith.constant 0 : i32
        %dma_start3A_66 = tpu.memref_slice %arg8[%dma_start3A_64, %dma_start3A_65] : memref<40x128xi32, #tpu.memory_space<vmem>> -> memref<40x128xi32, #tpu.memory_space<vmem>>
        %dma_start3A_67 = arith.constant 0 : i32
        %dma_start3A_68 = tpu.memref_slice %arg3[%add3A_18, %dma_start3A_67] : memref<2560x128xi32, #tpu.memory_space<hbm>> -> memref<40x128xi32, #tpu.memory_space<hbm>>
        tpu.enqueue_dma source(%dma_start3A_68 : memref<40x128xi32, #tpu.memory_space<hbm>>) target(%dma_start3A_66 : memref<40x128xi32, #tpu.memory_space<vmem>>) target_semaphore(%run_scoped3A : memref<!tpu.dma_semaphore, #tpu.memory_space<semaphore_mem>>)
        %dma_wait3A = arith.constant 0 : i32
        %dma_wait3A_69 = arith.constant 0 : i32
        %dma_wait3A_70 = tpu.memref_slice %arg8[%dma_wait3A, %dma_wait3A_69] : memref<40x128xi32, #tpu.memory_space<vmem>> -> memref<40x128xi32, #tpu.memory_space<vmem>>
        %dma_wait3A_71 = arith.constant 0 : i32
        %dma_wait3A_72 = tpu.memref_slice %arg3[%add3A_18, %dma_wait3A_71] : memref<2560x128xi32, #tpu.memory_space<hbm>> -> memref<40x128xi32, #tpu.memory_space<hbm>>
        %dma_wait3A_73 = arith.constant 0 : i32
        %dma_wait3A_74 = arith.constant 0 : i32
        %dma_wait3A_75 = tpu.memref_slice %arg8[%dma_wait3A_73, %dma_wait3A_74] : memref<40x128xi32, #tpu.memory_space<vmem>> -> memref<40x128xi32, #tpu.memory_space<vmem>>
        %dma_wait3A_76 = arith.constant 0 : i32
        %dma_wait3A_77 = tpu.memref_slice %arg3[%add3A_18, %dma_wait3A_76] : memref<2560x128xi32, #tpu.memory_space<hbm>> -> memref<40x128xi32, #tpu.memory_space<hbm>>
        tpu.wait_dma2 semaphore(%run_scoped3A : memref<!tpu.dma_semaphore, #tpu.memory_space<semaphore_mem>>) src(%dma_wait3A_77 : memref<40x128xi32, #tpu.memory_space<hbm>>) dst(%dma_wait3A_75 : memref<40x128xi32, #tpu.memory_space<vmem>>)
        tpu.yield
      }) : () -> ()
      %barrier3A = arith.constant 0 : index
      tpu.barrier barrier_id(%barrier3A)
      %multiple_of3A_19 = arith.constant 0 : i32
      %multiple_of3A_20 = tpu.assume_multiple %multiple_of3A_19, 256 : i32
      %dma_start3A = tpu.memref_slice %arg7[%multiple_of3A_20] : memref<5120xi32, #tpu.memory_space<vmem>> -> memref<256xi32, #tpu.memory_space<vmem>>
      %dma_start3A_21 = arith.constant 0 : i32
      %dma_start3A_22 = arith.constant 0 : i32
      %dma_start3A_23 = tpu.memref_slice %arg12[%dma_start3A_21, %dma_start3A_22] : memref<10112x64xf32, #tpu.memory_space<vmem_shared>> -> memref<10112x64xf32, #tpu.memory_space<vmem_shared>>
      tpu.enqueue_indirect_dma source(%dma_start3A_23 : memref<10112x64xf32, #tpu.memory_space<vmem_shared>>) target(%arg9 : memref<256x64xf32, #tpu.memory_space<vmem>>) offsets(%dma_start3A : memref<256xi32, #tpu.memory_space<vmem>>) semaphore(%arg13 : memref<!tpu.dma_semaphore, #tpu.memory_space<semaphore_mem>>)
      %multiple_of3A_24 = arith.constant 256 : i32
      %multiple_of3A_25 = tpu.assume_multiple %multiple_of3A_24, 256 : i32
      %dma_start3A_26 = tpu.memref_slice %arg7[%multiple_of3A_25] : memref<5120xi32, #tpu.memory_space<vmem>> -> memref<256xi32, #tpu.memory_space<vmem>>
      %dma_start3A_27 = arith.constant 0 : i32
      %dma_start3A_28 = arith.constant 0 : i32
      %dma_start3A_29 = tpu.memref_slice %arg12[%dma_start3A_27, %dma_start3A_28] : memref<10112x64xf32, #tpu.memory_space<vmem_shared>> -> memref<10112x64xf32, #tpu.memory_space<vmem_shared>>
      tpu.enqueue_indirect_dma source(%dma_start3A_29 : memref<10112x64xf32, #tpu.memory_space<vmem_shared>>) target(%arg10 : memref<256x64xf32, #tpu.memory_space<vmem>>) offsets(%dma_start3A_26 : memref<256xi32, #tpu.memory_space<vmem>>) semaphore(%arg14 : memref<!tpu.dma_semaphore, #tpu.memory_space<semaphore_mem>>)
      %scan3A = arith.constant 0 : i32
      %scan3A_30 = arith.constant 0 : i32
      %scan3A_31 = arith.constant 10 : i32
      %scan3A_32 = arith.addi %scan3A_30, %scan3A_31 : i32
      %scan3A_33 = arith.constant 1 : i32
      scf.for %scan3A_59 = %scan3A_30 to %scan3A_32 step %scan3A_33  : i32 {
        %mul3A_60 = arith.constant 2 : i32
        %mul3A_61 = arith.muli %scan3A_59, %mul3A_60 : i32
        %add3A_62 = arith.constant 0 : i32
        %add3A_63 = arith.addi %mul3A_61, %add3A_62 : i32
        %dma_wait3A = arith.constant 0 : i32
        %dma_wait3A_64 = arith.constant 0 : i32
        %dma_wait3A_65 = tpu.memref_slice %arg5[%dma_wait3A, %dma_wait3A_64] : memref<10112x64xf32, #tpu.memory_space<hbm>> -> memref<256x64xf32, #tpu.memory_space<hbm>>
        %dma_wait3A_66 = arith.constant 0 : i32
        %dma_wait3A_67 = arith.constant 0 : i32
        %dma_wait3A_68 = tpu.memref_slice %arg5[%dma_wait3A_66, %dma_wait3A_67] : memref<10112x64xf32, #tpu.memory_space<hbm>> -> memref<256x64xf32, #tpu.memory_space<hbm>>
        tpu.wait_dma2 semaphore(%arg13 : memref<!tpu.dma_semaphore, #tpu.memory_space<semaphore_mem>>) src(%dma_wait3A_68 : memref<256x64xf32, #tpu.memory_space<hbm>>) dst(%arg9 : memref<256x64xf32, #tpu.memory_space<vmem>>)
        %mul3A_69 = arith.constant 2 : i32
        %mul3A_70 = arith.muli %add3A_63, %mul3A_69 : i32
        %add3A_71 = arith.constant 0 : i32
        %add3A_72 = arith.addi %mul3A_70, %add3A_71 : i32
        "tpu.region"() ({
          %run_scoped3A = tpu.sem_alloc : memref<!tpu.dma_semaphore, #tpu.memory_space<semaphore_mem>>
          %dma_start3A_108 = arith.constant 0 : i32
          %dma_start3A_109 = arith.constant 0 : i32
          %dma_start3A_110 = tpu.memref_slice %arg9[%dma_start3A_108, %dma_start3A_109] : memref<256x64xf32, #tpu.memory_space<vmem>> -> memref<128x64xf32, #tpu.memory_space<vmem>>
          %dma_start3A_111 = arith.constant 0 : i32
          %dma_start3A_112 = tpu.memref_slice %arg8[%add3A_72, %dma_start3A_111] : memref<40x128xi32, #tpu.memory_space<vmem>> -> memref<1x128xi32, #tpu.memory_space<vmem>>
          %dma_start3A_113 = tpu.memref_squeeze %dma_start3A_112 : memref<1x128xi32, #tpu.memory_space<vmem>> -> memref<128xi32, #tpu.memory_space<vmem>>
          %dma_start3A_114 = arith.constant 0 : i32
          %dma_start3A_115 = arith.constant 0 : i32
          %dma_start3A_116 = tpu.memref_slice %arg11[%dma_start3A_114, %dma_start3A_115] : memref<10112x64xf32, #tpu.memory_space<vmem_shared>> -> memref<10112x64xf32, #tpu.memory_space<vmem_shared>>
          tpu.enqueue_indirect_dma source(%dma_start3A_110 : memref<128x64xf32, #tpu.memory_space<vmem>>) target(%dma_start3A_116 : memref<10112x64xf32, #tpu.memory_space<vmem_shared>>) offsets(%dma_start3A_113 : memref<128xi32, #tpu.memory_space<vmem>>) semaphore(%run_scoped3A : memref<!tpu.dma_semaphore, #tpu.memory_space<semaphore_mem>>) {add = true}
          %dma_wait3A_117 = arith.constant 0 : i32
          %dma_wait3A_118 = arith.constant 0 : i32
          %dma_wait3A_119 = tpu.memref_slice %arg9[%dma_wait3A_117, %dma_wait3A_118] : memref<256x64xf32, #tpu.memory_space<vmem>> -> memref<128x64xf32, #tpu.memory_space<vmem>>
          %dma_wait3A_120 = arith.constant 0 : i32
          %dma_wait3A_121 = tpu.memref_slice %arg8[%add3A_72, %dma_wait3A_120] : memref<40x128xi32, #tpu.memory_space<vmem>> -> memref<1x128xi32, #tpu.memory_space<vmem>>
          %dma_wait3A_122 = tpu.memref_squeeze %dma_wait3A_121 : memref<1x128xi32, #tpu.memory_space<vmem>> -> memref<128xi32, #tpu.memory_space<vmem>>
          %dma_wait3A_123 = arith.constant 0 : i32
          %dma_wait3A_124 = arith.constant 0 : i32
          %dma_wait3A_125 = tpu.memref_slice %arg11[%dma_wait3A_123, %dma_wait3A_124] : memref<10112x64xf32, #tpu.memory_space<vmem_shared>> -> memref<10112x64xf32, #tpu.memory_space<vmem_shared>>
          tpu.wait_indirect_dma semaphore(%run_scoped3A : memref<!tpu.dma_semaphore, #tpu.memory_space<semaphore_mem>>) src(%dma_wait3A_119 : memref<128x64xf32, #tpu.memory_space<vmem>>) dst(%dma_wait3A_125 : memref<10112x64xf32, #tpu.memory_space<vmem_shared>>)
          tpu.yield
        }) : () -> ()
        %mul3A_73 = arith.constant 2 : i32
        %mul3A_74 = arith.muli %add3A_63, %mul3A_73 : i32
        %add3A_75 = arith.constant 1 : i32
        %add3A_76 = arith.addi %mul3A_74, %add3A_75 : i32
        "tpu.region"() ({
          %run_scoped3A = tpu.sem_alloc : memref<!tpu.dma_semaphore, #tpu.memory_space<semaphore_mem>>
          %dma_start3A_108 = arith.constant 128 : i32
          %dma_start3A_109 = arith.constant 0 : i32
          %dma_start3A_110 = tpu.memref_slice %arg9[%dma_start3A_108, %dma_start3A_109] : memref<256x64xf32, #tpu.memory_space<vmem>> -> memref<128x64xf32, #tpu.memory_space<vmem>>
          %dma_start3A_111 = arith.constant 0 : i32
          %dma_start3A_112 = tpu.memref_slice %arg8[%add3A_76, %dma_start3A_111] : memref<40x128xi32, #tpu.memory_space<vmem>> -> memref<1x128xi32, #tpu.memory_space<vmem>>
          %dma_start3A_113 = tpu.memref_squeeze %dma_start3A_112 : memref<1x128xi32, #tpu.memory_space<vmem>> -> memref<128xi32, #tpu.memory_space<vmem>>
          %dma_start3A_114 = arith.constant 0 : i32
          %dma_start3A_115 = arith.constant 0 : i32
          %dma_start3A_116 = tpu.memref_slice %arg11[%dma_start3A_114, %dma_start3A_115] : memref<10112x64xf32, #tpu.memory_space<vmem_shared>> -> memref<10112x64xf32, #tpu.memory_space<vmem_shared>>
          tpu.enqueue_indirect_dma source(%dma_start3A_110 : memref<128x64xf32, #tpu.memory_space<vmem>>) target(%dma_start3A_116 : memref<10112x64xf32, #tpu.memory_space<vmem_shared>>) offsets(%dma_start3A_113 : memref<128xi32, #tpu.memory_space<vmem>>) semaphore(%run_scoped3A : memref<!tpu.dma_semaphore, #tpu.memory_space<semaphore_mem>>) {add = true}
          %dma_wait3A_117 = arith.constant 128 : i32
          %dma_wait3A_118 = arith.constant 0 : i32
          %dma_wait3A_119 = tpu.memref_slice %arg9[%dma_wait3A_117, %dma_wait3A_118] : memref<256x64xf32, #tpu.memory_space<vmem>> -> memref<128x64xf32, #tpu.memory_space<vmem>>
          %dma_wait3A_120 = arith.constant 0 : i32
          %dma_wait3A_121 = tpu.memref_slice %arg8[%add3A_76, %dma_wait3A_120] : memref<40x128xi32, #tpu.memory_space<vmem>> -> memref<1x128xi32, #tpu.memory_space<vmem>>
          %dma_wait3A_122 = tpu.memref_squeeze %dma_wait3A_121 : memref<1x128xi32, #tpu.memory_space<vmem>> -> memref<128xi32, #tpu.memory_space<vmem>>
          %dma_wait3A_123 = arith.constant 0 : i32
          %dma_wait3A_124 = arith.constant 0 : i32
          %dma_wait3A_125 = tpu.memref_slice %arg11[%dma_wait3A_123, %dma_wait3A_124] : memref<10112x64xf32, #tpu.memory_space<vmem_shared>> -> memref<10112x64xf32, #tpu.memory_space<vmem_shared>>
          tpu.wait_indirect_dma semaphore(%run_scoped3A : memref<!tpu.dma_semaphore, #tpu.memory_space<semaphore_mem>>) src(%dma_wait3A_119 : memref<128x64xf32, #tpu.memory_space<vmem>>) dst(%dma_wait3A_125 : memref<10112x64xf32, #tpu.memory_space<vmem_shared>>)
          tpu.yield
        }) : () -> ()
        %add3A_77 = arith.constant 2 : i32
        %add3A_78 = arith.addi %add3A_63, %add3A_77 : i32
        %lt3A = arith.constant 20 : i32
        %lt3A_79 = arith.cmpi slt, %add3A_78, %lt3A : i32
        %convert_element_type3A_80 = arith.extui %lt3A_79 : i1 to i32
        %cond3A_81 = arith.constant 0 : i32
        %cond3A_82 = arith.cmpi ne, %convert_element_type3A_80, %cond3A_81 : i32
        scf.if %cond3A_82 {
          %add3A_108 = arith.constant 2 : i32
          %add3A_109 = arith.addi %add3A_63, %add3A_108 : i32
          %mul3A_110 = arith.constant 256 : i32
          %mul3A_111 = arith.muli %add3A_109, %mul3A_110 : i32
          %multiple_of3A_112 = tpu.assume_multiple %mul3A_111, 256 : i32
          %dma_start3A_113 = tpu.memref_slice %arg7[%multiple_of3A_112] : memref<5120xi32, #tpu.memory_space<vmem>> -> memref<256xi32, #tpu.memory_space<vmem>>
          %dma_start3A_114 = arith.constant 0 : i32
          %dma_start3A_115 = arith.constant 0 : i32
          %dma_start3A_116 = tpu.memref_slice %arg12[%dma_start3A_114, %dma_start3A_115] : memref<10112x64xf32, #tpu.memory_space<vmem_shared>> -> memref<10112x64xf32, #tpu.memory_space<vmem_shared>>
          tpu.enqueue_indirect_dma source(%dma_start3A_116 : memref<10112x64xf32, #tpu.memory_space<vmem_shared>>) target(%arg9 : memref<256x64xf32, #tpu.memory_space<vmem>>) offsets(%dma_start3A_113 : memref<256xi32, #tpu.memory_space<vmem>>) semaphore(%arg13 : memref<!tpu.dma_semaphore, #tpu.memory_space<semaphore_mem>>)
        } else {
        }
        %mul3A_83 = arith.constant 2 : i32
        %mul3A_84 = arith.muli %scan3A_59, %mul3A_83 : i32
        %add3A_85 = arith.constant 1 : i32
        %add3A_86 = arith.addi %mul3A_84, %add3A_85 : i32
        %dma_wait3A_87 = arith.constant 0 : i32
        %dma_wait3A_88 = arith.constant 0 : i32
        %dma_wait3A_89 = tpu.memref_slice %arg5[%dma_wait3A_87, %dma_wait3A_88] : memref<10112x64xf32, #tpu.memory_space<hbm>> -> memref<256x64xf32, #tpu.memory_space<hbm>>
        %dma_wait3A_90 = arith.constant 0 : i32
        %dma_wait3A_91 = arith.constant 0 : i32
        %dma_wait3A_92 = tpu.memref_slice %arg5[%dma_wait3A_90, %dma_wait3A_91] : memref<10112x64xf32, #tpu.memory_space<hbm>> -> memref<256x64xf32, #tpu.memory_space<hbm>>
        tpu.wait_dma2 semaphore(%arg14 : memref<!tpu.dma_semaphore, #tpu.memory_space<semaphore_mem>>) src(%dma_wait3A_92 : memref<256x64xf32, #tpu.memory_space<hbm>>) dst(%arg10 : memref<256x64xf32, #tpu.memory_space<vmem>>)
        %mul3A_93 = arith.constant 2 : i32
        %mul3A_94 = arith.muli %add3A_86, %mul3A_93 : i32
        %add3A_95 = arith.constant 0 : i32
        %add3A_96 = arith.addi %mul3A_94, %add3A_95 : i32
        "tpu.region"() ({
          %run_scoped3A = tpu.sem_alloc : memref<!tpu.dma_semaphore, #tpu.memory_space<semaphore_mem>>
          %dma_start3A_108 = arith.constant 0 : i32
          %dma_start3A_109 = arith.constant 0 : i32
          %dma_start3A_110 = tpu.memref_slice %arg10[%dma_start3A_108, %dma_start3A_109] : memref<256x64xf32, #tpu.memory_space<vmem>> -> memref<128x64xf32, #tpu.memory_space<vmem>>
          %dma_start3A_111 = arith.constant 0 : i32
          %dma_start3A_112 = tpu.memref_slice %arg8[%add3A_96, %dma_start3A_111] : memref<40x128xi32, #tpu.memory_space<vmem>> -> memref<1x128xi32, #tpu.memory_space<vmem>>
          %dma_start3A_113 = tpu.memref_squeeze %dma_start3A_112 : memref<1x128xi32, #tpu.memory_space<vmem>> -> memref<128xi32, #tpu.memory_space<vmem>>
          %dma_start3A_114 = arith.constant 0 : i32
          %dma_start3A_115 = arith.constant 0 : i32
          %dma_start3A_116 = tpu.memref_slice %arg11[%dma_start3A_114, %dma_start3A_115] : memref<10112x64xf32, #tpu.memory_space<vmem_shared>> -> memref<10112x64xf32, #tpu.memory_space<vmem_shared>>
          tpu.enqueue_indirect_dma source(%dma_start3A_110 : memref<128x64xf32, #tpu.memory_space<vmem>>) target(%dma_start3A_116 : memref<10112x64xf32, #tpu.memory_space<vmem_shared>>) offsets(%dma_start3A_113 : memref<128xi32, #tpu.memory_space<vmem>>) semaphore(%run_scoped3A : memref<!tpu.dma_semaphore, #tpu.memory_space<semaphore_mem>>) {add = true}
          %dma_wait3A_117 = arith.constant 0 : i32
          %dma_wait3A_118 = arith.constant 0 : i32
          %dma_wait3A_119 = tpu.memref_slice %arg10[%dma_wait3A_117, %dma_wait3A_118] : memref<256x64xf32, #tpu.memory_space<vmem>> -> memref<128x64xf32, #tpu.memory_space<vmem>>
          %dma_wait3A_120 = arith.constant 0 : i32
          %dma_wait3A_121 = tpu.memref_slice %arg8[%add3A_96, %dma_wait3A_120] : memref<40x128xi32, #tpu.memory_space<vmem>> -> memref<1x128xi32, #tpu.memory_space<vmem>>
          %dma_wait3A_122 = tpu.memref_squeeze %dma_wait3A_121 : memref<1x128xi32, #tpu.memory_space<vmem>> -> memref<128xi32, #tpu.memory_space<vmem>>
          %dma_wait3A_123 = arith.constant 0 : i32
          %dma_wait3A_124 = arith.constant 0 : i32
          %dma_wait3A_125 = tpu.memref_slice %arg11[%dma_wait3A_123, %dma_wait3A_124] : memref<10112x64xf32, #tpu.memory_space<vmem_shared>> -> memref<10112x64xf32, #tpu.memory_space<vmem_shared>>
          tpu.wait_indirect_dma semaphore(%run_scoped3A : memref<!tpu.dma_semaphore, #tpu.memory_space<semaphore_mem>>) src(%dma_wait3A_119 : memref<128x64xf32, #tpu.memory_space<vmem>>) dst(%dma_wait3A_125 : memref<10112x64xf32, #tpu.memory_space<vmem_shared>>)
          tpu.yield
        }) : () -> ()
        %mul3A_97 = arith.constant 2 : i32
        %mul3A_98 = arith.muli %add3A_86, %mul3A_97 : i32
        %add3A_99 = arith.constant 1 : i32
        %add3A_100 = arith.addi %mul3A_98, %add3A_99 : i32
        "tpu.region"() ({
          %run_scoped3A = tpu.sem_alloc : memref<!tpu.dma_semaphore, #tpu.memory_space<semaphore_mem>>
          %dma_start3A_108 = arith.constant 128 : i32
          %dma_start3A_109 = arith.constant 0 : i32
          %dma_start3A_110 = tpu.memref_slice %arg10[%dma_start3A_108, %dma_start3A_109] : memref<256x64xf32, #tpu.memory_space<vmem>> -> memref<128x64xf32, #tpu.memory_space<vmem>>
          %dma_start3A_111 = arith.constant 0 : i32
          %dma_start3A_112 = tpu.memref_slice %arg8[%add3A_100, %dma_start3A_111] : memref<40x128xi32, #tpu.memory_space<vmem>> -> memref<1x128xi32, #tpu.memory_space<vmem>>
          %dma_start3A_113 = tpu.memref_squeeze %dma_start3A_112 : memref<1x128xi32, #tpu.memory_space<vmem>> -> memref<128xi32, #tpu.memory_space<vmem>>
          %dma_start3A_114 = arith.constant 0 : i32
          %dma_start3A_115 = arith.constant 0 : i32
          %dma_start3A_116 = tpu.memref_slice %arg11[%dma_start3A_114, %dma_start3A_115] : memref<10112x64xf32, #tpu.memory_space<vmem_shared>> -> memref<10112x64xf32, #tpu.memory_space<vmem_shared>>
          tpu.enqueue_indirect_dma source(%dma_start3A_110 : memref<128x64xf32, #tpu.memory_space<vmem>>) target(%dma_start3A_116 : memref<10112x64xf32, #tpu.memory_space<vmem_shared>>) offsets(%dma_start3A_113 : memref<128xi32, #tpu.memory_space<vmem>>) semaphore(%run_scoped3A : memref<!tpu.dma_semaphore, #tpu.memory_space<semaphore_mem>>) {add = true}
          %dma_wait3A_117 = arith.constant 128 : i32
          %dma_wait3A_118 = arith.constant 0 : i32
          %dma_wait3A_119 = tpu.memref_slice %arg10[%dma_wait3A_117, %dma_wait3A_118] : memref<256x64xf32, #tpu.memory_space<vmem>> -> memref<128x64xf32, #tpu.memory_space<vmem>>
          %dma_wait3A_120 = arith.constant 0 : i32
          %dma_wait3A_121 = tpu.memref_slice %arg8[%add3A_100, %dma_wait3A_120] : memref<40x128xi32, #tpu.memory_space<vmem>> -> memref<1x128xi32, #tpu.memory_space<vmem>>
          %dma_wait3A_122 = tpu.memref_squeeze %dma_wait3A_121 : memref<1x128xi32, #tpu.memory_space<vmem>> -> memref<128xi32, #tpu.memory_space<vmem>>
          %dma_wait3A_123 = arith.constant 0 : i32
          %dma_wait3A_124 = arith.constant 0 : i32
          %dma_wait3A_125 = tpu.memref_slice %arg11[%dma_wait3A_123, %dma_wait3A_124] : memref<10112x64xf32, #tpu.memory_space<vmem_shared>> -> memref<10112x64xf32, #tpu.memory_space<vmem_shared>>
          tpu.wait_indirect_dma semaphore(%run_scoped3A : memref<!tpu.dma_semaphore, #tpu.memory_space<semaphore_mem>>) src(%dma_wait3A_119 : memref<128x64xf32, #tpu.memory_space<vmem>>) dst(%dma_wait3A_125 : memref<10112x64xf32, #tpu.memory_space<vmem_shared>>)
          tpu.yield
        }) : () -> ()
        %add3A_101 = arith.constant 2 : i32
        %add3A_102 = arith.addi %add3A_86, %add3A_101 : i32
        %lt3A_103 = arith.constant 20 : i32
        %lt3A_104 = arith.cmpi slt, %add3A_102, %lt3A_103 : i32
        %convert_element_type3A_105 = arith.extui %lt3A_104 : i1 to i32
        %cond3A_106 = arith.constant 0 : i32
        %cond3A_107 = arith.cmpi ne, %convert_element_type3A_105, %cond3A_106 : i32
        scf.if %cond3A_107 {
          %add3A_108 = arith.constant 2 : i32
          %add3A_109 = arith.addi %add3A_86, %add3A_108 : i32
          %mul3A_110 = arith.constant 256 : i32
          %mul3A_111 = arith.muli %add3A_109, %mul3A_110 : i32
          %multiple_of3A_112 = tpu.assume_multiple %mul3A_111, 256 : i32
          %dma_start3A_113 = tpu.memref_slice %arg7[%multiple_of3A_112] : memref<5120xi32, #tpu.memory_space<vmem>> -> memref<256xi32, #tpu.memory_space<vmem>>
          %dma_start3A_114 = arith.constant 0 : i32
          %dma_start3A_115 = arith.constant 0 : i32
          %dma_start3A_116 = tpu.memref_slice %arg12[%dma_start3A_114, %dma_start3A_115] : memref<10112x64xf32, #tpu.memory_space<vmem_shared>> -> memref<10112x64xf32, #tpu.memory_space<vmem_shared>>
          tpu.enqueue_indirect_dma source(%dma_start3A_116 : memref<10112x64xf32, #tpu.memory_space<vmem_shared>>) target(%arg10 : memref<256x64xf32, #tpu.memory_space<vmem>>) offsets(%dma_start3A_113 : memref<256xi32, #tpu.memory_space<vmem>>) semaphore(%arg14 : memref<!tpu.dma_semaphore, #tpu.memory_space<semaphore_mem>>)
        } else {
        }
      }
      %scan3A_34 = arith.constant 10 : i32
      %add3A_35 = arith.constant 5120 : i32
      %add3A_36 = arith.addi %add3A_10, %add3A_35 : i32
      %add3A_37 = arith.constant 40 : i32
      %add3A_38 = arith.addi %add3A_14, %add3A_37 : i32
      %multiple_of3A_39 = tpu.assume_multiple %add3A_36, 256 : i32
      "tpu.region"() ({
        %run_scoped3A = tpu.sem_alloc : memref<!tpu.dma_semaphore, #tpu.memory_space<semaphore_mem>>
        %dma_start3A_59 = arith.constant 0 : i32
        %dma_start3A_60 = tpu.memref_slice %arg7[%dma_start3A_59] : memref<5120xi32, #tpu.memory_space<vmem>> -> memref<5120xi32, #tpu.memory_space<vmem>>
        %dma_start3A_61 = tpu.memref_slice %arg2[%multiple_of3A_39] : memref<327680xi32, #tpu.memory_space<hbm>> -> memref<5120xi32, #tpu.memory_space<hbm>>
        %dma_start3A_62 = arith.constant 0 : i32
        %dma_start3A_63 = tpu.memref_slice %arg7[%dma_start3A_62] : memref<5120xi32, #tpu.memory_space<vmem>> -> memref<5120xi32, #tpu.memory_space<vmem>>
        %dma_start3A_64 = tpu.memref_slice %arg2[%multiple_of3A_39] : memref<327680xi32, #tpu.memory_space<hbm>> -> memref<5120xi32, #tpu.memory_space<hbm>>
        tpu.enqueue_dma source(%dma_start3A_64 : memref<5120xi32, #tpu.memory_space<hbm>>) target(%dma_start3A_63 : memref<5120xi32, #tpu.memory_space<vmem>>) target_semaphore(%run_scoped3A : memref<!tpu.dma_semaphore, #tpu.memory_space<semaphore_mem>>)
        %dma_wait3A = arith.constant 0 : i32
        %dma_wait3A_65 = tpu.memref_slice %arg7[%dma_wait3A] : memref<5120xi32, #tpu.memory_space<vmem>> -> memref<5120xi32, #tpu.memory_space<vmem>>
        %dma_wait3A_66 = tpu.memref_slice %arg2[%multiple_of3A_39] : memref<327680xi32, #tpu.memory_space<hbm>> -> memref<5120xi32, #tpu.memory_space<hbm>>
        %dma_wait3A_67 = arith.constant 0 : i32
        %dma_wait3A_68 = tpu.memref_slice %arg7[%dma_wait3A_67] : memref<5120xi32, #tpu.memory_space<vmem>> -> memref<5120xi32, #tpu.memory_space<vmem>>
        %dma_wait3A_69 = tpu.memref_slice %arg2[%multiple_of3A_39] : memref<327680xi32, #tpu.memory_space<hbm>> -> memref<5120xi32, #tpu.memory_space<hbm>>
        tpu.wait_dma2 semaphore(%run_scoped3A : memref<!tpu.dma_semaphore, #tpu.memory_space<semaphore_mem>>) src(%dma_wait3A_69 : memref<5120xi32, #tpu.memory_space<hbm>>) dst(%dma_wait3A_68 : memref<5120xi32, #tpu.memory_space<vmem>>)
        tpu.yield
      }) : () -> ()
      "tpu.region"() ({
        %run_scoped3A = tpu.sem_alloc : memref<!tpu.dma_semaphore, #tpu.memory_space<semaphore_mem>>
        %dma_start3A_59 = arith.constant 0 : i32
        %dma_start3A_60 = arith.constant 0 : i32
        %dma_start3A_61 = tpu.memref_slice %arg8[%dma_start3A_59, %dma_start3A_60] : memref<40x128xi32, #tpu.memory_space<vmem>> -> memref<40x128xi32, #tpu.memory_space<vmem>>
        %dma_start3A_62 = arith.constant 0 : i32
        %dma_start3A_63 = tpu.memref_slice %arg3[%add3A_38, %dma_start3A_62] : memref<2560x128xi32, #tpu.memory_space<hbm>> -> memref<40x128xi32, #tpu.memory_space<hbm>>
        %dma_start3A_64 = arith.constant 0 : i32
        %dma_start3A_65 = arith.constant 0 : i32
        %dma_start3A_66 = tpu.memref_slice %arg8[%dma_start3A_64, %dma_start3A_65] : memref<40x128xi32, #tpu.memory_space<vmem>> -> memref<40x128xi32, #tpu.memory_space<vmem>>
        %dma_start3A_67 = arith.constant 0 : i32
        %dma_start3A_68 = tpu.memref_slice %arg3[%add3A_38, %dma_start3A_67] : memref<2560x128xi32, #tpu.memory_space<hbm>> -> memref<40x128xi32, #tpu.memory_space<hbm>>
        tpu.enqueue_dma source(%dma_start3A_68 : memref<40x128xi32, #tpu.memory_space<hbm>>) target(%dma_start3A_66 : memref<40x128xi32, #tpu.memory_space<vmem>>) target_semaphore(%run_scoped3A : memref<!tpu.dma_semaphore, #tpu.memory_space<semaphore_mem>>)
        %dma_wait3A = arith.constant 0 : i32
        %dma_wait3A_69 = arith.constant 0 : i32
        %dma_wait3A_70 = tpu.memref_slice %arg8[%dma_wait3A, %dma_wait3A_69] : memref<40x128xi32, #tpu.memory_space<vmem>> -> memref<40x128xi32, #tpu.memory_space<vmem>>
        %dma_wait3A_71 = arith.constant 0 : i32
        %dma_wait3A_72 = tpu.memref_slice %arg3[%add3A_38, %dma_wait3A_71] : memref<2560x128xi32, #tpu.memory_space<hbm>> -> memref<40x128xi32, #tpu.memory_space<hbm>>
        %dma_wait3A_73 = arith.constant 0 : i32
        %dma_wait3A_74 = arith.constant 0 : i32
        %dma_wait3A_75 = tpu.memref_slice %arg8[%dma_wait3A_73, %dma_wait3A_74] : memref<40x128xi32, #tpu.memory_space<vmem>> -> memref<40x128xi32, #tpu.memory_space<vmem>>
        %dma_wait3A_76 = arith.constant 0 : i32
        %dma_wait3A_77 = tpu.memref_slice %arg3[%add3A_38, %dma_wait3A_76] : memref<2560x128xi32, #tpu.memory_space<hbm>> -> memref<40x128xi32, #tpu.memory_space<hbm>>
        tpu.wait_dma2 semaphore(%run_scoped3A : memref<!tpu.dma_semaphore, #tpu.memory_space<semaphore_mem>>) src(%dma_wait3A_77 : memref<40x128xi32, #tpu.memory_space<hbm>>) dst(%dma_wait3A_75 : memref<40x128xi32, #tpu.memory_space<vmem>>)
        tpu.yield
      }) : () -> ()
      %multiple_of3A_40 = arith.constant 0 : i32
      %multiple_of3A_41 = tpu.assume_multiple %multiple_of3A_40, 256 : i32
      %dma_start3A_42 = tpu.memref_slice %arg7[%multiple_of3A_41] : memref<5120xi32, #tpu.memory_space<vmem>> -> memref<256xi32, #tpu.memory_space<vmem>>
      %dma_start3A_43 = arith.constant 0 : i32
      %dma_start3A_44 = arith.constant 0 : i32
      %dma_start3A_45 = tpu.memref_slice %arg12[%dma_start3A_43, %dma_start3A_44] : memref<10112x64xf32, #tpu.memory_space<vmem_shared>> -> memref<10112x64xf32, #tpu.memory_space<vmem_shared>>
      tpu.enqueue_indirect_dma source(%dma_start3A_45 : memref<10112x64xf32, #tpu.memory_space<vmem_shared>>) target(%arg9 : memref<256x64xf32, #tpu.memory_space<vmem>>) offsets(%dma_start3A_42 : memref<256xi32, #tpu.memory_space<vmem>>) semaphore(%arg13 : memref<!tpu.dma_semaphore, #tpu.memory_space<semaphore_mem>>)
      %multiple_of3A_46 = arith.constant 256 : i32
      %multiple_of3A_47 = tpu.assume_multiple %multiple_of3A_46, 256 : i32
      %dma_start3A_48 = tpu.memref_slice %arg7[%multiple_of3A_47] : memref<5120xi32, #tpu.memory_space<vmem>> -> memref<256xi32, #tpu.memory_space<vmem>>
      %dma_start3A_49 = arith.constant 0 : i32
      %dma_start3A_50 = arith.constant 0 : i32
      %dma_start3A_51 = tpu.memref_slice %arg12[%dma_start3A_49, %dma_start3A_50] : memref<10112x64xf32, #tpu.memory_space<vmem_shared>> -> memref<10112x64xf32, #tpu.memory_space<vmem_shared>>
      tpu.enqueue_indirect_dma source(%dma_start3A_51 : memref<10112x64xf32, #tpu.memory_space<vmem_shared>>) target(%arg10 : memref<256x64xf32, #tpu.memory_space<vmem>>) offsets(%dma_start3A_48 : memref<256xi32, #tpu.memory_space<vmem>>) semaphore(%arg14 : memref<!tpu.dma_semaphore, #tpu.memory_space<semaphore_mem>>)
      %scan3A_52 = arith.constant 0 : i32
      %scan3A_53 = arith.constant 0 : i32
      %scan3A_54 = arith.constant 10 : i32
      %scan3A_55 = arith.addi %scan3A_53, %scan3A_54 : i32
      %scan3A_56 = arith.constant 1 : i32
      scf.for %scan3A_59 = %scan3A_53 to %scan3A_55 step %scan3A_56  : i32 {
        %mul3A_60 = arith.constant 2 : i32
        %mul3A_61 = arith.muli %scan3A_59, %mul3A_60 : i32
        %add3A_62 = arith.constant 0 : i32
        %add3A_63 = arith.addi %mul3A_61, %add3A_62 : i32
        %dma_wait3A = arith.constant 0 : i32
        %dma_wait3A_64 = arith.constant 0 : i32
        %dma_wait3A_65 = tpu.memref_slice %arg5[%dma_wait3A, %dma_wait3A_64] : memref<10112x64xf32, #tpu.memory_space<hbm>> -> memref<256x64xf32, #tpu.memory_space<hbm>>
        %dma_wait3A_66 = arith.constant 0 : i32
        %dma_wait3A_67 = arith.constant 0 : i32
        %dma_wait3A_68 = tpu.memref_slice %arg5[%dma_wait3A_66, %dma_wait3A_67] : memref<10112x64xf32, #tpu.memory_space<hbm>> -> memref<256x64xf32, #tpu.memory_space<hbm>>
        tpu.wait_dma2 semaphore(%arg13 : memref<!tpu.dma_semaphore, #tpu.memory_space<semaphore_mem>>) src(%dma_wait3A_68 : memref<256x64xf32, #tpu.memory_space<hbm>>) dst(%arg9 : memref<256x64xf32, #tpu.memory_space<vmem>>)
        %mul3A_69 = arith.constant 2 : i32
        %mul3A_70 = arith.muli %add3A_63, %mul3A_69 : i32
        %add3A_71 = arith.constant 0 : i32
        %add3A_72 = arith.addi %mul3A_70, %add3A_71 : i32
        "tpu.region"() ({
          %run_scoped3A = tpu.sem_alloc : memref<!tpu.dma_semaphore, #tpu.memory_space<semaphore_mem>>
          %dma_start3A_108 = arith.constant 0 : i32
          %dma_start3A_109 = arith.constant 0 : i32
          %dma_start3A_110 = tpu.memref_slice %arg9[%dma_start3A_108, %dma_start3A_109] : memref<256x64xf32, #tpu.memory_space<vmem>> -> memref<128x64xf32, #tpu.memory_space<vmem>>
          %dma_start3A_111 = arith.constant 0 : i32
          %dma_start3A_112 = tpu.memref_slice %arg8[%add3A_72, %dma_start3A_111] : memref<40x128xi32, #tpu.memory_space<vmem>> -> memref<1x128xi32, #tpu.memory_space<vmem>>
          %dma_start3A_113 = tpu.memref_squeeze %dma_start3A_112 : memref<1x128xi32, #tpu.memory_space<vmem>> -> memref<128xi32, #tpu.memory_space<vmem>>
          %dma_start3A_114 = arith.constant 0 : i32
          %dma_start3A_115 = arith.constant 0 : i32
          %dma_start3A_116 = tpu.memref_slice %arg11[%dma_start3A_114, %dma_start3A_115] : memref<10112x64xf32, #tpu.memory_space<vmem_shared>> -> memref<10112x64xf32, #tpu.memory_space<vmem_shared>>
          tpu.enqueue_indirect_dma source(%dma_start3A_110 : memref<128x64xf32, #tpu.memory_space<vmem>>) target(%dma_start3A_116 : memref<10112x64xf32, #tpu.memory_space<vmem_shared>>) offsets(%dma_start3A_113 : memref<128xi32, #tpu.memory_space<vmem>>) semaphore(%run_scoped3A : memref<!tpu.dma_semaphore, #tpu.memory_space<semaphore_mem>>) {add = true}
          %dma_wait3A_117 = arith.constant 0 : i32
          %dma_wait3A_118 = arith.constant 0 : i32
          %dma_wait3A_119 = tpu.memref_slice %arg9[%dma_wait3A_117, %dma_wait3A_118] : memref<256x64xf32, #tpu.memory_space<vmem>> -> memref<128x64xf32, #tpu.memory_space<vmem>>
          %dma_wait3A_120 = arith.constant 0 : i32
          %dma_wait3A_121 = tpu.memref_slice %arg8[%add3A_72, %dma_wait3A_120] : memref<40x128xi32, #tpu.memory_space<vmem>> -> memref<1x128xi32, #tpu.memory_space<vmem>>
          %dma_wait3A_122 = tpu.memref_squeeze %dma_wait3A_121 : memref<1x128xi32, #tpu.memory_space<vmem>> -> memref<128xi32, #tpu.memory_space<vmem>>
          %dma_wait3A_123 = arith.constant 0 : i32
          %dma_wait3A_124 = arith.constant 0 : i32
          %dma_wait3A_125 = tpu.memref_slice %arg11[%dma_wait3A_123, %dma_wait3A_124] : memref<10112x64xf32, #tpu.memory_space<vmem_shared>> -> memref<10112x64xf32, #tpu.memory_space<vmem_shared>>
          tpu.wait_indirect_dma semaphore(%run_scoped3A : memref<!tpu.dma_semaphore, #tpu.memory_space<semaphore_mem>>) src(%dma_wait3A_119 : memref<128x64xf32, #tpu.memory_space<vmem>>) dst(%dma_wait3A_125 : memref<10112x64xf32, #tpu.memory_space<vmem_shared>>)
          tpu.yield
        }) : () -> ()
        %mul3A_73 = arith.constant 2 : i32
        %mul3A_74 = arith.muli %add3A_63, %mul3A_73 : i32
        %add3A_75 = arith.constant 1 : i32
        %add3A_76 = arith.addi %mul3A_74, %add3A_75 : i32
        "tpu.region"() ({
          %run_scoped3A = tpu.sem_alloc : memref<!tpu.dma_semaphore, #tpu.memory_space<semaphore_mem>>
          %dma_start3A_108 = arith.constant 128 : i32
          %dma_start3A_109 = arith.constant 0 : i32
          %dma_start3A_110 = tpu.memref_slice %arg9[%dma_start3A_108, %dma_start3A_109] : memref<256x64xf32, #tpu.memory_space<vmem>> -> memref<128x64xf32, #tpu.memory_space<vmem>>
          %dma_start3A_111 = arith.constant 0 : i32
          %dma_start3A_112 = tpu.memref_slice %arg8[%add3A_76, %dma_start3A_111] : memref<40x128xi32, #tpu.memory_space<vmem>> -> memref<1x128xi32, #tpu.memory_space<vmem>>
          %dma_start3A_113 = tpu.memref_squeeze %dma_start3A_112 : memref<1x128xi32, #tpu.memory_space<vmem>> -> memref<128xi32, #tpu.memory_space<vmem>>
          %dma_start3A_114 = arith.constant 0 : i32
          %dma_start3A_115 = arith.constant 0 : i32
          %dma_start3A_116 = tpu.memref_slice %arg11[%dma_start3A_114, %dma_start3A_115] : memref<10112x64xf32, #tpu.memory_space<vmem_shared>> -> memref<10112x64xf32, #tpu.memory_space<vmem_shared>>
          tpu.enqueue_indirect_dma source(%dma_start3A_110 : memref<128x64xf32, #tpu.memory_space<vmem>>) target(%dma_start3A_116 : memref<10112x64xf32, #tpu.memory_space<vmem_shared>>) offsets(%dma_start3A_113 : memref<128xi32, #tpu.memory_space<vmem>>) semaphore(%run_scoped3A : memref<!tpu.dma_semaphore, #tpu.memory_space<semaphore_mem>>) {add = true}
          %dma_wait3A_117 = arith.constant 128 : i32
          %dma_wait3A_118 = arith.constant 0 : i32
          %dma_wait3A_119 = tpu.memref_slice %arg9[%dma_wait3A_117, %dma_wait3A_118] : memref<256x64xf32, #tpu.memory_space<vmem>> -> memref<128x64xf32, #tpu.memory_space<vmem>>
          %dma_wait3A_120 = arith.constant 0 : i32
          %dma_wait3A_121 = tpu.memref_slice %arg8[%add3A_76, %dma_wait3A_120] : memref<40x128xi32, #tpu.memory_space<vmem>> -> memref<1x128xi32, #tpu.memory_space<vmem>>
          %dma_wait3A_122 = tpu.memref_squeeze %dma_wait3A_121 : memref<1x128xi32, #tpu.memory_space<vmem>> -> memref<128xi32, #tpu.memory_space<vmem>>
          %dma_wait3A_123 = arith.constant 0 : i32
          %dma_wait3A_124 = arith.constant 0 : i32
          %dma_wait3A_125 = tpu.memref_slice %arg11[%dma_wait3A_123, %dma_wait3A_124] : memref<10112x64xf32, #tpu.memory_space<vmem_shared>> -> memref<10112x64xf32, #tpu.memory_space<vmem_shared>>
          tpu.wait_indirect_dma semaphore(%run_scoped3A : memref<!tpu.dma_semaphore, #tpu.memory_space<semaphore_mem>>) src(%dma_wait3A_119 : memref<128x64xf32, #tpu.memory_space<vmem>>) dst(%dma_wait3A_125 : memref<10112x64xf32, #tpu.memory_space<vmem_shared>>)
          tpu.yield
        }) : () -> ()
        %add3A_77 = arith.constant 2 : i32
        %add3A_78 = arith.addi %add3A_63, %add3A_77 : i32
        %lt3A = arith.constant 20 : i32
        %lt3A_79 = arith.cmpi slt, %add3A_78, %lt3A : i32
        %convert_element_type3A_80 = arith.extui %lt3A_79 : i1 to i32
        %cond3A_81 = arith.constant 0 : i32
        %cond3A_82 = arith.cmpi ne, %convert_element_type3A_80, %cond3A_81 : i32
        scf.if %cond3A_82 {
          %add3A_108 = arith.constant 2 : i32
          %add3A_109 = arith.addi %add3A_63, %add3A_108 : i32
          %mul3A_110 = arith.constant 256 : i32
          %mul3A_111 = arith.muli %add3A_109, %mul3A_110 : i32
          %multiple_of3A_112 = tpu.assume_multiple %mul3A_111, 256 : i32
          %dma_start3A_113 = tpu.memref_slice %arg7[%multiple_of3A_112] : memref<5120xi32, #tpu.memory_space<vmem>> -> memref<256xi32, #tpu.memory_space<vmem>>
          %dma_start3A_114 = arith.constant 0 : i32
          %dma_start3A_115 = arith.constant 0 : i32
          %dma_start3A_116 = tpu.memref_slice %arg12[%dma_start3A_114, %dma_start3A_115] : memref<10112x64xf32, #tpu.memory_space<vmem_shared>> -> memref<10112x64xf32, #tpu.memory_space<vmem_shared>>
          tpu.enqueue_indirect_dma source(%dma_start3A_116 : memref<10112x64xf32, #tpu.memory_space<vmem_shared>>) target(%arg9 : memref<256x64xf32, #tpu.memory_space<vmem>>) offsets(%dma_start3A_113 : memref<256xi32, #tpu.memory_space<vmem>>) semaphore(%arg13 : memref<!tpu.dma_semaphore, #tpu.memory_space<semaphore_mem>>)
        } else {
        }
        %mul3A_83 = arith.constant 2 : i32
        %mul3A_84 = arith.muli %scan3A_59, %mul3A_83 : i32
        %add3A_85 = arith.constant 1 : i32
        %add3A_86 = arith.addi %mul3A_84, %add3A_85 : i32
        %dma_wait3A_87 = arith.constant 0 : i32
        %dma_wait3A_88 = arith.constant 0 : i32
        %dma_wait3A_89 = tpu.memref_slice %arg5[%dma_wait3A_87, %dma_wait3A_88] : memref<10112x64xf32, #tpu.memory_space<hbm>> -> memref<256x64xf32, #tpu.memory_space<hbm>>
        %dma_wait3A_90 = arith.constant 0 : i32
        %dma_wait3A_91 = arith.constant 0 : i32
        %dma_wait3A_92 = tpu.memref_slice %arg5[%dma_wait3A_90, %dma_wait3A_91] : memref<10112x64xf32, #tpu.memory_space<hbm>> -> memref<256x64xf32, #tpu.memory_space<hbm>>
        tpu.wait_dma2 semaphore(%arg14 : memref<!tpu.dma_semaphore, #tpu.memory_space<semaphore_mem>>) src(%dma_wait3A_92 : memref<256x64xf32, #tpu.memory_space<hbm>>) dst(%arg10 : memref<256x64xf32, #tpu.memory_space<vmem>>)
        %mul3A_93 = arith.constant 2 : i32
        %mul3A_94 = arith.muli %add3A_86, %mul3A_93 : i32
        %add3A_95 = arith.constant 0 : i32
        %add3A_96 = arith.addi %mul3A_94, %add3A_95 : i32
        "tpu.region"() ({
          %run_scoped3A = tpu.sem_alloc : memref<!tpu.dma_semaphore, #tpu.memory_space<semaphore_mem>>
          %dma_start3A_108 = arith.constant 0 : i32
          %dma_start3A_109 = arith.constant 0 : i32
          %dma_start3A_110 = tpu.memref_slice %arg10[%dma_start3A_108, %dma_start3A_109] : memref<256x64xf32, #tpu.memory_space<vmem>> -> memref<128x64xf32, #tpu.memory_space<vmem>>
          %dma_start3A_111 = arith.constant 0 : i32
          %dma_start3A_112 = tpu.memref_slice %arg8[%add3A_96, %dma_start3A_111] : memref<40x128xi32, #tpu.memory_space<vmem>> -> memref<1x128xi32, #tpu.memory_space<vmem>>
          %dma_start3A_113 = tpu.memref_squeeze %dma_start3A_112 : memref<1x128xi32, #tpu.memory_space<vmem>> -> memref<128xi32, #tpu.memory_space<vmem>>
          %dma_start3A_114 = arith.constant 0 : i32
          %dma_start3A_115 = arith.constant 0 : i32
          %dma_start3A_116 = tpu.memref_slice %arg11[%dma_start3A_114, %dma_start3A_115] : memref<10112x64xf32, #tpu.memory_space<vmem_shared>> -> memref<10112x64xf32, #tpu.memory_space<vmem_shared>>
          tpu.enqueue_indirect_dma source(%dma_start3A_110 : memref<128x64xf32, #tpu.memory_space<vmem>>) target(%dma_start3A_116 : memref<10112x64xf32, #tpu.memory_space<vmem_shared>>) offsets(%dma_start3A_113 : memref<128xi32, #tpu.memory_space<vmem>>) semaphore(%run_scoped3A : memref<!tpu.dma_semaphore, #tpu.memory_space<semaphore_mem>>) {add = true}
          %dma_wait3A_117 = arith.constant 0 : i32
          %dma_wait3A_118 = arith.constant 0 : i32
          %dma_wait3A_119 = tpu.memref_slice %arg10[%dma_wait3A_117, %dma_wait3A_118] : memref<256x64xf32, #tpu.memory_space<vmem>> -> memref<128x64xf32, #tpu.memory_space<vmem>>
          %dma_wait3A_120 = arith.constant 0 : i32
          %dma_wait3A_121 = tpu.memref_slice %arg8[%add3A_96, %dma_wait3A_120] : memref<40x128xi32, #tpu.memory_space<vmem>> -> memref<1x128xi32, #tpu.memory_space<vmem>>
          %dma_wait3A_122 = tpu.memref_squeeze %dma_wait3A_121 : memref<1x128xi32, #tpu.memory_space<vmem>> -> memref<128xi32, #tpu.memory_space<vmem>>
          %dma_wait3A_123 = arith.constant 0 : i32
          %dma_wait3A_124 = arith.constant 0 : i32
          %dma_wait3A_125 = tpu.memref_slice %arg11[%dma_wait3A_123, %dma_wait3A_124] : memref<10112x64xf32, #tpu.memory_space<vmem_shared>> -> memref<10112x64xf32, #tpu.memory_space<vmem_shared>>
          tpu.wait_indirect_dma semaphore(%run_scoped3A : memref<!tpu.dma_semaphore, #tpu.memory_space<semaphore_mem>>) src(%dma_wait3A_119 : memref<128x64xf32, #tpu.memory_space<vmem>>) dst(%dma_wait3A_125 : memref<10112x64xf32, #tpu.memory_space<vmem_shared>>)
          tpu.yield
        }) : () -> ()
        %mul3A_97 = arith.constant 2 : i32
        %mul3A_98 = arith.muli %add3A_86, %mul3A_97 : i32
        %add3A_99 = arith.constant 1 : i32
        %add3A_100 = arith.addi %mul3A_98, %add3A_99 : i32
        "tpu.region"() ({
          %run_scoped3A = tpu.sem_alloc : memref<!tpu.dma_semaphore, #tpu.memory_space<semaphore_mem>>
          %dma_start3A_108 = arith.constant 128 : i32
          %dma_start3A_109 = arith.constant 0 : i32
          %dma_start3A_110 = tpu.memref_slice %arg10[%dma_start3A_108, %dma_start3A_109] : memref<256x64xf32, #tpu.memory_space<vmem>> -> memref<128x64xf32, #tpu.memory_space<vmem>>
          %dma_start3A_111 = arith.constant 0 : i32
          %dma_start3A_112 = tpu.memref_slice %arg8[%add3A_100, %dma_start3A_111] : memref<40x128xi32, #tpu.memory_space<vmem>> -> memref<1x128xi32, #tpu.memory_space<vmem>>
          %dma_start3A_113 = tpu.memref_squeeze %dma_start3A_112 : memref<1x128xi32, #tpu.memory_space<vmem>> -> memref<128xi32, #tpu.memory_space<vmem>>
          %dma_start3A_114 = arith.constant 0 : i32
          %dma_start3A_115 = arith.constant 0 : i32
          %dma_start3A_116 = tpu.memref_slice %arg11[%dma_start3A_114, %dma_start3A_115] : memref<10112x64xf32, #tpu.memory_space<vmem_shared>> -> memref<10112x64xf32, #tpu.memory_space<vmem_shared>>
          tpu.enqueue_indirect_dma source(%dma_start3A_110 : memref<128x64xf32, #tpu.memory_space<vmem>>) target(%dma_start3A_116 : memref<10112x64xf32, #tpu.memory_space<vmem_shared>>) offsets(%dma_start3A_113 : memref<128xi32, #tpu.memory_space<vmem>>) semaphore(%run_scoped3A : memref<!tpu.dma_semaphore, #tpu.memory_space<semaphore_mem>>) {add = true}
          %dma_wait3A_117 = arith.constant 128 : i32
          %dma_wait3A_118 = arith.constant 0 : i32
          %dma_wait3A_119 = tpu.memref_slice %arg10[%dma_wait3A_117, %dma_wait3A_118] : memref<256x64xf32, #tpu.memory_space<vmem>> -> memref<128x64xf32, #tpu.memory_space<vmem>>
          %dma_wait3A_120 = arith.constant 0 : i32
          %dma_wait3A_121 = tpu.memref_slice %arg8[%add3A_100, %dma_wait3A_120] : memref<40x128xi32, #tpu.memory_space<vmem>> -> memref<1x128xi32, #tpu.memory_space<vmem>>
          %dma_wait3A_122 = tpu.memref_squeeze %dma_wait3A_121 : memref<1x128xi32, #tpu.memory_space<vmem>> -> memref<128xi32, #tpu.memory_space<vmem>>
          %dma_wait3A_123 = arith.constant 0 : i32
          %dma_wait3A_124 = arith.constant 0 : i32
          %dma_wait3A_125 = tpu.memref_slice %arg11[%dma_wait3A_123, %dma_wait3A_124] : memref<10112x64xf32, #tpu.memory_space<vmem_shared>> -> memref<10112x64xf32, #tpu.memory_space<vmem_shared>>
          tpu.wait_indirect_dma semaphore(%run_scoped3A : memref<!tpu.dma_semaphore, #tpu.memory_space<semaphore_mem>>) src(%dma_wait3A_119 : memref<128x64xf32, #tpu.memory_space<vmem>>) dst(%dma_wait3A_125 : memref<10112x64xf32, #tpu.memory_space<vmem_shared>>)
          tpu.yield
        }) : () -> ()
        %add3A_101 = arith.constant 2 : i32
        %add3A_102 = arith.addi %add3A_86, %add3A_101 : i32
        %lt3A_103 = arith.constant 20 : i32
        %lt3A_104 = arith.cmpi slt, %add3A_102, %lt3A_103 : i32
        %convert_element_type3A_105 = arith.extui %lt3A_104 : i1 to i32
        %cond3A_106 = arith.constant 0 : i32
        %cond3A_107 = arith.cmpi ne, %convert_element_type3A_105, %cond3A_106 : i32
        scf.if %cond3A_107 {
          %add3A_108 = arith.constant 2 : i32
          %add3A_109 = arith.addi %add3A_86, %add3A_108 : i32
          %mul3A_110 = arith.constant 256 : i32
          %mul3A_111 = arith.muli %add3A_109, %mul3A_110 : i32
          %multiple_of3A_112 = tpu.assume_multiple %mul3A_111, 256 : i32
          %dma_start3A_113 = tpu.memref_slice %arg7[%multiple_of3A_112] : memref<5120xi32, #tpu.memory_space<vmem>> -> memref<256xi32, #tpu.memory_space<vmem>>
          %dma_start3A_114 = arith.constant 0 : i32
          %dma_start3A_115 = arith.constant 0 : i32
          %dma_start3A_116 = tpu.memref_slice %arg12[%dma_start3A_114, %dma_start3A_115] : memref<10112x64xf32, #tpu.memory_space<vmem_shared>> -> memref<10112x64xf32, #tpu.memory_space<vmem_shared>>
          tpu.enqueue_indirect_dma source(%dma_start3A_116 : memref<10112x64xf32, #tpu.memory_space<vmem_shared>>) target(%arg10 : memref<256x64xf32, #tpu.memory_space<vmem>>) offsets(%dma_start3A_113 : memref<256xi32, #tpu.memory_space<vmem>>) semaphore(%arg14 : memref<!tpu.dma_semaphore, #tpu.memory_space<semaphore_mem>>)
        } else {
        }
      }
      %scan3A_57 = arith.constant 10 : i32
      %barrier3A_58 = arith.constant 0 : index
      tpu.barrier barrier_id(%barrier3A_58)
      "tpu.region"() ({
        %run_scoped3A = tpu.sem_alloc : memref<!tpu.dma_semaphore, #tpu.memory_space<semaphore_mem>>
        %dma_start3A_59 = arith.constant 0 : i32
        %dma_start3A_60 = tpu.memref_slice %arg6[%arg0, %mul3A_0, %dma_start3A_59] : memref<2x10112x64xf32, #tpu.memory_space<hbm>> -> memref<1x632x64xf32, #tpu.memory_space<hbm>>
        %dma_start3A_61 = tpu.memref_squeeze %dma_start3A_60 : memref<1x632x64xf32, #tpu.memory_space<hbm>> -> memref<632x64xf32, #tpu.memory_space<hbm>>
        %dma_start3A_62 = arith.constant 0 : i32
        %dma_start3A_63 = tpu.memref_slice %arg11[%mul3A_0, %dma_start3A_62] : memref<10112x64xf32, #tpu.memory_space<vmem_shared>> -> memref<632x64xf32, #tpu.memory_space<vmem_shared>>
        tpu.enqueue_dma source(%dma_start3A_63 : memref<632x64xf32, #tpu.memory_space<vmem_shared>>) target(%dma_start3A_61 : memref<632x64xf32, #tpu.memory_space<hbm>>) target_semaphore(%run_scoped3A : memref<!tpu.dma_semaphore, #tpu.memory_space<semaphore_mem>>)
        %dma_wait3A = arith.constant 0 : i32
        %dma_wait3A_64 = tpu.memref_slice %arg6[%arg0, %mul3A_0, %dma_wait3A] : memref<2x10112x64xf32, #tpu.memory_space<hbm>> -> memref<1x632x64xf32, #tpu.memory_space<hbm>>
        %dma_wait3A_65 = tpu.memref_squeeze %dma_wait3A_64 : memref<1x632x64xf32, #tpu.memory_space<hbm>> -> memref<632x64xf32, #tpu.memory_space<hbm>>
        %dma_wait3A_66 = arith.constant 0 : i32
        %dma_wait3A_67 = tpu.memref_slice %arg11[%mul3A_0, %dma_wait3A_66] : memref<10112x64xf32, #tpu.memory_space<vmem_shared>> -> memref<632x64xf32, #tpu.memory_space<vmem_shared>>
        tpu.wait_dma2 semaphore(%run_scoped3A : memref<!tpu.dma_semaphore, #tpu.memory_space<semaphore_mem>>) src(%dma_wait3A_67 : memref<632x64xf32, #tpu.memory_space<vmem_shared>>) dst(%dma_wait3A_65 : memref<632x64xf32, #tpu.memory_space<hbm>>)
        tpu.yield
      }) : () -> ()
    } else {
    }
    return
  }
}

#map = affine_map<(d0, d1) -> (0)>
#map1 = affine_map<(d0, d1) -> (0, 0)>
#map2 = affine_map<(d0, d1) -> (0, 0, 0)>
module attributes {stable_mosaic.version = 14 : i64} {
  func.func @_scatter_body(%arg0: i32, %arg1: i32, %arg2: memref<327680xi32, #tpu.memory_space<hbm>>, %arg3: memref<2560x128xi32, #tpu.memory_space<hbm>>, %arg4: memref<10112x64xf32, #tpu.memory_space<hbm>>, %arg5: memref<10112x64xf32, #tpu.memory_space<hbm>>, %arg6: memref<2x10112x64xf32, #tpu.memory_space<hbm>>, %arg7: memref<5120xi32, #tpu.memory_space<vmem>>, %arg8: memref<40x128xi32, #tpu.memory_space<vmem>>, %arg9: memref<256x64xf32, #tpu.memory_space<vmem>>, %arg10: memref<256x64xf32, #tpu.memory_space<vmem>>, %arg11: memref<10112x64xf32, #tpu.memory_space<vmem_shared>>, %arg12: memref<10112x64xf32, #tpu.memory_space<vmem_shared>>, %arg13: memref<!tpu.dma_semaphore, #tpu.memory_space<semaphore_mem>>, %arg14: memref<!tpu.dma_semaphore, #tpu.memory_space<semaphore_mem>>) attributes {dimension_semantics = [#tpu.dimension_semantics<core_parallel>, #tpu.dimension_semantics<subcore_parallel>], iteration_bounds = array<i64: 2, 16>, scalar_prefetch = 0 : i64, scratch_operands = 8 : i64, tpu.core_type = #tpu.core_type<sc_vector_subcore>, window_params = [{transform_indices = #map}, {transform_indices = #map1}, {transform_indices = #map1}, {transform_indices = #map1}, {transform_indices = #map2}]} {
    %mul3A = arith.constant 632 : i32
    %mul3A_0 = arith.muli %arg1, %mul3A : i32
    "tpu.region"() ({
      %run_scoped3A = tpu.sem_alloc : memref<!tpu.dma_semaphore, #tpu.memory_space<semaphore_mem>>
      %dma_start3A = arith.constant 0 : i32
      %dma_start3A_8 = tpu.memref_slice %arg11[%mul3A_0, %dma_start3A] : memref<10112x64xf32, #tpu.memory_space<vmem_shared>> -> memref<632x64xf32, #tpu.memory_space<vmem_shared>>
      %dma_start3A_9 = arith.constant 0 : i32
      %dma_start3A_10 = tpu.memref_slice %arg5[%mul3A_0, %dma_start3A_9] : memref<10112x64xf32, #tpu.memory_space<hbm>> -> memref<632x64xf32, #tpu.memory_space<hbm>>
      tpu.enqueue_dma source(%dma_start3A_10 : memref<632x64xf32, #tpu.memory_space<hbm>>) target(%dma_start3A_8 : memref<632x64xf32, #tpu.memory_space<vmem_shared>>) target_semaphore(%run_scoped3A : memref<!tpu.dma_semaphore, #tpu.memory_space<semaphore_mem>>)
      %dma_wait3A = arith.constant 0 : i32
      %dma_wait3A_11 = tpu.memref_slice %arg11[%mul3A_0, %dma_wait3A] : memref<10112x64xf32, #tpu.memory_space<vmem_shared>> -> memref<632x64xf32, #tpu.memory_space<vmem_shared>>
      %dma_wait3A_12 = arith.constant 0 : i32
      %dma_wait3A_13 = tpu.memref_slice %arg5[%mul3A_0, %dma_wait3A_12] : memref<10112x64xf32, #tpu.memory_space<hbm>> -> memref<632x64xf32, #tpu.memory_space<hbm>>
      tpu.wait_dma2 semaphore(%run_scoped3A : memref<!tpu.dma_semaphore, #tpu.memory_space<semaphore_mem>>) src(%dma_wait3A_13 : memref<632x64xf32, #tpu.memory_space<hbm>>) dst(%dma_wait3A_11 : memref<632x64xf32, #tpu.memory_space<vmem_shared>>)
      tpu.yield
    }) : () -> ()
    "tpu.region"() ({
      %run_scoped3A = tpu.sem_alloc : memref<!tpu.dma_semaphore, #tpu.memory_space<semaphore_mem>>
      %dma_start3A = arith.constant 0 : i32
      %dma_start3A_8 = tpu.memref_slice %arg12[%mul3A_0, %dma_start3A] : memref<10112x64xf32, #tpu.memory_space<vmem_shared>> -> memref<632x64xf32, #tpu.memory_space<vmem_shared>>
      %dma_start3A_9 = arith.constant 0 : i32
      %dma_start3A_10 = tpu.memref_slice %arg4[%mul3A_0, %dma_start3A_9] : memref<10112x64xf32, #tpu.memory_space<hbm>> -> memref<632x64xf32, #tpu.memory_space<hbm>>
      tpu.enqueue_dma source(%dma_start3A_10 : memref<632x64xf32, #tpu.memory_space<hbm>>) target(%dma_start3A_8 : memref<632x64xf32, #tpu.memory_space<vmem_shared>>) target_semaphore(%run_scoped3A : memref<!tpu.dma_semaphore, #tpu.memory_space<semaphore_mem>>)
      %dma_wait3A = arith.constant 0 : i32
      %dma_wait3A_11 = tpu.memref_slice %arg12[%mul3A_0, %dma_wait3A] : memref<10112x64xf32, #tpu.memory_space<vmem_shared>> -> memref<632x64xf32, #tpu.memory_space<vmem_shared>>
      %dma_wait3A_12 = arith.constant 0 : i32
      %dma_wait3A_13 = tpu.memref_slice %arg4[%mul3A_0, %dma_wait3A_12] : memref<10112x64xf32, #tpu.memory_space<hbm>> -> memref<632x64xf32, #tpu.memory_space<hbm>>
      tpu.wait_dma2 semaphore(%run_scoped3A : memref<!tpu.dma_semaphore, #tpu.memory_space<semaphore_mem>>) src(%dma_wait3A_13 : memref<632x64xf32, #tpu.memory_space<hbm>>) dst(%dma_wait3A_11 : memref<632x64xf32, #tpu.memory_space<vmem_shared>>)
      tpu.yield
    }) : () -> ()
    %eq3A = arith.constant 0 : i32
    %eq3A_1 = arith.cmpi eq, %arg0, %eq3A : i32
    %convert_element_type3A = arith.extui %eq3A_1 : i1 to i32
    %cond3A = arith.constant 0 : i32
    %cond3A_2 = arith.cmpi ne, %convert_element_type3A, %cond3A : i32
    scf.if %cond3A_2 {
      %mul3A_8 = arith.constant 10240 : i32
      %mul3A_9 = arith.muli %arg1, %mul3A_8 : i32
      %mul3A_10 = arith.constant 80 : i32
      %mul3A_11 = arith.muli %arg1, %mul3A_10 : i32
      %add3A = arith.constant 0 : i32
      %add3A_12 = arith.addi %mul3A_9, %add3A : i32
      %add3A_13 = arith.constant 0 : i32
      %add3A_14 = arith.addi %mul3A_11, %add3A_13 : i32
      %multiple_of3A = tpu.assume_multiple %add3A_12, 256 : i32
      "tpu.region"() ({
        %run_scoped3A = tpu.sem_alloc : memref<!tpu.dma_semaphore, #tpu.memory_space<semaphore_mem>>
        %dma_start3A_55 = arith.constant 0 : i32
        %dma_start3A_56 = tpu.memref_slice %arg7[%dma_start3A_55] : memref<5120xi32, #tpu.memory_space<vmem>> -> memref<5120xi32, #tpu.memory_space<vmem>>
        %dma_start3A_57 = tpu.memref_slice %arg2[%multiple_of3A] : memref<327680xi32, #tpu.memory_space<hbm>> -> memref<5120xi32, #tpu.memory_space<hbm>>
        %dma_start3A_58 = arith.constant 0 : i32
        %dma_start3A_59 = tpu.memref_slice %arg7[%dma_start3A_58] : memref<5120xi32, #tpu.memory_space<vmem>> -> memref<5120xi32, #tpu.memory_space<vmem>>
        %dma_start3A_60 = tpu.memref_slice %arg2[%multiple_of3A] : memref<327680xi32, #tpu.memory_space<hbm>> -> memref<5120xi32, #tpu.memory_space<hbm>>
        tpu.enqueue_dma source(%dma_start3A_60 : memref<5120xi32, #tpu.memory_space<hbm>>) target(%dma_start3A_59 : memref<5120xi32, #tpu.memory_space<vmem>>) target_semaphore(%run_scoped3A : memref<!tpu.dma_semaphore, #tpu.memory_space<semaphore_mem>>)
        %dma_wait3A = arith.constant 0 : i32
        %dma_wait3A_61 = tpu.memref_slice %arg7[%dma_wait3A] : memref<5120xi32, #tpu.memory_space<vmem>> -> memref<5120xi32, #tpu.memory_space<vmem>>
        %dma_wait3A_62 = tpu.memref_slice %arg2[%multiple_of3A] : memref<327680xi32, #tpu.memory_space<hbm>> -> memref<5120xi32, #tpu.memory_space<hbm>>
        %dma_wait3A_63 = arith.constant 0 : i32
        %dma_wait3A_64 = tpu.memref_slice %arg7[%dma_wait3A_63] : memref<5120xi32, #tpu.memory_space<vmem>> -> memref<5120xi32, #tpu.memory_space<vmem>>
        %dma_wait3A_65 = tpu.memref_slice %arg2[%multiple_of3A] : memref<327680xi32, #tpu.memory_space<hbm>> -> memref<5120xi32, #tpu.memory_space<hbm>>
        tpu.wait_dma2 semaphore(%run_scoped3A : memref<!tpu.dma_semaphore, #tpu.memory_space<semaphore_mem>>) src(%dma_wait3A_65 : memref<5120xi32, #tpu.memory_space<hbm>>) dst(%dma_wait3A_64 : memref<5120xi32, #tpu.memory_space<vmem>>)
        tpu.yield
      }) : () -> ()
      "tpu.region"() ({
        %run_scoped3A = tpu.sem_alloc : memref<!tpu.dma_semaphore, #tpu.memory_space<semaphore_mem>>
        %dma_start3A_55 = arith.constant 0 : i32
        %dma_start3A_56 = arith.constant 0 : i32
        %dma_start3A_57 = tpu.memref_slice %arg8[%dma_start3A_55, %dma_start3A_56] : memref<40x128xi32, #tpu.memory_space<vmem>> -> memref<40x128xi32, #tpu.memory_space<vmem>>
        %dma_start3A_58 = arith.constant 0 : i32
        %dma_start3A_59 = tpu.memref_slice %arg3[%add3A_14, %dma_start3A_58] : memref<2560x128xi32, #tpu.memory_space<hbm>> -> memref<40x128xi32, #tpu.memory_space<hbm>>
        %dma_start3A_60 = arith.constant 0 : i32
        %dma_start3A_61 = arith.constant 0 : i32
        %dma_start3A_62 = tpu.memref_slice %arg8[%dma_start3A_60, %dma_start3A_61] : memref<40x128xi32, #tpu.memory_space<vmem>> -> memref<40x128xi32, #tpu.memory_space<vmem>>
        %dma_start3A_63 = arith.constant 0 : i32
        %dma_start3A_64 = tpu.memref_slice %arg3[%add3A_14, %dma_start3A_63] : memref<2560x128xi32, #tpu.memory_space<hbm>> -> memref<40x128xi32, #tpu.memory_space<hbm>>
        tpu.enqueue_dma source(%dma_start3A_64 : memref<40x128xi32, #tpu.memory_space<hbm>>) target(%dma_start3A_62 : memref<40x128xi32, #tpu.memory_space<vmem>>) target_semaphore(%run_scoped3A : memref<!tpu.dma_semaphore, #tpu.memory_space<semaphore_mem>>)
        %dma_wait3A = arith.constant 0 : i32
        %dma_wait3A_65 = arith.constant 0 : i32
        %dma_wait3A_66 = tpu.memref_slice %arg8[%dma_wait3A, %dma_wait3A_65] : memref<40x128xi32, #tpu.memory_space<vmem>> -> memref<40x128xi32, #tpu.memory_space<vmem>>
        %dma_wait3A_67 = arith.constant 0 : i32
        %dma_wait3A_68 = tpu.memref_slice %arg3[%add3A_14, %dma_wait3A_67] : memref<2560x128xi32, #tpu.memory_space<hbm>> -> memref<40x128xi32, #tpu.memory_space<hbm>>
        %dma_wait3A_69 = arith.constant 0 : i32
        %dma_wait3A_70 = arith.constant 0 : i32
        %dma_wait3A_71 = tpu.memref_slice %arg8[%dma_wait3A_69, %dma_wait3A_70] : memref<40x128xi32, #tpu.memory_space<vmem>> -> memref<40x128xi32, #tpu.memory_space<vmem>>
        %dma_wait3A_72 = arith.constant 0 : i32
        %dma_wait3A_73 = tpu.memref_slice %arg3[%add3A_14, %dma_wait3A_72] : memref<2560x128xi32, #tpu.memory_space<hbm>> -> memref<40x128xi32, #tpu.memory_space<hbm>>
        tpu.wait_dma2 semaphore(%run_scoped3A : memref<!tpu.dma_semaphore, #tpu.memory_space<semaphore_mem>>) src(%dma_wait3A_73 : memref<40x128xi32, #tpu.memory_space<hbm>>) dst(%dma_wait3A_71 : memref<40x128xi32, #tpu.memory_space<vmem>>)
        tpu.yield
      }) : () -> ()
      %barrier3A = arith.constant 0 : index
      tpu.barrier barrier_id(%barrier3A)
      %multiple_of3A_15 = arith.constant 0 : i32
      %multiple_of3A_16 = tpu.assume_multiple %multiple_of3A_15, 256 : i32
      %dma_start3A = tpu.memref_slice %arg7[%multiple_of3A_16] : memref<5120xi32, #tpu.memory_space<vmem>> -> memref<256xi32, #tpu.memory_space<vmem>>
      %dma_start3A_17 = arith.constant 0 : i32
      %dma_start3A_18 = arith.constant 0 : i32
      %dma_start3A_19 = tpu.memref_slice %arg12[%dma_start3A_17, %dma_start3A_18] : memref<10112x64xf32, #tpu.memory_space<vmem_shared>> -> memref<10112x64xf32, #tpu.memory_space<vmem_shared>>
      tpu.enqueue_indirect_dma source(%dma_start3A_19 : memref<10112x64xf32, #tpu.memory_space<vmem_shared>>) target(%arg9 : memref<256x64xf32, #tpu.memory_space<vmem>>) offsets(%dma_start3A : memref<256xi32, #tpu.memory_space<vmem>>) semaphore(%arg13 : memref<!tpu.dma_semaphore, #tpu.memory_space<semaphore_mem>>)
      %multiple_of3A_20 = arith.constant 256 : i32
      %multiple_of3A_21 = tpu.assume_multiple %multiple_of3A_20, 256 : i32
      %dma_start3A_22 = tpu.memref_slice %arg7[%multiple_of3A_21] : memref<5120xi32, #tpu.memory_space<vmem>> -> memref<256xi32, #tpu.memory_space<vmem>>
      %dma_start3A_23 = arith.constant 0 : i32
      %dma_start3A_24 = arith.constant 0 : i32
      %dma_start3A_25 = tpu.memref_slice %arg12[%dma_start3A_23, %dma_start3A_24] : memref<10112x64xf32, #tpu.memory_space<vmem_shared>> -> memref<10112x64xf32, #tpu.memory_space<vmem_shared>>
      tpu.enqueue_indirect_dma source(%dma_start3A_25 : memref<10112x64xf32, #tpu.memory_space<vmem_shared>>) target(%arg10 : memref<256x64xf32, #tpu.memory_space<vmem>>) offsets(%dma_start3A_22 : memref<256xi32, #tpu.memory_space<vmem>>) semaphore(%arg14 : memref<!tpu.dma_semaphore, #tpu.memory_space<semaphore_mem>>)
      %scan3A = arith.constant 0 : i32
      %scan3A_26 = arith.constant 0 : i32
      %scan3A_27 = arith.constant 10 : i32
      %scan3A_28 = arith.addi %scan3A_26, %scan3A_27 : i32
      %scan3A_29 = arith.constant 1 : i32
      scf.for %scan3A_55 = %scan3A_26 to %scan3A_28 step %scan3A_29  : i32 {
        %mul3A_56 = arith.constant 2 : i32
        %mul3A_57 = arith.muli %scan3A_55, %mul3A_56 : i32
        %add3A_58 = arith.constant 0 : i32
        %add3A_59 = arith.addi %mul3A_57, %add3A_58 : i32
        %dma_wait3A = arith.constant 0 : i32
        %dma_wait3A_60 = arith.constant 0 : i32
        %dma_wait3A_61 = tpu.memref_slice %arg5[%dma_wait3A, %dma_wait3A_60] : memref<10112x64xf32, #tpu.memory_space<hbm>> -> memref<256x64xf32, #tpu.memory_space<hbm>>
        %dma_wait3A_62 = arith.constant 0 : i32
        %dma_wait3A_63 = arith.constant 0 : i32
        %dma_wait3A_64 = tpu.memref_slice %arg5[%dma_wait3A_62, %dma_wait3A_63] : memref<10112x64xf32, #tpu.memory_space<hbm>> -> memref<256x64xf32, #tpu.memory_space<hbm>>
        tpu.wait_dma2 semaphore(%arg13 : memref<!tpu.dma_semaphore, #tpu.memory_space<semaphore_mem>>) src(%dma_wait3A_64 : memref<256x64xf32, #tpu.memory_space<hbm>>) dst(%arg9 : memref<256x64xf32, #tpu.memory_space<vmem>>)
        %mul3A_65 = arith.constant 2 : i32
        %mul3A_66 = arith.muli %add3A_59, %mul3A_65 : i32
        %add3A_67 = arith.constant 0 : i32
        %add3A_68 = arith.addi %mul3A_66, %add3A_67 : i32
        "tpu.region"() ({
          %run_scoped3A = tpu.sem_alloc : memref<!tpu.dma_semaphore, #tpu.memory_space<semaphore_mem>>
          %dma_start3A_104 = arith.constant 0 : i32
          %dma_start3A_105 = arith.constant 0 : i32
          %dma_start3A_106 = tpu.memref_slice %arg9[%dma_start3A_104, %dma_start3A_105] : memref<256x64xf32, #tpu.memory_space<vmem>> -> memref<128x64xf32, #tpu.memory_space<vmem>>
          %dma_start3A_107 = arith.constant 0 : i32
          %dma_start3A_108 = tpu.memref_slice %arg8[%add3A_68, %dma_start3A_107] : memref<40x128xi32, #tpu.memory_space<vmem>> -> memref<1x128xi32, #tpu.memory_space<vmem>>
          %dma_start3A_109 = tpu.memref_squeeze %dma_start3A_108 : memref<1x128xi32, #tpu.memory_space<vmem>> -> memref<128xi32, #tpu.memory_space<vmem>>
          %dma_start3A_110 = arith.constant 0 : i32
          %dma_start3A_111 = arith.constant 0 : i32
          %dma_start3A_112 = tpu.memref_slice %arg11[%dma_start3A_110, %dma_start3A_111] : memref<10112x64xf32, #tpu.memory_space<vmem_shared>> -> memref<10112x64xf32, #tpu.memory_space<vmem_shared>>
          tpu.enqueue_indirect_dma source(%dma_start3A_106 : memref<128x64xf32, #tpu.memory_space<vmem>>) target(%dma_start3A_112 : memref<10112x64xf32, #tpu.memory_space<vmem_shared>>) offsets(%dma_start3A_109 : memref<128xi32, #tpu.memory_space<vmem>>) semaphore(%run_scoped3A : memref<!tpu.dma_semaphore, #tpu.memory_space<semaphore_mem>>) {add = true}
          %dma_wait3A_113 = arith.constant 0 : i32
          %dma_wait3A_114 = arith.constant 0 : i32
          %dma_wait3A_115 = tpu.memref_slice %arg9[%dma_wait3A_113, %dma_wait3A_114] : memref<256x64xf32, #tpu.memory_space<vmem>> -> memref<128x64xf32, #tpu.memory_space<vmem>>
          %dma_wait3A_116 = arith.constant 0 : i32
          %dma_wait3A_117 = tpu.memref_slice %arg8[%add3A_68, %dma_wait3A_116] : memref<40x128xi32, #tpu.memory_space<vmem>> -> memref<1x128xi32, #tpu.memory_space<vmem>>
          %dma_wait3A_118 = tpu.memref_squeeze %dma_wait3A_117 : memref<1x128xi32, #tpu.memory_space<vmem>> -> memref<128xi32, #tpu.memory_space<vmem>>
          %dma_wait3A_119 = arith.constant 0 : i32
          %dma_wait3A_120 = arith.constant 0 : i32
          %dma_wait3A_121 = tpu.memref_slice %arg11[%dma_wait3A_119, %dma_wait3A_120] : memref<10112x64xf32, #tpu.memory_space<vmem_shared>> -> memref<10112x64xf32, #tpu.memory_space<vmem_shared>>
          tpu.wait_indirect_dma semaphore(%run_scoped3A : memref<!tpu.dma_semaphore, #tpu.memory_space<semaphore_mem>>) src(%dma_wait3A_115 : memref<128x64xf32, #tpu.memory_space<vmem>>) dst(%dma_wait3A_121 : memref<10112x64xf32, #tpu.memory_space<vmem_shared>>)
          tpu.yield
        }) : () -> ()
        %mul3A_69 = arith.constant 2 : i32
        %mul3A_70 = arith.muli %add3A_59, %mul3A_69 : i32
        %add3A_71 = arith.constant 1 : i32
        %add3A_72 = arith.addi %mul3A_70, %add3A_71 : i32
        "tpu.region"() ({
          %run_scoped3A = tpu.sem_alloc : memref<!tpu.dma_semaphore, #tpu.memory_space<semaphore_mem>>
          %dma_start3A_104 = arith.constant 128 : i32
          %dma_start3A_105 = arith.constant 0 : i32
          %dma_start3A_106 = tpu.memref_slice %arg9[%dma_start3A_104, %dma_start3A_105] : memref<256x64xf32, #tpu.memory_space<vmem>> -> memref<128x64xf32, #tpu.memory_space<vmem>>
          %dma_start3A_107 = arith.constant 0 : i32
          %dma_start3A_108 = tpu.memref_slice %arg8[%add3A_72, %dma_start3A_107] : memref<40x128xi32, #tpu.memory_space<vmem>> -> memref<1x128xi32, #tpu.memory_space<vmem>>
          %dma_start3A_109 = tpu.memref_squeeze %dma_start3A_108 : memref<1x128xi32, #tpu.memory_space<vmem>> -> memref<128xi32, #tpu.memory_space<vmem>>
          %dma_start3A_110 = arith.constant 0 : i32
          %dma_start3A_111 = arith.constant 0 : i32
          %dma_start3A_112 = tpu.memref_slice %arg11[%dma_start3A_110, %dma_start3A_111] : memref<10112x64xf32, #tpu.memory_space<vmem_shared>> -> memref<10112x64xf32, #tpu.memory_space<vmem_shared>>
          tpu.enqueue_indirect_dma source(%dma_start3A_106 : memref<128x64xf32, #tpu.memory_space<vmem>>) target(%dma_start3A_112 : memref<10112x64xf32, #tpu.memory_space<vmem_shared>>) offsets(%dma_start3A_109 : memref<128xi32, #tpu.memory_space<vmem>>) semaphore(%run_scoped3A : memref<!tpu.dma_semaphore, #tpu.memory_space<semaphore_mem>>) {add = true}
          %dma_wait3A_113 = arith.constant 128 : i32
          %dma_wait3A_114 = arith.constant 0 : i32
          %dma_wait3A_115 = tpu.memref_slice %arg9[%dma_wait3A_113, %dma_wait3A_114] : memref<256x64xf32, #tpu.memory_space<vmem>> -> memref<128x64xf32, #tpu.memory_space<vmem>>
          %dma_wait3A_116 = arith.constant 0 : i32
          %dma_wait3A_117 = tpu.memref_slice %arg8[%add3A_72, %dma_wait3A_116] : memref<40x128xi32, #tpu.memory_space<vmem>> -> memref<1x128xi32, #tpu.memory_space<vmem>>
          %dma_wait3A_118 = tpu.memref_squeeze %dma_wait3A_117 : memref<1x128xi32, #tpu.memory_space<vmem>> -> memref<128xi32, #tpu.memory_space<vmem>>
          %dma_wait3A_119 = arith.constant 0 : i32
          %dma_wait3A_120 = arith.constant 0 : i32
          %dma_wait3A_121 = tpu.memref_slice %arg11[%dma_wait3A_119, %dma_wait3A_120] : memref<10112x64xf32, #tpu.memory_space<vmem_shared>> -> memref<10112x64xf32, #tpu.memory_space<vmem_shared>>
          tpu.wait_indirect_dma semaphore(%run_scoped3A : memref<!tpu.dma_semaphore, #tpu.memory_space<semaphore_mem>>) src(%dma_wait3A_115 : memref<128x64xf32, #tpu.memory_space<vmem>>) dst(%dma_wait3A_121 : memref<10112x64xf32, #tpu.memory_space<vmem_shared>>)
          tpu.yield
        }) : () -> ()
        %add3A_73 = arith.constant 2 : i32
        %add3A_74 = arith.addi %add3A_59, %add3A_73 : i32
        %lt3A = arith.constant 20 : i32
        %lt3A_75 = arith.cmpi slt, %add3A_74, %lt3A : i32
        %convert_element_type3A_76 = arith.extui %lt3A_75 : i1 to i32
        %cond3A_77 = arith.constant 0 : i32
        %cond3A_78 = arith.cmpi ne, %convert_element_type3A_76, %cond3A_77 : i32
        scf.if %cond3A_78 {
          %add3A_104 = arith.constant 2 : i32
          %add3A_105 = arith.addi %add3A_59, %add3A_104 : i32
          %mul3A_106 = arith.constant 256 : i32
          %mul3A_107 = arith.muli %add3A_105, %mul3A_106 : i32
          %multiple_of3A_108 = tpu.assume_multiple %mul3A_107, 256 : i32
          %dma_start3A_109 = tpu.memref_slice %arg7[%multiple_of3A_108] : memref<5120xi32, #tpu.memory_space<vmem>> -> memref<256xi32, #tpu.memory_space<vmem>>
          %dma_start3A_110 = arith.constant 0 : i32
          %dma_start3A_111 = arith.constant 0 : i32
          %dma_start3A_112 = tpu.memref_slice %arg12[%dma_start3A_110, %dma_start3A_111] : memref<10112x64xf32, #tpu.memory_space<vmem_shared>> -> memref<10112x64xf32, #tpu.memory_space<vmem_shared>>
          tpu.enqueue_indirect_dma source(%dma_start3A_112 : memref<10112x64xf32, #tpu.memory_space<vmem_shared>>) target(%arg9 : memref<256x64xf32, #tpu.memory_space<vmem>>) offsets(%dma_start3A_109 : memref<256xi32, #tpu.memory_space<vmem>>) semaphore(%arg13 : memref<!tpu.dma_semaphore, #tpu.memory_space<semaphore_mem>>)
        } else {
        }
        %mul3A_79 = arith.constant 2 : i32
        %mul3A_80 = arith.muli %scan3A_55, %mul3A_79 : i32
        %add3A_81 = arith.constant 1 : i32
        %add3A_82 = arith.addi %mul3A_80, %add3A_81 : i32
        %dma_wait3A_83 = arith.constant 0 : i32
        %dma_wait3A_84 = arith.constant 0 : i32
        %dma_wait3A_85 = tpu.memref_slice %arg5[%dma_wait3A_83, %dma_wait3A_84] : memref<10112x64xf32, #tpu.memory_space<hbm>> -> memref<256x64xf32, #tpu.memory_space<hbm>>
        %dma_wait3A_86 = arith.constant 0 : i32
        %dma_wait3A_87 = arith.constant 0 : i32
        %dma_wait3A_88 = tpu.memref_slice %arg5[%dma_wait3A_86, %dma_wait3A_87] : memref<10112x64xf32, #tpu.memory_space<hbm>> -> memref<256x64xf32, #tpu.memory_space<hbm>>
        tpu.wait_dma2 semaphore(%arg14 : memref<!tpu.dma_semaphore, #tpu.memory_space<semaphore_mem>>) src(%dma_wait3A_88 : memref<256x64xf32, #tpu.memory_space<hbm>>) dst(%arg10 : memref<256x64xf32, #tpu.memory_space<vmem>>)
        %mul3A_89 = arith.constant 2 : i32
        %mul3A_90 = arith.muli %add3A_82, %mul3A_89 : i32
        %add3A_91 = arith.constant 0 : i32
        %add3A_92 = arith.addi %mul3A_90, %add3A_91 : i32
        "tpu.region"() ({
          %run_scoped3A = tpu.sem_alloc : memref<!tpu.dma_semaphore, #tpu.memory_space<semaphore_mem>>
          %dma_start3A_104 = arith.constant 0 : i32
          %dma_start3A_105 = arith.constant 0 : i32
          %dma_start3A_106 = tpu.memref_slice %arg10[%dma_start3A_104, %dma_start3A_105] : memref<256x64xf32, #tpu.memory_space<vmem>> -> memref<128x64xf32, #tpu.memory_space<vmem>>
          %dma_start3A_107 = arith.constant 0 : i32
          %dma_start3A_108 = tpu.memref_slice %arg8[%add3A_92, %dma_start3A_107] : memref<40x128xi32, #tpu.memory_space<vmem>> -> memref<1x128xi32, #tpu.memory_space<vmem>>
          %dma_start3A_109 = tpu.memref_squeeze %dma_start3A_108 : memref<1x128xi32, #tpu.memory_space<vmem>> -> memref<128xi32, #tpu.memory_space<vmem>>
          %dma_start3A_110 = arith.constant 0 : i32
          %dma_start3A_111 = arith.constant 0 : i32
          %dma_start3A_112 = tpu.memref_slice %arg11[%dma_start3A_110, %dma_start3A_111] : memref<10112x64xf32, #tpu.memory_space<vmem_shared>> -> memref<10112x64xf32, #tpu.memory_space<vmem_shared>>
          tpu.enqueue_indirect_dma source(%dma_start3A_106 : memref<128x64xf32, #tpu.memory_space<vmem>>) target(%dma_start3A_112 : memref<10112x64xf32, #tpu.memory_space<vmem_shared>>) offsets(%dma_start3A_109 : memref<128xi32, #tpu.memory_space<vmem>>) semaphore(%run_scoped3A : memref<!tpu.dma_semaphore, #tpu.memory_space<semaphore_mem>>) {add = true}
          %dma_wait3A_113 = arith.constant 0 : i32
          %dma_wait3A_114 = arith.constant 0 : i32
          %dma_wait3A_115 = tpu.memref_slice %arg10[%dma_wait3A_113, %dma_wait3A_114] : memref<256x64xf32, #tpu.memory_space<vmem>> -> memref<128x64xf32, #tpu.memory_space<vmem>>
          %dma_wait3A_116 = arith.constant 0 : i32
          %dma_wait3A_117 = tpu.memref_slice %arg8[%add3A_92, %dma_wait3A_116] : memref<40x128xi32, #tpu.memory_space<vmem>> -> memref<1x128xi32, #tpu.memory_space<vmem>>
          %dma_wait3A_118 = tpu.memref_squeeze %dma_wait3A_117 : memref<1x128xi32, #tpu.memory_space<vmem>> -> memref<128xi32, #tpu.memory_space<vmem>>
          %dma_wait3A_119 = arith.constant 0 : i32
          %dma_wait3A_120 = arith.constant 0 : i32
          %dma_wait3A_121 = tpu.memref_slice %arg11[%dma_wait3A_119, %dma_wait3A_120] : memref<10112x64xf32, #tpu.memory_space<vmem_shared>> -> memref<10112x64xf32, #tpu.memory_space<vmem_shared>>
          tpu.wait_indirect_dma semaphore(%run_scoped3A : memref<!tpu.dma_semaphore, #tpu.memory_space<semaphore_mem>>) src(%dma_wait3A_115 : memref<128x64xf32, #tpu.memory_space<vmem>>) dst(%dma_wait3A_121 : memref<10112x64xf32, #tpu.memory_space<vmem_shared>>)
          tpu.yield
        }) : () -> ()
        %mul3A_93 = arith.constant 2 : i32
        %mul3A_94 = arith.muli %add3A_82, %mul3A_93 : i32
        %add3A_95 = arith.constant 1 : i32
        %add3A_96 = arith.addi %mul3A_94, %add3A_95 : i32
        "tpu.region"() ({
          %run_scoped3A = tpu.sem_alloc : memref<!tpu.dma_semaphore, #tpu.memory_space<semaphore_mem>>
          %dma_start3A_104 = arith.constant 128 : i32
          %dma_start3A_105 = arith.constant 0 : i32
          %dma_start3A_106 = tpu.memref_slice %arg10[%dma_start3A_104, %dma_start3A_105] : memref<256x64xf32, #tpu.memory_space<vmem>> -> memref<128x64xf32, #tpu.memory_space<vmem>>
          %dma_start3A_107 = arith.constant 0 : i32
          %dma_start3A_108 = tpu.memref_slice %arg8[%add3A_96, %dma_start3A_107] : memref<40x128xi32, #tpu.memory_space<vmem>> -> memref<1x128xi32, #tpu.memory_space<vmem>>
          %dma_start3A_109 = tpu.memref_squeeze %dma_start3A_108 : memref<1x128xi32, #tpu.memory_space<vmem>> -> memref<128xi32, #tpu.memory_space<vmem>>
          %dma_start3A_110 = arith.constant 0 : i32
          %dma_start3A_111 = arith.constant 0 : i32
          %dma_start3A_112 = tpu.memref_slice %arg11[%dma_start3A_110, %dma_start3A_111] : memref<10112x64xf32, #tpu.memory_space<vmem_shared>> -> memref<10112x64xf32, #tpu.memory_space<vmem_shared>>
          tpu.enqueue_indirect_dma source(%dma_start3A_106 : memref<128x64xf32, #tpu.memory_space<vmem>>) target(%dma_start3A_112 : memref<10112x64xf32, #tpu.memory_space<vmem_shared>>) offsets(%dma_start3A_109 : memref<128xi32, #tpu.memory_space<vmem>>) semaphore(%run_scoped3A : memref<!tpu.dma_semaphore, #tpu.memory_space<semaphore_mem>>) {add = true}
          %dma_wait3A_113 = arith.constant 128 : i32
          %dma_wait3A_114 = arith.constant 0 : i32
          %dma_wait3A_115 = tpu.memref_slice %arg10[%dma_wait3A_113, %dma_wait3A_114] : memref<256x64xf32, #tpu.memory_space<vmem>> -> memref<128x64xf32, #tpu.memory_space<vmem>>
          %dma_wait3A_116 = arith.constant 0 : i32
          %dma_wait3A_117 = tpu.memref_slice %arg8[%add3A_96, %dma_wait3A_116] : memref<40x128xi32, #tpu.memory_space<vmem>> -> memref<1x128xi32, #tpu.memory_space<vmem>>
          %dma_wait3A_118 = tpu.memref_squeeze %dma_wait3A_117 : memref<1x128xi32, #tpu.memory_space<vmem>> -> memref<128xi32, #tpu.memory_space<vmem>>
          %dma_wait3A_119 = arith.constant 0 : i32
          %dma_wait3A_120 = arith.constant 0 : i32
          %dma_wait3A_121 = tpu.memref_slice %arg11[%dma_wait3A_119, %dma_wait3A_120] : memref<10112x64xf32, #tpu.memory_space<vmem_shared>> -> memref<10112x64xf32, #tpu.memory_space<vmem_shared>>
          tpu.wait_indirect_dma semaphore(%run_scoped3A : memref<!tpu.dma_semaphore, #tpu.memory_space<semaphore_mem>>) src(%dma_wait3A_115 : memref<128x64xf32, #tpu.memory_space<vmem>>) dst(%dma_wait3A_121 : memref<10112x64xf32, #tpu.memory_space<vmem_shared>>)
          tpu.yield
        }) : () -> ()
        %add3A_97 = arith.constant 2 : i32
        %add3A_98 = arith.addi %add3A_82, %add3A_97 : i32
        %lt3A_99 = arith.constant 20 : i32
        %lt3A_100 = arith.cmpi slt, %add3A_98, %lt3A_99 : i32
        %convert_element_type3A_101 = arith.extui %lt3A_100 : i1 to i32
        %cond3A_102 = arith.constant 0 : i32
        %cond3A_103 = arith.cmpi ne, %convert_element_type3A_101, %cond3A_102 : i32
        scf.if %cond3A_103 {
          %add3A_104 = arith.constant 2 : i32
          %add3A_105 = arith.addi %add3A_82, %add3A_104 : i32
          %mul3A_106 = arith.constant 256 : i32
          %mul3A_107 = arith.muli %add3A_105, %mul3A_106 : i32
          %multiple_of3A_108 = tpu.assume_multiple %mul3A_107, 256 : i32
          %dma_start3A_109 = tpu.memref_slice %arg7[%multiple_of3A_108] : memref<5120xi32, #tpu.memory_space<vmem>> -> memref<256xi32, #tpu.memory_space<vmem>>
          %dma_start3A_110 = arith.constant 0 : i32
          %dma_start3A_111 = arith.constant 0 : i32
          %dma_start3A_112 = tpu.memref_slice %arg12[%dma_start3A_110, %dma_start3A_111] : memref<10112x64xf32, #tpu.memory_space<vmem_shared>> -> memref<10112x64xf32, #tpu.memory_space<vmem_shared>>
          tpu.enqueue_indirect_dma source(%dma_start3A_112 : memref<10112x64xf32, #tpu.memory_space<vmem_shared>>) target(%arg10 : memref<256x64xf32, #tpu.memory_space<vmem>>) offsets(%dma_start3A_109 : memref<256xi32, #tpu.memory_space<vmem>>) semaphore(%arg14 : memref<!tpu.dma_semaphore, #tpu.memory_space<semaphore_mem>>)
        } else {
        }
      }
      %scan3A_30 = arith.constant 10 : i32
      %add3A_31 = arith.constant 5120 : i32
      %add3A_32 = arith.addi %mul3A_9, %add3A_31 : i32
      %add3A_33 = arith.constant 40 : i32
      %add3A_34 = arith.addi %mul3A_11, %add3A_33 : i32
      %multiple_of3A_35 = tpu.assume_multiple %add3A_32, 256 : i32
      "tpu.region"() ({
        %run_scoped3A = tpu.sem_alloc : memref<!tpu.dma_semaphore, #tpu.memory_space<semaphore_mem>>
        %dma_start3A_55 = arith.constant 0 : i32
        %dma_start3A_56 = tpu.memref_slice %arg7[%dma_start3A_55] : memref<5120xi32, #tpu.memory_space<vmem>> -> memref<5120xi32, #tpu.memory_space<vmem>>
        %dma_start3A_57 = tpu.memref_slice %arg2[%multiple_of3A_35] : memref<327680xi32, #tpu.memory_space<hbm>> -> memref<5120xi32, #tpu.memory_space<hbm>>
        %dma_start3A_58 = arith.constant 0 : i32
        %dma_start3A_59 = tpu.memref_slice %arg7[%dma_start3A_58] : memref<5120xi32, #tpu.memory_space<vmem>> -> memref<5120xi32, #tpu.memory_space<vmem>>
        %dma_start3A_60 = tpu.memref_slice %arg2[%multiple_of3A_35] : memref<327680xi32, #tpu.memory_space<hbm>> -> memref<5120xi32, #tpu.memory_space<hbm>>
        tpu.enqueue_dma source(%dma_start3A_60 : memref<5120xi32, #tpu.memory_space<hbm>>) target(%dma_start3A_59 : memref<5120xi32, #tpu.memory_space<vmem>>) target_semaphore(%run_scoped3A : memref<!tpu.dma_semaphore, #tpu.memory_space<semaphore_mem>>)
        %dma_wait3A = arith.constant 0 : i32
        %dma_wait3A_61 = tpu.memref_slice %arg7[%dma_wait3A] : memref<5120xi32, #tpu.memory_space<vmem>> -> memref<5120xi32, #tpu.memory_space<vmem>>
        %dma_wait3A_62 = tpu.memref_slice %arg2[%multiple_of3A_35] : memref<327680xi32, #tpu.memory_space<hbm>> -> memref<5120xi32, #tpu.memory_space<hbm>>
        %dma_wait3A_63 = arith.constant 0 : i32
        %dma_wait3A_64 = tpu.memref_slice %arg7[%dma_wait3A_63] : memref<5120xi32, #tpu.memory_space<vmem>> -> memref<5120xi32, #tpu.memory_space<vmem>>
        %dma_wait3A_65 = tpu.memref_slice %arg2[%multiple_of3A_35] : memref<327680xi32, #tpu.memory_space<hbm>> -> memref<5120xi32, #tpu.memory_space<hbm>>
        tpu.wait_dma2 semaphore(%run_scoped3A : memref<!tpu.dma_semaphore, #tpu.memory_space<semaphore_mem>>) src(%dma_wait3A_65 : memref<5120xi32, #tpu.memory_space<hbm>>) dst(%dma_wait3A_64 : memref<5120xi32, #tpu.memory_space<vmem>>)
        tpu.yield
      }) : () -> ()
      "tpu.region"() ({
        %run_scoped3A = tpu.sem_alloc : memref<!tpu.dma_semaphore, #tpu.memory_space<semaphore_mem>>
        %dma_start3A_55 = arith.constant 0 : i32
        %dma_start3A_56 = arith.constant 0 : i32
        %dma_start3A_57 = tpu.memref_slice %arg8[%dma_start3A_55, %dma_start3A_56] : memref<40x128xi32, #tpu.memory_space<vmem>> -> memref<40x128xi32, #tpu.memory_space<vmem>>
        %dma_start3A_58 = arith.constant 0 : i32
        %dma_start3A_59 = tpu.memref_slice %arg3[%add3A_34, %dma_start3A_58] : memref<2560x128xi32, #tpu.memory_space<hbm>> -> memref<40x128xi32, #tpu.memory_space<hbm>>
        %dma_start3A_60 = arith.constant 0 : i32
        %dma_start3A_61 = arith.constant 0 : i32
        %dma_start3A_62 = tpu.memref_slice %arg8[%dma_start3A_60, %dma_start3A_61] : memref<40x128xi32, #tpu.memory_space<vmem>> -> memref<40x128xi32, #tpu.memory_space<vmem>>
        %dma_start3A_63 = arith.constant 0 : i32
        %dma_start3A_64 = tpu.memref_slice %arg3[%add3A_34, %dma_start3A_63] : memref<2560x128xi32, #tpu.memory_space<hbm>> -> memref<40x128xi32, #tpu.memory_space<hbm>>
        tpu.enqueue_dma source(%dma_start3A_64 : memref<40x128xi32, #tpu.memory_space<hbm>>) target(%dma_start3A_62 : memref<40x128xi32, #tpu.memory_space<vmem>>) target_semaphore(%run_scoped3A : memref<!tpu.dma_semaphore, #tpu.memory_space<semaphore_mem>>)
        %dma_wait3A = arith.constant 0 : i32
        %dma_wait3A_65 = arith.constant 0 : i32
        %dma_wait3A_66 = tpu.memref_slice %arg8[%dma_wait3A, %dma_wait3A_65] : memref<40x128xi32, #tpu.memory_space<vmem>> -> memref<40x128xi32, #tpu.memory_space<vmem>>
        %dma_wait3A_67 = arith.constant 0 : i32
        %dma_wait3A_68 = tpu.memref_slice %arg3[%add3A_34, %dma_wait3A_67] : memref<2560x128xi32, #tpu.memory_space<hbm>> -> memref<40x128xi32, #tpu.memory_space<hbm>>
        %dma_wait3A_69 = arith.constant 0 : i32
        %dma_wait3A_70 = arith.constant 0 : i32
        %dma_wait3A_71 = tpu.memref_slice %arg8[%dma_wait3A_69, %dma_wait3A_70] : memref<40x128xi32, #tpu.memory_space<vmem>> -> memref<40x128xi32, #tpu.memory_space<vmem>>
        %dma_wait3A_72 = arith.constant 0 : i32
        %dma_wait3A_73 = tpu.memref_slice %arg3[%add3A_34, %dma_wait3A_72] : memref<2560x128xi32, #tpu.memory_space<hbm>> -> memref<40x128xi32, #tpu.memory_space<hbm>>
        tpu.wait_dma2 semaphore(%run_scoped3A : memref<!tpu.dma_semaphore, #tpu.memory_space<semaphore_mem>>) src(%dma_wait3A_73 : memref<40x128xi32, #tpu.memory_space<hbm>>) dst(%dma_wait3A_71 : memref<40x128xi32, #tpu.memory_space<vmem>>)
        tpu.yield
      }) : () -> ()
      %multiple_of3A_36 = arith.constant 0 : i32
      %multiple_of3A_37 = tpu.assume_multiple %multiple_of3A_36, 256 : i32
      %dma_start3A_38 = tpu.memref_slice %arg7[%multiple_of3A_37] : memref<5120xi32, #tpu.memory_space<vmem>> -> memref<256xi32, #tpu.memory_space<vmem>>
      %dma_start3A_39 = arith.constant 0 : i32
      %dma_start3A_40 = arith.constant 0 : i32
      %dma_start3A_41 = tpu.memref_slice %arg12[%dma_start3A_39, %dma_start3A_40] : memref<10112x64xf32, #tpu.memory_space<vmem_shared>> -> memref<10112x64xf32, #tpu.memory_space<vmem_shared>>
      tpu.enqueue_indirect_dma source(%dma_start3A_41 : memref<10112x64xf32, #tpu.memory_space<vmem_shared>>) target(%arg9 : memref<256x64xf32, #tpu.memory_space<vmem>>) offsets(%dma_start3A_38 : memref<256xi32, #tpu.memory_space<vmem>>) semaphore(%arg13 : memref<!tpu.dma_semaphore, #tpu.memory_space<semaphore_mem>>)
      %multiple_of3A_42 = arith.constant 256 : i32
      %multiple_of3A_43 = tpu.assume_multiple %multiple_of3A_42, 256 : i32
      %dma_start3A_44 = tpu.memref_slice %arg7[%multiple_of3A_43] : memref<5120xi32, #tpu.memory_space<vmem>> -> memref<256xi32, #tpu.memory_space<vmem>>
      %dma_start3A_45 = arith.constant 0 : i32
      %dma_start3A_46 = arith.constant 0 : i32
      %dma_start3A_47 = tpu.memref_slice %arg12[%dma_start3A_45, %dma_start3A_46] : memref<10112x64xf32, #tpu.memory_space<vmem_shared>> -> memref<10112x64xf32, #tpu.memory_space<vmem_shared>>
      tpu.enqueue_indirect_dma source(%dma_start3A_47 : memref<10112x64xf32, #tpu.memory_space<vmem_shared>>) target(%arg10 : memref<256x64xf32, #tpu.memory_space<vmem>>) offsets(%dma_start3A_44 : memref<256xi32, #tpu.memory_space<vmem>>) semaphore(%arg14 : memref<!tpu.dma_semaphore, #tpu.memory_space<semaphore_mem>>)
      %scan3A_48 = arith.constant 0 : i32
      %scan3A_49 = arith.constant 0 : i32
      %scan3A_50 = arith.constant 10 : i32
      %scan3A_51 = arith.addi %scan3A_49, %scan3A_50 : i32
      %scan3A_52 = arith.constant 1 : i32
      scf.for %scan3A_55 = %scan3A_49 to %scan3A_51 step %scan3A_52  : i32 {
        %mul3A_56 = arith.constant 2 : i32
        %mul3A_57 = arith.muli %scan3A_55, %mul3A_56 : i32
        %add3A_58 = arith.constant 0 : i32
        %add3A_59 = arith.addi %mul3A_57, %add3A_58 : i32
        %dma_wait3A = arith.constant 0 : i32
        %dma_wait3A_60 = arith.constant 0 : i32
        %dma_wait3A_61 = tpu.memref_slice %arg5[%dma_wait3A, %dma_wait3A_60] : memref<10112x64xf32, #tpu.memory_space<hbm>> -> memref<256x64xf32, #tpu.memory_space<hbm>>
        %dma_wait3A_62 = arith.constant 0 : i32
        %dma_wait3A_63 = arith.constant 0 : i32
        %dma_wait3A_64 = tpu.memref_slice %arg5[%dma_wait3A_62, %dma_wait3A_63] : memref<10112x64xf32, #tpu.memory_space<hbm>> -> memref<256x64xf32, #tpu.memory_space<hbm>>
        tpu.wait_dma2 semaphore(%arg13 : memref<!tpu.dma_semaphore, #tpu.memory_space<semaphore_mem>>) src(%dma_wait3A_64 : memref<256x64xf32, #tpu.memory_space<hbm>>) dst(%arg9 : memref<256x64xf32, #tpu.memory_space<vmem>>)
        %mul3A_65 = arith.constant 2 : i32
        %mul3A_66 = arith.muli %add3A_59, %mul3A_65 : i32
        %add3A_67 = arith.constant 0 : i32
        %add3A_68 = arith.addi %mul3A_66, %add3A_67 : i32
        "tpu.region"() ({
          %run_scoped3A = tpu.sem_alloc : memref<!tpu.dma_semaphore, #tpu.memory_space<semaphore_mem>>
          %dma_start3A_104 = arith.constant 0 : i32
          %dma_start3A_105 = arith.constant 0 : i32
          %dma_start3A_106 = tpu.memref_slice %arg9[%dma_start3A_104, %dma_start3A_105] : memref<256x64xf32, #tpu.memory_space<vmem>> -> memref<128x64xf32, #tpu.memory_space<vmem>>
          %dma_start3A_107 = arith.constant 0 : i32
          %dma_start3A_108 = tpu.memref_slice %arg8[%add3A_68, %dma_start3A_107] : memref<40x128xi32, #tpu.memory_space<vmem>> -> memref<1x128xi32, #tpu.memory_space<vmem>>
          %dma_start3A_109 = tpu.memref_squeeze %dma_start3A_108 : memref<1x128xi32, #tpu.memory_space<vmem>> -> memref<128xi32, #tpu.memory_space<vmem>>
          %dma_start3A_110 = arith.constant 0 : i32
          %dma_start3A_111 = arith.constant 0 : i32
          %dma_start3A_112 = tpu.memref_slice %arg11[%dma_start3A_110, %dma_start3A_111] : memref<10112x64xf32, #tpu.memory_space<vmem_shared>> -> memref<10112x64xf32, #tpu.memory_space<vmem_shared>>
          tpu.enqueue_indirect_dma source(%dma_start3A_106 : memref<128x64xf32, #tpu.memory_space<vmem>>) target(%dma_start3A_112 : memref<10112x64xf32, #tpu.memory_space<vmem_shared>>) offsets(%dma_start3A_109 : memref<128xi32, #tpu.memory_space<vmem>>) semaphore(%run_scoped3A : memref<!tpu.dma_semaphore, #tpu.memory_space<semaphore_mem>>) {add = true}
          %dma_wait3A_113 = arith.constant 0 : i32
          %dma_wait3A_114 = arith.constant 0 : i32
          %dma_wait3A_115 = tpu.memref_slice %arg9[%dma_wait3A_113, %dma_wait3A_114] : memref<256x64xf32, #tpu.memory_space<vmem>> -> memref<128x64xf32, #tpu.memory_space<vmem>>
          %dma_wait3A_116 = arith.constant 0 : i32
          %dma_wait3A_117 = tpu.memref_slice %arg8[%add3A_68, %dma_wait3A_116] : memref<40x128xi32, #tpu.memory_space<vmem>> -> memref<1x128xi32, #tpu.memory_space<vmem>>
          %dma_wait3A_118 = tpu.memref_squeeze %dma_wait3A_117 : memref<1x128xi32, #tpu.memory_space<vmem>> -> memref<128xi32, #tpu.memory_space<vmem>>
          %dma_wait3A_119 = arith.constant 0 : i32
          %dma_wait3A_120 = arith.constant 0 : i32
          %dma_wait3A_121 = tpu.memref_slice %arg11[%dma_wait3A_119, %dma_wait3A_120] : memref<10112x64xf32, #tpu.memory_space<vmem_shared>> -> memref<10112x64xf32, #tpu.memory_space<vmem_shared>>
          tpu.wait_indirect_dma semaphore(%run_scoped3A : memref<!tpu.dma_semaphore, #tpu.memory_space<semaphore_mem>>) src(%dma_wait3A_115 : memref<128x64xf32, #tpu.memory_space<vmem>>) dst(%dma_wait3A_121 : memref<10112x64xf32, #tpu.memory_space<vmem_shared>>)
          tpu.yield
        }) : () -> ()
        %mul3A_69 = arith.constant 2 : i32
        %mul3A_70 = arith.muli %add3A_59, %mul3A_69 : i32
        %add3A_71 = arith.constant 1 : i32
        %add3A_72 = arith.addi %mul3A_70, %add3A_71 : i32
        "tpu.region"() ({
          %run_scoped3A = tpu.sem_alloc : memref<!tpu.dma_semaphore, #tpu.memory_space<semaphore_mem>>
          %dma_start3A_104 = arith.constant 128 : i32
          %dma_start3A_105 = arith.constant 0 : i32
          %dma_start3A_106 = tpu.memref_slice %arg9[%dma_start3A_104, %dma_start3A_105] : memref<256x64xf32, #tpu.memory_space<vmem>> -> memref<128x64xf32, #tpu.memory_space<vmem>>
          %dma_start3A_107 = arith.constant 0 : i32
          %dma_start3A_108 = tpu.memref_slice %arg8[%add3A_72, %dma_start3A_107] : memref<40x128xi32, #tpu.memory_space<vmem>> -> memref<1x128xi32, #tpu.memory_space<vmem>>
          %dma_start3A_109 = tpu.memref_squeeze %dma_start3A_108 : memref<1x128xi32, #tpu.memory_space<vmem>> -> memref<128xi32, #tpu.memory_space<vmem>>
          %dma_start3A_110 = arith.constant 0 : i32
          %dma_start3A_111 = arith.constant 0 : i32
          %dma_start3A_112 = tpu.memref_slice %arg11[%dma_start3A_110, %dma_start3A_111] : memref<10112x64xf32, #tpu.memory_space<vmem_shared>> -> memref<10112x64xf32, #tpu.memory_space<vmem_shared>>
          tpu.enqueue_indirect_dma source(%dma_start3A_106 : memref<128x64xf32, #tpu.memory_space<vmem>>) target(%dma_start3A_112 : memref<10112x64xf32, #tpu.memory_space<vmem_shared>>) offsets(%dma_start3A_109 : memref<128xi32, #tpu.memory_space<vmem>>) semaphore(%run_scoped3A : memref<!tpu.dma_semaphore, #tpu.memory_space<semaphore_mem>>) {add = true}
          %dma_wait3A_113 = arith.constant 128 : i32
          %dma_wait3A_114 = arith.constant 0 : i32
          %dma_wait3A_115 = tpu.memref_slice %arg9[%dma_wait3A_113, %dma_wait3A_114] : memref<256x64xf32, #tpu.memory_space<vmem>> -> memref<128x64xf32, #tpu.memory_space<vmem>>
          %dma_wait3A_116 = arith.constant 0 : i32
          %dma_wait3A_117 = tpu.memref_slice %arg8[%add3A_72, %dma_wait3A_116] : memref<40x128xi32, #tpu.memory_space<vmem>> -> memref<1x128xi32, #tpu.memory_space<vmem>>
          %dma_wait3A_118 = tpu.memref_squeeze %dma_wait3A_117 : memref<1x128xi32, #tpu.memory_space<vmem>> -> memref<128xi32, #tpu.memory_space<vmem>>
          %dma_wait3A_119 = arith.constant 0 : i32
          %dma_wait3A_120 = arith.constant 0 : i32
          %dma_wait3A_121 = tpu.memref_slice %arg11[%dma_wait3A_119, %dma_wait3A_120] : memref<10112x64xf32, #tpu.memory_space<vmem_shared>> -> memref<10112x64xf32, #tpu.memory_space<vmem_shared>>
          tpu.wait_indirect_dma semaphore(%run_scoped3A : memref<!tpu.dma_semaphore, #tpu.memory_space<semaphore_mem>>) src(%dma_wait3A_115 : memref<128x64xf32, #tpu.memory_space<vmem>>) dst(%dma_wait3A_121 : memref<10112x64xf32, #tpu.memory_space<vmem_shared>>)
          tpu.yield
        }) : () -> ()
        %add3A_73 = arith.constant 2 : i32
        %add3A_74 = arith.addi %add3A_59, %add3A_73 : i32
        %lt3A = arith.constant 20 : i32
        %lt3A_75 = arith.cmpi slt, %add3A_74, %lt3A : i32
        %convert_element_type3A_76 = arith.extui %lt3A_75 : i1 to i32
        %cond3A_77 = arith.constant 0 : i32
        %cond3A_78 = arith.cmpi ne, %convert_element_type3A_76, %cond3A_77 : i32
        scf.if %cond3A_78 {
          %add3A_104 = arith.constant 2 : i32
          %add3A_105 = arith.addi %add3A_59, %add3A_104 : i32
          %mul3A_106 = arith.constant 256 : i32
          %mul3A_107 = arith.muli %add3A_105, %mul3A_106 : i32
          %multiple_of3A_108 = tpu.assume_multiple %mul3A_107, 256 : i32
          %dma_start3A_109 = tpu.memref_slice %arg7[%multiple_of3A_108] : memref<5120xi32, #tpu.memory_space<vmem>> -> memref<256xi32, #tpu.memory_space<vmem>>
          %dma_start3A_110 = arith.constant 0 : i32
          %dma_start3A_111 = arith.constant 0 : i32
          %dma_start3A_112 = tpu.memref_slice %arg12[%dma_start3A_110, %dma_start3A_111] : memref<10112x64xf32, #tpu.memory_space<vmem_shared>> -> memref<10112x64xf32, #tpu.memory_space<vmem_shared>>
          tpu.enqueue_indirect_dma source(%dma_start3A_112 : memref<10112x64xf32, #tpu.memory_space<vmem_shared>>) target(%arg9 : memref<256x64xf32, #tpu.memory_space<vmem>>) offsets(%dma_start3A_109 : memref<256xi32, #tpu.memory_space<vmem>>) semaphore(%arg13 : memref<!tpu.dma_semaphore, #tpu.memory_space<semaphore_mem>>)
        } else {
        }
        %mul3A_79 = arith.constant 2 : i32
        %mul3A_80 = arith.muli %scan3A_55, %mul3A_79 : i32
        %add3A_81 = arith.constant 1 : i32
        %add3A_82 = arith.addi %mul3A_80, %add3A_81 : i32
        %dma_wait3A_83 = arith.constant 0 : i32
        %dma_wait3A_84 = arith.constant 0 : i32
        %dma_wait3A_85 = tpu.memref_slice %arg5[%dma_wait3A_83, %dma_wait3A_84] : memref<10112x64xf32, #tpu.memory_space<hbm>> -> memref<256x64xf32, #tpu.memory_space<hbm>>
        %dma_wait3A_86 = arith.constant 0 : i32
        %dma_wait3A_87 = arith.constant 0 : i32
        %dma_wait3A_88 = tpu.memref_slice %arg5[%dma_wait3A_86, %dma_wait3A_87] : memref<10112x64xf32, #tpu.memory_space<hbm>> -> memref<256x64xf32, #tpu.memory_space<hbm>>
        tpu.wait_dma2 semaphore(%arg14 : memref<!tpu.dma_semaphore, #tpu.memory_space<semaphore_mem>>) src(%dma_wait3A_88 : memref<256x64xf32, #tpu.memory_space<hbm>>) dst(%arg10 : memref<256x64xf32, #tpu.memory_space<vmem>>)
        %mul3A_89 = arith.constant 2 : i32
        %mul3A_90 = arith.muli %add3A_82, %mul3A_89 : i32
        %add3A_91 = arith.constant 0 : i32
        %add3A_92 = arith.addi %mul3A_90, %add3A_91 : i32
        "tpu.region"() ({
          %run_scoped3A = tpu.sem_alloc : memref<!tpu.dma_semaphore, #tpu.memory_space<semaphore_mem>>
          %dma_start3A_104 = arith.constant 0 : i32
          %dma_start3A_105 = arith.constant 0 : i32
          %dma_start3A_106 = tpu.memref_slice %arg10[%dma_start3A_104, %dma_start3A_105] : memref<256x64xf32, #tpu.memory_space<vmem>> -> memref<128x64xf32, #tpu.memory_space<vmem>>
          %dma_start3A_107 = arith.constant 0 : i32
          %dma_start3A_108 = tpu.memref_slice %arg8[%add3A_92, %dma_start3A_107] : memref<40x128xi32, #tpu.memory_space<vmem>> -> memref<1x128xi32, #tpu.memory_space<vmem>>
          %dma_start3A_109 = tpu.memref_squeeze %dma_start3A_108 : memref<1x128xi32, #tpu.memory_space<vmem>> -> memref<128xi32, #tpu.memory_space<vmem>>
          %dma_start3A_110 = arith.constant 0 : i32
          %dma_start3A_111 = arith.constant 0 : i32
          %dma_start3A_112 = tpu.memref_slice %arg11[%dma_start3A_110, %dma_start3A_111] : memref<10112x64xf32, #tpu.memory_space<vmem_shared>> -> memref<10112x64xf32, #tpu.memory_space<vmem_shared>>
          tpu.enqueue_indirect_dma source(%dma_start3A_106 : memref<128x64xf32, #tpu.memory_space<vmem>>) target(%dma_start3A_112 : memref<10112x64xf32, #tpu.memory_space<vmem_shared>>) offsets(%dma_start3A_109 : memref<128xi32, #tpu.memory_space<vmem>>) semaphore(%run_scoped3A : memref<!tpu.dma_semaphore, #tpu.memory_space<semaphore_mem>>) {add = true}
          %dma_wait3A_113 = arith.constant 0 : i32
          %dma_wait3A_114 = arith.constant 0 : i32
          %dma_wait3A_115 = tpu.memref_slice %arg10[%dma_wait3A_113, %dma_wait3A_114] : memref<256x64xf32, #tpu.memory_space<vmem>> -> memref<128x64xf32, #tpu.memory_space<vmem>>
          %dma_wait3A_116 = arith.constant 0 : i32
          %dma_wait3A_117 = tpu.memref_slice %arg8[%add3A_92, %dma_wait3A_116] : memref<40x128xi32, #tpu.memory_space<vmem>> -> memref<1x128xi32, #tpu.memory_space<vmem>>
          %dma_wait3A_118 = tpu.memref_squeeze %dma_wait3A_117 : memref<1x128xi32, #tpu.memory_space<vmem>> -> memref<128xi32, #tpu.memory_space<vmem>>
          %dma_wait3A_119 = arith.constant 0 : i32
          %dma_wait3A_120 = arith.constant 0 : i32
          %dma_wait3A_121 = tpu.memref_slice %arg11[%dma_wait3A_119, %dma_wait3A_120] : memref<10112x64xf32, #tpu.memory_space<vmem_shared>> -> memref<10112x64xf32, #tpu.memory_space<vmem_shared>>
          tpu.wait_indirect_dma semaphore(%run_scoped3A : memref<!tpu.dma_semaphore, #tpu.memory_space<semaphore_mem>>) src(%dma_wait3A_115 : memref<128x64xf32, #tpu.memory_space<vmem>>) dst(%dma_wait3A_121 : memref<10112x64xf32, #tpu.memory_space<vmem_shared>>)
          tpu.yield
        }) : () -> ()
        %mul3A_93 = arith.constant 2 : i32
        %mul3A_94 = arith.muli %add3A_82, %mul3A_93 : i32
        %add3A_95 = arith.constant 1 : i32
        %add3A_96 = arith.addi %mul3A_94, %add3A_95 : i32
        "tpu.region"() ({
          %run_scoped3A = tpu.sem_alloc : memref<!tpu.dma_semaphore, #tpu.memory_space<semaphore_mem>>
          %dma_start3A_104 = arith.constant 128 : i32
          %dma_start3A_105 = arith.constant 0 : i32
          %dma_start3A_106 = tpu.memref_slice %arg10[%dma_start3A_104, %dma_start3A_105] : memref<256x64xf32, #tpu.memory_space<vmem>> -> memref<128x64xf32, #tpu.memory_space<vmem>>
          %dma_start3A_107 = arith.constant 0 : i32
          %dma_start3A_108 = tpu.memref_slice %arg8[%add3A_96, %dma_start3A_107] : memref<40x128xi32, #tpu.memory_space<vmem>> -> memref<1x128xi32, #tpu.memory_space<vmem>>
          %dma_start3A_109 = tpu.memref_squeeze %dma_start3A_108 : memref<1x128xi32, #tpu.memory_space<vmem>> -> memref<128xi32, #tpu.memory_space<vmem>>
          %dma_start3A_110 = arith.constant 0 : i32
          %dma_start3A_111 = arith.constant 0 : i32
          %dma_start3A_112 = tpu.memref_slice %arg11[%dma_start3A_110, %dma_start3A_111] : memref<10112x64xf32, #tpu.memory_space<vmem_shared>> -> memref<10112x64xf32, #tpu.memory_space<vmem_shared>>
          tpu.enqueue_indirect_dma source(%dma_start3A_106 : memref<128x64xf32, #tpu.memory_space<vmem>>) target(%dma_start3A_112 : memref<10112x64xf32, #tpu.memory_space<vmem_shared>>) offsets(%dma_start3A_109 : memref<128xi32, #tpu.memory_space<vmem>>) semaphore(%run_scoped3A : memref<!tpu.dma_semaphore, #tpu.memory_space<semaphore_mem>>) {add = true}
          %dma_wait3A_113 = arith.constant 128 : i32
          %dma_wait3A_114 = arith.constant 0 : i32
          %dma_wait3A_115 = tpu.memref_slice %arg10[%dma_wait3A_113, %dma_wait3A_114] : memref<256x64xf32, #tpu.memory_space<vmem>> -> memref<128x64xf32, #tpu.memory_space<vmem>>
          %dma_wait3A_116 = arith.constant 0 : i32
          %dma_wait3A_117 = tpu.memref_slice %arg8[%add3A_96, %dma_wait3A_116] : memref<40x128xi32, #tpu.memory_space<vmem>> -> memref<1x128xi32, #tpu.memory_space<vmem>>
          %dma_wait3A_118 = tpu.memref_squeeze %dma_wait3A_117 : memref<1x128xi32, #tpu.memory_space<vmem>> -> memref<128xi32, #tpu.memory_space<vmem>>
          %dma_wait3A_119 = arith.constant 0 : i32
          %dma_wait3A_120 = arith.constant 0 : i32
          %dma_wait3A_121 = tpu.memref_slice %arg11[%dma_wait3A_119, %dma_wait3A_120] : memref<10112x64xf32, #tpu.memory_space<vmem_shared>> -> memref<10112x64xf32, #tpu.memory_space<vmem_shared>>
          tpu.wait_indirect_dma semaphore(%run_scoped3A : memref<!tpu.dma_semaphore, #tpu.memory_space<semaphore_mem>>) src(%dma_wait3A_115 : memref<128x64xf32, #tpu.memory_space<vmem>>) dst(%dma_wait3A_121 : memref<10112x64xf32, #tpu.memory_space<vmem_shared>>)
          tpu.yield
        }) : () -> ()
        %add3A_97 = arith.constant 2 : i32
        %add3A_98 = arith.addi %add3A_82, %add3A_97 : i32
        %lt3A_99 = arith.constant 20 : i32
        %lt3A_100 = arith.cmpi slt, %add3A_98, %lt3A_99 : i32
        %convert_element_type3A_101 = arith.extui %lt3A_100 : i1 to i32
        %cond3A_102 = arith.constant 0 : i32
        %cond3A_103 = arith.cmpi ne, %convert_element_type3A_101, %cond3A_102 : i32
        scf.if %cond3A_103 {
          %add3A_104 = arith.constant 2 : i32
          %add3A_105 = arith.addi %add3A_82, %add3A_104 : i32
          %mul3A_106 = arith.constant 256 : i32
          %mul3A_107 = arith.muli %add3A_105, %mul3A_106 : i32
          %multiple_of3A_108 = tpu.assume_multiple %mul3A_107, 256 : i32
          %dma_start3A_109 = tpu.memref_slice %arg7[%multiple_of3A_108] : memref<5120xi32, #tpu.memory_space<vmem>> -> memref<256xi32, #tpu.memory_space<vmem>>
          %dma_start3A_110 = arith.constant 0 : i32
          %dma_start3A_111 = arith.constant 0 : i32
          %dma_start3A_112 = tpu.memref_slice %arg12[%dma_start3A_110, %dma_start3A_111] : memref<10112x64xf32, #tpu.memory_space<vmem_shared>> -> memref<10112x64xf32, #tpu.memory_space<vmem_shared>>
          tpu.enqueue_indirect_dma source(%dma_start3A_112 : memref<10112x64xf32, #tpu.memory_space<vmem_shared>>) target(%arg10 : memref<256x64xf32, #tpu.memory_space<vmem>>) offsets(%dma_start3A_109 : memref<256xi32, #tpu.memory_space<vmem>>) semaphore(%arg14 : memref<!tpu.dma_semaphore, #tpu.memory_space<semaphore_mem>>)
        } else {
        }
      }
      %scan3A_53 = arith.constant 10 : i32
      %barrier3A_54 = arith.constant 0 : index
      tpu.barrier barrier_id(%barrier3A_54)
      "tpu.region"() ({
        %run_scoped3A = tpu.sem_alloc : memref<!tpu.dma_semaphore, #tpu.memory_space<semaphore_mem>>
        %dma_start3A_55 = arith.constant 0 : i32
        %dma_start3A_56 = tpu.memref_slice %arg6[%arg0, %mul3A_0, %dma_start3A_55] : memref<2x10112x64xf32, #tpu.memory_space<hbm>> -> memref<1x632x64xf32, #tpu.memory_space<hbm>>
        %dma_start3A_57 = tpu.memref_squeeze %dma_start3A_56 : memref<1x632x64xf32, #tpu.memory_space<hbm>> -> memref<632x64xf32, #tpu.memory_space<hbm>>
        %dma_start3A_58 = arith.constant 0 : i32
        %dma_start3A_59 = tpu.memref_slice %arg11[%mul3A_0, %dma_start3A_58] : memref<10112x64xf32, #tpu.memory_space<vmem_shared>> -> memref<632x64xf32, #tpu.memory_space<vmem_shared>>
        tpu.enqueue_dma source(%dma_start3A_59 : memref<632x64xf32, #tpu.memory_space<vmem_shared>>) target(%dma_start3A_57 : memref<632x64xf32, #tpu.memory_space<hbm>>) target_semaphore(%run_scoped3A : memref<!tpu.dma_semaphore, #tpu.memory_space<semaphore_mem>>)
        %dma_wait3A = arith.constant 0 : i32
        %dma_wait3A_60 = tpu.memref_slice %arg6[%arg0, %mul3A_0, %dma_wait3A] : memref<2x10112x64xf32, #tpu.memory_space<hbm>> -> memref<1x632x64xf32, #tpu.memory_space<hbm>>
        %dma_wait3A_61 = tpu.memref_squeeze %dma_wait3A_60 : memref<1x632x64xf32, #tpu.memory_space<hbm>> -> memref<632x64xf32, #tpu.memory_space<hbm>>
        %dma_wait3A_62 = arith.constant 0 : i32
        %dma_wait3A_63 = tpu.memref_slice %arg11[%mul3A_0, %dma_wait3A_62] : memref<10112x64xf32, #tpu.memory_space<vmem_shared>> -> memref<632x64xf32, #tpu.memory_space<vmem_shared>>
        tpu.wait_dma2 semaphore(%run_scoped3A : memref<!tpu.dma_semaphore, #tpu.memory_space<semaphore_mem>>) src(%dma_wait3A_63 : memref<632x64xf32, #tpu.memory_space<vmem_shared>>) dst(%dma_wait3A_61 : memref<632x64xf32, #tpu.memory_space<hbm>>)
        tpu.yield
      }) : () -> ()
    } else {
    }
    %eq3A_3 = arith.constant 1 : i32
    %eq3A_4 = arith.cmpi eq, %arg0, %eq3A_3 : i32
    %convert_element_type3A_5 = arith.extui %eq3A_4 : i1 to i32
    %cond3A_6 = arith.constant 0 : i32
    %cond3A_7 = arith.cmpi ne, %convert_element_type3A_5, %cond3A_6 : i32
    scf.if %cond3A_7 {
      %mul3A_8 = arith.constant 10240 : i32
      %mul3A_9 = arith.muli %arg1, %mul3A_8 : i32
      %add3A = arith.constant 163840 : i32
      %add3A_10 = arith.addi %add3A, %mul3A_9 : i32
      %mul3A_11 = arith.constant 80 : i32
      %mul3A_12 = arith.muli %arg1, %mul3A_11 : i32
      %add3A_13 = arith.constant 1280 : i32
      %add3A_14 = arith.addi %add3A_13, %mul3A_12 : i32
      %add3A_15 = arith.constant 0 : i32
      %add3A_16 = arith.addi %add3A_10, %add3A_15 : i32
      %add3A_17 = arith.constant 0 : i32
      %add3A_18 = arith.addi %add3A_14, %add3A_17 : i32
      %multiple_of3A = tpu.assume_multiple %add3A_16, 256 : i32
      "tpu.region"() ({
        %run_scoped3A = tpu.sem_alloc : memref<!tpu.dma_semaphore, #tpu.memory_space<semaphore_mem>>
        %dma_start3A_59 = arith.constant 0 : i32
        %dma_start3A_60 = tpu.memref_slice %arg7[%dma_start3A_59] : memref<5120xi32, #tpu.memory_space<vmem>> -> memref<5120xi32, #tpu.memory_space<vmem>>
        %dma_start3A_61 = tpu.memref_slice %arg2[%multiple_of3A] : memref<327680xi32, #tpu.memory_space<hbm>> -> memref<5120xi32, #tpu.memory_space<hbm>>
        %dma_start3A_62 = arith.constant 0 : i32
        %dma_start3A_63 = tpu.memref_slice %arg7[%dma_start3A_62] : memref<5120xi32, #tpu.memory_space<vmem>> -> memref<5120xi32, #tpu.memory_space<vmem>>
        %dma_start3A_64 = tpu.memref_slice %arg2[%multiple_of3A] : memref<327680xi32, #tpu.memory_space<hbm>> -> memref<5120xi32, #tpu.memory_space<hbm>>
        tpu.enqueue_dma source(%dma_start3A_64 : memref<5120xi32, #tpu.memory_space<hbm>>) target(%dma_start3A_63 : memref<5120xi32, #tpu.memory_space<vmem>>) target_semaphore(%run_scoped3A : memref<!tpu.dma_semaphore, #tpu.memory_space<semaphore_mem>>)
        %dma_wait3A = arith.constant 0 : i32
        %dma_wait3A_65 = tpu.memref_slice %arg7[%dma_wait3A] : memref<5120xi32, #tpu.memory_space<vmem>> -> memref<5120xi32, #tpu.memory_space<vmem>>
        %dma_wait3A_66 = tpu.memref_slice %arg2[%multiple_of3A] : memref<327680xi32, #tpu.memory_space<hbm>> -> memref<5120xi32, #tpu.memory_space<hbm>>
        %dma_wait3A_67 = arith.constant 0 : i32
        %dma_wait3A_68 = tpu.memref_slice %arg7[%dma_wait3A_67] : memref<5120xi32, #tpu.memory_space<vmem>> -> memref<5120xi32, #tpu.memory_space<vmem>>
        %dma_wait3A_69 = tpu.memref_slice %arg2[%multiple_of3A] : memref<327680xi32, #tpu.memory_space<hbm>> -> memref<5120xi32, #tpu.memory_space<hbm>>
        tpu.wait_dma2 semaphore(%run_scoped3A : memref<!tpu.dma_semaphore, #tpu.memory_space<semaphore_mem>>) src(%dma_wait3A_69 : memref<5120xi32, #tpu.memory_space<hbm>>) dst(%dma_wait3A_68 : memref<5120xi32, #tpu.memory_space<vmem>>)
        tpu.yield
      }) : () -> ()
      "tpu.region"() ({
        %run_scoped3A = tpu.sem_alloc : memref<!tpu.dma_semaphore, #tpu.memory_space<semaphore_mem>>
        %dma_start3A_59 = arith.constant 0 : i32
        %dma_start3A_60 = arith.constant 0 : i32
        %dma_start3A_61 = tpu.memref_slice %arg8[%dma_start3A_59, %dma_start3A_60] : memref<40x128xi32, #tpu.memory_space<vmem>> -> memref<40x128xi32, #tpu.memory_space<vmem>>
        %dma_start3A_62 = arith.constant 0 : i32
        %dma_start3A_63 = tpu.memref_slice %arg3[%add3A_18, %dma_start3A_62] : memref<2560x128xi32, #tpu.memory_space<hbm>> -> memref<40x128xi32, #tpu.memory_space<hbm>>
        %dma_start3A_64 = arith.constant 0 : i32
        %dma_start3A_65 = arith.constant 0 : i32
        %dma_start3A_66 = tpu.memref_slice %arg8[%dma_start3A_64, %dma_start3A_65] : memref<40x128xi32, #tpu.memory_space<vmem>> -> memref<40x128xi32, #tpu.memory_space<vmem>>
        %dma_start3A_67 = arith.constant 0 : i32
        %dma_start3A_68 = tpu.memref_slice %arg3[%add3A_18, %dma_start3A_67] : memref<2560x128xi32, #tpu.memory_space<hbm>> -> memref<40x128xi32, #tpu.memory_space<hbm>>
        tpu.enqueue_dma source(%dma_start3A_68 : memref<40x128xi32, #tpu.memory_space<hbm>>) target(%dma_start3A_66 : memref<40x128xi32, #tpu.memory_space<vmem>>) target_semaphore(%run_scoped3A : memref<!tpu.dma_semaphore, #tpu.memory_space<semaphore_mem>>)
        %dma_wait3A = arith.constant 0 : i32
        %dma_wait3A_69 = arith.constant 0 : i32
        %dma_wait3A_70 = tpu.memref_slice %arg8[%dma_wait3A, %dma_wait3A_69] : memref<40x128xi32, #tpu.memory_space<vmem>> -> memref<40x128xi32, #tpu.memory_space<vmem>>
        %dma_wait3A_71 = arith.constant 0 : i32
        %dma_wait3A_72 = tpu.memref_slice %arg3[%add3A_18, %dma_wait3A_71] : memref<2560x128xi32, #tpu.memory_space<hbm>> -> memref<40x128xi32, #tpu.memory_space<hbm>>
        %dma_wait3A_73 = arith.constant 0 : i32
        %dma_wait3A_74 = arith.constant 0 : i32
        %dma_wait3A_75 = tpu.memref_slice %arg8[%dma_wait3A_73, %dma_wait3A_74] : memref<40x128xi32, #tpu.memory_space<vmem>> -> memref<40x128xi32, #tpu.memory_space<vmem>>
        %dma_wait3A_76 = arith.constant 0 : i32
        %dma_wait3A_77 = tpu.memref_slice %arg3[%add3A_18, %dma_wait3A_76] : memref<2560x128xi32, #tpu.memory_space<hbm>> -> memref<40x128xi32, #tpu.memory_space<hbm>>
        tpu.wait_dma2 semaphore(%run_scoped3A : memref<!tpu.dma_semaphore, #tpu.memory_space<semaphore_mem>>) src(%dma_wait3A_77 : memref<40x128xi32, #tpu.memory_space<hbm>>) dst(%dma_wait3A_75 : memref<40x128xi32, #tpu.memory_space<vmem>>)
        tpu.yield
      }) : () -> ()
      %barrier3A = arith.constant 0 : index
      tpu.barrier barrier_id(%barrier3A)
      %multiple_of3A_19 = arith.constant 0 : i32
      %multiple_of3A_20 = tpu.assume_multiple %multiple_of3A_19, 256 : i32
      %dma_start3A = tpu.memref_slice %arg7[%multiple_of3A_20] : memref<5120xi32, #tpu.memory_space<vmem>> -> memref<256xi32, #tpu.memory_space<vmem>>
      %dma_start3A_21 = arith.constant 0 : i32
      %dma_start3A_22 = arith.constant 0 : i32
      %dma_start3A_23 = tpu.memref_slice %arg12[%dma_start3A_21, %dma_start3A_22] : memref<10112x64xf32, #tpu.memory_space<vmem_shared>> -> memref<10112x64xf32, #tpu.memory_space<vmem_shared>>
      tpu.enqueue_indirect_dma source(%dma_start3A_23 : memref<10112x64xf32, #tpu.memory_space<vmem_shared>>) target(%arg9 : memref<256x64xf32, #tpu.memory_space<vmem>>) offsets(%dma_start3A : memref<256xi32, #tpu.memory_space<vmem>>) semaphore(%arg13 : memref<!tpu.dma_semaphore, #tpu.memory_space<semaphore_mem>>)
      %multiple_of3A_24 = arith.constant 256 : i32
      %multiple_of3A_25 = tpu.assume_multiple %multiple_of3A_24, 256 : i32
      %dma_start3A_26 = tpu.memref_slice %arg7[%multiple_of3A_25] : memref<5120xi32, #tpu.memory_space<vmem>> -> memref<256xi32, #tpu.memory_space<vmem>>
      %dma_start3A_27 = arith.constant 0 : i32
      %dma_start3A_28 = arith.constant 0 : i32
      %dma_start3A_29 = tpu.memref_slice %arg12[%dma_start3A_27, %dma_start3A_28] : memref<10112x64xf32, #tpu.memory_space<vmem_shared>> -> memref<10112x64xf32, #tpu.memory_space<vmem_shared>>
      tpu.enqueue_indirect_dma source(%dma_start3A_29 : memref<10112x64xf32, #tpu.memory_space<vmem_shared>>) target(%arg10 : memref<256x64xf32, #tpu.memory_space<vmem>>) offsets(%dma_start3A_26 : memref<256xi32, #tpu.memory_space<vmem>>) semaphore(%arg14 : memref<!tpu.dma_semaphore, #tpu.memory_space<semaphore_mem>>)
      %scan3A = arith.constant 0 : i32
      %scan3A_30 = arith.constant 0 : i32
      %scan3A_31 = arith.constant 10 : i32
      %scan3A_32 = arith.addi %scan3A_30, %scan3A_31 : i32
      %scan3A_33 = arith.constant 1 : i32
      scf.for %scan3A_59 = %scan3A_30 to %scan3A_32 step %scan3A_33  : i32 {
        %mul3A_60 = arith.constant 2 : i32
        %mul3A_61 = arith.muli %scan3A_59, %mul3A_60 : i32
        %add3A_62 = arith.constant 0 : i32
        %add3A_63 = arith.addi %mul3A_61, %add3A_62 : i32
        %dma_wait3A = arith.constant 0 : i32
        %dma_wait3A_64 = arith.constant 0 : i32
        %dma_wait3A_65 = tpu.memref_slice %arg5[%dma_wait3A, %dma_wait3A_64] : memref<10112x64xf32, #tpu.memory_space<hbm>> -> memref<256x64xf32, #tpu.memory_space<hbm>>
        %dma_wait3A_66 = arith.constant 0 : i32
        %dma_wait3A_67 = arith.constant 0 : i32
        %dma_wait3A_68 = tpu.memref_slice %arg5[%dma_wait3A_66, %dma_wait3A_67] : memref<10112x64xf32, #tpu.memory_space<hbm>> -> memref<256x64xf32, #tpu.memory_space<hbm>>
        tpu.wait_dma2 semaphore(%arg13 : memref<!tpu.dma_semaphore, #tpu.memory_space<semaphore_mem>>) src(%dma_wait3A_68 : memref<256x64xf32, #tpu.memory_space<hbm>>) dst(%arg9 : memref<256x64xf32, #tpu.memory_space<vmem>>)
        %mul3A_69 = arith.constant 2 : i32
        %mul3A_70 = arith.muli %add3A_63, %mul3A_69 : i32
        %add3A_71 = arith.constant 0 : i32
        %add3A_72 = arith.addi %mul3A_70, %add3A_71 : i32
        "tpu.region"() ({
          %run_scoped3A = tpu.sem_alloc : memref<!tpu.dma_semaphore, #tpu.memory_space<semaphore_mem>>
          %dma_start3A_108 = arith.constant 0 : i32
          %dma_start3A_109 = arith.constant 0 : i32
          %dma_start3A_110 = tpu.memref_slice %arg9[%dma_start3A_108, %dma_start3A_109] : memref<256x64xf32, #tpu.memory_space<vmem>> -> memref<128x64xf32, #tpu.memory_space<vmem>>
          %dma_start3A_111 = arith.constant 0 : i32
          %dma_start3A_112 = tpu.memref_slice %arg8[%add3A_72, %dma_start3A_111] : memref<40x128xi32, #tpu.memory_space<vmem>> -> memref<1x128xi32, #tpu.memory_space<vmem>>
          %dma_start3A_113 = tpu.memref_squeeze %dma_start3A_112 : memref<1x128xi32, #tpu.memory_space<vmem>> -> memref<128xi32, #tpu.memory_space<vmem>>
          %dma_start3A_114 = arith.constant 0 : i32
          %dma_start3A_115 = arith.constant 0 : i32
          %dma_start3A_116 = tpu.memref_slice %arg11[%dma_start3A_114, %dma_start3A_115] : memref<10112x64xf32, #tpu.memory_space<vmem_shared>> -> memref<10112x64xf32, #tpu.memory_space<vmem_shared>>
          tpu.enqueue_indirect_dma source(%dma_start3A_110 : memref<128x64xf32, #tpu.memory_space<vmem>>) target(%dma_start3A_116 : memref<10112x64xf32, #tpu.memory_space<vmem_shared>>) offsets(%dma_start3A_113 : memref<128xi32, #tpu.memory_space<vmem>>) semaphore(%run_scoped3A : memref<!tpu.dma_semaphore, #tpu.memory_space<semaphore_mem>>) {add = true}
          %dma_wait3A_117 = arith.constant 0 : i32
          %dma_wait3A_118 = arith.constant 0 : i32
          %dma_wait3A_119 = tpu.memref_slice %arg9[%dma_wait3A_117, %dma_wait3A_118] : memref<256x64xf32, #tpu.memory_space<vmem>> -> memref<128x64xf32, #tpu.memory_space<vmem>>
          %dma_wait3A_120 = arith.constant 0 : i32
          %dma_wait3A_121 = tpu.memref_slice %arg8[%add3A_72, %dma_wait3A_120] : memref<40x128xi32, #tpu.memory_space<vmem>> -> memref<1x128xi32, #tpu.memory_space<vmem>>
          %dma_wait3A_122 = tpu.memref_squeeze %dma_wait3A_121 : memref<1x128xi32, #tpu.memory_space<vmem>> -> memref<128xi32, #tpu.memory_space<vmem>>
          %dma_wait3A_123 = arith.constant 0 : i32
          %dma_wait3A_124 = arith.constant 0 : i32
          %dma_wait3A_125 = tpu.memref_slice %arg11[%dma_wait3A_123, %dma_wait3A_124] : memref<10112x64xf32, #tpu.memory_space<vmem_shared>> -> memref<10112x64xf32, #tpu.memory_space<vmem_shared>>
          tpu.wait_indirect_dma semaphore(%run_scoped3A : memref<!tpu.dma_semaphore, #tpu.memory_space<semaphore_mem>>) src(%dma_wait3A_119 : memref<128x64xf32, #tpu.memory_space<vmem>>) dst(%dma_wait3A_125 : memref<10112x64xf32, #tpu.memory_space<vmem_shared>>)
          tpu.yield
        }) : () -> ()
        %mul3A_73 = arith.constant 2 : i32
        %mul3A_74 = arith.muli %add3A_63, %mul3A_73 : i32
        %add3A_75 = arith.constant 1 : i32
        %add3A_76 = arith.addi %mul3A_74, %add3A_75 : i32
        "tpu.region"() ({
          %run_scoped3A = tpu.sem_alloc : memref<!tpu.dma_semaphore, #tpu.memory_space<semaphore_mem>>
          %dma_start3A_108 = arith.constant 128 : i32
          %dma_start3A_109 = arith.constant 0 : i32
          %dma_start3A_110 = tpu.memref_slice %arg9[%dma_start3A_108, %dma_start3A_109] : memref<256x64xf32, #tpu.memory_space<vmem>> -> memref<128x64xf32, #tpu.memory_space<vmem>>
          %dma_start3A_111 = arith.constant 0 : i32
          %dma_start3A_112 = tpu.memref_slice %arg8[%add3A_76, %dma_start3A_111] : memref<40x128xi32, #tpu.memory_space<vmem>> -> memref<1x128xi32, #tpu.memory_space<vmem>>
          %dma_start3A_113 = tpu.memref_squeeze %dma_start3A_112 : memref<1x128xi32, #tpu.memory_space<vmem>> -> memref<128xi32, #tpu.memory_space<vmem>>
          %dma_start3A_114 = arith.constant 0 : i32
          %dma_start3A_115 = arith.constant 0 : i32
          %dma_start3A_116 = tpu.memref_slice %arg11[%dma_start3A_114, %dma_start3A_115] : memref<10112x64xf32, #tpu.memory_space<vmem_shared>> -> memref<10112x64xf32, #tpu.memory_space<vmem_shared>>
          tpu.enqueue_indirect_dma source(%dma_start3A_110 : memref<128x64xf32, #tpu.memory_space<vmem>>) target(%dma_start3A_116 : memref<10112x64xf32, #tpu.memory_space<vmem_shared>>) offsets(%dma_start3A_113 : memref<128xi32, #tpu.memory_space<vmem>>) semaphore(%run_scoped3A : memref<!tpu.dma_semaphore, #tpu.memory_space<semaphore_mem>>) {add = true}
          %dma_wait3A_117 = arith.constant 128 : i32
          %dma_wait3A_118 = arith.constant 0 : i32
          %dma_wait3A_119 = tpu.memref_slice %arg9[%dma_wait3A_117, %dma_wait3A_118] : memref<256x64xf32, #tpu.memory_space<vmem>> -> memref<128x64xf32, #tpu.memory_space<vmem>>
          %dma_wait3A_120 = arith.constant 0 : i32
          %dma_wait3A_121 = tpu.memref_slice %arg8[%add3A_76, %dma_wait3A_120] : memref<40x128xi32, #tpu.memory_space<vmem>> -> memref<1x128xi32, #tpu.memory_space<vmem>>
          %dma_wait3A_122 = tpu.memref_squeeze %dma_wait3A_121 : memref<1x128xi32, #tpu.memory_space<vmem>> -> memref<128xi32, #tpu.memory_space<vmem>>
          %dma_wait3A_123 = arith.constant 0 : i32
          %dma_wait3A_124 = arith.constant 0 : i32
          %dma_wait3A_125 = tpu.memref_slice %arg11[%dma_wait3A_123, %dma_wait3A_124] : memref<10112x64xf32, #tpu.memory_space<vmem_shared>> -> memref<10112x64xf32, #tpu.memory_space<vmem_shared>>
          tpu.wait_indirect_dma semaphore(%run_scoped3A : memref<!tpu.dma_semaphore, #tpu.memory_space<semaphore_mem>>) src(%dma_wait3A_119 : memref<128x64xf32, #tpu.memory_space<vmem>>) dst(%dma_wait3A_125 : memref<10112x64xf32, #tpu.memory_space<vmem_shared>>)
          tpu.yield
        }) : () -> ()
        %add3A_77 = arith.constant 2 : i32
        %add3A_78 = arith.addi %add3A_63, %add3A_77 : i32
        %lt3A = arith.constant 20 : i32
        %lt3A_79 = arith.cmpi slt, %add3A_78, %lt3A : i32
        %convert_element_type3A_80 = arith.extui %lt3A_79 : i1 to i32
        %cond3A_81 = arith.constant 0 : i32
        %cond3A_82 = arith.cmpi ne, %convert_element_type3A_80, %cond3A_81 : i32
        scf.if %cond3A_82 {
          %add3A_108 = arith.constant 2 : i32
          %add3A_109 = arith.addi %add3A_63, %add3A_108 : i32
          %mul3A_110 = arith.constant 256 : i32
          %mul3A_111 = arith.muli %add3A_109, %mul3A_110 : i32
          %multiple_of3A_112 = tpu.assume_multiple %mul3A_111, 256 : i32
          %dma_start3A_113 = tpu.memref_slice %arg7[%multiple_of3A_112] : memref<5120xi32, #tpu.memory_space<vmem>> -> memref<256xi32, #tpu.memory_space<vmem>>
          %dma_start3A_114 = arith.constant 0 : i32
          %dma_start3A_115 = arith.constant 0 : i32
          %dma_start3A_116 = tpu.memref_slice %arg12[%dma_start3A_114, %dma_start3A_115] : memref<10112x64xf32, #tpu.memory_space<vmem_shared>> -> memref<10112x64xf32, #tpu.memory_space<vmem_shared>>
          tpu.enqueue_indirect_dma source(%dma_start3A_116 : memref<10112x64xf32, #tpu.memory_space<vmem_shared>>) target(%arg9 : memref<256x64xf32, #tpu.memory_space<vmem>>) offsets(%dma_start3A_113 : memref<256xi32, #tpu.memory_space<vmem>>) semaphore(%arg13 : memref<!tpu.dma_semaphore, #tpu.memory_space<semaphore_mem>>)
        } else {
        }
        %mul3A_83 = arith.constant 2 : i32
        %mul3A_84 = arith.muli %scan3A_59, %mul3A_83 : i32
        %add3A_85 = arith.constant 1 : i32
        %add3A_86 = arith.addi %mul3A_84, %add3A_85 : i32
        %dma_wait3A_87 = arith.constant 0 : i32
        %dma_wait3A_88 = arith.constant 0 : i32
        %dma_wait3A_89 = tpu.memref_slice %arg5[%dma_wait3A_87, %dma_wait3A_88] : memref<10112x64xf32, #tpu.memory_space<hbm>> -> memref<256x64xf32, #tpu.memory_space<hbm>>
        %dma_wait3A_90 = arith.constant 0 : i32
        %dma_wait3A_91 = arith.constant 0 : i32
        %dma_wait3A_92 = tpu.memref_slice %arg5[%dma_wait3A_90, %dma_wait3A_91] : memref<10112x64xf32, #tpu.memory_space<hbm>> -> memref<256x64xf32, #tpu.memory_space<hbm>>
        tpu.wait_dma2 semaphore(%arg14 : memref<!tpu.dma_semaphore, #tpu.memory_space<semaphore_mem>>) src(%dma_wait3A_92 : memref<256x64xf32, #tpu.memory_space<hbm>>) dst(%arg10 : memref<256x64xf32, #tpu.memory_space<vmem>>)
        %mul3A_93 = arith.constant 2 : i32
        %mul3A_94 = arith.muli %add3A_86, %mul3A_93 : i32
        %add3A_95 = arith.constant 0 : i32
        %add3A_96 = arith.addi %mul3A_94, %add3A_95 : i32
        "tpu.region"() ({
          %run_scoped3A = tpu.sem_alloc : memref<!tpu.dma_semaphore, #tpu.memory_space<semaphore_mem>>
          %dma_start3A_108 = arith.constant 0 : i32
          %dma_start3A_109 = arith.constant 0 : i32
          %dma_start3A_110 = tpu.memref_slice %arg10[%dma_start3A_108, %dma_start3A_109] : memref<256x64xf32, #tpu.memory_space<vmem>> -> memref<128x64xf32, #tpu.memory_space<vmem>>
          %dma_start3A_111 = arith.constant 0 : i32
          %dma_start3A_112 = tpu.memref_slice %arg8[%add3A_96, %dma_start3A_111] : memref<40x128xi32, #tpu.memory_space<vmem>> -> memref<1x128xi32, #tpu.memory_space<vmem>>
          %dma_start3A_113 = tpu.memref_squeeze %dma_start3A_112 : memref<1x128xi32, #tpu.memory_space<vmem>> -> memref<128xi32, #tpu.memory_space<vmem>>
          %dma_start3A_114 = arith.constant 0 : i32
          %dma_start3A_115 = arith.constant 0 : i32
          %dma_start3A_116 = tpu.memref_slice %arg11[%dma_start3A_114, %dma_start3A_115] : memref<10112x64xf32, #tpu.memory_space<vmem_shared>> -> memref<10112x64xf32, #tpu.memory_space<vmem_shared>>
          tpu.enqueue_indirect_dma source(%dma_start3A_110 : memref<128x64xf32, #tpu.memory_space<vmem>>) target(%dma_start3A_116 : memref<10112x64xf32, #tpu.memory_space<vmem_shared>>) offsets(%dma_start3A_113 : memref<128xi32, #tpu.memory_space<vmem>>) semaphore(%run_scoped3A : memref<!tpu.dma_semaphore, #tpu.memory_space<semaphore_mem>>) {add = true}
          %dma_wait3A_117 = arith.constant 0 : i32
          %dma_wait3A_118 = arith.constant 0 : i32
          %dma_wait3A_119 = tpu.memref_slice %arg10[%dma_wait3A_117, %dma_wait3A_118] : memref<256x64xf32, #tpu.memory_space<vmem>> -> memref<128x64xf32, #tpu.memory_space<vmem>>
          %dma_wait3A_120 = arith.constant 0 : i32
          %dma_wait3A_121 = tpu.memref_slice %arg8[%add3A_96, %dma_wait3A_120] : memref<40x128xi32, #tpu.memory_space<vmem>> -> memref<1x128xi32, #tpu.memory_space<vmem>>
          %dma_wait3A_122 = tpu.memref_squeeze %dma_wait3A_121 : memref<1x128xi32, #tpu.memory_space<vmem>> -> memref<128xi32, #tpu.memory_space<vmem>>
          %dma_wait3A_123 = arith.constant 0 : i32
          %dma_wait3A_124 = arith.constant 0 : i32
          %dma_wait3A_125 = tpu.memref_slice %arg11[%dma_wait3A_123, %dma_wait3A_124] : memref<10112x64xf32, #tpu.memory_space<vmem_shared>> -> memref<10112x64xf32, #tpu.memory_space<vmem_shared>>
          tpu.wait_indirect_dma semaphore(%run_scoped3A : memref<!tpu.dma_semaphore, #tpu.memory_space<semaphore_mem>>) src(%dma_wait3A_119 : memref<128x64xf32, #tpu.memory_space<vmem>>) dst(%dma_wait3A_125 : memref<10112x64xf32, #tpu.memory_space<vmem_shared>>)
          tpu.yield
        }) : () -> ()
        %mul3A_97 = arith.constant 2 : i32
        %mul3A_98 = arith.muli %add3A_86, %mul3A_97 : i32
        %add3A_99 = arith.constant 1 : i32
        %add3A_100 = arith.addi %mul3A_98, %add3A_99 : i32
        "tpu.region"() ({
          %run_scoped3A = tpu.sem_alloc : memref<!tpu.dma_semaphore, #tpu.memory_space<semaphore_mem>>
          %dma_start3A_108 = arith.constant 128 : i32
          %dma_start3A_109 = arith.constant 0 : i32
          %dma_start3A_110 = tpu.memref_slice %arg10[%dma_start3A_108, %dma_start3A_109] : memref<256x64xf32, #tpu.memory_space<vmem>> -> memref<128x64xf32, #tpu.memory_space<vmem>>
          %dma_start3A_111 = arith.constant 0 : i32
          %dma_start3A_112 = tpu.memref_slice %arg8[%add3A_100, %dma_start3A_111] : memref<40x128xi32, #tpu.memory_space<vmem>> -> memref<1x128xi32, #tpu.memory_space<vmem>>
          %dma_start3A_113 = tpu.memref_squeeze %dma_start3A_112 : memref<1x128xi32, #tpu.memory_space<vmem>> -> memref<128xi32, #tpu.memory_space<vmem>>
          %dma_start3A_114 = arith.constant 0 : i32
          %dma_start3A_115 = arith.constant 0 : i32
          %dma_start3A_116 = tpu.memref_slice %arg11[%dma_start3A_114, %dma_start3A_115] : memref<10112x64xf32, #tpu.memory_space<vmem_shared>> -> memref<10112x64xf32, #tpu.memory_space<vmem_shared>>
          tpu.enqueue_indirect_dma source(%dma_start3A_110 : memref<128x64xf32, #tpu.memory_space<vmem>>) target(%dma_start3A_116 : memref<10112x64xf32, #tpu.memory_space<vmem_shared>>) offsets(%dma_start3A_113 : memref<128xi32, #tpu.memory_space<vmem>>) semaphore(%run_scoped3A : memref<!tpu.dma_semaphore, #tpu.memory_space<semaphore_mem>>) {add = true}
          %dma_wait3A_117 = arith.constant 128 : i32
          %dma_wait3A_118 = arith.constant 0 : i32
          %dma_wait3A_119 = tpu.memref_slice %arg10[%dma_wait3A_117, %dma_wait3A_118] : memref<256x64xf32, #tpu.memory_space<vmem>> -> memref<128x64xf32, #tpu.memory_space<vmem>>
          %dma_wait3A_120 = arith.constant 0 : i32
          %dma_wait3A_121 = tpu.memref_slice %arg8[%add3A_100, %dma_wait3A_120] : memref<40x128xi32, #tpu.memory_space<vmem>> -> memref<1x128xi32, #tpu.memory_space<vmem>>
          %dma_wait3A_122 = tpu.memref_squeeze %dma_wait3A_121 : memref<1x128xi32, #tpu.memory_space<vmem>> -> memref<128xi32, #tpu.memory_space<vmem>>
          %dma_wait3A_123 = arith.constant 0 : i32
          %dma_wait3A_124 = arith.constant 0 : i32
          %dma_wait3A_125 = tpu.memref_slice %arg11[%dma_wait3A_123, %dma_wait3A_124] : memref<10112x64xf32, #tpu.memory_space<vmem_shared>> -> memref<10112x64xf32, #tpu.memory_space<vmem_shared>>
          tpu.wait_indirect_dma semaphore(%run_scoped3A : memref<!tpu.dma_semaphore, #tpu.memory_space<semaphore_mem>>) src(%dma_wait3A_119 : memref<128x64xf32, #tpu.memory_space<vmem>>) dst(%dma_wait3A_125 : memref<10112x64xf32, #tpu.memory_space<vmem_shared>>)
          tpu.yield
        }) : () -> ()
        %add3A_101 = arith.constant 2 : i32
        %add3A_102 = arith.addi %add3A_86, %add3A_101 : i32
        %lt3A_103 = arith.constant 20 : i32
        %lt3A_104 = arith.cmpi slt, %add3A_102, %lt3A_103 : i32
        %convert_element_type3A_105 = arith.extui %lt3A_104 : i1 to i32
        %cond3A_106 = arith.constant 0 : i32
        %cond3A_107 = arith.cmpi ne, %convert_element_type3A_105, %cond3A_106 : i32
        scf.if %cond3A_107 {
          %add3A_108 = arith.constant 2 : i32
          %add3A_109 = arith.addi %add3A_86, %add3A_108 : i32
          %mul3A_110 = arith.constant 256 : i32
          %mul3A_111 = arith.muli %add3A_109, %mul3A_110 : i32
          %multiple_of3A_112 = tpu.assume_multiple %mul3A_111, 256 : i32
          %dma_start3A_113 = tpu.memref_slice %arg7[%multiple_of3A_112] : memref<5120xi32, #tpu.memory_space<vmem>> -> memref<256xi32, #tpu.memory_space<vmem>>
          %dma_start3A_114 = arith.constant 0 : i32
          %dma_start3A_115 = arith.constant 0 : i32
          %dma_start3A_116 = tpu.memref_slice %arg12[%dma_start3A_114, %dma_start3A_115] : memref<10112x64xf32, #tpu.memory_space<vmem_shared>> -> memref<10112x64xf32, #tpu.memory_space<vmem_shared>>
          tpu.enqueue_indirect_dma source(%dma_start3A_116 : memref<10112x64xf32, #tpu.memory_space<vmem_shared>>) target(%arg10 : memref<256x64xf32, #tpu.memory_space<vmem>>) offsets(%dma_start3A_113 : memref<256xi32, #tpu.memory_space<vmem>>) semaphore(%arg14 : memref<!tpu.dma_semaphore, #tpu.memory_space<semaphore_mem>>)
        } else {
        }
      }
      %scan3A_34 = arith.constant 10 : i32
      %add3A_35 = arith.constant 5120 : i32
      %add3A_36 = arith.addi %add3A_10, %add3A_35 : i32
      %add3A_37 = arith.constant 40 : i32
      %add3A_38 = arith.addi %add3A_14, %add3A_37 : i32
      %multiple_of3A_39 = tpu.assume_multiple %add3A_36, 256 : i32
      "tpu.region"() ({
        %run_scoped3A = tpu.sem_alloc : memref<!tpu.dma_semaphore, #tpu.memory_space<semaphore_mem>>
        %dma_start3A_59 = arith.constant 0 : i32
        %dma_start3A_60 = tpu.memref_slice %arg7[%dma_start3A_59] : memref<5120xi32, #tpu.memory_space<vmem>> -> memref<5120xi32, #tpu.memory_space<vmem>>
        %dma_start3A_61 = tpu.memref_slice %arg2[%multiple_of3A_39] : memref<327680xi32, #tpu.memory_space<hbm>> -> memref<5120xi32, #tpu.memory_space<hbm>>
        %dma_start3A_62 = arith.constant 0 : i32
        %dma_start3A_63 = tpu.memref_slice %arg7[%dma_start3A_62] : memref<5120xi32, #tpu.memory_space<vmem>> -> memref<5120xi32, #tpu.memory_space<vmem>>
        %dma_start3A_64 = tpu.memref_slice %arg2[%multiple_of3A_39] : memref<327680xi32, #tpu.memory_space<hbm>> -> memref<5120xi32, #tpu.memory_space<hbm>>
        tpu.enqueue_dma source(%dma_start3A_64 : memref<5120xi32, #tpu.memory_space<hbm>>) target(%dma_start3A_63 : memref<5120xi32, #tpu.memory_space<vmem>>) target_semaphore(%run_scoped3A : memref<!tpu.dma_semaphore, #tpu.memory_space<semaphore_mem>>)
        %dma_wait3A = arith.constant 0 : i32
        %dma_wait3A_65 = tpu.memref_slice %arg7[%dma_wait3A] : memref<5120xi32, #tpu.memory_space<vmem>> -> memref<5120xi32, #tpu.memory_space<vmem>>
        %dma_wait3A_66 = tpu.memref_slice %arg2[%multiple_of3A_39] : memref<327680xi32, #tpu.memory_space<hbm>> -> memref<5120xi32, #tpu.memory_space<hbm>>
        %dma_wait3A_67 = arith.constant 0 : i32
        %dma_wait3A_68 = tpu.memref_slice %arg7[%dma_wait3A_67] : memref<5120xi32, #tpu.memory_space<vmem>> -> memref<5120xi32, #tpu.memory_space<vmem>>
        %dma_wait3A_69 = tpu.memref_slice %arg2[%multiple_of3A_39] : memref<327680xi32, #tpu.memory_space<hbm>> -> memref<5120xi32, #tpu.memory_space<hbm>>
        tpu.wait_dma2 semaphore(%run_scoped3A : memref<!tpu.dma_semaphore, #tpu.memory_space<semaphore_mem>>) src(%dma_wait3A_69 : memref<5120xi32, #tpu.memory_space<hbm>>) dst(%dma_wait3A_68 : memref<5120xi32, #tpu.memory_space<vmem>>)
        tpu.yield
      }) : () -> ()
      "tpu.region"() ({
        %run_scoped3A = tpu.sem_alloc : memref<!tpu.dma_semaphore, #tpu.memory_space<semaphore_mem>>
        %dma_start3A_59 = arith.constant 0 : i32
        %dma_start3A_60 = arith.constant 0 : i32
        %dma_start3A_61 = tpu.memref_slice %arg8[%dma_start3A_59, %dma_start3A_60] : memref<40x128xi32, #tpu.memory_space<vmem>> -> memref<40x128xi32, #tpu.memory_space<vmem>>
        %dma_start3A_62 = arith.constant 0 : i32
        %dma_start3A_63 = tpu.memref_slice %arg3[%add3A_38, %dma_start3A_62] : memref<2560x128xi32, #tpu.memory_space<hbm>> -> memref<40x128xi32, #tpu.memory_space<hbm>>
        %dma_start3A_64 = arith.constant 0 : i32
        %dma_start3A_65 = arith.constant 0 : i32
        %dma_start3A_66 = tpu.memref_slice %arg8[%dma_start3A_64, %dma_start3A_65] : memref<40x128xi32, #tpu.memory_space<vmem>> -> memref<40x128xi32, #tpu.memory_space<vmem>>
        %dma_start3A_67 = arith.constant 0 : i32
        %dma_start3A_68 = tpu.memref_slice %arg3[%add3A_38, %dma_start3A_67] : memref<2560x128xi32, #tpu.memory_space<hbm>> -> memref<40x128xi32, #tpu.memory_space<hbm>>
        tpu.enqueue_dma source(%dma_start3A_68 : memref<40x128xi32, #tpu.memory_space<hbm>>) target(%dma_start3A_66 : memref<40x128xi32, #tpu.memory_space<vmem>>) target_semaphore(%run_scoped3A : memref<!tpu.dma_semaphore, #tpu.memory_space<semaphore_mem>>)
        %dma_wait3A = arith.constant 0 : i32
        %dma_wait3A_69 = arith.constant 0 : i32
        %dma_wait3A_70 = tpu.memref_slice %arg8[%dma_wait3A, %dma_wait3A_69] : memref<40x128xi32, #tpu.memory_space<vmem>> -> memref<40x128xi32, #tpu.memory_space<vmem>>
        %dma_wait3A_71 = arith.constant 0 : i32
        %dma_wait3A_72 = tpu.memref_slice %arg3[%add3A_38, %dma_wait3A_71] : memref<2560x128xi32, #tpu.memory_space<hbm>> -> memref<40x128xi32, #tpu.memory_space<hbm>>
        %dma_wait3A_73 = arith.constant 0 : i32
        %dma_wait3A_74 = arith.constant 0 : i32
        %dma_wait3A_75 = tpu.memref_slice %arg8[%dma_wait3A_73, %dma_wait3A_74] : memref<40x128xi32, #tpu.memory_space<vmem>> -> memref<40x128xi32, #tpu.memory_space<vmem>>
        %dma_wait3A_76 = arith.constant 0 : i32
        %dma_wait3A_77 = tpu.memref_slice %arg3[%add3A_38, %dma_wait3A_76] : memref<2560x128xi32, #tpu.memory_space<hbm>> -> memref<40x128xi32, #tpu.memory_space<hbm>>
        tpu.wait_dma2 semaphore(%run_scoped3A : memref<!tpu.dma_semaphore, #tpu.memory_space<semaphore_mem>>) src(%dma_wait3A_77 : memref<40x128xi32, #tpu.memory_space<hbm>>) dst(%dma_wait3A_75 : memref<40x128xi32, #tpu.memory_space<vmem>>)
        tpu.yield
      }) : () -> ()
      %multiple_of3A_40 = arith.constant 0 : i32
      %multiple_of3A_41 = tpu.assume_multiple %multiple_of3A_40, 256 : i32
      %dma_start3A_42 = tpu.memref_slice %arg7[%multiple_of3A_41] : memref<5120xi32, #tpu.memory_space<vmem>> -> memref<256xi32, #tpu.memory_space<vmem>>
      %dma_start3A_43 = arith.constant 0 : i32
      %dma_start3A_44 = arith.constant 0 : i32
      %dma_start3A_45 = tpu.memref_slice %arg12[%dma_start3A_43, %dma_start3A_44] : memref<10112x64xf32, #tpu.memory_space<vmem_shared>> -> memref<10112x64xf32, #tpu.memory_space<vmem_shared>>
      tpu.enqueue_indirect_dma source(%dma_start3A_45 : memref<10112x64xf32, #tpu.memory_space<vmem_shared>>) target(%arg9 : memref<256x64xf32, #tpu.memory_space<vmem>>) offsets(%dma_start3A_42 : memref<256xi32, #tpu.memory_space<vmem>>) semaphore(%arg13 : memref<!tpu.dma_semaphore, #tpu.memory_space<semaphore_mem>>)
      %multiple_of3A_46 = arith.constant 256 : i32
      %multiple_of3A_47 = tpu.assume_multiple %multiple_of3A_46, 256 : i32
      %dma_start3A_48 = tpu.memref_slice %arg7[%multiple_of3A_47] : memref<5120xi32, #tpu.memory_space<vmem>> -> memref<256xi32, #tpu.memory_space<vmem>>
      %dma_start3A_49 = arith.constant 0 : i32
      %dma_start3A_50 = arith.constant 0 : i32
      %dma_start3A_51 = tpu.memref_slice %arg12[%dma_start3A_49, %dma_start3A_50] : memref<10112x64xf32, #tpu.memory_space<vmem_shared>> -> memref<10112x64xf32, #tpu.memory_space<vmem_shared>>
      tpu.enqueue_indirect_dma source(%dma_start3A_51 : memref<10112x64xf32, #tpu.memory_space<vmem_shared>>) target(%arg10 : memref<256x64xf32, #tpu.memory_space<vmem>>) offsets(%dma_start3A_48 : memref<256xi32, #tpu.memory_space<vmem>>) semaphore(%arg14 : memref<!tpu.dma_semaphore, #tpu.memory_space<semaphore_mem>>)
      %scan3A_52 = arith.constant 0 : i32
      %scan3A_53 = arith.constant 0 : i32
      %scan3A_54 = arith.constant 10 : i32
      %scan3A_55 = arith.addi %scan3A_53, %scan3A_54 : i32
      %scan3A_56 = arith.constant 1 : i32
      scf.for %scan3A_59 = %scan3A_53 to %scan3A_55 step %scan3A_56  : i32 {
        %mul3A_60 = arith.constant 2 : i32
        %mul3A_61 = arith.muli %scan3A_59, %mul3A_60 : i32
        %add3A_62 = arith.constant 0 : i32
        %add3A_63 = arith.addi %mul3A_61, %add3A_62 : i32
        %dma_wait3A = arith.constant 0 : i32
        %dma_wait3A_64 = arith.constant 0 : i32
        %dma_wait3A_65 = tpu.memref_slice %arg5[%dma_wait3A, %dma_wait3A_64] : memref<10112x64xf32, #tpu.memory_space<hbm>> -> memref<256x64xf32, #tpu.memory_space<hbm>>
        %dma_wait3A_66 = arith.constant 0 : i32
        %dma_wait3A_67 = arith.constant 0 : i32
        %dma_wait3A_68 = tpu.memref_slice %arg5[%dma_wait3A_66, %dma_wait3A_67] : memref<10112x64xf32, #tpu.memory_space<hbm>> -> memref<256x64xf32, #tpu.memory_space<hbm>>
        tpu.wait_dma2 semaphore(%arg13 : memref<!tpu.dma_semaphore, #tpu.memory_space<semaphore_mem>>) src(%dma_wait3A_68 : memref<256x64xf32, #tpu.memory_space<hbm>>) dst(%arg9 : memref<256x64xf32, #tpu.memory_space<vmem>>)
        %mul3A_69 = arith.constant 2 : i32
        %mul3A_70 = arith.muli %add3A_63, %mul3A_69 : i32
        %add3A_71 = arith.constant 0 : i32
        %add3A_72 = arith.addi %mul3A_70, %add3A_71 : i32
        "tpu.region"() ({
          %run_scoped3A = tpu.sem_alloc : memref<!tpu.dma_semaphore, #tpu.memory_space<semaphore_mem>>
          %dma_start3A_108 = arith.constant 0 : i32
          %dma_start3A_109 = arith.constant 0 : i32
          %dma_start3A_110 = tpu.memref_slice %arg9[%dma_start3A_108, %dma_start3A_109] : memref<256x64xf32, #tpu.memory_space<vmem>> -> memref<128x64xf32, #tpu.memory_space<vmem>>
          %dma_start3A_111 = arith.constant 0 : i32
          %dma_start3A_112 = tpu.memref_slice %arg8[%add3A_72, %dma_start3A_111] : memref<40x128xi32, #tpu.memory_space<vmem>> -> memref<1x128xi32, #tpu.memory_space<vmem>>
          %dma_start3A_113 = tpu.memref_squeeze %dma_start3A_112 : memref<1x128xi32, #tpu.memory_space<vmem>> -> memref<128xi32, #tpu.memory_space<vmem>>
          %dma_start3A_114 = arith.constant 0 : i32
          %dma_start3A_115 = arith.constant 0 : i32
          %dma_start3A_116 = tpu.memref_slice %arg11[%dma_start3A_114, %dma_start3A_115] : memref<10112x64xf32, #tpu.memory_space<vmem_shared>> -> memref<10112x64xf32, #tpu.memory_space<vmem_shared>>
          tpu.enqueue_indirect_dma source(%dma_start3A_110 : memref<128x64xf32, #tpu.memory_space<vmem>>) target(%dma_start3A_116 : memref<10112x64xf32, #tpu.memory_space<vmem_shared>>) offsets(%dma_start3A_113 : memref<128xi32, #tpu.memory_space<vmem>>) semaphore(%run_scoped3A : memref<!tpu.dma_semaphore, #tpu.memory_space<semaphore_mem>>) {add = true}
          %dma_wait3A_117 = arith.constant 0 : i32
          %dma_wait3A_118 = arith.constant 0 : i32
          %dma_wait3A_119 = tpu.memref_slice %arg9[%dma_wait3A_117, %dma_wait3A_118] : memref<256x64xf32, #tpu.memory_space<vmem>> -> memref<128x64xf32, #tpu.memory_space<vmem>>
          %dma_wait3A_120 = arith.constant 0 : i32
          %dma_wait3A_121 = tpu.memref_slice %arg8[%add3A_72, %dma_wait3A_120] : memref<40x128xi32, #tpu.memory_space<vmem>> -> memref<1x128xi32, #tpu.memory_space<vmem>>
          %dma_wait3A_122 = tpu.memref_squeeze %dma_wait3A_121 : memref<1x128xi32, #tpu.memory_space<vmem>> -> memref<128xi32, #tpu.memory_space<vmem>>
          %dma_wait3A_123 = arith.constant 0 : i32
          %dma_wait3A_124 = arith.constant 0 : i32
          %dma_wait3A_125 = tpu.memref_slice %arg11[%dma_wait3A_123, %dma_wait3A_124] : memref<10112x64xf32, #tpu.memory_space<vmem_shared>> -> memref<10112x64xf32, #tpu.memory_space<vmem_shared>>
          tpu.wait_indirect_dma semaphore(%run_scoped3A : memref<!tpu.dma_semaphore, #tpu.memory_space<semaphore_mem>>) src(%dma_wait3A_119 : memref<128x64xf32, #tpu.memory_space<vmem>>) dst(%dma_wait3A_125 : memref<10112x64xf32, #tpu.memory_space<vmem_shared>>)
          tpu.yield
        }) : () -> ()
        %mul3A_73 = arith.constant 2 : i32
        %mul3A_74 = arith.muli %add3A_63, %mul3A_73 : i32
        %add3A_75 = arith.constant 1 : i32
        %add3A_76 = arith.addi %mul3A_74, %add3A_75 : i32
        "tpu.region"() ({
          %run_scoped3A = tpu.sem_alloc : memref<!tpu.dma_semaphore, #tpu.memory_space<semaphore_mem>>
          %dma_start3A_108 = arith.constant 128 : i32
          %dma_start3A_109 = arith.constant 0 : i32
          %dma_start3A_110 = tpu.memref_slice %arg9[%dma_start3A_108, %dma_start3A_109] : memref<256x64xf32, #tpu.memory_space<vmem>> -> memref<128x64xf32, #tpu.memory_space<vmem>>
          %dma_start3A_111 = arith.constant 0 : i32
          %dma_start3A_112 = tpu.memref_slice %arg8[%add3A_76, %dma_start3A_111] : memref<40x128xi32, #tpu.memory_space<vmem>> -> memref<1x128xi32, #tpu.memory_space<vmem>>
          %dma_start3A_113 = tpu.memref_squeeze %dma_start3A_112 : memref<1x128xi32, #tpu.memory_space<vmem>> -> memref<128xi32, #tpu.memory_space<vmem>>
          %dma_start3A_114 = arith.constant 0 : i32
          %dma_start3A_115 = arith.constant 0 : i32
          %dma_start3A_116 = tpu.memref_slice %arg11[%dma_start3A_114, %dma_start3A_115] : memref<10112x64xf32, #tpu.memory_space<vmem_shared>> -> memref<10112x64xf32, #tpu.memory_space<vmem_shared>>
          tpu.enqueue_indirect_dma source(%dma_start3A_110 : memref<128x64xf32, #tpu.memory_space<vmem>>) target(%dma_start3A_116 : memref<10112x64xf32, #tpu.memory_space<vmem_shared>>) offsets(%dma_start3A_113 : memref<128xi32, #tpu.memory_space<vmem>>) semaphore(%run_scoped3A : memref<!tpu.dma_semaphore, #tpu.memory_space<semaphore_mem>>) {add = true}
          %dma_wait3A_117 = arith.constant 128 : i32
          %dma_wait3A_118 = arith.constant 0 : i32
          %dma_wait3A_119 = tpu.memref_slice %arg9[%dma_wait3A_117, %dma_wait3A_118] : memref<256x64xf32, #tpu.memory_space<vmem>> -> memref<128x64xf32, #tpu.memory_space<vmem>>
          %dma_wait3A_120 = arith.constant 0 : i32
          %dma_wait3A_121 = tpu.memref_slice %arg8[%add3A_76, %dma_wait3A_120] : memref<40x128xi32, #tpu.memory_space<vmem>> -> memref<1x128xi32, #tpu.memory_space<vmem>>
          %dma_wait3A_122 = tpu.memref_squeeze %dma_wait3A_121 : memref<1x128xi32, #tpu.memory_space<vmem>> -> memref<128xi32, #tpu.memory_space<vmem>>
          %dma_wait3A_123 = arith.constant 0 : i32
          %dma_wait3A_124 = arith.constant 0 : i32
          %dma_wait3A_125 = tpu.memref_slice %arg11[%dma_wait3A_123, %dma_wait3A_124] : memref<10112x64xf32, #tpu.memory_space<vmem_shared>> -> memref<10112x64xf32, #tpu.memory_space<vmem_shared>>
          tpu.wait_indirect_dma semaphore(%run_scoped3A : memref<!tpu.dma_semaphore, #tpu.memory_space<semaphore_mem>>) src(%dma_wait3A_119 : memref<128x64xf32, #tpu.memory_space<vmem>>) dst(%dma_wait3A_125 : memref<10112x64xf32, #tpu.memory_space<vmem_shared>>)
          tpu.yield
        }) : () -> ()
        %add3A_77 = arith.constant 2 : i32
        %add3A_78 = arith.addi %add3A_63, %add3A_77 : i32
        %lt3A = arith.constant 20 : i32
        %lt3A_79 = arith.cmpi slt, %add3A_78, %lt3A : i32
        %convert_element_type3A_80 = arith.extui %lt3A_79 : i1 to i32
        %cond3A_81 = arith.constant 0 : i32
        %cond3A_82 = arith.cmpi ne, %convert_element_type3A_80, %cond3A_81 : i32
        scf.if %cond3A_82 {
          %add3A_108 = arith.constant 2 : i32
          %add3A_109 = arith.addi %add3A_63, %add3A_108 : i32
          %mul3A_110 = arith.constant 256 : i32
          %mul3A_111 = arith.muli %add3A_109, %mul3A_110 : i32
          %multiple_of3A_112 = tpu.assume_multiple %mul3A_111, 256 : i32
          %dma_start3A_113 = tpu.memref_slice %arg7[%multiple_of3A_112] : memref<5120xi32, #tpu.memory_space<vmem>> -> memref<256xi32, #tpu.memory_space<vmem>>
          %dma_start3A_114 = arith.constant 0 : i32
          %dma_start3A_115 = arith.constant 0 : i32
          %dma_start3A_116 = tpu.memref_slice %arg12[%dma_start3A_114, %dma_start3A_115] : memref<10112x64xf32, #tpu.memory_space<vmem_shared>> -> memref<10112x64xf32, #tpu.memory_space<vmem_shared>>
          tpu.enqueue_indirect_dma source(%dma_start3A_116 : memref<10112x64xf32, #tpu.memory_space<vmem_shared>>) target(%arg9 : memref<256x64xf32, #tpu.memory_space<vmem>>) offsets(%dma_start3A_113 : memref<256xi32, #tpu.memory_space<vmem>>) semaphore(%arg13 : memref<!tpu.dma_semaphore, #tpu.memory_space<semaphore_mem>>)
        } else {
        }
        %mul3A_83 = arith.constant 2 : i32
        %mul3A_84 = arith.muli %scan3A_59, %mul3A_83 : i32
        %add3A_85 = arith.constant 1 : i32
        %add3A_86 = arith.addi %mul3A_84, %add3A_85 : i32
        %dma_wait3A_87 = arith.constant 0 : i32
        %dma_wait3A_88 = arith.constant 0 : i32
        %dma_wait3A_89 = tpu.memref_slice %arg5[%dma_wait3A_87, %dma_wait3A_88] : memref<10112x64xf32, #tpu.memory_space<hbm>> -> memref<256x64xf32, #tpu.memory_space<hbm>>
        %dma_wait3A_90 = arith.constant 0 : i32
        %dma_wait3A_91 = arith.constant 0 : i32
        %dma_wait3A_92 = tpu.memref_slice %arg5[%dma_wait3A_90, %dma_wait3A_91] : memref<10112x64xf32, #tpu.memory_space<hbm>> -> memref<256x64xf32, #tpu.memory_space<hbm>>
        tpu.wait_dma2 semaphore(%arg14 : memref<!tpu.dma_semaphore, #tpu.memory_space<semaphore_mem>>) src(%dma_wait3A_92 : memref<256x64xf32, #tpu.memory_space<hbm>>) dst(%arg10 : memref<256x64xf32, #tpu.memory_space<vmem>>)
        %mul3A_93 = arith.constant 2 : i32
        %mul3A_94 = arith.muli %add3A_86, %mul3A_93 : i32
        %add3A_95 = arith.constant 0 : i32
        %add3A_96 = arith.addi %mul3A_94, %add3A_95 : i32
        "tpu.region"() ({
          %run_scoped3A = tpu.sem_alloc : memref<!tpu.dma_semaphore, #tpu.memory_space<semaphore_mem>>
          %dma_start3A_108 = arith.constant 0 : i32
          %dma_start3A_109 = arith.constant 0 : i32
          %dma_start3A_110 = tpu.memref_slice %arg10[%dma_start3A_108, %dma_start3A_109] : memref<256x64xf32, #tpu.memory_space<vmem>> -> memref<128x64xf32, #tpu.memory_space<vmem>>
          %dma_start3A_111 = arith.constant 0 : i32
          %dma_start3A_112 = tpu.memref_slice %arg8[%add3A_96, %dma_start3A_111] : memref<40x128xi32, #tpu.memory_space<vmem>> -> memref<1x128xi32, #tpu.memory_space<vmem>>
          %dma_start3A_113 = tpu.memref_squeeze %dma_start3A_112 : memref<1x128xi32, #tpu.memory_space<vmem>> -> memref<128xi32, #tpu.memory_space<vmem>>
          %dma_start3A_114 = arith.constant 0 : i32
          %dma_start3A_115 = arith.constant 0 : i32
          %dma_start3A_116 = tpu.memref_slice %arg11[%dma_start3A_114, %dma_start3A_115] : memref<10112x64xf32, #tpu.memory_space<vmem_shared>> -> memref<10112x64xf32, #tpu.memory_space<vmem_shared>>
          tpu.enqueue_indirect_dma source(%dma_start3A_110 : memref<128x64xf32, #tpu.memory_space<vmem>>) target(%dma_start3A_116 : memref<10112x64xf32, #tpu.memory_space<vmem_shared>>) offsets(%dma_start3A_113 : memref<128xi32, #tpu.memory_space<vmem>>) semaphore(%run_scoped3A : memref<!tpu.dma_semaphore, #tpu.memory_space<semaphore_mem>>) {add = true}
          %dma_wait3A_117 = arith.constant 0 : i32
          %dma_wait3A_118 = arith.constant 0 : i32
          %dma_wait3A_119 = tpu.memref_slice %arg10[%dma_wait3A_117, %dma_wait3A_118] : memref<256x64xf32, #tpu.memory_space<vmem>> -> memref<128x64xf32, #tpu.memory_space<vmem>>
          %dma_wait3A_120 = arith.constant 0 : i32
          %dma_wait3A_121 = tpu.memref_slice %arg8[%add3A_96, %dma_wait3A_120] : memref<40x128xi32, #tpu.memory_space<vmem>> -> memref<1x128xi32, #tpu.memory_space<vmem>>
          %dma_wait3A_122 = tpu.memref_squeeze %dma_wait3A_121 : memref<1x128xi32, #tpu.memory_space<vmem>> -> memref<128xi32, #tpu.memory_space<vmem>>
          %dma_wait3A_123 = arith.constant 0 : i32
          %dma_wait3A_124 = arith.constant 0 : i32
          %dma_wait3A_125 = tpu.memref_slice %arg11[%dma_wait3A_123, %dma_wait3A_124] : memref<10112x64xf32, #tpu.memory_space<vmem_shared>> -> memref<10112x64xf32, #tpu.memory_space<vmem_shared>>
          tpu.wait_indirect_dma semaphore(%run_scoped3A : memref<!tpu.dma_semaphore, #tpu.memory_space<semaphore_mem>>) src(%dma_wait3A_119 : memref<128x64xf32, #tpu.memory_space<vmem>>) dst(%dma_wait3A_125 : memref<10112x64xf32, #tpu.memory_space<vmem_shared>>)
          tpu.yield
        }) : () -> ()
        %mul3A_97 = arith.constant 2 : i32
        %mul3A_98 = arith.muli %add3A_86, %mul3A_97 : i32
        %add3A_99 = arith.constant 1 : i32
        %add3A_100 = arith.addi %mul3A_98, %add3A_99 : i32
        "tpu.region"() ({
          %run_scoped3A = tpu.sem_alloc : memref<!tpu.dma_semaphore, #tpu.memory_space<semaphore_mem>>
          %dma_start3A_108 = arith.constant 128 : i32
          %dma_start3A_109 = arith.constant 0 : i32
          %dma_start3A_110 = tpu.memref_slice %arg10[%dma_start3A_108, %dma_start3A_109] : memref<256x64xf32, #tpu.memory_space<vmem>> -> memref<128x64xf32, #tpu.memory_space<vmem>>
          %dma_start3A_111 = arith.constant 0 : i32
          %dma_start3A_112 = tpu.memref_slice %arg8[%add3A_100, %dma_start3A_111] : memref<40x128xi32, #tpu.memory_space<vmem>> -> memref<1x128xi32, #tpu.memory_space<vmem>>
          %dma_start3A_113 = tpu.memref_squeeze %dma_start3A_112 : memref<1x128xi32, #tpu.memory_space<vmem>> -> memref<128xi32, #tpu.memory_space<vmem>>
          %dma_start3A_114 = arith.constant 0 : i32
          %dma_start3A_115 = arith.constant 0 : i32
          %dma_start3A_116 = tpu.memref_slice %arg11[%dma_start3A_114, %dma_start3A_115] : memref<10112x64xf32, #tpu.memory_space<vmem_shared>> -> memref<10112x64xf32, #tpu.memory_space<vmem_shared>>
          tpu.enqueue_indirect_dma source(%dma_start3A_110 : memref<128x64xf32, #tpu.memory_space<vmem>>) target(%dma_start3A_116 : memref<10112x64xf32, #tpu.memory_space<vmem_shared>>) offsets(%dma_start3A_113 : memref<128xi32, #tpu.memory_space<vmem>>) semaphore(%run_scoped3A : memref<!tpu.dma_semaphore, #tpu.memory_space<semaphore_mem>>) {add = true}
          %dma_wait3A_117 = arith.constant 128 : i32
          %dma_wait3A_118 = arith.constant 0 : i32
          %dma_wait3A_119 = tpu.memref_slice %arg10[%dma_wait3A_117, %dma_wait3A_118] : memref<256x64xf32, #tpu.memory_space<vmem>> -> memref<128x64xf32, #tpu.memory_space<vmem>>
          %dma_wait3A_120 = arith.constant 0 : i32
          %dma_wait3A_121 = tpu.memref_slice %arg8[%add3A_100, %dma_wait3A_120] : memref<40x128xi32, #tpu.memory_space<vmem>> -> memref<1x128xi32, #tpu.memory_space<vmem>>
          %dma_wait3A_122 = tpu.memref_squeeze %dma_wait3A_121 : memref<1x128xi32, #tpu.memory_space<vmem>> -> memref<128xi32, #tpu.memory_space<vmem>>
          %dma_wait3A_123 = arith.constant 0 : i32
          %dma_wait3A_124 = arith.constant 0 : i32
          %dma_wait3A_125 = tpu.memref_slice %arg11[%dma_wait3A_123, %dma_wait3A_124] : memref<10112x64xf32, #tpu.memory_space<vmem_shared>> -> memref<10112x64xf32, #tpu.memory_space<vmem_shared>>
          tpu.wait_indirect_dma semaphore(%run_scoped3A : memref<!tpu.dma_semaphore, #tpu.memory_space<semaphore_mem>>) src(%dma_wait3A_119 : memref<128x64xf32, #tpu.memory_space<vmem>>) dst(%dma_wait3A_125 : memref<10112x64xf32, #tpu.memory_space<vmem_shared>>)
          tpu.yield
        }) : () -> ()
        %add3A_101 = arith.constant 2 : i32
        %add3A_102 = arith.addi %add3A_86, %add3A_101 : i32
        %lt3A_103 = arith.constant 20 : i32
        %lt3A_104 = arith.cmpi slt, %add3A_102, %lt3A_103 : i32
        %convert_element_type3A_105 = arith.extui %lt3A_104 : i1 to i32
        %cond3A_106 = arith.constant 0 : i32
        %cond3A_107 = arith.cmpi ne, %convert_element_type3A_105, %cond3A_106 : i32
        scf.if %cond3A_107 {
          %add3A_108 = arith.constant 2 : i32
          %add3A_109 = arith.addi %add3A_86, %add3A_108 : i32
          %mul3A_110 = arith.constant 256 : i32
          %mul3A_111 = arith.muli %add3A_109, %mul3A_110 : i32
          %multiple_of3A_112 = tpu.assume_multiple %mul3A_111, 256 : i32
          %dma_start3A_113 = tpu.memref_slice %arg7[%multiple_of3A_112] : memref<5120xi32, #tpu.memory_space<vmem>> -> memref<256xi32, #tpu.memory_space<vmem>>
          %dma_start3A_114 = arith.constant 0 : i32
          %dma_start3A_115 = arith.constant 0 : i32
          %dma_start3A_116 = tpu.memref_slice %arg12[%dma_start3A_114, %dma_start3A_115] : memref<10112x64xf32, #tpu.memory_space<vmem_shared>> -> memref<10112x64xf32, #tpu.memory_space<vmem_shared>>
          tpu.enqueue_indirect_dma source(%dma_start3A_116 : memref<10112x64xf32, #tpu.memory_space<vmem_shared>>) target(%arg10 : memref<256x64xf32, #tpu.memory_space<vmem>>) offsets(%dma_start3A_113 : memref<256xi32, #tpu.memory_space<vmem>>) semaphore(%arg14 : memref<!tpu.dma_semaphore, #tpu.memory_space<semaphore_mem>>)
        } else {
        }
      }
      %scan3A_57 = arith.constant 10 : i32
      %barrier3A_58 = arith.constant 0 : index
      tpu.barrier barrier_id(%barrier3A_58)
      "tpu.region"() ({
        %run_scoped3A = tpu.sem_alloc : memref<!tpu.dma_semaphore, #tpu.memory_space<semaphore_mem>>
        %dma_start3A_59 = arith.constant 0 : i32
        %dma_start3A_60 = tpu.memref_slice %arg6[%arg0, %mul3A_0, %dma_start3A_59] : memref<2x10112x64xf32, #tpu.memory_space<hbm>> -> memref<1x632x64xf32, #tpu.memory_space<hbm>>
        %dma_start3A_61 = tpu.memref_squeeze %dma_start3A_60 : memref<1x632x64xf32, #tpu.memory_space<hbm>> -> memref<632x64xf32, #tpu.memory_space<hbm>>
        %dma_start3A_62 = arith.constant 0 : i32
        %dma_start3A_63 = tpu.memref_slice %arg11[%mul3A_0, %dma_start3A_62] : memref<10112x64xf32, #tpu.memory_space<vmem_shared>> -> memref<632x64xf32, #tpu.memory_space<vmem_shared>>
        tpu.enqueue_dma source(%dma_start3A_63 : memref<632x64xf32, #tpu.memory_space<vmem_shared>>) target(%dma_start3A_61 : memref<632x64xf32, #tpu.memory_space<hbm>>) target_semaphore(%run_scoped3A : memref<!tpu.dma_semaphore, #tpu.memory_space<semaphore_mem>>)
        %dma_wait3A = arith.constant 0 : i32
        %dma_wait3A_64 = tpu.memref_slice %arg6[%arg0, %mul3A_0, %dma_wait3A] : memref<2x10112x64xf32, #tpu.memory_space<hbm>> -> memref<1x632x64xf32, #tpu.memory_space<hbm>>
        %dma_wait3A_65 = tpu.memref_squeeze %dma_wait3A_64 : memref<1x632x64xf32, #tpu.memory_space<hbm>> -> memref<632x64xf32, #tpu.memory_space<hbm>>
        %dma_wait3A_66 = arith.constant 0 : i32
        %dma_wait3A_67 = tpu.memref_slice %arg11[%mul3A_0, %dma_wait3A_66] : memref<10112x64xf32, #tpu.memory_space<vmem_shared>> -> memref<632x64xf32, #tpu.memory_space<vmem_shared>>
        tpu.wait_dma2 semaphore(%run_scoped3A : memref<!tpu.dma_semaphore, #tpu.memory_space<semaphore_mem>>) src(%dma_wait3A_67 : memref<632x64xf32, #tpu.memory_space<vmem_shared>>) dst(%dma_wait3A_65 : memref<632x64xf32, #tpu.memory_space<hbm>>)
        tpu.yield
      }) : () -> ()
    } else {
    }
    return
  }
}

module attributes {stable_mosaic.version = 14 : i64} {
  func.func @_mm1_body(%arg0: memref<10000x128xf32, #tpu.memory_space<vmem>>, %arg1: memref<128x64xf32, #tpu.memory_space<vmem>>, %arg2: memref<2x10112x16xf32, #tpu.memory_space<vmem>>, %arg3: memref<10112x64xf32, #tpu.memory_space<vmem>>) attributes {dimension_semantics = [], scalar_prefetch = 0 : i64, scratch_operands = 0 : i64, tpu.core_type = #tpu.core_type<tc>} {
    %get3A = arith.constant 0 : index
    %get3A_0 = arith.constant 0 : index
    %get3A_1 = arith.constant 0 : index
    %get3A_2 = vector.load %arg2[%get3A, %get3A_0, %get3A_1] : memref<2x10112x16xf32, #tpu.memory_space<vmem>>, vector<1x10000x1xf32>
    %get3A_3 = vector.shape_cast %get3A_2 : vector<1x10000x1xf32> to vector<10000x1xf32>
    %get3A_4 = arith.constant 1 : index
    %get3A_5 = arith.constant 0 : index
    %get3A_6 = arith.constant 0 : index
    %get3A_7 = vector.load %arg2[%get3A_4, %get3A_5, %get3A_6] : memref<2x10112x16xf32, #tpu.memory_space<vmem>>, vector<1x10000x1xf32>
    %get3A_8 = vector.shape_cast %get3A_7 : vector<1x10000x1xf32> to vector<10000x1xf32>
    %add3A = arith.addf %get3A_3, %get3A_8 : vector<10000x1xf32>
    %add3A_9 = arith.constant 1.000000e+00 : f32
    %add3A_10 = vector.broadcast %add3A_9 : f32 to vector<10000x1xf32>
    %add3A_11 = arith.addf %add3A, %add3A_10 : vector<10000x1xf32>
    %rsqrt3A = math.rsqrt %add3A_11 : vector<10000x1xf32>
    %get3A_12 = arith.constant 0 : index
    %get3A_13 = arith.constant 0 : index
    %get3A_14 = vector.load %arg0[%get3A_12, %get3A_13] : memref<10000x128xf32, #tpu.memory_space<vmem>>, vector<10000x128xf32>
    %get3A_15 = arith.constant 0 : index
    %get3A_16 = arith.constant 0 : index
    %get3A_17 = vector.load %arg1[%get3A_15, %get3A_16] : memref<128x64xf32, #tpu.memory_space<vmem>>, vector<128x64xf32>
    %dot_general3A = arith.constant dense<0.000000e+00> : vector<10000x64xf32>
    %dot_general3A_18 = tpu.matmul %get3A_14, %get3A_17, %dot_general3A {dimension_numbers = #tpu.dot_dimension_numbers<[1], [0], [0], [1], [0, 0, 1, 1], [], []>, transpose_lhs_hint = false} : vector<10000x128xf32>, vector<128x64xf32>, vector<10000x64xf32> -> vector<10000x64xf32>
    %mul3A = vector.broadcast %rsqrt3A : vector<10000x1xf32> to vector<10000x64xf32>
    %mul3A_19 = arith.mulf %dot_general3A_18, %mul3A : vector<10000x64xf32>
    %swap3A = arith.constant 0 : index
    %swap3A_20 = arith.constant 0 : index
    %swap3A_21 = vector.load %arg3[%swap3A, %swap3A_20] : memref<10112x64xf32, #tpu.memory_space<vmem>>, vector<10000x64xf32>
    tpu.vector_store %arg3[%swap3A, %swap3A_20], %mul3A_19 {strides = array<i32>} : memref<10112x64xf32, #tpu.memory_space<vmem>>, vector<10000x64xf32>,
    return
  }
}

module attributes {stable_mosaic.version = 14 : i64} {
  func.func @_mid_body(%arg0: memref<2x10112x64xf32, #tpu.memory_space<vmem>>, %arg1: memref<10112x64xf32, #tpu.memory_space<vmem>>, %arg2: memref<2x10112x16xf32, #tpu.memory_space<vmem>>, %arg3: memref<1x64xf32, #tpu.memory_space<vmem>>, %arg4: memref<64x16xf32, #tpu.memory_space<vmem>>, %arg5: memref<1x16xf32, #tpu.memory_space<vmem>>, %arg6: memref<1x16xf32, #tpu.memory_space<vmem>>, %arg7: memref<1x1xf32, #tpu.memory_space<vmem>>, %arg8: memref<1x64xf32, #tpu.memory_space<vmem>>, %arg9: memref<1x16xf32, #tpu.memory_space<vmem>>, %arg10: memref<1x64xf32, #tpu.memory_space<vmem>>, %arg11: memref<1x16xf32, #tpu.memory_space<vmem>>, %arg12: memref<64x64xf32, #tpu.memory_space<vmem>>, %arg13: memref<16x64xf32, #tpu.memory_space<vmem>>, %arg14: memref<10112x64xf32, #tpu.memory_space<vmem>>) attributes {dimension_semantics = [], scalar_prefetch = 0 : i64, scratch_operands = 0 : i64, tpu.core_type = #tpu.core_type<tc>} {
    %get3A = arith.constant 0 : index
    %get3A_0 = arith.constant 0 : index
    %get3A_1 = arith.constant 0 : index
    %get3A_2 = vector.load %arg2[%get3A, %get3A_0, %get3A_1] : memref<2x10112x16xf32, #tpu.memory_space<vmem>>, vector<1x10000x1xf32>
    %get3A_3 = vector.shape_cast %get3A_2 : vector<1x10000x1xf32> to vector<10000x1xf32>
    %get3A_4 = arith.constant 1 : index
    %get3A_5 = arith.constant 0 : index
    %get3A_6 = arith.constant 0 : index
    %get3A_7 = vector.load %arg2[%get3A_4, %get3A_5, %get3A_6] : memref<2x10112x16xf32, #tpu.memory_space<vmem>>, vector<1x10000x1xf32>
    %get3A_8 = vector.shape_cast %get3A_7 : vector<1x10000x1xf32> to vector<10000x1xf32>
    %add3A = arith.addf %get3A_3, %get3A_8 : vector<10000x1xf32>
    %add3A_9 = arith.constant 1.000000e+00 : f32
    %add3A_10 = vector.broadcast %add3A_9 : f32 to vector<10000x1xf32>
    %add3A_11 = arith.addf %add3A, %add3A_10 : vector<10000x1xf32>
    %rsqrt3A = math.rsqrt %add3A_11 : vector<10000x1xf32>
    %get3A_12 = arith.constant 0 : index
    %get3A_13 = arith.constant 0 : index
    %get3A_14 = arith.constant 0 : index
    %get3A_15 = vector.load %arg0[%get3A_12, %get3A_13, %get3A_14] : memref<2x10112x64xf32, #tpu.memory_space<vmem>>, vector<1x10000x64xf32>
    %get3A_16 = vector.shape_cast %get3A_15 : vector<1x10000x64xf32> to vector<10000x64xf32>
    %get3A_17 = arith.constant 1 : index
    %get3A_18 = arith.constant 0 : index
    %get3A_19 = arith.constant 0 : index
    %get3A_20 = vector.load %arg0[%get3A_17, %get3A_18, %get3A_19] : memref<2x10112x64xf32, #tpu.memory_space<vmem>>, vector<1x10000x64xf32>
    %get3A_21 = vector.shape_cast %get3A_20 : vector<1x10000x64xf32> to vector<10000x64xf32>
    %add3A_22 = arith.addf %get3A_16, %get3A_21 : vector<10000x64xf32>
    %get3A_23 = arith.constant 0 : index
    %get3A_24 = arith.constant 0 : index
    %get3A_25 = vector.load %arg1[%get3A_23, %get3A_24] : memref<10112x64xf32, #tpu.memory_space<vmem>>, vector<10000x64xf32>
    %add3A_26 = arith.addf %add3A_22, %get3A_25 : vector<10000x64xf32>
    %mul3A = vector.broadcast %rsqrt3A : vector<10000x1xf32> to vector<10000x64xf32>
    %mul3A_27 = arith.mulf %add3A_26, %mul3A : vector<10000x64xf32>
    %get3A_28 = arith.constant 0 : index
    %get3A_29 = arith.constant 0 : index
    %get3A_30 = vector.load %arg3[%get3A_28, %get3A_29] : memref<1x64xf32, #tpu.memory_space<vmem>>, vector<1x64xf32>
    %add3A_31 = vector.broadcast %get3A_30 : vector<1x64xf32> to vector<10000x64xf32>
    %add3A_32 = arith.addf %mul3A_27, %add3A_31 : vector<10000x64xf32>
    %max3A = arith.constant 0.000000e+00 : f32
    %max3A_33 = vector.broadcast %max3A : f32 to vector<10000x64xf32>
    %max3A_34 = arith.maximumf %add3A_32, %max3A_33 : vector<10000x64xf32>
    %get3A_35 = arith.constant 0 : index
    %get3A_36 = arith.constant 0 : index
    %get3A_37 = vector.load %arg4[%get3A_35, %get3A_36] : memref<64x16xf32, #tpu.memory_space<vmem>>, vector<64x16xf32>
    %dot_general3A = arith.constant dense<0.000000e+00> : vector<10000x16xf32>
    %dot_general3A_38 = tpu.matmul %max3A_34, %get3A_37, %dot_general3A {dimension_numbers = #tpu.dot_dimension_numbers<[1], [0], [0], [1], [0, 0, 1, 1], [], []>, transpose_lhs_hint = false} : vector<10000x64xf32>, vector<64x16xf32>, vector<10000x16xf32> -> vector<10000x16xf32>
    %mul3A_39 = arith.mulf %max3A_34, %max3A_34 : vector<10000x64xf32>
    %reduce_sum3A = arith.constant dense<0.000000e+00> : vector<10000xf32>
    %reduce_sum3A_40 = vector.multi_reduction <add>, %mul3A_39, %reduce_sum3A [1] : vector<10000x64xf32> to vector<10000xf32>
    %broadcast_in_dim3A = vector.shape_cast %reduce_sum3A_40 : vector<10000xf32> to vector<10000x1xf32>
    %mul3A_41 = arith.constant 2.000000e+00 : f32
    %mul3A_42 = vector.broadcast %mul3A_41 : f32 to vector<10000x16xf32>
    %mul3A_43 = arith.mulf %mul3A_42, %dot_general3A_38 : vector<10000x16xf32>
    %sub3A = vector.broadcast %broadcast_in_dim3A : vector<10000x1xf32> to vector<10000x16xf32>
    %sub3A_44 = arith.subf %sub3A, %mul3A_43 : vector<10000x16xf32>
    %get3A_45 = arith.constant 0 : index
    %get3A_46 = arith.constant 0 : index
    %get3A_47 = vector.load %arg5[%get3A_45, %get3A_46] : memref<1x16xf32, #tpu.memory_space<vmem>>, vector<1x16xf32>
    %add3A_48 = vector.broadcast %get3A_47 : vector<1x16xf32> to vector<10000x16xf32>
    %add3A_49 = arith.addf %sub3A_44, %add3A_48 : vector<10000x16xf32>
    %reduce_max3A = vector.shape_cast %add3A : vector<10000x1xf32> to vector<1x10000x1xf32>
    %reduce_max3A_50 = arith.constant dense<0xFF800000> : vector<1xf32>
    %reduce_max3A_51 = vector.multi_reduction <maximumf>, %reduce_max3A, %reduce_max3A_50 [1, 2] : vector<1x10000x1xf32> to vector<1xf32>
    %reduce_max3A_52 = vector.shape_cast %reduce_max3A_51 : vector<1xf32> to vector<1x1x1xf32>
    %reduce_max3A_53 = vector.extract %reduce_max3A_52[0, 0, 0] : f32 from vector<1x1x1xf32>
    %max3A_54 = arith.constant 1.000000e+00 : f32
    %max3A_55 = arith.maximumf %reduce_max3A_53, %max3A_54 : f32
    %div3A = vector.broadcast %max3A_55 : f32 to vector<10000x1xf32>
    %div3A_56 = arith.divf %add3A, %div3A : vector<10000x1xf32>
    %get3A_57 = arith.constant 0 : index
    %get3A_58 = arith.constant 0 : index
    %get3A_59 = vector.load %arg6[%get3A_57, %get3A_58] : memref<1x16xf32, #tpu.memory_space<vmem>>, vector<1x16xf32>
    %sub3A_60 = vector.broadcast %div3A_56 : vector<10000x1xf32> to vector<10000x16xf32>
    %sub3A_61 = vector.broadcast %get3A_59 : vector<1x16xf32> to vector<10000x16xf32>
    %sub3A_62 = arith.subf %sub3A_60, %sub3A_61 : vector<10000x16xf32>
    %integer_pow3A = arith.mulf %sub3A_62, %sub3A_62 : vector<10000x16xf32>
    %get3A_63 = arith.constant 0 : index
    %get3A_64 = arith.constant 0 : index
    %get3A_65 = vector.load %arg7[%get3A_63, %get3A_64] : memref<1x1xf32, #tpu.memory_space<vmem>>, vector<1x1xf32>
    %get3A_66 = vector.extract %get3A_65[0, 0] : f32 from vector<1x1xf32>
    %sub3A_67 = arith.constant 1.000000e+00 : f32
    %sub3A_68 = arith.subf %sub3A_67, %get3A_66 : f32
    %mul3A_69 = vector.broadcast %sub3A_68 : f32 to vector<10000x16xf32>
    %mul3A_70 = arith.mulf %mul3A_69, %add3A_49 : vector<10000x16xf32>
    %mul3A_71 = vector.broadcast %get3A_66 : f32 to vector<10000x16xf32>
    %mul3A_72 = arith.mulf %mul3A_71, %integer_pow3A : vector<10000x16xf32>
    %add3A_73 = arith.addf %mul3A_70, %mul3A_72 : vector<10000x16xf32>
    %reduce_sum3A_74 = arith.constant dense<0.000000e+00> : vector<64xf32>
    %reduce_sum3A_75 = vector.multi_reduction <add>, %max3A_34, %reduce_sum3A_74 [0] : vector<10000x64xf32> to vector<64xf32>
    %broadcast_in_dim3A_76 = vector.shape_cast %reduce_sum3A_75 : vector<64xf32> to vector<1x64xf32>
    %div3A_77 = arith.constant 1.000000e+04 : f32
    %div3A_78 = vector.broadcast %div3A_77 : f32 to vector<1x64xf32>
    %div3A_79 = arith.divf %broadcast_in_dim3A_76, %div3A_78 : vector<1x64xf32>
    %sub3A_80 = vector.broadcast %div3A_79 : vector<1x64xf32> to vector<10000x64xf32>
    %sub3A_81 = arith.subf %max3A_34, %sub3A_80 : vector<10000x64xf32>
    %integer_pow3A_82 = arith.mulf %sub3A_81, %sub3A_81 : vector<10000x64xf32>
    %reduce_sum3A_83 = arith.constant dense<0.000000e+00> : vector<64xf32>
    %reduce_sum3A_84 = vector.multi_reduction <add>, %integer_pow3A_82, %reduce_sum3A_83 [0] : vector<10000x64xf32> to vector<64xf32>
    %broadcast_in_dim3A_85 = vector.shape_cast %reduce_sum3A_84 : vector<64xf32> to vector<1x64xf32>
    %div3A_86 = arith.constant 1.000000e+04 : f32
    %div3A_87 = vector.broadcast %div3A_86 : f32 to vector<1x64xf32>
    %div3A_88 = arith.divf %broadcast_in_dim3A_85, %div3A_87 : vector<1x64xf32>
    %get3A_89 = arith.constant 0 : index
    %get3A_90 = arith.constant 0 : index
    %get3A_91 = vector.load %arg8[%get3A_89, %get3A_90] : memref<1x64xf32, #tpu.memory_space<vmem>>, vector<1x64xf32>
    %sub3A_92 = vector.broadcast %div3A_79 : vector<1x64xf32> to vector<10000x64xf32>
    %sub3A_93 = arith.subf %max3A_34, %sub3A_92 : vector<10000x64xf32>
    %mul3A_94 = vector.broadcast %get3A_91 : vector<1x64xf32> to vector<10000x64xf32>
    %mul3A_95 = arith.mulf %mul3A_94, %sub3A_93 : vector<10000x64xf32>
    %add3A_96 = arith.constant 9.99999974E-6 : f32
    %add3A_97 = vector.broadcast %add3A_96 : f32 to vector<1x64xf32>
    %add3A_98 = arith.addf %div3A_88, %add3A_97 : vector<1x64xf32>
    %sqrt3A = math.sqrt %add3A_98 : vector<1x64xf32>
    %div3A_99 = vector.broadcast %sqrt3A : vector<1x64xf32> to vector<10000x64xf32>
    %div3A_100 = arith.divf %mul3A_95, %div3A_99 : vector<10000x64xf32>
    %get3A_101 = arith.constant 0 : index
    %get3A_102 = arith.constant 0 : index
    %get3A_103 = vector.load %arg10[%get3A_101, %get3A_102] : memref<1x64xf32, #tpu.memory_space<vmem>>, vector<1x64xf32>
    %add3A_104 = vector.broadcast %get3A_103 : vector<1x64xf32> to vector<10000x64xf32>
    %add3A_105 = arith.addf %div3A_100, %add3A_104 : vector<10000x64xf32>
    %reduce_sum3A_106 = arith.constant dense<0.000000e+00> : vector<16xf32>
    %reduce_sum3A_107 = vector.multi_reduction <add>, %add3A_73, %reduce_sum3A_106 [0] : vector<10000x16xf32> to vector<16xf32>
    %broadcast_in_dim3A_108 = vector.shape_cast %reduce_sum3A_107 : vector<16xf32> to vector<1x16xf32>
    %div3A_109 = arith.constant 1.000000e+04 : f32
    %div3A_110 = vector.broadcast %div3A_109 : f32 to vector<1x16xf32>
    %div3A_111 = arith.divf %broadcast_in_dim3A_108, %div3A_110 : vector<1x16xf32>
    %sub3A_112 = vector.broadcast %div3A_111 : vector<1x16xf32> to vector<10000x16xf32>
    %sub3A_113 = arith.subf %add3A_73, %sub3A_112 : vector<10000x16xf32>
    %integer_pow3A_114 = arith.mulf %sub3A_113, %sub3A_113 : vector<10000x16xf32>
    %reduce_sum3A_115 = arith.constant dense<0.000000e+00> : vector<16xf32>
    %reduce_sum3A_116 = vector.multi_reduction <add>, %integer_pow3A_114, %reduce_sum3A_115 [0] : vector<10000x16xf32> to vector<16xf32>
    %broadcast_in_dim3A_117 = vector.shape_cast %reduce_sum3A_116 : vector<16xf32> to vector<1x16xf32>
    %div3A_118 = arith.constant 1.000000e+04 : f32
    %div3A_119 = vector.broadcast %div3A_118 : f32 to vector<1x16xf32>
    %div3A_120 = arith.divf %broadcast_in_dim3A_117, %div3A_119 : vector<1x16xf32>
    %get3A_121 = arith.constant 0 : index
    %get3A_122 = arith.constant 0 : index
    %get3A_123 = vector.load %arg9[%get3A_121, %get3A_122] : memref<1x16xf32, #tpu.memory_space<vmem>>, vector<1x16xf32>
    %sub3A_124 = vector.broadcast %div3A_111 : vector<1x16xf32> to vector<10000x16xf32>
    %sub3A_125 = arith.subf %add3A_73, %sub3A_124 : vector<10000x16xf32>
    %mul3A_126 = vector.broadcast %get3A_123 : vector<1x16xf32> to vector<10000x16xf32>
    %mul3A_127 = arith.mulf %mul3A_126, %sub3A_125 : vector<10000x16xf32>
    %add3A_128 = arith.constant 9.99999974E-6 : f32
    %add3A_129 = vector.broadcast %add3A_128 : f32 to vector<1x16xf32>
    %add3A_130 = arith.addf %div3A_120, %add3A_129 : vector<1x16xf32>
    %sqrt3A_131 = math.sqrt %add3A_130 : vector<1x16xf32>
    %div3A_132 = vector.broadcast %sqrt3A_131 : vector<1x16xf32> to vector<10000x16xf32>
    %div3A_133 = arith.divf %mul3A_127, %div3A_132 : vector<10000x16xf32>
    %get3A_134 = arith.constant 0 : index
    %get3A_135 = arith.constant 0 : index
    %get3A_136 = vector.load %arg11[%get3A_134, %get3A_135] : memref<1x16xf32, #tpu.memory_space<vmem>>, vector<1x16xf32>
    %add3A_137 = vector.broadcast %get3A_136 : vector<1x16xf32> to vector<10000x16xf32>
    %add3A_138 = arith.addf %div3A_133, %add3A_137 : vector<10000x16xf32>
    %get3A_139 = arith.constant 0 : index
    %get3A_140 = arith.constant 0 : index
    %get3A_141 = vector.load %arg12[%get3A_139, %get3A_140] : memref<64x64xf32, #tpu.memory_space<vmem>>, vector<64x64xf32>
    %dot_general3A_142 = arith.constant dense<0.000000e+00> : vector<10000x64xf32>
    %dot_general3A_143 = tpu.matmul %add3A_105, %get3A_141, %dot_general3A_142 {dimension_numbers = #tpu.dot_dimension_numbers<[1], [0], [0], [1], [0, 0, 1, 1], [], []>, transpose_lhs_hint = false} : vector<10000x64xf32>, vector<64x64xf32>, vector<10000x64xf32> -> vector<10000x64xf32>
    %get3A_144 = arith.constant 0 : index
    %get3A_145 = arith.constant 0 : index
    %get3A_146 = vector.load %arg13[%get3A_144, %get3A_145] : memref<16x64xf32, #tpu.memory_space<vmem>>, vector<16x64xf32>
    %dot_general3A_147 = arith.constant dense<0.000000e+00> : vector<10000x64xf32>
    %dot_general3A_148 = tpu.matmul %add3A_138, %get3A_146, %dot_general3A_147 {dimension_numbers = #tpu.dot_dimension_numbers<[1], [0], [0], [1], [0, 0, 1, 1], [], []>, transpose_lhs_hint = false} : vector<10000x16xf32>, vector<16x64xf32>, vector<10000x64xf32> -> vector<10000x64xf32>
    %add3A_149 = arith.addf %dot_general3A_143, %dot_general3A_148 : vector<10000x64xf32>
    %mul3A_150 = vector.broadcast %rsqrt3A : vector<10000x1xf32> to vector<10000x64xf32>
    %mul3A_151 = arith.mulf %add3A_149, %mul3A_150 : vector<10000x64xf32>
    %swap3A = arith.constant 0 : index
    %swap3A_152 = arith.constant 0 : index
    %swap3A_153 = vector.load %arg14[%swap3A, %swap3A_152] : memref<10112x64xf32, #tpu.memory_space<vmem>>, vector<10000x64xf32>
    tpu.vector_store %arg14[%swap3A, %swap3A_152], %mul3A_151 {strides = array<i32>} : memref<10112x64xf32, #tpu.memory_space<vmem>>, vector<10000x64xf32>,
    return
  }
}

module attributes {stable_mosaic.version = 14 : i64} {
  func.func @_fin_body(%arg0: memref<2x10112x64xf32, #tpu.memory_space<vmem>>, %arg1: memref<10112x64xf32, #tpu.memory_space<vmem>>, %arg2: memref<2x10112x16xf32, #tpu.memory_space<vmem>>, %arg3: memref<1x64xf32, #tpu.memory_space<vmem>>, %arg4: memref<64x16xf32, #tpu.memory_space<vmem>>, %arg5: memref<1x16xf32, #tpu.memory_space<vmem>>, %arg6: memref<10000x16xf32, #tpu.memory_space<vmem>>, %arg7: memref<10000x64xf32, #tpu.memory_space<vmem>>) attributes {dimension_semantics = [], scalar_prefetch = 0 : i64, scratch_operands = 0 : i64, tpu.core_type = #tpu.core_type<tc>} {
    %get3A = arith.constant 0 : index
    %get3A_0 = arith.constant 0 : index
    %get3A_1 = arith.constant 0 : index
    %get3A_2 = vector.load %arg2[%get3A, %get3A_0, %get3A_1] : memref<2x10112x16xf32, #tpu.memory_space<vmem>>, vector<1x10000x1xf32>
    %get3A_3 = vector.shape_cast %get3A_2 : vector<1x10000x1xf32> to vector<10000x1xf32>
    %get3A_4 = arith.constant 1 : index
    %get3A_5 = arith.constant 0 : index
    %get3A_6 = arith.constant 0 : index
    %get3A_7 = vector.load %arg2[%get3A_4, %get3A_5, %get3A_6] : memref<2x10112x16xf32, #tpu.memory_space<vmem>>, vector<1x10000x1xf32>
    %get3A_8 = vector.shape_cast %get3A_7 : vector<1x10000x1xf32> to vector<10000x1xf32>
    %add3A = arith.addf %get3A_3, %get3A_8 : vector<10000x1xf32>
    %add3A_9 = arith.constant 1.000000e+00 : f32
    %add3A_10 = vector.broadcast %add3A_9 : f32 to vector<10000x1xf32>
    %add3A_11 = arith.addf %add3A, %add3A_10 : vector<10000x1xf32>
    %rsqrt3A = math.rsqrt %add3A_11 : vector<10000x1xf32>
    %get3A_12 = arith.constant 0 : index
    %get3A_13 = arith.constant 0 : index
    %get3A_14 = arith.constant 0 : index
    %get3A_15 = vector.load %arg0[%get3A_12, %get3A_13, %get3A_14] : memref<2x10112x64xf32, #tpu.memory_space<vmem>>, vector<1x10000x64xf32>
    %get3A_16 = vector.shape_cast %get3A_15 : vector<1x10000x64xf32> to vector<10000x64xf32>
    %get3A_17 = arith.constant 1 : index
    %get3A_18 = arith.constant 0 : index
    %get3A_19 = arith.constant 0 : index
    %get3A_20 = vector.load %arg0[%get3A_17, %get3A_18, %get3A_19] : memref<2x10112x64xf32, #tpu.memory_space<vmem>>, vector<1x10000x64xf32>
    %get3A_21 = vector.shape_cast %get3A_20 : vector<1x10000x64xf32> to vector<10000x64xf32>
    %add3A_22 = arith.addf %get3A_16, %get3A_21 : vector<10000x64xf32>
    %get3A_23 = arith.constant 0 : index
    %get3A_24 = arith.constant 0 : index
    %get3A_25 = vector.load %arg1[%get3A_23, %get3A_24] : memref<10112x64xf32, #tpu.memory_space<vmem>>, vector<10000x64xf32>
    %add3A_26 = arith.addf %add3A_22, %get3A_25 : vector<10000x64xf32>
    %mul3A = vector.broadcast %rsqrt3A : vector<10000x1xf32> to vector<10000x64xf32>
    %mul3A_27 = arith.mulf %add3A_26, %mul3A : vector<10000x64xf32>
    %get3A_28 = arith.constant 0 : index
    %get3A_29 = arith.constant 0 : index
    %get3A_30 = vector.load %arg3[%get3A_28, %get3A_29] : memref<1x64xf32, #tpu.memory_space<vmem>>, vector<1x64xf32>
    %add3A_31 = vector.broadcast %get3A_30 : vector<1x64xf32> to vector<10000x64xf32>
    %add3A_32 = arith.addf %mul3A_27, %add3A_31 : vector<10000x64xf32>
    %max3A = arith.constant 0.000000e+00 : f32
    %max3A_33 = vector.broadcast %max3A : f32 to vector<10000x64xf32>
    %max3A_34 = arith.maximumf %add3A_32, %max3A_33 : vector<10000x64xf32>
    %swap3A = arith.constant 0 : index
    %swap3A_35 = arith.constant 0 : index
    %swap3A_36 = vector.load %arg7[%swap3A, %swap3A_35] : memref<10000x64xf32, #tpu.memory_space<vmem>>, vector<10000x64xf32>
    tpu.vector_store %arg7[%swap3A, %swap3A_35], %max3A_34 {strides = array<i32>} : memref<10000x64xf32, #tpu.memory_space<vmem>>, vector<10000x64xf32>,
    %get3A_37 = arith.constant 0 : index
    %get3A_38 = arith.constant 0 : index
    %get3A_39 = vector.load %arg4[%get3A_37, %get3A_38] : memref<64x16xf32, #tpu.memory_space<vmem>>, vector<64x16xf32>
    %dot_general3A = arith.constant dense<0.000000e+00> : vector<10000x16xf32>
    %dot_general3A_40 = tpu.matmul %max3A_34, %get3A_39, %dot_general3A {dimension_numbers = #tpu.dot_dimension_numbers<[1], [0], [0], [1], [0, 0, 1, 1], [], []>, transpose_lhs_hint = false} : vector<10000x64xf32>, vector<64x16xf32>, vector<10000x16xf32> -> vector<10000x16xf32>
    %get3A_41 = arith.constant 0 : index
    %get3A_42 = arith.constant 0 : index
    %get3A_43 = vector.load %arg5[%get3A_41, %get3A_42] : memref<1x16xf32, #tpu.memory_space<vmem>>, vector<1x16xf32>
    %add3A_44 = vector.broadcast %get3A_43 : vector<1x16xf32> to vector<10000x16xf32>
    %add3A_45 = arith.addf %dot_general3A_40, %add3A_44 : vector<10000x16xf32>
    %swap3A_46 = arith.constant 0 : index
    %swap3A_47 = arith.constant 0 : index
    %swap3A_48 = vector.load %arg6[%swap3A_46, %swap3A_47] : memref<10000x16xf32, #tpu.memory_space<vmem>>, vector<10000x16xf32>
    tpu.vector_store %arg6[%swap3A_46, %swap3A_47], %add3A_45 {strides = array<i32>} : memref<10000x16xf32, #tpu.memory_space<vmem>>, vector<10000x16xf32>,
    return
  }
}

</mosaic_0001>

<sc_bundles>
// kernel: kernel.11.cloned.1.call-start
scs
__scs_entry_jumppad:
0x0: {  	(pc) =	sbr.rel $0x88, $3  }
0x1: {  	(tag) =	ssettag $0x0;
	lr =	simm.s32 $0x1  }
0x2: {  	[smem:$0x3F93] =	sst lr;
	_ =	strace $0xD0000000  }
0x3: {  	_ = 	snop  }
0x4: {  	_ = 	snop  }
0x5: {  	_ = 	snop  }
0x6: {  	_ = 	snop  }
0x7: {  	_ = 	snop  }
__scs_overlays_trampoline_lowered:
0x8: {  	[smem:$0x3FA2] =	sst s0  }
0x9: {  	[smem:$0x3FA3] =	sst s1  }
0xa: {  	[smem:$0x3FA4] =	sst s2  }
0xb: {  	[smem:$0x3FA5] =	sst s3  }
0xc: {  	[smem:$0x3FA6] =	sst s4  }
0xd: {  	[smem:$0x3FA7] =	sst s5  }
0xe: {  	[smem:$0x3FA8] =	sst s6  }
0xf: {  	[smem:$0x3FA9] =	sst s7  }
0x10: {  	[smem:$0x3FAA] =	sst s8  }
0x11: {  	[smem:$0x3FAB] =	sst s9;
	s0 =	simm.s32 @!p0 $0x0  }
0x12: {  	s1 =	sld [smem:$0x3F91];
	s0 =	simm.s32 @p0 $0x1  }
0x13: {  	[smem:$0x3FAC] =	sst s0;
	s0 =	simm.s32 @!p1 $0x0  }
0x14: {  	s2 =	sld [smem:$0x3F90];
	s0 =	simm.s32 @p1 $0x1  }
0x15: {  	[smem:$0x3FAD] =	sst s0;
	s0 =	simm.s32 @!p2 $0x0  }
0x16: {  	s3 =	sld [smem:$0x3FDB];
	s0 =	simm.s32 @p2 $0x1  }
0x17: {  	s4 =	simm.s32 $0x1BF5;
	[smem:$0x3FAF] =	sst s0  }
0x18: {  	s0 =	sld [smem:$0x3F92];
	_ =	swait.ge [sflag:s4], $0x0  }
0x19: {  	s7 =	sld [smem:$0x3F93]  }
0x1a: {  	s8 =	sadd.s32 $0xFFFFE003, lr  }
0x1b: {  	s9 =	sadd.s32 $0xFFFFFEF7, lr;
	s5 =	simm.s32 $0xFFFFFFFF;
	p2 =	slt.u32 s8, $0xFFFFF086  }
0x1c: {  	p1 =	slt.u32 s9, $0xF7A;
	s5 =	simm.s32 @!p2 $0x0  }
0x1d: {  	s5 =	simm.s32 @p1 $0x1;
	p0 =	seq.s32 s7, s2  }
0x1e: {  	s7 =	smul.u32 @!p0 $0xF7A, s2;
	p2 =	seq.s32 @!p0 s5, $0x0  }
0x1f: {  	s9 =	smul.u32 $0xF7A, s1;
	s8 =	simm.s32 @!p0 $0x1BF5;
	p2 =	por !p2, p0  }
0x20: {  	[sflag:s8] =	ssyncset.s32 @!p0 $0xFFFFF086;
	s6 =	sadd.s32 @!p0 s3, s7;
	s7 =	simm.s32 @!p0 $0x108  }
0x21: {  	s3 =	sadd.s32 s3, s9;
	s6 =	sadd.s32 @!p0 $0x88, s6;
	s7 =	simm.s32 @p2 $0x1082  }
0x22: {  	[simem:s7], [sflag:s8] =	dma.local @!p0 [hbm:s6], $0xF7A  }
0x23: {  	s9 =	sor.u32 $0xD0000000, s2;
	s6 =	simm.s32 $0x108;
	_ =	swait.ge @!p0 [sflag:s8], $0x0  }
0x24: {  	s3 =	sadd.s32 $0x88, s3;
	s6 =	simm.s32 @!p1 $0x1082;
	[sflag:s4] =	ssyncset.s32 $0xFFFFF086  }
0x25: {  	[simem:s6], [sflag:s4] =	dma.local [hbm:s3], $0xF7A  }
0x26: {  	[smem:$0x3F93] =	sst s1;
	(tag) =	ssettag s2;
	_ =	strace s9  }
0x27: {  	s1 =	sld [smem:$0x3FA3]  }
0x28: {  	s2 =	sld [smem:$0x3FA4]  }
0x29: {  	s4 =	sld [smem:$0x3FA6]  }
0x2a: {  	p0 =	seq.s32 s5, $0x0;
	s5 =	sld [smem:$0x3FA7]  }
0x2b: {  	s6 =	sld [smem:$0x3FA8]  }
0x2c: {  	s7 =	sld [smem:$0x3FA9]  }
0x2d: {  	s3 =	simm.s32 $0x108;
	s8 =	sld [smem:$0x3FAA]  }
0x2e: {  	s3 =	simm.s32 @!p0 $0x1082;
	s9 =	sld [smem:$0x3FAB]  }
0x2f: {  	lr =	sadd.s32 s0, s3;
	s0 =	sld [smem:$0x3FA2]  }
0x30: {  	s3 =	sld [smem:$0x3FA5]  }
0x31: {  	[smem:$0x3FAE] =	sst s10  }
0x32: {  	s10 =	sld [smem:$0x3FAC];
	_ =	sdelay $0x3  }
0x33: {  	p0 =	seq.s32 s10, $0x1;
	s10 =	sld [smem:$0x3FAE];
	_ =	sdelay $0x3  }
0x34: {  	[smem:$0x3FAE] =	sst s10  }
0x35: {  	s10 =	sld [smem:$0x3FAD];
	_ =	sdelay $0x3  }
0x36: {  	p1 =	seq.s32 s10, $0x1;
	s10 =	sld [smem:$0x3FAE];
	_ =	sdelay $0x3  }
0x37: {  	[smem:$0x3FAE] =	sst s10  }
0x38: {  	s10 =	sld [smem:$0x3FAF]  }
0x39: {  	_ = 	snop;
	(pc) =	sbr.ind lr, $3  }
0x3a: {  	_ = 	snop  }
0x3b: {  	_ = 	snop  }
0x3c: {  	p2 =	seq.s32 s10, $0x1;
	s10 =	sld [smem:$0x3FAE]  }
0x3d: {  	_ =	shalt  }
0x3e: {  	_ =	shalt  }
0x3f: {  	_ =	shalt  }
0x40: {  	_ =	shalt  }
0x41: {  	_ =	shalt  }
0x42: {  	_ =	shalt  }
0x43: {  	_ =	shalt  }
0x44: {  	_ =	shalt  }
0x45: {  	_ =	shalt  }
0x46: {  	_ =	shalt  }
0x47: {  	_ =	shalt  }
0x48: {  	_ =	shalt  }
0x49: {  	_ =	shalt  }
0x4a: {  	_ =	shalt  }
0x4b: {  	_ =	shalt  }
0x4c: {  	_ =	shalt  }
0x4d: {  	_ =	shalt  }
0x4e: {  	_ =	shalt  }
0x4f: {  	_ =	shalt  }
0x50: {  	_ =	shalt  }
0x51: {  	_ =	shalt  }
0x52: {  	_ =	shalt  }
0x53: {  	_ =	shalt  }
0x54: {  	_ =	shalt  }
0x55: {  	_ =	shalt  }
0x56: {  	_ =	shalt  }
0x57: {  	_ =	shalt  }
0x58: {  	_ =	shalt  }
0x59: {  	_ =	shalt  }
0x5a: {  	_ =	shalt  }
0x5b: {  	_ =	shalt  }
0x5c: {  	_ =	shalt  }
0x5d: {  	_ =	shalt  }
0x5e: {  	_ =	shalt  }
0x5f: {  	_ =	shalt  }
0x60: {  	_ =	shalt  }
0x61: {  	_ =	shalt  }
0x62: {  	_ =	shalt  }
0x63: {  	_ =	shalt  }
0x64: {  	_ =	shalt  }
0x65: {  	_ =	shalt  }
0x66: {  	_ =	shalt  }
0x67: {  	_ =	shalt  }
0x68: {  	_ =	shalt  }
0x69: {  	_ =	shalt  }
0x6a: {  	_ =	shalt  }
0x6b: {  	_ =	shalt  }
0x6c: {  	_ =	shalt  }
0x6d: {  	_ =	shalt  }
0x6e: {  	_ =	shalt  }
0x6f: {  	_ =	shalt  }
0x70: {  	_ =	shalt  }
0x71: {  	_ =	shalt  }
0x72: {  	_ =	shalt  }
0x73: {  	_ =	shalt  }
0x74: {  	_ =	shalt  }
0x75: {  	_ =	shalt  }
0x76: {  	_ =	shalt  }
0x77: {  	_ =	shalt  }
0x78: {  	_ =	shalt  }
0x79: {  	_ =	shalt  }
0x7a: {  	_ =	shalt  }
0x7b: {  	_ =	shalt  }
0x7c: {  	_ =	shalt  }
0x7d: {  	_ =	shalt  }
0x7e: {  	_ =	shalt  }
0x7f: {  	_ =	shalt  }
0x80: {  	_ =	shalt  }
0x81: {  	_ =	shalt  }
0x82: {  	_ =	shalt  }
0x83: {  	_ =	shalt  }
0x84: {  	_ =	shalt  }
0x85: {  	_ =	shalt  }
0x86: {  	_ =	shalt  }
0x87: {  	_ =	shalt  }
.Lfunc_end0:
.L_simem_size_0:
called_computation.1_lowered:
.L_overlay_start_0:
0x88: {  	s2 =	sld [smem:$0x3FD9]  }
0x89: {  	s3 =	sld [smem:$0x3FFE];
	_ =	sdelay $0x1  }
0x8a: {  	s1 =	srdreg.scid  }
0x8b: {  	s0 =	sand.u32 $0x1, s1  }
0x8c: {  	s14 =	sshll.u32 s0, $0xA;
	s2 =	sadd.s32 s3, s2  }
0x8d: {  	s2 =	sadd.s32 s2, s14  }
0x8e: {  	[smem:$0x3FBA] =	sst s2  }
0x8f: {  	_ = 	snop  }
0x90: {  	s2 =	sld [smem:$0x3FD0];
	_ =	sdelay $0x2  }
0x91: {  	s15 =	simm.s32 $0xA;
	s4 =	simm.s32 $0x10  }
0x92: {  	[smem:s4], [sflag:s15] =	dma.local [hbm:s2], $0x1  }
0x93: {  	_ =	swait.eq [sflag:s15], $0x1  }
0x94: {  	[sflag:s15] =	ssyncset.done $0x0  }
0x95: {  	[sflag:s15] =	ssyncadd.s32 $0xFFFFFFFF  }
0x96: {  	s16 =	sld [smem:$0x11];
	(tm) =	ssettm $0x1  }
0x97: {  	s17 =	sld [smem:$0x3FFB];
	_ =	sdelay $0x3  }
0x98: {  	_ =	strace s17  }
0x99: {  	s3 =	sld [smem:$0x3FFC];
	_ =	sdelay $0x3  }
0x9a: {  	_ =	strace s3  }
0x9b: {  	s3 =	sld [smem:$0x3FFD];
	_ =	sdelay $0x3  }
0x9c: {  	_ =	strace s3  }
0x9d: {  	_ =	strace $0x8FFFFFFF  }
0x9e: {  	s18 =	sld [smem:$0x3FDB];
	_ =	sdelay $0x1  }
0x9f: {  	s19 =	simm.s32 $_scs_section_size  }
0xa0: {  	s5 =	simm.s32 $_size__tile_overlayer_lowered;
	s6 =	simm.s32 $_tile_overlayer_lowered  }
0xa1: {  	s22 =	simm.s32 $0x1BFF;
	s21 =	sshll.u32 s6, $0x1;
	s3 =	sadd.s32 s19, s18  }
0xa2: {  	s7 =	simm.s32 $0x0;
	s20 =	sshll.u32 s5, $0x1;
	s5 =	sadd.s32 s21, s3  }
0xa3: {  	[timem:s7], [sflag:s22] =	dma.local [hbm:s5], s20  }
0xa4: {  	_ =	swait.ge [sflag:s22], s20  }
0xa5: {  	s4 =	ssub.s32 $0x0, s20;
	[sflag:s22] =	ssyncset.done $0x0  }
0xa6: {  	[sflag:s22] =	ssyncadd.s32 s4;
	_ =	sdelay $0x1  }
0xa7: {  	s23 =	simm.s32 $0x1B8B  }
0xa8: {  	_ =	swait.ge [sflag:s23], $0x1  }
0xa9: {  	[sflag:s23] =	ssyncset.done $0x0  }
0xaa: {  	s25 =	simm.s32 $0x1B8E;
	s24 =	sld [smem:$0x3FFE];
	[sflag:s23] =	ssyncadd.s32 $0xFFFFFFFF  }
0xab: {  	s26 =	simm.s32 $execute0_lowered;
	[smem:$0x3FD2] =	sst s25  }
0xac: {  	s5 =	sshll.u32 s26, $0x1;
	_ =	strace $0x80000049;
	[dreg:$0x1] =	wrdreg $0xFFFFFFFF  }
0xad: {  	s28 =	simm.s32 $_size_execute0_lowered;
	s3 =	sadd.s32 s3, s5;
	[dreg:$0x0] =	wrdreg $0x0  }
0xae: {  	s5 =	sshll.u32 s28, $0x1;
	[dreg:$0x2] =	wrdreg s3  }
0xaf: {  	[dreg:$0x3] =	wrdreg s5  }
0xb0: {  	[dreg:$0x4] =	wrdreg $0xC0  }
0xb1: {  	_ =	task [dreg:s7], $0x5FFFF  }
0xb2: {  	[dreg:$0x1] =	wrdreg $0xFFFFFFFF  }
0xb3: {  	[dreg:$0x0] =	wrdreg $0x60  }
0xb4: {  	[dreg:$0x2] =	wrdreg s24  }
0xb5: {  	[dreg:$0x3] =	wrdreg s16  }
0xb6: {  	[dreg:$0x4] =	wrdreg $0xA8000  }
0xb7: {  	[dreg:$0x5] =	wrdreg $0x146000  }
0xb8: {  	[dreg:$0x6] =	wrdreg $0x9  }
0xb9: {  	_ =	task.clear_ibuf [dreg:s7], $0x7FFFF;
	_ =	strace $0x90000049  }
0xba: {  	s29 =	simm.s32 $0x9;
	_ =	strace $0x8000004B  }
0xbb: {  	_ =	swait.ge [sflag:s29], $0x1  }
0xbc: {  	[sflag:s29] =	ssyncadd.s32 $0xFFFFFFFF  }
0xbd: {  	_ =	strace $0x9000004B  }
0xbe: {  	_ =	sfence  }
0xbf: {  	s30 =	sld [smem:$0x0];
	_ =	sdelay $0x2  }
0xc0: {  	s31 =	sshll.u32 s1, $0xD;
	s1 =	sshrl.u32 s1, $0x2  }
0xc1: {  	s3 =	sand.u32 $0x4000, s31;
	s1 =	sadd.s32 s1, s30  }
0xc2: {  	s0 =	sor.u32 s3, s0;
	s1 =	sshll.u32 s1, $0x11  }
0xc3: {  	s0 =	sor.u32 s1, s0  }
0xc4: {  	s0 =	sadd.s32 $0x8F2B, s0  }
0xc5: {  	[sflag:s0] =	ssyncadd.remote.s32 $0x1  }
0xc6: {  	_ =	sfence.sel $0xFFFF  }
0xc7: {  	[dreg:$0x0] =	wrdreg $0xFFFFFFFF;
	(pc) =	sbr.abs _section_cstart, $3  }
0xc8: {  	[dreg:$0x1] =	wrdreg $0xFFFFFFFF  }
0xc9: {  	_ =	task.clear_ibuf [dreg:s7], $0x2FFFF;
	_ =	strace $0x9FFFFFFF  }
0xca: {  	(tm) =	ssettm $0x7FFFFFFF  }
0xcb: {  	_ =	shalt  }
tec
execute0_lowered:
.L_overlay_start_1:
0x0: {  	(tag) =	ssettag $0x1  }
0x1: {  	s0 =	rddreg [dreg:$0x0]  }
0x2: {  	s2 =	rddreg [dreg:$0x1]  }
0x3: {  	s1 =	rddreg [dreg:$0x2]  }
0x4: {  	s3 =	rddreg [dreg:$0x3];
	s4 =	simm.s32 $0x0  }
0x5: {  	s16 =	stileid.u32;
	s5 =	srdreg.scid;
	s28 =	simm.s32 $0x1  }
0x6: {  	s29 =	simm.s32 $0x80;
	s30 =	simm.s32 $0x4800;
	s31 =	simm.s32 $0x2  }
0x7: {  	[smem:$0x7FF] =	sst s4;
	s10 =	smul.u32 $0x9E00, s16;
	s11 =	sadd.s32 $0xB000, s0  }
0x8: {  	s12 =	sand.u32 $0x1, s5;
	s13 =	sadd.s32 $0xE00, s0;
	s14 =	smul.u32 $0x2800, s16  }
0x9: {  	s6 =	sadd.s32 $0x9F400, s0;
	s9 =	sshll.u32 s16, $0x6;
	s16 =	smul.u32 $0x500, s16  }
0xa: {  	_ =	strace $0x8000004A;
	s7 =	ssub.s32 $0x2, s12;
	s9 =	sor.u32 $0x1C03, s9  }
0xb: {  	p0 =	seq.s32 s12, $0x1;
	s12 =	simm.s32 $0x2700;
	s5 =	sshrl.u32 s10, $0x3  }
0xc: {  	s18 =	sshrl.u32 s7, $0x1;
	s15 =	sadd.s32 s10, s3;
	s14 =	sshrl.u32 s14, $0x3  }
0xd: {  	s21 =	sadd.s32 s13, s16;
	s8 =	sadd.s32 s5, s0;
	s0 =	ssub.s32 s7, s18  }
0xe: {  	s7 =	sadd.s32 s10, s1;
	s10 =	sadd.s32 s2, s5;
	s19 =	sadd.s32 $0x280, s14  }
0xf: {  	s20 =	sadd.s32 s11, s14;
	[dreg:$0x6] =	wrdreg s21;
	s23 =	sadd.s32 $0x5000, s14  }
0x10: {  	s24 =	sadd.s32 $0x5280, s14;
	s21 =	simm.s32 $0x3;
	s8 =	sadd.s32 $0x8B800, s8  }
0x11: {  	[dreg:$0x5] =	wrdreg s20;
	s22 =	sadd.s32 s11, s19;
	s2 =	sadd.s32 s13, s19  }
0x12: {  	s25 =	sadd.s32 s11, s23;
	s26 =	sadd.s32 s11, s24;
	s18 =	sadd.s32 s13, s24  }
0x13: {  	s19 =	sadd.s32 $0x13C00, s5;
	s20 =	smax.u32 s0, $0x1;
	[dreg:$0x7] =	wrdreg s22  }
.Ltmp0:
0x14: {  	s24 =	simm.s32 $0x100;
	[dreg:$0x8] =	wrdreg s2;
	(pc) =	sbr.rel .LBB2_1-.Ltmp0, $4  }
0x15: {  	s0 =	simm.s32 $0x8800;
	s11 =	simm.s32 $0x2680;
	[dreg:$0x9] =	wrdreg s25  }
0x16: {  	s2 =	sadd.s32 s13, s23;
	[dreg:$0xb] =	wrdreg s26;
	s22 =	sshrl.u32 s15, $0x3  }
0x17: {  	s23 =	simm.s32 $0x1400;
	s25 =	simm.s32 $0x2800;
	s26 =	simm.s32 $0x6800  }
0x18: {  	s13 =	simm.s32 $0x2780;
	[dreg:$0xa] =	wrdreg s2;
	s2 =	simm.s32 $0x2600  }
.LBB2_11:
0x19: {  	[tilespmem:s26], [sflag:$0x2] =	stream.indirect.gather [spmem:s3], $0x40, s16, s24, $0xb8;
	[tilespmem:$0x1E400] =	vst v63  }
0x1a: {  	s15 =	smov.u32 s19  }
.LBB2_12:
0x1b: {  	_ =	swait.ge [sflag:s28], $0x4000  }
0x1c: {  	[sflag:s28] =	ssyncset.done $0x0  }
0x1d: {  	[sflag:s28] =	ssyncadd.s32 $0xFFFFC000  }
0x1e: {  	[spmem:s1] =	stream.indirect.scatter.add.f32 [tilespmem:s25], [sflag:$0x3], $0x40, s2, s29, $0xb8;
	[tilespmem:$0x1E400] =	vst v63  }
0x1f: {  	_ =	swait.ge [sflag:s21], $0x2000  }
0x20: {  	[sflag:s21] =	ssyncset.done $0x0  }
0x21: {  	[sflag:s21] =	ssyncadd.s32 $0xFFFFE000  }
0x22: {  	[spmem:s1] =	stream.indirect.scatter.add.f32 [tilespmem:s30], [sflag:$0x3], $0x40, s11, s29, $0xb8;
	[tilespmem:$0x1E400] =	vst v63  }
0x23: {  	_ =	swait.ge [sflag:s21], $0x2000  }
0x24: {  	[sflag:s21] =	ssyncset.done $0x0  }
0x25: {  	[sflag:s21] =	ssyncadd.s32 $0xFFFFE000  }
0x26: {  	_ =	swait.ge [sflag:s31], $0x4000  }
0x27: {  	[sflag:s31] =	ssyncset.done $0x0  }
0x28: {  	[sflag:s31] =	ssyncadd.s32 $0xFFFFC000  }
0x29: {  	[spmem:s1] =	stream.indirect.scatter.add.f32 [tilespmem:s26], [sflag:$0x3], $0x40, s12, s29, $0xb8;
	[tilespmem:$0x1E400] =	vst v63  }
0x2a: {  	_ =	swait.ge [sflag:s21], $0x2000  }
0x2b: {  	[sflag:s21] =	ssyncset.done $0x0  }
0x2c: {  	[sflag:s21] =	ssyncadd.s32 $0xFFFFE000  }
0x2d: {  	[spmem:s1] =	stream.indirect.scatter.add.f32 [tilespmem:s0], [sflag:$0x3], $0x40, s13, s29, $0xb8;
	[tilespmem:$0x1E400] =	vst v63  }
0x2e: {  	_ =	swait.ge [sflag:s21], $0x2000  }
0x2f: {  	s4 =	sadd.s32 $0x1, s4;
	[sflag:s21] =	ssyncset.done $0x0  }
0x30: {  	p1 =	sne.s32 s4, s20;
	[sflag:s21] =	ssyncadd.s32 $0xFFFFE000  }
.Ltmp1:
0x31: {  	s15 =	sadd.s32 s6, s15;
	[bflag:$0x0] =	sbarrier.arrive $0xFFFF;
	(pc) =	sbr.rel @!p1 .LBB2_13-.Ltmp1, $4  }
0x32: {  	[hbm:s15], [sflag:s9] =	dma.local [spmem:s14], $0x13C0  }
0x33: {  	_ =	swait.ge [sflag:s21], $0x13C0  }
0x34: {  	[sflag:s21] =	ssyncset.done $0x0  }
0x35: {  	[sflag:s21] =	ssyncadd.s32 $0xFFFFEC40  }
.LBB2_1:
0x36: {  	s14 =	sshrl.u32 s7, $0x3  }
0x37: {  	[spmem:s14], [sflag:s9] =	dma.local [hbm:s8], $0x13C0  }
0x38: {  	_ =	swait.ge [sflag:s21], $0x13C0  }
0x39: {  	[sflag:s21] =	ssyncset.done $0x0  }
.Ltmp2:
0x3a: {  	[sflag:s21] =	ssyncadd.s32 $0xFFFFEC40;
	(pc) =	sbr.rel @!p0 .LBB2_2-.Ltmp2, $4  }
0x3b: {  	[spmem:s22], [sflag:s9] =	dma.local [hbm:s10], $0x13C0  }
0x3c: {  	_ =	swait.ge [sflag:s21], $0x13C0  }
0x3d: {  	[sflag:s21] =	ssyncset.done $0x0  }
0x3e: {  	s15 =	simm.s32 $0x0;
	[sflag:s21] =	ssyncadd.s32 $0xFFFFEC40  }
0x3f: {  	s16 =	rddreg [dreg:$0x9]  }
0x40: {  	[tilespmem:s15], [sflag:$0x3] =	stream.linear.gather [hbm4b:s16+s15], $0x1400, $0x38;
	[tilespmem:$0x1E400] =	vst v63  }
0x41: {  	_ =	swait.ge [sflag:s21], $0x1400  }
0x42: {  	[sflag:s21] =	ssyncset.done $0x0  }
0x43: {  	s17 =	rddreg [dreg:$0xa];
	[sflag:s21] =	ssyncadd.s32 $0xFFFFEC00  }
0x44: {  	[tilespmem:s23], [sflag:$0x3] =	stream.linear.gather [hbm4b:s17+s15], $0x1400, $0x38;
	[tilespmem:$0x1E400] =	vst v63  }
0x45: {  	_ =	swait.ge [sflag:s21], $0x1400  }
0x46: {  	[sflag:s21] =	ssyncset.done $0x0  }
0x47: {  	[sflag:s21] =	ssyncadd.s32 $0xFFFFEC00  }
0x48: {  	[bflag:$0x0] =	sbarrier.arrive $0xFFFF  }
0x49: {  	[tilespmem:s25], [sflag:$0x1] =	stream.indirect.gather [spmem:s3], $0x40, s15, s24, $0xb8;
	[tilespmem:$0x1E400] =	vst v63  }
0x4a: {  	_ = 	snop  }
0x4b: {  	[tilespmem:s26], [sflag:$0x2] =	stream.indirect.gather [spmem:s3], $0x40, s24, s24, $0xb8;
	[tilespmem:$0x1E400] =	vst v63  }
0x4c: {  	_ =	swait.ge [sflag:s28], $0x4000  }
0x4d: {  	[sflag:s28] =	ssyncset.done $0x0  }
0x4e: {  	s17 =	simm.s32 $0x1400;
	[sflag:s28] =	ssyncadd.s32 $0xFFFFC000  }
0x4f: {  	[spmem:s1] =	stream.indirect.scatter.add.f32 [tilespmem:s25], [sflag:$0x3], $0x40, s17, s29, $0xb8;
	[tilespmem:$0x1E400] =	vst v63  }
0x50: {  	_ =	swait.ge [sflag:s21], $0x2000  }
0x51: {  	[sflag:s21] =	ssyncset.done $0x0  }
0x52: {  	s16 =	simm.s32 $0x1480;
	[sflag:s21] =	ssyncadd.s32 $0xFFFFE000  }
0x53: {  	[spmem:s1] =	stream.indirect.scatter.add.f32 [tilespmem:s30], [sflag:$0x3], $0x40, s16, s29, $0xb8;
	[tilespmem:$0x1E400] =	vst v63  }
0x54: {  	_ =	swait.ge [sflag:s21], $0x2000  }
0x55: {  	[sflag:s21] =	ssyncset.done $0x0  }
0x56: {  	s17 =	simm.s32 $0x200;
	[sflag:s21] =	ssyncadd.s32 $0xFFFFE000  }
0x57: {  	[tilespmem:s25], [sflag:$0x1] =	stream.indirect.gather [spmem:s3], $0x40, s17, s24, $0xb8;
	[tilespmem:$0x1E400] =	vst v63  }
0x58: {  	_ =	swait.ge [sflag:s31], $0x4000  }
0x59: {  	[sflag:s31] =	ssyncset.done $0x0  }
0x5a: {  	s16 =	simm.s32 $0x1500;
	[sflag:s31] =	ssyncadd.s32 $0xFFFFC000  }
0x5b: {  	[spmem:s1] =	stream.indirect.scatter.add.f32 [tilespmem:s26], [sflag:$0x3], $0x40, s16, s29, $0xb8;
	[tilespmem:$0x1E400] =	vst v63  }
0x5c: {  	_ =	swait.ge [sflag:s21], $0x2000  }
0x5d: {  	[sflag:s21] =	ssyncset.done $0x0  }
0x5e: {  	s17 =	simm.s32 $0x1580;
	[sflag:s21] =	ssyncadd.s32 $0xFFFFE000  }
0x5f: {  	[spmem:s1] =	stream.indirect.scatter.add.f32 [tilespmem:s0], [sflag:$0x3], $0x40, s17, s29, $0xb8;
	[tilespmem:$0x1E400] =	vst v63  }
0x60: {  	_ =	swait.ge [sflag:s21], $0x2000  }
0x61: {  	[sflag:s21] =	ssyncset.done $0x0  }
0x62: {  	s15 =	simm.s32 $0x800;
	s16 =	simm.s32 $0x300;
	[sflag:s21] =	ssyncadd.s32 $0xFFFFE000  }
.LBB2_8:
0x63: {  	[tilespmem:s26], [sflag:$0x2] =	stream.indirect.gather [spmem:s3], $0x40, s16, s24, $0xb8;
	[tilespmem:$0x1E400] =	vst v63  }
0x64: {  	s16 =	smov.u32 s15  }
0x65: {  	p1 =	sne.s32 s15, $0x4000;
	s15 =	sadd.s32 $0x800, s15;
	_ =	swait.ge [sflag:s28], $0x4000  }
0x66: {  	s16 =	sshra.s32 s16, $0x2;
	[sflag:s28] =	ssyncset.done $0x0  }
0x67: {  	s17 =	sadd.s32 $0x1400, s16;
	[sflag:s28] =	ssyncadd.s32 $0xFFFFC000  }
0x68: {  	[spmem:s1] =	stream.indirect.scatter.add.f32 [tilespmem:s25], [sflag:$0x3], $0x40, s17, s29, $0xb8;
	[tilespmem:$0x1E400] =	vst v63  }
0x69: {  	_ =	swait.ge [sflag:s21], $0x2000  }
0x6a: {  	[sflag:s21] =	ssyncset.done $0x0  }
0x6b: {  	s17 =	sadd.s32 $0x1480, s16;
	[sflag:s21] =	ssyncadd.s32 $0xFFFFE000  }
0x6c: {  	[spmem:s1] =	stream.indirect.scatter.add.f32 [tilespmem:s30], [sflag:$0x3], $0x40, s17, s29, $0xb8;
	[tilespmem:$0x1E400] =	vst v63  }
0x6d: {  	_ =	swait.ge [sflag:s21], $0x2000  }
0x6e: {  	[sflag:s21] =	ssyncset.done $0x0  }
0x6f: {  	s17 =	sadd.s32 $0x200, s16;
	[sflag:s21] =	ssyncadd.s32 $0xFFFFE000  }
0x70: {  	[tilespmem:s25], [sflag:$0x1] =	stream.indirect.gather [spmem:s3], $0x40, s17, s24, $0xb8;
	[tilespmem:$0x1E400] =	vst v63  }
0x71: {  	_ =	swait.ge [sflag:s31], $0x4000  }
0x72: {  	[sflag:s31] =	ssyncset.done $0x0  }
0x73: {  	s17 =	sadd.s32 $0x1500, s16;
	[sflag:s31] =	ssyncadd.s32 $0xFFFFC000  }
0x74: {  	[spmem:s1] =	stream.indirect.scatter.add.f32 [tilespmem:s26], [sflag:$0x3], $0x40, s17, s29, $0xb8;
	[tilespmem:$0x1E400] =	vst v63  }
0x75: {  	_ =	swait.ge [sflag:s21], $0x2000  }
0x76: {  	[sflag:s21] =	ssyncset.done $0x0  }
.Ltmp3:
0x77: {  	s17 =	sadd.s32 $0x1580, s16;
	[sflag:s21] =	ssyncadd.s32 $0xFFFFE000;
	(pc) =	sbr.rel @p1 .LBB2_8-.Ltmp3, $4  }
0x78: {  	[spmem:s1] =	stream.indirect.scatter.add.f32 [tilespmem:s0], [sflag:$0x3], $0x40, s17, s29, $0xb8;
	[tilespmem:$0x1E400] =	vst v63  }
0x79: {  	_ =	swait.ge [sflag:s21], $0x2000  }
0x7a: {  	[sflag:s21] =	ssyncset.done $0x0  }
0x7b: {  	s16 =	sadd.s32 $0x300, s16;
	[sflag:s21] =	ssyncadd.s32 $0xFFFFE000  }
0x7c: {  	[tilespmem:s26], [sflag:$0x2] =	stream.indirect.gather [spmem:s3], $0x40, s16, s24, $0xb8;
	[tilespmem:$0x1E400] =	vst v63  }
0x7d: {  	_ =	swait.ge [sflag:s28], $0x4000  }
0x7e: {  	[sflag:s28] =	ssyncset.done $0x0  }
0x7f: {  	[sflag:s28] =	ssyncadd.s32 $0xFFFFC000  }
0x80: {  	[spmem:s1] =	stream.indirect.scatter.add.f32 [tilespmem:s25], [sflag:$0x3], $0x40, s2, s29, $0xb8;
	[tilespmem:$0x1E400] =	vst v63  }
0x81: {  	_ =	swait.ge [sflag:s21], $0x2000  }
0x82: {  	[sflag:s21] =	ssyncset.done $0x0  }
0x83: {  	[sflag:s21] =	ssyncadd.s32 $0xFFFFE000  }
0x84: {  	[spmem:s1] =	stream.indirect.scatter.add.f32 [tilespmem:s30], [sflag:$0x3], $0x40, s11, s29, $0xb8;
	[tilespmem:$0x1E400] =	vst v63  }
0x85: {  	_ =	swait.ge [sflag:s21], $0x2000  }
0x86: {  	[sflag:s21] =	ssyncset.done $0x0  }
0x87: {  	[sflag:s21] =	ssyncadd.s32 $0xFFFFE000  }
0x88: {  	_ =	swait.ge [sflag:s31], $0x4000  }
0x89: {  	[sflag:s31] =	ssyncset.done $0x0  }
0x8a: {  	[sflag:s31] =	ssyncadd.s32 $0xFFFFC000  }
0x8b: {  	[spmem:s1] =	stream.indirect.scatter.add.f32 [tilespmem:s26], [sflag:$0x3], $0x40, s12, s29, $0xb8;
	[tilespmem:$0x1E400] =	vst v63  }
0x8c: {  	_ =	swait.ge [sflag:s21], $0x2000  }
0x8d: {  	[sflag:s21] =	ssyncset.done $0x0  }
0x8e: {  	[sflag:s21] =	ssyncadd.s32 $0xFFFFE000  }
0x8f: {  	[spmem:s1] =	stream.indirect.scatter.add.f32 [tilespmem:s0], [sflag:$0x3], $0x40, s13, s29, $0xb8;
	[tilespmem:$0x1E400] =	vst v63  }
0x90: {  	_ =	swait.ge [sflag:s21], $0x2000  }
0x91: {  	[sflag:s21] =	ssyncset.done $0x0  }
0x92: {  	s15 =	simm.s32 $0x0;
	s17 =	rddreg [dreg:$0xb];
	[sflag:s21] =	ssyncadd.s32 $0xFFFFE000  }
0x93: {  	[tilespmem:s15], [sflag:$0x3] =	stream.linear.gather [hbm4b:s17+s15], $0x1400, $0x38;
	[tilespmem:$0x1E400] =	vst v63  }
0x94: {  	_ =	swait.ge [sflag:s21], $0x1400  }
0x95: {  	[sflag:s21] =	ssyncset.done $0x0  }
0x96: {  	[sflag:s21] =	ssyncadd.s32 $0xFFFFEC00  }
0x97: {  	[tilespmem:s23], [sflag:$0x3] =	stream.linear.gather [hbm4b:s18+s15], $0x1400, $0x38;
	[tilespmem:$0x1E400] =	vst v63  }
0x98: {  	_ =	swait.ge [sflag:s21], $0x1400  }
0x99: {  	[sflag:s21] =	ssyncset.done $0x0  }
0x9a: {  	[sflag:s21] =	ssyncadd.s32 $0xFFFFEC00  }
0x9b: {  	[tilespmem:s25], [sflag:$0x1] =	stream.indirect.gather [spmem:s3], $0x40, s15, s24, $0xb8;
	[tilespmem:$0x1E400] =	vst v63  }
0x9c: {  	_ = 	snop  }
0x9d: {  	[tilespmem:s26], [sflag:$0x2] =	stream.indirect.gather [spmem:s3], $0x40, s24, s24, $0xb8;
	[tilespmem:$0x1E400] =	vst v63  }
0x9e: {  	_ =	swait.ge [sflag:s28], $0x4000  }
0x9f: {  	[sflag:s28] =	ssyncset.done $0x0  }
0xa0: {  	s17 =	simm.s32 $0x1400;
	[sflag:s28] =	ssyncadd.s32 $0xFFFFC000  }
0xa1: {  	[spmem:s1] =	stream.indirect.scatter.add.f32 [tilespmem:s25], [sflag:$0x3], $0x40, s17, s29, $0xb8;
	[tilespmem:$0x1E400] =	vst v63  }
0xa2: {  	_ =	swait.ge [sflag:s21], $0x2000  }
0xa3: {  	[sflag:s21] =	ssyncset.done $0x0  }
0xa4: {  	s16 =	simm.s32 $0x1480;
	[sflag:s21] =	ssyncadd.s32 $0xFFFFE000  }
0xa5: {  	[spmem:s1] =	stream.indirect.scatter.add.f32 [tilespmem:s30], [sflag:$0x3], $0x40, s16, s29, $0xb8;
	[tilespmem:$0x1E400] =	vst v63  }
0xa6: {  	_ =	swait.ge [sflag:s21], $0x2000  }
0xa7: {  	[sflag:s21] =	ssyncset.done $0x0  }
0xa8: {  	s17 =	simm.s32 $0x200;
	[sflag:s21] =	ssyncadd.s32 $0xFFFFE000  }
0xa9: {  	[tilespmem:s25], [sflag:$0x1] =	stream.indirect.gather [spmem:s3], $0x40, s17, s24, $0xb8;
	[tilespmem:$0x1E400] =	vst v63  }
0xaa: {  	_ =	swait.ge [sflag:s31], $0x4000  }
0xab: {  	[sflag:s31] =	ssyncset.done $0x0  }
0xac: {  	s16 =	simm.s32 $0x1500;
	[sflag:s31] =	ssyncadd.s32 $0xFFFFC000  }
0xad: {  	[spmem:s1] =	stream.indirect.scatter.add.f32 [tilespmem:s26], [sflag:$0x3], $0x40, s16, s29, $0xb8;
	[tilespmem:$0x1E400] =	vst v63  }
0xae: {  	_ =	swait.ge [sflag:s21], $0x2000  }
0xaf: {  	[sflag:s21] =	ssyncset.done $0x0  }
0xb0: {  	s17 =	simm.s32 $0x1580;
	[sflag:s21] =	ssyncadd.s32 $0xFFFFE000  }
0xb1: {  	[spmem:s1] =	stream.indirect.scatter.add.f32 [tilespmem:s0], [sflag:$0x3], $0x40, s17, s29, $0xb8;
	[tilespmem:$0x1E400] =	vst v63  }
0xb2: {  	_ =	swait.ge [sflag:s21], $0x2000  }
0xb3: {  	[sflag:s21] =	ssyncset.done $0x0  }
0xb4: {  	s15 =	simm.s32 $0x800;
	s16 =	simm.s32 $0x300;
	[sflag:s21] =	ssyncadd.s32 $0xFFFFE000  }
.LBB2_10:
0xb5: {  	[tilespmem:s26], [sflag:$0x2] =	stream.indirect.gather [spmem:s3], $0x40, s16, s24, $0xb8;
	[tilespmem:$0x1E400] =	vst v63  }
0xb6: {  	s16 =	smov.u32 s15  }
0xb7: {  	p1 =	sne.s32 s15, $0x4000;
	s15 =	sadd.s32 $0x800, s15;
	_ =	swait.ge [sflag:s28], $0x4000  }
0xb8: {  	s16 =	sshra.s32 s16, $0x2;
	[sflag:s28] =	ssyncset.done $0x0  }
0xb9: {  	s17 =	sadd.s32 $0x1400, s16;
	[sflag:s28] =	ssyncadd.s32 $0xFFFFC000  }
0xba: {  	[spmem:s1] =	stream.indirect.scatter.add.f32 [tilespmem:s25], [sflag:$0x3], $0x40, s17, s29, $0xb8;
	[tilespmem:$0x1E400] =	vst v63  }
0xbb: {  	_ =	swait.ge [sflag:s21], $0x2000  }
0xbc: {  	[sflag:s21] =	ssyncset.done $0x0  }
0xbd: {  	s17 =	sadd.s32 $0x1480, s16;
	[sflag:s21] =	ssyncadd.s32 $0xFFFFE000  }
0xbe: {  	[spmem:s1] =	stream.indirect.scatter.add.f32 [tilespmem:s30], [sflag:$0x3], $0x40, s17, s29, $0xb8;
	[tilespmem:$0x1E400] =	vst v63  }
0xbf: {  	_ =	swait.ge [sflag:s21], $0x2000  }
0xc0: {  	[sflag:s21] =	ssyncset.done $0x0  }
0xc1: {  	s17 =	sadd.s32 $0x200, s16;
	[sflag:s21] =	ssyncadd.s32 $0xFFFFE000  }
0xc2: {  	[tilespmem:s25], [sflag:$0x1] =	stream.indirect.gather [spmem:s3], $0x40, s17, s24, $0xb8;
	[tilespmem:$0x1E400] =	vst v63  }
0xc3: {  	_ =	swait.ge [sflag:s31], $0x4000  }
0xc4: {  	[sflag:s31] =	ssyncset.done $0x0  }
0xc5: {  	s17 =	sadd.s32 $0x1500, s16;
	[sflag:s31] =	ssyncadd.s32 $0xFFFFC000  }
0xc6: {  	[spmem:s1] =	stream.indirect.scatter.add.f32 [tilespmem:s26], [sflag:$0x3], $0x40, s17, s29, $0xb8;
	[tilespmem:$0x1E400] =	vst v63  }
0xc7: {  	_ =	swait.ge [sflag:s21], $0x2000  }
0xc8: {  	[sflag:s21] =	ssyncset.done $0x0  }
.Ltmp4:
0xc9: {  	s17 =	sadd.s32 $0x1580, s16;
	[sflag:s21] =	ssyncadd.s32 $0xFFFFE000;
	(pc) =	sbr.rel @p1 .LBB2_10-.Ltmp4, $4  }
0xca: {  	[spmem:s1] =	stream.indirect.scatter.add.f32 [tilespmem:s0], [sflag:$0x3], $0x40, s17, s29, $0xb8;
	[tilespmem:$0x1E400] =	vst v63  }
0xcb: {  	_ =	swait.ge [sflag:s21], $0x2000  }
0xcc: {  	[sflag:s21] =	ssyncset.done $0x0  }
0xcd: {  	s16 =	sadd.s32 $0x300, s16;
	[sflag:s21] =	ssyncadd.s32 $0xFFFFE000  }
.Ltmp5:
0xce: {  	_ = 	snop;
	(pc) =	sbr.rel .LBB2_11-.Ltmp5, $1  }
0xcf: {  	_ =	sdelay $0x3  }
.LBB2_2:
0xd0: {  	s16 =	rddreg [dreg:$0x5]  }
0xd1: {  	[tilespmem:s15], [sflag:$0x3] =	stream.linear.gather [hbm4b:s16+s15], $0x1400, $0x38;
	[tilespmem:$0x1E400] =	vst v63  }
0xd2: {  	_ =	swait.ge [sflag:s21], $0x1400  }
0xd3: {  	[sflag:s21] =	ssyncset.done $0x0  }
0xd4: {  	s17 =	rddreg [dreg:$0x6];
	[sflag:s21] =	ssyncadd.s32 $0xFFFFEC00  }
0xd5: {  	[tilespmem:s23], [sflag:$0x3] =	stream.linear.gather [hbm4b:s17+s15], $0x1400, $0x38;
	[tilespmem:$0x1E400] =	vst v63  }
0xd6: {  	_ =	swait.ge [sflag:s21], $0x1400  }
0xd7: {  	[sflag:s21] =	ssyncset.done $0x0  }
0xd8: {  	[sflag:s21] =	ssyncadd.s32 $0xFFFFEC00  }
0xd9: {  	[bflag:$0x0] =	sbarrier.arrive $0xFFFF  }
0xda: {  	[tilespmem:s25], [sflag:$0x1] =	stream.indirect.gather [spmem:s3], $0x40, s15, s24, $0xb8;
	[tilespmem:$0x1E400] =	vst v63  }
0xdb: {  	_ = 	snop  }
0xdc: {  	[tilespmem:s26], [sflag:$0x2] =	stream.indirect.gather [spmem:s3], $0x40, s24, s24, $0xb8;
	[tilespmem:$0x1E400] =	vst v63  }
0xdd: {  	_ =	swait.ge [sflag:s28], $0x4000  }
0xde: {  	[sflag:s28] =	ssyncset.done $0x0  }
0xdf: {  	s17 =	simm.s32 $0x1400;
	[sflag:s28] =	ssyncadd.s32 $0xFFFFC000  }
0xe0: {  	[spmem:s1] =	stream.indirect.scatter.add.f32 [tilespmem:s25], [sflag:$0x3], $0x40, s17, s29, $0xb8;
	[tilespmem:$0x1E400] =	vst v63  }
0xe1: {  	_ =	swait.ge [sflag:s21], $0x2000  }
0xe2: {  	[sflag:s21] =	ssyncset.done $0x0  }
0xe3: {  	s16 =	simm.s32 $0x1480;
	[sflag:s21] =	ssyncadd.s32 $0xFFFFE000  }
0xe4: {  	[spmem:s1] =	stream.indirect.scatter.add.f32 [tilespmem:s30], [sflag:$0x3], $0x40, s16, s29, $0xb8;
	[tilespmem:$0x1E400] =	vst v63  }
0xe5: {  	_ =	swait.ge [sflag:s21], $0x2000  }
0xe6: {  	[sflag:s21] =	ssyncset.done $0x0  }
0xe7: {  	s17 =	simm.s32 $0x200;
	[sflag:s21] =	ssyncadd.s32 $0xFFFFE000  }
0xe8: {  	[tilespmem:s25], [sflag:$0x1] =	stream.indirect.gather [spmem:s3], $0x40, s17, s24, $0xb8;
	[tilespmem:$0x1E400] =	vst v63  }
0xe9: {  	_ =	swait.ge [sflag:s31], $0x4000  }
0xea: {  	[sflag:s31] =	ssyncset.done $0x0  }
0xeb: {  	s16 =	simm.s32 $0x1500;
	[sflag:s31] =	ssyncadd.s32 $0xFFFFC000  }
0xec: {  	[spmem:s1] =	stream.indirect.scatter.add.f32 [tilespmem:s26], [sflag:$0x3], $0x40, s16, s29, $0xb8;
	[tilespmem:$0x1E400] =	vst v63  }
0xed: {  	_ =	swait.ge [sflag:s21], $0x2000  }
0xee: {  	[sflag:s21] =	ssyncset.done $0x0  }
0xef: {  	s17 =	simm.s32 $0x1580;
	[sflag:s21] =	ssyncadd.s32 $0xFFFFE000  }
0xf0: {  	[spmem:s1] =	stream.indirect.scatter.add.f32 [tilespmem:s0], [sflag:$0x3], $0x40, s17, s29, $0xb8;
	[tilespmem:$0x1E400] =	vst v63  }
0xf1: {  	_ =	swait.ge [sflag:s21], $0x2000  }
0xf2: {  	[sflag:s21] =	ssyncset.done $0x0  }
0xf3: {  	s15 =	simm.s32 $0x800;
	s16 =	simm.s32 $0x300;
	[sflag:s21] =	ssyncadd.s32 $0xFFFFE000  }
.LBB2_3:
0xf4: {  	[tilespmem:s26], [sflag:$0x2] =	stream.indirect.gather [spmem:s3], $0x40, s16, s24, $0xb8;
	[tilespmem:$0x1E400] =	vst v63  }
0xf5: {  	s16 =	smov.u32 s15  }
0xf6: {  	p1 =	sne.s32 s15, $0x4000;
	s15 =	sadd.s32 $0x800, s15;
	_ =	swait.ge [sflag:s28], $0x4000  }
0xf7: {  	s16 =	sshra.s32 s16, $0x2;
	[sflag:s28] =	ssyncset.done $0x0  }
0xf8: {  	s17 =	sadd.s32 $0x1400, s16;
	[sflag:s28] =	ssyncadd.s32 $0xFFFFC000  }
0xf9: {  	[spmem:s1] =	stream.indirect.scatter.add.f32 [tilespmem:s25], [sflag:$0x3], $0x40, s17, s29, $0xb8;
	[tilespmem:$0x1E400] =	vst v63  }
0xfa: {  	_ =	swait.ge [sflag:s21], $0x2000  }
0xfb: {  	[sflag:s21] =	ssyncset.done $0x0  }
0xfc: {  	s17 =	sadd.s32 $0x1480, s16;
	[sflag:s21] =	ssyncadd.s32 $0xFFFFE000  }
0xfd: {  	[spmem:s1] =	stream.indirect.scatter.add.f32 [tilespmem:s30], [sflag:$0x3], $0x40, s17, s29, $0xb8;
	[tilespmem:$0x1E400] =	vst v63  }
0xfe: {  	_ =	swait.ge [sflag:s21], $0x2000  }
0xff: {  	[sflag:s21] =	ssyncset.done $0x0  }
0x100: {  	s17 =	sadd.s32 $0x200, s16;
	[sflag:s21] =	ssyncadd.s32 $0xFFFFE000  }
0x101: {  	[tilespmem:s25], [sflag:$0x1] =	stream.indirect.gather [spmem:s3], $0x40, s17, s24, $0xb8;
	[tilespmem:$0x1E400] =	vst v63  }
0x102: {  	_ =	swait.ge [sflag:s31], $0x4000  }
0x103: {  	[sflag:s31] =	ssyncset.done $0x0  }
0x104: {  	s17 =	sadd.s32 $0x1500, s16;
	[sflag:s31] =	ssyncadd.s32 $0xFFFFC000  }
0x105: {  	[spmem:s1] =	stream.indirect.scatter.add.f32 [tilespmem:s26], [sflag:$0x3], $0x40, s17, s29, $0xb8;
	[tilespmem:$0x1E400] =	vst v63  }
0x106: {  	_ =	swait.ge [sflag:s21], $0x2000  }
0x107: {  	[sflag:s21] =	ssyncset.done $0x0  }
.Ltmp6:
0x108: {  	s17 =	sadd.s32 $0x1580, s16;
	[sflag:s21] =	ssyncadd.s32 $0xFFFFE000;
	(pc) =	sbr.rel @p1 .LBB2_3-.Ltmp6, $4  }
0x109: {  	[spmem:s1] =	stream.indirect.scatter.add.f32 [tilespmem:s0], [sflag:$0x3], $0x40, s17, s29, $0xb8;
	[tilespmem:$0x1E400] =	vst v63  }
0x10a: {  	_ =	swait.ge [sflag:s21], $0x2000  }
0x10b: {  	[sflag:s21] =	ssyncset.done $0x0  }
0x10c: {  	s16 =	sadd.s32 $0x300, s16;
	[sflag:s21] =	ssyncadd.s32 $0xFFFFE000  }
0x10d: {  	[tilespmem:s26], [sflag:$0x2] =	stream.indirect.gather [spmem:s3], $0x40, s16, s24, $0xb8;
	[tilespmem:$0x1E400] =	vst v63  }
0x10e: {  	_ =	swait.ge [sflag:s28], $0x4000  }
0x10f: {  	[sflag:s28] =	ssyncset.done $0x0  }
0x110: {  	[sflag:s28] =	ssyncadd.s32 $0xFFFFC000  }
0x111: {  	[spmem:s1] =	stream.indirect.scatter.add.f32 [tilespmem:s25], [sflag:$0x3], $0x40, s2, s29, $0xb8;
	[tilespmem:$0x1E400] =	vst v63  }
0x112: {  	_ =	swait.ge [sflag:s21], $0x2000  }
0x113: {  	[sflag:s21] =	ssyncset.done $0x0  }
0x114: {  	[sflag:s21] =	ssyncadd.s32 $0xFFFFE000  }
0x115: {  	[spmem:s1] =	stream.indirect.scatter.add.f32 [tilespmem:s30], [sflag:$0x3], $0x40, s11, s29, $0xb8;
	[tilespmem:$0x1E400] =	vst v63  }
0x116: {  	_ =	swait.ge [sflag:s21], $0x2000  }
0x117: {  	[sflag:s21] =	ssyncset.done $0x0  }
0x118: {  	[sflag:s21] =	ssyncadd.s32 $0xFFFFE000  }
0x119: {  	_ =	swait.ge [sflag:s31], $0x4000  }
0x11a: {  	[sflag:s31] =	ssyncset.done $0x0  }
0x11b: {  	[sflag:s31] =	ssyncadd.s32 $0xFFFFC000  }
0x11c: {  	[spmem:s1] =	stream.indirect.scatter.add.f32 [tilespmem:s26], [sflag:$0x3], $0x40, s12, s29, $0xb8;
	[tilespmem:$0x1E400] =	vst v63  }
0x11d: {  	_ =	swait.ge [sflag:s21], $0x2000  }
0x11e: {  	[sflag:s21] =	ssyncset.done $0x0  }
0x11f: {  	[sflag:s21] =	ssyncadd.s32 $0xFFFFE000  }
0x120: {  	[spmem:s1] =	stream.indirect.scatter.add.f32 [tilespmem:s0], [sflag:$0x3], $0x40, s13, s29, $0xb8;
	[tilespmem:$0x1E400] =	vst v63  }
0x121: {  	_ =	swait.ge [sflag:s21], $0x2000  }
0x122: {  	[sflag:s21] =	ssyncset.done $0x0  }
0x123: {  	s15 =	simm.s32 $0x0;
	s17 =	rddreg [dreg:$0x7];
	[sflag:s21] =	ssyncadd.s32 $0xFFFFE000  }
0x124: {  	[tilespmem:s15], [sflag:$0x3] =	stream.linear.gather [hbm4b:s17+s15], $0x1400, $0x38;
	[tilespmem:$0x1E400] =	vst v63  }
0x125: {  	_ =	swait.ge [sflag:s21], $0x1400  }
0x126: {  	[sflag:s21] =	ssyncset.done $0x0  }
0x127: {  	s17 =	rddreg [dreg:$0x8];
	[sflag:s21] =	ssyncadd.s32 $0xFFFFEC00  }
0x128: {  	[tilespmem:s23], [sflag:$0x3] =	stream.linear.gather [hbm4b:s17+s15], $0x1400, $0x38;
	[tilespmem:$0x1E400] =	vst v63  }
0x129: {  	_ =	swait.ge [sflag:s21], $0x1400  }
0x12a: {  	[sflag:s21] =	ssyncset.done $0x0  }
0x12b: {  	[sflag:s21] =	ssyncadd.s32 $0xFFFFEC00  }
0x12c: {  	[tilespmem:s25], [sflag:$0x1] =	stream.indirect.gather [spmem:s3], $0x40, s15, s24, $0xb8;
	[tilespmem:$0x1E400] =	vst v63  }
0x12d: {  	_ = 	snop  }
0x12e: {  	[tilespmem:s26], [sflag:$0x2] =	stream.indirect.gather [spmem:s3], $0x40, s24, s24, $0xb8;
	[tilespmem:$0x1E400] =	vst v63  }
0x12f: {  	_ =	swait.ge [sflag:s28], $0x4000  }
0x130: {  	[sflag:s28] =	ssyncset.done $0x0  }
0x131: {  	s17 =	simm.s32 $0x1400;
	[sflag:s28] =	ssyncadd.s32 $0xFFFFC000  }
0x132: {  	[spmem:s1] =	stream.indirect.scatter.add.f32 [tilespmem:s25], [sflag:$0x3], $0x40, s17, s29, $0xb8;
	[tilespmem:$0x1E400] =	vst v63  }
0x133: {  	_ =	swait.ge [sflag:s21], $0x2000  }
0x134: {  	[sflag:s21] =	ssyncset.done $0x0  }
0x135: {  	s16 =	simm.s32 $0x1480;
	[sflag:s21] =	ssyncadd.s32 $0xFFFFE000  }
0x136: {  	[spmem:s1] =	stream.indirect.scatter.add.f32 [tilespmem:s30], [sflag:$0x3], $0x40, s16, s29, $0xb8;
	[tilespmem:$0x1E400] =	vst v63  }
0x137: {  	_ =	swait.ge [sflag:s21], $0x2000  }
0x138: {  	[sflag:s21] =	ssyncset.done $0x0  }
0x139: {  	s17 =	simm.s32 $0x200;
	[sflag:s21] =	ssyncadd.s32 $0xFFFFE000  }
0x13a: {  	[tilespmem:s25], [sflag:$0x1] =	stream.indirect.gather [spmem:s3], $0x40, s17, s24, $0xb8;
	[tilespmem:$0x1E400] =	vst v63  }
0x13b: {  	_ =	swait.ge [sflag:s31], $0x4000  }
0x13c: {  	[sflag:s31] =	ssyncset.done $0x0  }
0x13d: {  	s16 =	simm.s32 $0x1500;
	[sflag:s31] =	ssyncadd.s32 $0xFFFFC000  }
0x13e: {  	[spmem:s1] =	stream.indirect.scatter.add.f32 [tilespmem:s26], [sflag:$0x3], $0x40, s16, s29, $0xb8;
	[tilespmem:$0x1E400] =	vst v63  }
0x13f: {  	_ =	swait.ge [sflag:s21], $0x2000  }
0x140: {  	[sflag:s21] =	ssyncset.done $0x0  }
0x141: {  	s17 =	simm.s32 $0x1580;
	[sflag:s21] =	ssyncadd.s32 $0xFFFFE000  }
0x142: {  	[spmem:s1] =	stream.indirect.scatter.add.f32 [tilespmem:s0], [sflag:$0x3], $0x40, s17, s29, $0xb8;
	[tilespmem:$0x1E400] =	vst v63  }
0x143: {  	_ =	swait.ge [sflag:s21], $0x2000  }
0x144: {  	[sflag:s21] =	ssyncset.done $0x0  }
0x145: {  	s15 =	simm.s32 $0x800;
	s16 =	simm.s32 $0x300;
	[sflag:s21] =	ssyncadd.s32 $0xFFFFE000  }
.LBB2_5:
0x146: {  	[tilespmem:s26], [sflag:$0x2] =	stream.indirect.gather [spmem:s3], $0x40, s16, s24, $0xb8;
	[tilespmem:$0x1E400] =	vst v63  }
0x147: {  	s16 =	smov.u32 s15  }
0x148: {  	p1 =	seq.s32 s15, $0x4000;
	s15 =	sadd.s32 $0x800, s15;
	_ =	swait.ge [sflag:s28], $0x4000  }
0x149: {  	s16 =	sshra.s32 s16, $0x2;
	[sflag:s28] =	ssyncset.done $0x0  }
0x14a: {  	s17 =	sadd.s32 $0x1400, s16;
	[sflag:s28] =	ssyncadd.s32 $0xFFFFC000  }
0x14b: {  	[spmem:s1] =	stream.indirect.scatter.add.f32 [tilespmem:s25], [sflag:$0x3], $0x40, s17, s29, $0xb8;
	[tilespmem:$0x1E400] =	vst v63  }
0x14c: {  	_ =	swait.ge [sflag:s21], $0x2000  }
0x14d: {  	[sflag:s21] =	ssyncset.done $0x0  }
0x14e: {  	s17 =	sadd.s32 $0x1480, s16;
	[sflag:s21] =	ssyncadd.s32 $0xFFFFE000  }
0x14f: {  	[spmem:s1] =	stream.indirect.scatter.add.f32 [tilespmem:s30], [sflag:$0x3], $0x40, s17, s29, $0xb8;
	[tilespmem:$0x1E400] =	vst v63  }
0x150: {  	_ =	swait.ge [sflag:s21], $0x2000  }
0x151: {  	[sflag:s21] =	ssyncset.done $0x0  }
0x152: {  	s17 =	sadd.s32 $0x200, s16;
	[sflag:s21] =	ssyncadd.s32 $0xFFFFE000  }
0x153: {  	[tilespmem:s25], [sflag:$0x1] =	stream.indirect.gather [spmem:s3], $0x40, s17, s24, $0xb8;
	[tilespmem:$0x1E400] =	vst v63  }
0x154: {  	_ =	swait.ge [sflag:s31], $0x4000  }
0x155: {  	[sflag:s31] =	ssyncset.done $0x0  }
0x156: {  	s17 =	sadd.s32 $0x1500, s16;
	[sflag:s31] =	ssyncadd.s32 $0xFFFFC000  }
0x157: {  	[spmem:s1] =	stream.indirect.scatter.add.f32 [tilespmem:s26], [sflag:$0x3], $0x40, s17, s29, $0xb8;
	[tilespmem:$0x1E400] =	vst v63  }
0x158: {  	_ =	swait.ge [sflag:s21], $0x2000  }
0x159: {  	[sflag:s21] =	ssyncset.done $0x0  }
.Ltmp7:
0x15a: {  	s17 =	sadd.s32 $0x1580, s16;
	[sflag:s21] =	ssyncadd.s32 $0xFFFFE000;
	(pc) =	sbr.rel @!p1 .LBB2_5-.Ltmp7, $4  }
0x15b: {  	[spmem:s1] =	stream.indirect.scatter.add.f32 [tilespmem:s0], [sflag:$0x3], $0x40, s17, s29, $0xb8;
	[tilespmem:$0x1E400] =	vst v63  }
0x15c: {  	_ =	swait.ge [sflag:s21], $0x2000  }
0x15d: {  	[sflag:s21] =	ssyncset.done $0x0  }
0x15e: {  	s16 =	sadd.s32 $0x300, s16;
	[sflag:s21] =	ssyncadd.s32 $0xFFFFE000  }
.Ltmp8:
0x15f: {  	(pc) =	sbr.rel .LBB2_12-.Ltmp8, $3  }
0x160: {  	_ =	sdelay $0x1  }
0x161: {  	[tilespmem:s26], [sflag:$0x2] =	stream.indirect.gather [spmem:s3], $0x40, s16, s24, $0xb8;
	[tilespmem:$0x1E400] =	vst v63  }
0x162: {  	s15 =	smov.u32 s5  }
.LBB2_13:
0x163: {  	_ =	sfence.sel $0x180000  }
0x164: {  	[bflag:$0x0] =	sbarrier.arrive $0xFFFF  }
0x165: {  	_ =	strace $0x9000004A  }
0x166: {  	s0 =	stileid.u32;
	[bflag:$0x2] =	sbarrier.arrive $0xFFFF  }
0x167: {  	p0 =	sne.s32 s0, $0x0;
	s0 =	rddreg [dreg:$0x4]  }
0x168: {  	s0 =	sadd.s32 @!p0 $0x100000, s0  }
0x169: {  	[sflag:s0] =	ssyncadd.tile.s32 @!p0 $0x1;
	_ =	shalt  }
.Lfunc_end2:
_tile_overlayer_lowered:
.L_overlay_start_2:
0x16a: {  	(tag) =	ssettag $0x2  }
0x16b: {  	s0 =	rddreg [dreg:$0x0];
	s2 =	stileid.u32  }
0x16c: {  	s1 =	rddreg [dreg:$0x1];
	p0 =	sne.s32 s2, $0x0  }
0x16d: {  	s3 =	rddreg [dreg:$0x2];
	[bflag:$0x3] =	sbarrier.arrive $0xFFFF;
	s2 =	simm.s32 @!p0 $0x1C03  }
0x16e: {  	[timem:s3], [sflag:s2] =	dma.local @!p0 [hbm:s0], s1  }
0x16f: {  	s0 =	simm.s32 @!p0 $0x3  }
0x170: {  	_ =	swait.ge @!p0 [sflag:s0], s1  }
0x171: {  	s1 =	ssub.s32 @!p0 $0x0, s1;
	[sflag:s0] =	ssyncset.done @!p0 $0x0  }
0x172: {  	[sflag:s0] =	ssyncadd.s32 @!p0 s1  }
0x173: {  	[bflag:$0x3] =	sbarrier.arrive $0xFFFF  }
0x174: {  	_ =	shalt  }

// kernel: kernel.14.cloned.1.call-start
scs
__scs_entry_jumppad:
0x0: {  	(pc) =	sbr.rel $0x88, $3  }
0x1: {  	(tag) =	ssettag $0x0;
	lr =	simm.s32 $0x1  }
0x2: {  	[smem:$0x3F93] =	sst lr;
	_ =	strace $0xD0000000  }
0x3: {  	_ = 	snop  }
0x4: {  	_ = 	snop  }
0x5: {  	_ = 	snop  }
0x6: {  	_ = 	snop  }
0x7: {  	_ = 	snop  }
__scs_overlays_trampoline_lowered:
0x8: {  	[smem:$0x3FA2] =	sst s0  }
0x9: {  	[smem:$0x3FA3] =	sst s1  }
0xa: {  	[smem:$0x3FA4] =	sst s2  }
0xb: {  	[smem:$0x3FA5] =	sst s3  }
0xc: {  	[smem:$0x3FA6] =	sst s4  }
0xd: {  	[smem:$0x3FA7] =	sst s5  }
0xe: {  	[smem:$0x3FA8] =	sst s6  }
0xf: {  	[smem:$0x3FA9] =	sst s7  }
0x10: {  	[smem:$0x3FAA] =	sst s8  }
0x11: {  	[smem:$0x3FAB] =	sst s9;
	s0 =	simm.s32 @!p0 $0x0  }
0x12: {  	s1 =	sld [smem:$0x3F91];
	s0 =	simm.s32 @p0 $0x1  }
0x13: {  	[smem:$0x3FAC] =	sst s0;
	s0 =	simm.s32 @!p1 $0x0  }
0x14: {  	s2 =	sld [smem:$0x3F90];
	s0 =	simm.s32 @p1 $0x1  }
0x15: {  	[smem:$0x3FAD] =	sst s0;
	s0 =	simm.s32 @!p2 $0x0  }
0x16: {  	s3 =	sld [smem:$0x3FDB];
	s0 =	simm.s32 @p2 $0x1  }
0x17: {  	s4 =	simm.s32 $0x1BF5;
	[smem:$0x3FAF] =	sst s0  }
0x18: {  	s0 =	sld [smem:$0x3F92];
	_ =	swait.ge [sflag:s4], $0x0  }
0x19: {  	s7 =	sld [smem:$0x3F93]  }
0x1a: {  	s8 =	sadd.s32 $0xFFFFE003, lr  }
0x1b: {  	s9 =	sadd.s32 $0xFFFFFEF7, lr;
	s5 =	simm.s32 $0xFFFFFFFF;
	p2 =	slt.u32 s8, $0xFFFFF086  }
0x1c: {  	p1 =	slt.u32 s9, $0xF7A;
	s5 =	simm.s32 @!p2 $0x0  }
0x1d: {  	s5 =	simm.s32 @p1 $0x1;
	p0 =	seq.s32 s7, s2  }
0x1e: {  	s7 =	smul.u32 @!p0 $0xF7A, s2;
	p2 =	seq.s32 @!p0 s5, $0x0  }
0x1f: {  	s9 =	smul.u32 $0xF7A, s1;
	s8 =	simm.s32 @!p0 $0x1BF5;
	p2 =	por !p2, p0  }
0x20: {  	[sflag:s8] =	ssyncset.s32 @!p0 $0xFFFFF086;
	s6 =	sadd.s32 @!p0 s3, s7;
	s7 =	simm.s32 @!p0 $0x108  }
0x21: {  	s3 =	sadd.s32 s3, s9;
	s6 =	sadd.s32 @!p0 $0x88, s6;
	s7 =	simm.s32 @p2 $0x1082  }
0x22: {  	[simem:s7], [sflag:s8] =	dma.local @!p0 [hbm:s6], $0xF7A  }
0x23: {  	s9 =	sor.u32 $0xD0000000, s2;
	s6 =	simm.s32 $0x108;
	_ =	swait.ge @!p0 [sflag:s8], $0x0  }
0x24: {  	s3 =	sadd.s32 $0x88, s3;
	s6 =	simm.s32 @!p1 $0x1082;
	[sflag:s4] =	ssyncset.s32 $0xFFFFF086  }
0x25: {  	[simem:s6], [sflag:s4] =	dma.local [hbm:s3], $0xF7A  }
0x26: {  	[smem:$0x3F93] =	sst s1;
	(tag) =	ssettag s2;
	_ =	strace s9  }
0x27: {  	s1 =	sld [smem:$0x3FA3]  }
0x28: {  	s2 =	sld [smem:$0x3FA4]  }
0x29: {  	s4 =	sld [smem:$0x3FA6]  }
0x2a: {  	p0 =	seq.s32 s5, $0x0;
	s5 =	sld [smem:$0x3FA7]  }
0x2b: {  	s6 =	sld [smem:$0x3FA8]  }
0x2c: {  	s7 =	sld [smem:$0x3FA9]  }
0x2d: {  	s3 =	simm.s32 $0x108;
	s8 =	sld [smem:$0x3FAA]  }
0x2e: {  	s3 =	simm.s32 @!p0 $0x1082;
	s9 =	sld [smem:$0x3FAB]  }
0x2f: {  	lr =	sadd.s32 s0, s3;
	s0 =	sld [smem:$0x3FA2]  }
0x30: {  	s3 =	sld [smem:$0x3FA5]  }
0x31: {  	[smem:$0x3FAE] =	sst s10  }
0x32: {  	s10 =	sld [smem:$0x3FAC];
	_ =	sdelay $0x3  }
0x33: {  	p0 =	seq.s32 s10, $0x1;
	s10 =	sld [smem:$0x3FAE];
	_ =	sdelay $0x3  }
0x34: {  	[smem:$0x3FAE] =	sst s10  }
0x35: {  	s10 =	sld [smem:$0x3FAD];
	_ =	sdelay $0x3  }
0x36: {  	p1 =	seq.s32 s10, $0x1;
	s10 =	sld [smem:$0x3FAE];
	_ =	sdelay $0x3  }
0x37: {  	[smem:$0x3FAE] =	sst s10  }
0x38: {  	s10 =	sld [smem:$0x3FAF]  }
0x39: {  	_ = 	snop;
	(pc) =	sbr.ind lr, $3  }
0x3a: {  	_ = 	snop  }
0x3b: {  	_ = 	snop  }
0x3c: {  	p2 =	seq.s32 s10, $0x1;
	s10 =	sld [smem:$0x3FAE]  }
0x3d: {  	_ =	shalt  }
0x3e: {  	_ =	shalt  }
0x3f: {  	_ =	shalt  }
0x40: {  	_ =	shalt  }
0x41: {  	_ =	shalt  }
0x42: {  	_ =	shalt  }
0x43: {  	_ =	shalt  }
0x44: {  	_ =	shalt  }
0x45: {  	_ =	shalt  }
0x46: {  	_ =	shalt  }
0x47: {  	_ =	shalt  }
0x48: {  	_ =	shalt  }
0x49: {  	_ =	shalt  }
0x4a: {  	_ =	shalt  }
0x4b: {  	_ =	shalt  }
0x4c: {  	_ =	shalt  }
0x4d: {  	_ =	shalt  }
0x4e: {  	_ =	shalt  }
0x4f: {  	_ =	shalt  }
0x50: {  	_ =	shalt  }
0x51: {  	_ =	shalt  }
0x52: {  	_ =	shalt  }
0x53: {  	_ =	shalt  }
0x54: {  	_ =	shalt  }
0x55: {  	_ =	shalt  }
0x56: {  	_ =	shalt  }
0x57: {  	_ =	shalt  }
0x58: {  	_ =	shalt  }
0x59: {  	_ =	shalt  }
0x5a: {  	_ =	shalt  }
0x5b: {  	_ =	shalt  }
0x5c: {  	_ =	shalt  }
0x5d: {  	_ =	shalt  }
0x5e: {  	_ =	shalt  }
0x5f: {  	_ =	shalt  }
0x60: {  	_ =	shalt  }
0x61: {  	_ =	shalt  }
0x62: {  	_ =	shalt  }
0x63: {  	_ =	shalt  }
0x64: {  	_ =	shalt  }
0x65: {  	_ =	shalt  }
0x66: {  	_ =	shalt  }
0x67: {  	_ =	shalt  }
0x68: {  	_ =	shalt  }
0x69: {  	_ =	shalt  }
0x6a: {  	_ =	shalt  }
0x6b: {  	_ =	shalt  }
0x6c: {  	_ =	shalt  }
0x6d: {  	_ =	shalt  }
0x6e: {  	_ =	shalt  }
0x6f: {  	_ =	shalt  }
0x70: {  	_ =	shalt  }
0x71: {  	_ =	shalt  }
0x72: {  	_ =	shalt  }
0x73: {  	_ =	shalt  }
0x74: {  	_ =	shalt  }
0x75: {  	_ =	shalt  }
0x76: {  	_ =	shalt  }
0x77: {  	_ =	shalt  }
0x78: {  	_ =	shalt  }
0x79: {  	_ =	shalt  }
0x7a: {  	_ =	shalt  }
0x7b: {  	_ =	shalt  }
0x7c: {  	_ =	shalt  }
0x7d: {  	_ =	shalt  }
0x7e: {  	_ =	shalt  }
0x7f: {  	_ =	shalt  }
0x80: {  	_ =	shalt  }
0x81: {  	_ =	shalt  }
0x82: {  	_ =	shalt  }
0x83: {  	_ =	shalt  }
0x84: {  	_ =	shalt  }
0x85: {  	_ =	shalt  }
0x86: {  	_ =	shalt  }
0x87: {  	_ =	shalt  }
.Lfunc_end0:
.L_simem_size_0:
called_computation.2_lowered:
.L_overlay_start_0:
0x88: {  	s2 =	sld [smem:$0x3FD9]  }
0x89: {  	s3 =	sld [smem:$0x3FFE];
	_ =	sdelay $0x1  }
0x8a: {  	s1 =	srdreg.scid  }
0x8b: {  	s0 =	sand.u32 $0x1, s1  }
0x8c: {  	s14 =	sshll.u32 s0, $0xA;
	s2 =	sadd.s32 s3, s2  }
0x8d: {  	s2 =	sadd.s32 s2, s14  }
0x8e: {  	[smem:$0x3FBA] =	sst s2  }
0x8f: {  	_ = 	snop  }
0x90: {  	s2 =	sld [smem:$0x3FD0];
	_ =	sdelay $0x2  }
0x91: {  	s15 =	simm.s32 $0xA;
	s4 =	simm.s32 $0x10  }
0x92: {  	[smem:s4], [sflag:s15] =	dma.local [hbm:s2], $0x1  }
0x93: {  	_ =	swait.eq [sflag:s15], $0x1  }
0x94: {  	[sflag:s15] =	ssyncset.done $0x0  }
0x95: {  	[sflag:s15] =	ssyncadd.s32 $0xFFFFFFFF  }
0x96: {  	s16 =	sld [smem:$0x11];
	(tm) =	ssettm $0x1  }
0x97: {  	s17 =	sld [smem:$0x3FFB];
	_ =	sdelay $0x3  }
0x98: {  	_ =	strace s17  }
0x99: {  	s3 =	sld [smem:$0x3FFC];
	_ =	sdelay $0x3  }
0x9a: {  	_ =	strace s3  }
0x9b: {  	s3 =	sld [smem:$0x3FFD];
	_ =	sdelay $0x3  }
0x9c: {  	_ =	strace s3  }
0x9d: {  	_ =	strace $0x8FFFFFFF  }
0x9e: {  	s18 =	sld [smem:$0x3FDB];
	_ =	sdelay $0x1  }
0x9f: {  	s19 =	simm.s32 $_scs_section_size  }
0xa0: {  	s5 =	simm.s32 $_size__tile_overlayer_lowered;
	s6 =	simm.s32 $_tile_overlayer_lowered  }
0xa1: {  	s22 =	simm.s32 $0x1BFF;
	s21 =	sshll.u32 s6, $0x1;
	s3 =	sadd.s32 s19, s18  }
0xa2: {  	s7 =	simm.s32 $0x0;
	s20 =	sshll.u32 s5, $0x1;
	s5 =	sadd.s32 s21, s3  }
0xa3: {  	[timem:s7], [sflag:s22] =	dma.local [hbm:s5], s20  }
0xa4: {  	_ =	swait.ge [sflag:s22], s20  }
0xa5: {  	s4 =	ssub.s32 $0x0, s20;
	[sflag:s22] =	ssyncset.done $0x0  }
0xa6: {  	[sflag:s22] =	ssyncadd.s32 s4;
	_ =	sdelay $0x1  }
0xa7: {  	s23 =	simm.s32 $0x1B8B  }
0xa8: {  	_ =	swait.ge [sflag:s23], $0x1  }
0xa9: {  	[sflag:s23] =	ssyncset.done $0x0  }
0xaa: {  	s25 =	simm.s32 $0x1B8E;
	s24 =	sld [smem:$0x3FFE];
	[sflag:s23] =	ssyncadd.s32 $0xFFFFFFFF  }
0xab: {  	s26 =	simm.s32 $execute0_lowered;
	[smem:$0x3FD2] =	sst s25  }
0xac: {  	s5 =	sshll.u32 s26, $0x1;
	_ =	strace $0x8000004C;
	[dreg:$0x1] =	wrdreg $0xFFFFFFFF  }
0xad: {  	s28 =	simm.s32 $_size_execute0_lowered;
	s3 =	sadd.s32 s3, s5;
	[dreg:$0x0] =	wrdreg $0x0  }
0xae: {  	s5 =	sshll.u32 s28, $0x1;
	[dreg:$0x2] =	wrdreg s3  }
0xaf: {  	[dreg:$0x3] =	wrdreg s5  }
0xb0: {  	[dreg:$0x4] =	wrdreg $0xC0  }
0xb1: {  	_ =	task [dreg:s7], $0x5FFFF  }
0xb2: {  	[dreg:$0x1] =	wrdreg $0xFFFFFFFF  }
0xb3: {  	[dreg:$0x0] =	wrdreg $0x60  }
0xb4: {  	[dreg:$0x2] =	wrdreg s24  }
0xb5: {  	[dreg:$0x3] =	wrdreg s16  }
0xb6: {  	[dreg:$0x4] =	wrdreg $0xA8000  }
0xb7: {  	[dreg:$0x5] =	wrdreg $0x146000  }
0xb8: {  	[dreg:$0x6] =	wrdreg $0x9  }
0xb9: {  	_ =	task.clear_ibuf [dreg:s7], $0x7FFFF;
	_ =	strace $0x9000004C  }
0xba: {  	s29 =	simm.s32 $0x9;
	_ =	strace $0x8000004E  }
0xbb: {  	_ =	swait.ge [sflag:s29], $0x1  }
0xbc: {  	[sflag:s29] =	ssyncadd.s32 $0xFFFFFFFF  }
0xbd: {  	_ =	strace $0x9000004E  }
0xbe: {  	_ =	sfence  }
0xbf: {  	s30 =	sld [smem:$0x0];
	_ =	sdelay $0x2  }
0xc0: {  	s31 =	sshll.u32 s1, $0xD;
	s1 =	sshrl.u32 s1, $0x2  }
0xc1: {  	s3 =	sand.u32 $0x4000, s31;
	s1 =	sadd.s32 s1, s30  }
0xc2: {  	s0 =	sor.u32 s3, s0;
	s1 =	sshll.u32 s1, $0x11  }
0xc3: {  	s0 =	sor.u32 s1, s0  }
0xc4: {  	s0 =	sadd.s32 $0x8F2B, s0  }
0xc5: {  	[sflag:s0] =	ssyncadd.remote.s32 $0x1  }
0xc6: {  	_ =	sfence.sel $0xFFFF  }
0xc7: {  	[dreg:$0x0] =	wrdreg $0xFFFFFFFF;
	(pc) =	sbr.abs _section_cstart, $3  }
0xc8: {  	[dreg:$0x1] =	wrdreg $0xFFFFFFFF  }
0xc9: {  	_ =	task.clear_ibuf [dreg:s7], $0x2FFFF;
	_ =	strace $0x9FFFFFFF  }
0xca: {  	(tm) =	ssettm $0x7FFFFFFF  }
0xcb: {  	_ =	shalt  }
tec
execute0_lowered:
.L_overlay_start_1:
0x0: {  	(tag) =	ssettag $0x1  }
0x1: {  	s0 =	rddreg [dreg:$0x0]  }
0x2: {  	s2 =	rddreg [dreg:$0x1]  }
0x3: {  	s1 =	rddreg [dreg:$0x2]  }
0x4: {  	s3 =	rddreg [dreg:$0x3];
	s4 =	simm.s32 $0x0  }
0x5: {  	s16 =	stileid.u32;
	s5 =	srdreg.scid;
	s28 =	simm.s32 $0x1  }
0x6: {  	s29 =	simm.s32 $0x80;
	s30 =	simm.s32 $0x4800;
	s31 =	simm.s32 $0x2  }
0x7: {  	[smem:$0x7FF] =	sst s4;
	s10 =	smul.u32 $0x9E00, s16;
	s11 =	sadd.s32 $0xB000, s0  }
0x8: {  	s12 =	sand.u32 $0x1, s5;
	s13 =	sadd.s32 $0xE00, s0;
	s14 =	smul.u32 $0x2800, s16  }
0x9: {  	s6 =	sadd.s32 $0x64000, s0;
	s9 =	sshll.u32 s16, $0x6;
	s16 =	smul.u32 $0x500, s16  }
0xa: {  	_ =	strace $0x8000004D;
	s7 =	ssub.s32 $0x2, s12;
	s9 =	sor.u32 $0x1C03, s9  }
0xb: {  	p0 =	seq.s32 s12, $0x1;
	s12 =	simm.s32 $0x2700;
	s5 =	sshrl.u32 s10, $0x3  }
0xc: {  	s18 =	sshrl.u32 s7, $0x1;
	s15 =	sadd.s32 s10, s3;
	s14 =	sshrl.u32 s14, $0x3  }
0xd: {  	s21 =	sadd.s32 s13, s16;
	s8 =	sadd.s32 s5, s0;
	s0 =	ssub.s32 s7, s18  }
0xe: {  	s7 =	sadd.s32 s10, s1;
	s10 =	sadd.s32 s2, s5;
	s19 =	sadd.s32 $0x280, s14  }
0xf: {  	s20 =	sadd.s32 s11, s14;
	[dreg:$0x6] =	wrdreg s21;
	s23 =	sadd.s32 $0x5000, s14  }
0x10: {  	s24 =	sadd.s32 $0x5280, s14;
	s21 =	simm.s32 $0x3;
	s8 =	sadd.s32 $0x8B800, s8  }
0x11: {  	[dreg:$0x5] =	wrdreg s20;
	s22 =	sadd.s32 s11, s19;
	s2 =	sadd.s32 s13, s19  }
0x12: {  	s25 =	sadd.s32 s11, s23;
	s26 =	sadd.s32 s11, s24;
	s18 =	sadd.s32 s13, s24  }
0x13: {  	s19 =	sadd.s32 $0x13C00, s5;
	s20 =	smax.u32 s0, $0x1;
	[dreg:$0x7] =	wrdreg s22  }
.Ltmp0:
0x14: {  	s24 =	simm.s32 $0x100;
	[dreg:$0x8] =	wrdreg s2;
	(pc) =	sbr.rel .LBB2_1-.Ltmp0, $4  }
0x15: {  	s0 =	simm.s32 $0x8800;
	s11 =	simm.s32 $0x2680;
	[dreg:$0x9] =	wrdreg s25  }
0x16: {  	s2 =	sadd.s32 s13, s23;
	[dreg:$0xb] =	wrdreg s26;
	s22 =	sshrl.u32 s15, $0x3  }
0x17: {  	s23 =	simm.s32 $0x1400;
	s25 =	simm.s32 $0x2800;
	s26 =	simm.s32 $0x6800  }
0x18: {  	s13 =	simm.s32 $0x2780;
	[dreg:$0xa] =	wrdreg s2;
	s2 =	simm.s32 $0x2600  }
.LBB2_11:
0x19: {  	[tilespmem:s26], [sflag:$0x2] =	stream.indirect.gather [spmem:s3], $0x40, s16, s24, $0xb8;
	[tilespmem:$0x1E400] =	vst v63  }
0x1a: {  	s15 =	smov.u32 s19  }
.LBB2_12:
0x1b: {  	_ =	swait.ge [sflag:s28], $0x4000  }
0x1c: {  	[sflag:s28] =	ssyncset.done $0x0  }
0x1d: {  	[sflag:s28] =	ssyncadd.s32 $0xFFFFC000  }
0x1e: {  	[spmem:s1] =	stream.indirect.scatter.add.f32 [tilespmem:s25], [sflag:$0x3], $0x40, s2, s29, $0xb8;
	[tilespmem:$0x1E400] =	vst v63  }
0x1f: {  	_ =	swait.ge [sflag:s21], $0x2000  }
0x20: {  	[sflag:s21] =	ssyncset.done $0x0  }
0x21: {  	[sflag:s21] =	ssyncadd.s32 $0xFFFFE000  }
0x22: {  	[spmem:s1] =	stream.indirect.scatter.add.f32 [tilespmem:s30], [sflag:$0x3], $0x40, s11, s29, $0xb8;
	[tilespmem:$0x1E400] =	vst v63  }
0x23: {  	_ =	swait.ge [sflag:s21], $0x2000  }
0x24: {  	[sflag:s21] =	ssyncset.done $0x0  }
0x25: {  	[sflag:s21] =	ssyncadd.s32 $0xFFFFE000  }
0x26: {  	_ =	swait.ge [sflag:s31], $0x4000  }
0x27: {  	[sflag:s31] =	ssyncset.done $0x0  }
0x28: {  	[sflag:s31] =	ssyncadd.s32 $0xFFFFC000  }
0x29: {  	[spmem:s1] =	stream.indirect.scatter.add.f32 [tilespmem:s26], [sflag:$0x3], $0x40, s12, s29, $0xb8;
	[tilespmem:$0x1E400] =	vst v63  }
0x2a: {  	_ =	swait.ge [sflag:s21], $0x2000  }
0x2b: {  	[sflag:s21] =	ssyncset.done $0x0  }
0x2c: {  	[sflag:s21] =	ssyncadd.s32 $0xFFFFE000  }
0x2d: {  	[spmem:s1] =	stream.indirect.scatter.add.f32 [tilespmem:s0], [sflag:$0x3], $0x40, s13, s29, $0xb8;
	[tilespmem:$0x1E400] =	vst v63  }
0x2e: {  	_ =	swait.ge [sflag:s21], $0x2000  }
0x2f: {  	s4 =	sadd.s32 $0x1, s4;
	[sflag:s21] =	ssyncset.done $0x0  }
0x30: {  	p1 =	sne.s32 s4, s20;
	[sflag:s21] =	ssyncadd.s32 $0xFFFFE000  }
.Ltmp1:
0x31: {  	s15 =	sadd.s32 s6, s15;
	[bflag:$0x0] =	sbarrier.arrive $0xFFFF;
	(pc) =	sbr.rel @!p1 .LBB2_13-.Ltmp1, $4  }
0x32: {  	[hbm:s15], [sflag:s9] =	dma.local [spmem:s14], $0x13C0  }
0x33: {  	_ =	swait.ge [sflag:s21], $0x13C0  }
0x34: {  	[sflag:s21] =	ssyncset.done $0x0  }
0x35: {  	[sflag:s21] =	ssyncadd.s32 $0xFFFFEC40  }
.LBB2_1:
0x36: {  	s14 =	sshrl.u32 s7, $0x3  }
0x37: {  	[spmem:s14], [sflag:s9] =	dma.local [hbm:s8], $0x13C0  }
0x38: {  	_ =	swait.ge [sflag:s21], $0x13C0  }
0x39: {  	[sflag:s21] =	ssyncset.done $0x0  }
.Ltmp2:
0x3a: {  	[sflag:s21] =	ssyncadd.s32 $0xFFFFEC40;
	(pc) =	sbr.rel @!p0 .LBB2_2-.Ltmp2, $4  }
0x3b: {  	[spmem:s22], [sflag:s9] =	dma.local [hbm:s10], $0x13C0  }
0x3c: {  	_ =	swait.ge [sflag:s21], $0x13C0  }
0x3d: {  	[sflag:s21] =	ssyncset.done $0x0  }
0x3e: {  	s15 =	simm.s32 $0x0;
	[sflag:s21] =	ssyncadd.s32 $0xFFFFEC40  }
0x3f: {  	s16 =	rddreg [dreg:$0x9]  }
0x40: {  	[tilespmem:s15], [sflag:$0x3] =	stream.linear.gather [hbm4b:s16+s15], $0x1400, $0x38;
	[tilespmem:$0x1E400] =	vst v63  }
0x41: {  	_ =	swait.ge [sflag:s21], $0x1400  }
0x42: {  	[sflag:s21] =	ssyncset.done $0x0  }
0x43: {  	s17 =	rddreg [dreg:$0xa];
	[sflag:s21] =	ssyncadd.s32 $0xFFFFEC00  }
0x44: {  	[tilespmem:s23], [sflag:$0x3] =	stream.linear.gather [hbm4b:s17+s15], $0x1400, $0x38;
	[tilespmem:$0x1E400] =	vst v63  }
0x45: {  	_ =	swait.ge [sflag:s21], $0x1400  }
0x46: {  	[sflag:s21] =	ssyncset.done $0x0  }
0x47: {  	[sflag:s21] =	ssyncadd.s32 $0xFFFFEC00  }
0x48: {  	[bflag:$0x0] =	sbarrier.arrive $0xFFFF  }
0x49: {  	[tilespmem:s25], [sflag:$0x1] =	stream.indirect.gather [spmem:s3], $0x40, s15, s24, $0xb8;
	[tilespmem:$0x1E400] =	vst v63  }
0x4a: {  	_ = 	snop  }
0x4b: {  	[tilespmem:s26], [sflag:$0x2] =	stream.indirect.gather [spmem:s3], $0x40, s24, s24, $0xb8;
	[tilespmem:$0x1E400] =	vst v63  }
0x4c: {  	_ =	swait.ge [sflag:s28], $0x4000  }
0x4d: {  	[sflag:s28] =	ssyncset.done $0x0  }
0x4e: {  	s17 =	simm.s32 $0x1400;
	[sflag:s28] =	ssyncadd.s32 $0xFFFFC000  }
0x4f: {  	[spmem:s1] =	stream.indirect.scatter.add.f32 [tilespmem:s25], [sflag:$0x3], $0x40, s17, s29, $0xb8;
	[tilespmem:$0x1E400] =	vst v63  }
0x50: {  	_ =	swait.ge [sflag:s21], $0x2000  }
0x51: {  	[sflag:s21] =	ssyncset.done $0x0  }
0x52: {  	s16 =	simm.s32 $0x1480;
	[sflag:s21] =	ssyncadd.s32 $0xFFFFE000  }
0x53: {  	[spmem:s1] =	stream.indirect.scatter.add.f32 [tilespmem:s30], [sflag:$0x3], $0x40, s16, s29, $0xb8;
	[tilespmem:$0x1E400] =	vst v63  }
0x54: {  	_ =	swait.ge [sflag:s21], $0x2000  }
0x55: {  	[sflag:s21] =	ssyncset.done $0x0  }
0x56: {  	s17 =	simm.s32 $0x200;
	[sflag:s21] =	ssyncadd.s32 $0xFFFFE000  }
0x57: {  	[tilespmem:s25], [sflag:$0x1] =	stream.indirect.gather [spmem:s3], $0x40, s17, s24, $0xb8;
	[tilespmem:$0x1E400] =	vst v63  }
0x58: {  	_ =	swait.ge [sflag:s31], $0x4000  }
0x59: {  	[sflag:s31] =	ssyncset.done $0x0  }
0x5a: {  	s16 =	simm.s32 $0x1500;
	[sflag:s31] =	ssyncadd.s32 $0xFFFFC000  }
0x5b: {  	[spmem:s1] =	stream.indirect.scatter.add.f32 [tilespmem:s26], [sflag:$0x3], $0x40, s16, s29, $0xb8;
	[tilespmem:$0x1E400] =	vst v63  }
0x5c: {  	_ =	swait.ge [sflag:s21], $0x2000  }
0x5d: {  	[sflag:s21] =	ssyncset.done $0x0  }
0x5e: {  	s17 =	simm.s32 $0x1580;
	[sflag:s21] =	ssyncadd.s32 $0xFFFFE000  }
0x5f: {  	[spmem:s1] =	stream.indirect.scatter.add.f32 [tilespmem:s0], [sflag:$0x3], $0x40, s17, s29, $0xb8;
	[tilespmem:$0x1E400] =	vst v63  }
0x60: {  	_ =	swait.ge [sflag:s21], $0x2000  }
0x61: {  	[sflag:s21] =	ssyncset.done $0x0  }
0x62: {  	s15 =	simm.s32 $0x800;
	s16 =	simm.s32 $0x300;
	[sflag:s21] =	ssyncadd.s32 $0xFFFFE000  }
.LBB2_8:
0x63: {  	[tilespmem:s26], [sflag:$0x2] =	stream.indirect.gather [spmem:s3], $0x40, s16, s24, $0xb8;
	[tilespmem:$0x1E400] =	vst v63  }
0x64: {  	s16 =	smov.u32 s15  }
0x65: {  	p1 =	sne.s32 s15, $0x4000;
	s15 =	sadd.s32 $0x800, s15;
	_ =	swait.ge [sflag:s28], $0x4000  }
0x66: {  	s16 =	sshra.s32 s16, $0x2;
	[sflag:s28] =	ssyncset.done $0x0  }
0x67: {  	s17 =	sadd.s32 $0x1400, s16;
	[sflag:s28] =	ssyncadd.s32 $0xFFFFC000  }
0x68: {  	[spmem:s1] =	stream.indirect.scatter.add.f32 [tilespmem:s25], [sflag:$0x3], $0x40, s17, s29, $0xb8;
	[tilespmem:$0x1E400] =	vst v63  }
0x69: {  	_ =	swait.ge [sflag:s21], $0x2000  }
0x6a: {  	[sflag:s21] =	ssyncset.done $0x0  }
0x6b: {  	s17 =	sadd.s32 $0x1480, s16;
	[sflag:s21] =	ssyncadd.s32 $0xFFFFE000  }
0x6c: {  	[spmem:s1] =	stream.indirect.scatter.add.f32 [tilespmem:s30], [sflag:$0x3], $0x40, s17, s29, $0xb8;
	[tilespmem:$0x1E400] =	vst v63  }
0x6d: {  	_ =	swait.ge [sflag:s21], $0x2000  }
0x6e: {  	[sflag:s21] =	ssyncset.done $0x0  }
0x6f: {  	s17 =	sadd.s32 $0x200, s16;
	[sflag:s21] =	ssyncadd.s32 $0xFFFFE000  }
0x70: {  	[tilespmem:s25], [sflag:$0x1] =	stream.indirect.gather [spmem:s3], $0x40, s17, s24, $0xb8;
	[tilespmem:$0x1E400] =	vst v63  }
0x71: {  	_ =	swait.ge [sflag:s31], $0x4000  }
0x72: {  	[sflag:s31] =	ssyncset.done $0x0  }
0x73: {  	s17 =	sadd.s32 $0x1500, s16;
	[sflag:s31] =	ssyncadd.s32 $0xFFFFC000  }
0x74: {  	[spmem:s1] =	stream.indirect.scatter.add.f32 [tilespmem:s26], [sflag:$0x3], $0x40, s17, s29, $0xb8;
	[tilespmem:$0x1E400] =	vst v63  }
0x75: {  	_ =	swait.ge [sflag:s21], $0x2000  }
0x76: {  	[sflag:s21] =	ssyncset.done $0x0  }
.Ltmp3:
0x77: {  	s17 =	sadd.s32 $0x1580, s16;
	[sflag:s21] =	ssyncadd.s32 $0xFFFFE000;
	(pc) =	sbr.rel @p1 .LBB2_8-.Ltmp3, $4  }
0x78: {  	[spmem:s1] =	stream.indirect.scatter.add.f32 [tilespmem:s0], [sflag:$0x3], $0x40, s17, s29, $0xb8;
	[tilespmem:$0x1E400] =	vst v63  }
0x79: {  	_ =	swait.ge [sflag:s21], $0x2000  }
0x7a: {  	[sflag:s21] =	ssyncset.done $0x0  }
0x7b: {  	s16 =	sadd.s32 $0x300, s16;
	[sflag:s21] =	ssyncadd.s32 $0xFFFFE000  }
0x7c: {  	[tilespmem:s26], [sflag:$0x2] =	stream.indirect.gather [spmem:s3], $0x40, s16, s24, $0xb8;
	[tilespmem:$0x1E400] =	vst v63  }
0x7d: {  	_ =	swait.ge [sflag:s28], $0x4000  }
0x7e: {  	[sflag:s28] =	ssyncset.done $0x0  }
0x7f: {  	[sflag:s28] =	ssyncadd.s32 $0xFFFFC000  }
0x80: {  	[spmem:s1] =	stream.indirect.scatter.add.f32 [tilespmem:s25], [sflag:$0x3], $0x40, s2, s29, $0xb8;
	[tilespmem:$0x1E400] =	vst v63  }
0x81: {  	_ =	swait.ge [sflag:s21], $0x2000  }
0x82: {  	[sflag:s21] =	ssyncset.done $0x0  }
0x83: {  	[sflag:s21] =	ssyncadd.s32 $0xFFFFE000  }
0x84: {  	[spmem:s1] =	stream.indirect.scatter.add.f32 [tilespmem:s30], [sflag:$0x3], $0x40, s11, s29, $0xb8;
	[tilespmem:$0x1E400] =	vst v63  }
0x85: {  	_ =	swait.ge [sflag:s21], $0x2000  }
0x86: {  	[sflag:s21] =	ssyncset.done $0x0  }
0x87: {  	[sflag:s21] =	ssyncadd.s32 $0xFFFFE000  }
0x88: {  	_ =	swait.ge [sflag:s31], $0x4000  }
0x89: {  	[sflag:s31] =	ssyncset.done $0x0  }
0x8a: {  	[sflag:s31] =	ssyncadd.s32 $0xFFFFC000  }
0x8b: {  	[spmem:s1] =	stream.indirect.scatter.add.f32 [tilespmem:s26], [sflag:$0x3], $0x40, s12, s29, $0xb8;
	[tilespmem:$0x1E400] =	vst v63  }
0x8c: {  	_ =	swait.ge [sflag:s21], $0x2000  }
0x8d: {  	[sflag:s21] =	ssyncset.done $0x0  }
0x8e: {  	[sflag:s21] =	ssyncadd.s32 $0xFFFFE000  }
0x8f: {  	[spmem:s1] =	stream.indirect.scatter.add.f32 [tilespmem:s0], [sflag:$0x3], $0x40, s13, s29, $0xb8;
	[tilespmem:$0x1E400] =	vst v63  }
0x90: {  	_ =	swait.ge [sflag:s21], $0x2000  }
0x91: {  	[sflag:s21] =	ssyncset.done $0x0  }
0x92: {  	s15 =	simm.s32 $0x0;
	s17 =	rddreg [dreg:$0xb];
	[sflag:s21] =	ssyncadd.s32 $0xFFFFE000  }
0x93: {  	[tilespmem:s15], [sflag:$0x3] =	stream.linear.gather [hbm4b:s17+s15], $0x1400, $0x38;
	[tilespmem:$0x1E400] =	vst v63  }
0x94: {  	_ =	swait.ge [sflag:s21], $0x1400  }
0x95: {  	[sflag:s21] =	ssyncset.done $0x0  }
0x96: {  	[sflag:s21] =	ssyncadd.s32 $0xFFFFEC00  }
0x97: {  	[tilespmem:s23], [sflag:$0x3] =	stream.linear.gather [hbm4b:s18+s15], $0x1400, $0x38;
	[tilespmem:$0x1E400] =	vst v63  }
0x98: {  	_ =	swait.ge [sflag:s21], $0x1400  }
0x99: {  	[sflag:s21] =	ssyncset.done $0x0  }
0x9a: {  	[sflag:s21] =	ssyncadd.s32 $0xFFFFEC00  }
0x9b: {  	[tilespmem:s25], [sflag:$0x1] =	stream.indirect.gather [spmem:s3], $0x40, s15, s24, $0xb8;
	[tilespmem:$0x1E400] =	vst v63  }
0x9c: {  	_ = 	snop  }
0x9d: {  	[tilespmem:s26], [sflag:$0x2] =	stream.indirect.gather [spmem:s3], $0x40, s24, s24, $0xb8;
	[tilespmem:$0x1E400] =	vst v63  }
0x9e: {  	_ =	swait.ge [sflag:s28], $0x4000  }
0x9f: {  	[sflag:s28] =	ssyncset.done $0x0  }
0xa0: {  	s17 =	simm.s32 $0x1400;
	[sflag:s28] =	ssyncadd.s32 $0xFFFFC000  }
0xa1: {  	[spmem:s1] =	stream.indirect.scatter.add.f32 [tilespmem:s25], [sflag:$0x3], $0x40, s17, s29, $0xb8;
	[tilespmem:$0x1E400] =	vst v63  }
0xa2: {  	_ =	swait.ge [sflag:s21], $0x2000  }
0xa3: {  	[sflag:s21] =	ssyncset.done $0x0  }
0xa4: {  	s16 =	simm.s32 $0x1480;
	[sflag:s21] =	ssyncadd.s32 $0xFFFFE000  }
0xa5: {  	[spmem:s1] =	stream.indirect.scatter.add.f32 [tilespmem:s30], [sflag:$0x3], $0x40, s16, s29, $0xb8;
	[tilespmem:$0x1E400] =	vst v63  }
0xa6: {  	_ =	swait.ge [sflag:s21], $0x2000  }
0xa7: {  	[sflag:s21] =	ssyncset.done $0x0  }
0xa8: {  	s17 =	simm.s32 $0x200;
	[sflag:s21] =	ssyncadd.s32 $0xFFFFE000  }
0xa9: {  	[tilespmem:s25], [sflag:$0x1] =	stream.indirect.gather [spmem:s3], $0x40, s17, s24, $0xb8;
	[tilespmem:$0x1E400] =	vst v63  }
0xaa: {  	_ =	swait.ge [sflag:s31], $0x4000  }
0xab: {  	[sflag:s31] =	ssyncset.done $0x0  }
0xac: {  	s16 =	simm.s32 $0x1500;
	[sflag:s31] =	ssyncadd.s32 $0xFFFFC000  }
0xad: {  	[spmem:s1] =	stream.indirect.scatter.add.f32 [tilespmem:s26], [sflag:$0x3], $0x40, s16, s29, $0xb8;
	[tilespmem:$0x1E400] =	vst v63  }
0xae: {  	_ =	swait.ge [sflag:s21], $0x2000  }
0xaf: {  	[sflag:s21] =	ssyncset.done $0x0  }
0xb0: {  	s17 =	simm.s32 $0x1580;
	[sflag:s21] =	ssyncadd.s32 $0xFFFFE000  }
0xb1: {  	[spmem:s1] =	stream.indirect.scatter.add.f32 [tilespmem:s0], [sflag:$0x3], $0x40, s17, s29, $0xb8;
	[tilespmem:$0x1E400] =	vst v63  }
0xb2: {  	_ =	swait.ge [sflag:s21], $0x2000  }
0xb3: {  	[sflag:s21] =	ssyncset.done $0x0  }
0xb4: {  	s15 =	simm.s32 $0x800;
	s16 =	simm.s32 $0x300;
	[sflag:s21] =	ssyncadd.s32 $0xFFFFE000  }
.LBB2_10:
0xb5: {  	[tilespmem:s26], [sflag:$0x2] =	stream.indirect.gather [spmem:s3], $0x40, s16, s24, $0xb8;
	[tilespmem:$0x1E400] =	vst v63  }
0xb6: {  	s16 =	smov.u32 s15  }
0xb7: {  	p1 =	sne.s32 s15, $0x4000;
	s15 =	sadd.s32 $0x800, s15;
	_ =	swait.ge [sflag:s28], $0x4000  }
0xb8: {  	s16 =	sshra.s32 s16, $0x2;
	[sflag:s28] =	ssyncset.done $0x0  }
0xb9: {  	s17 =	sadd.s32 $0x1400, s16;
	[sflag:s28] =	ssyncadd.s32 $0xFFFFC000  }
0xba: {  	[spmem:s1] =	stream.indirect.scatter.add.f32 [tilespmem:s25], [sflag:$0x3], $0x40, s17, s29, $0xb8;
	[tilespmem:$0x1E400] =	vst v63  }
0xbb: {  	_ =	swait.ge [sflag:s21], $0x2000  }
0xbc: {  	[sflag:s21] =	ssyncset.done $0x0  }
0xbd: {  	s17 =	sadd.s32 $0x1480, s16;
	[sflag:s21] =	ssyncadd.s32 $0xFFFFE000  }
0xbe: {  	[spmem:s1] =	stream.indirect.scatter.add.f32 [tilespmem:s30], [sflag:$0x3], $0x40, s17, s29, $0xb8;
	[tilespmem:$0x1E400] =	vst v63  }
0xbf: {  	_ =	swait.ge [sflag:s21], $0x2000  }
0xc0: {  	[sflag:s21] =	ssyncset.done $0x0  }
0xc1: {  	s17 =	sadd.s32 $0x200, s16;
	[sflag:s21] =	ssyncadd.s32 $0xFFFFE000  }
0xc2: {  	[tilespmem:s25], [sflag:$0x1] =	stream.indirect.gather [spmem:s3], $0x40, s17, s24, $0xb8;
	[tilespmem:$0x1E400] =	vst v63  }
0xc3: {  	_ =	swait.ge [sflag:s31], $0x4000  }
0xc4: {  	[sflag:s31] =	ssyncset.done $0x0  }
0xc5: {  	s17 =	sadd.s32 $0x1500, s16;
	[sflag:s31] =	ssyncadd.s32 $0xFFFFC000  }
0xc6: {  	[spmem:s1] =	stream.indirect.scatter.add.f32 [tilespmem:s26], [sflag:$0x3], $0x40, s17, s29, $0xb8;
	[tilespmem:$0x1E400] =	vst v63  }
0xc7: {  	_ =	swait.ge [sflag:s21], $0x2000  }
0xc8: {  	[sflag:s21] =	ssyncset.done $0x0  }
.Ltmp4:
0xc9: {  	s17 =	sadd.s32 $0x1580, s16;
	[sflag:s21] =	ssyncadd.s32 $0xFFFFE000;
	(pc) =	sbr.rel @p1 .LBB2_10-.Ltmp4, $4  }
0xca: {  	[spmem:s1] =	stream.indirect.scatter.add.f32 [tilespmem:s0], [sflag:$0x3], $0x40, s17, s29, $0xb8;
	[tilespmem:$0x1E400] =	vst v63  }
0xcb: {  	_ =	swait.ge [sflag:s21], $0x2000  }
0xcc: {  	[sflag:s21] =	ssyncset.done $0x0  }
0xcd: {  	s16 =	sadd.s32 $0x300, s16;
	[sflag:s21] =	ssyncadd.s32 $0xFFFFE000  }
.Ltmp5:
0xce: {  	_ = 	snop;
	(pc) =	sbr.rel .LBB2_11-.Ltmp5, $1  }
0xcf: {  	_ =	sdelay $0x3  }
.LBB2_2:
0xd0: {  	s16 =	rddreg [dreg:$0x5]  }
0xd1: {  	[tilespmem:s15], [sflag:$0x3] =	stream.linear.gather [hbm4b:s16+s15], $0x1400, $0x38;
	[tilespmem:$0x1E400] =	vst v63  }
0xd2: {  	_ =	swait.ge [sflag:s21], $0x1400  }
0xd3: {  	[sflag:s21] =	ssyncset.done $0x0  }
0xd4: {  	s17 =	rddreg [dreg:$0x6];
	[sflag:s21] =	ssyncadd.s32 $0xFFFFEC00  }
0xd5: {  	[tilespmem:s23], [sflag:$0x3] =	stream.linear.gather [hbm4b:s17+s15], $0x1400, $0x38;
	[tilespmem:$0x1E400] =	vst v63  }
0xd6: {  	_ =	swait.ge [sflag:s21], $0x1400  }
0xd7: {  	[sflag:s21] =	ssyncset.done $0x0  }
0xd8: {  	[sflag:s21] =	ssyncadd.s32 $0xFFFFEC00  }
0xd9: {  	[bflag:$0x0] =	sbarrier.arrive $0xFFFF  }
0xda: {  	[tilespmem:s25], [sflag:$0x1] =	stream.indirect.gather [spmem:s3], $0x40, s15, s24, $0xb8;
	[tilespmem:$0x1E400] =	vst v63  }
0xdb: {  	_ = 	snop  }
0xdc: {  	[tilespmem:s26], [sflag:$0x2] =	stream.indirect.gather [spmem:s3], $0x40, s24, s24, $0xb8;
	[tilespmem:$0x1E400] =	vst v63  }
0xdd: {  	_ =	swait.ge [sflag:s28], $0x4000  }
0xde: {  	[sflag:s28] =	ssyncset.done $0x0  }
0xdf: {  	s17 =	simm.s32 $0x1400;
	[sflag:s28] =	ssyncadd.s32 $0xFFFFC000  }
0xe0: {  	[spmem:s1] =	stream.indirect.scatter.add.f32 [tilespmem:s25], [sflag:$0x3], $0x40, s17, s29, $0xb8;
	[tilespmem:$0x1E400] =	vst v63  }
0xe1: {  	_ =	swait.ge [sflag:s21], $0x2000  }
0xe2: {  	[sflag:s21] =	ssyncset.done $0x0  }
0xe3: {  	s16 =	simm.s32 $0x1480;
	[sflag:s21] =	ssyncadd.s32 $0xFFFFE000  }
0xe4: {  	[spmem:s1] =	stream.indirect.scatter.add.f32 [tilespmem:s30], [sflag:$0x3], $0x40, s16, s29, $0xb8;
	[tilespmem:$0x1E400] =	vst v63  }
0xe5: {  	_ =	swait.ge [sflag:s21], $0x2000  }
0xe6: {  	[sflag:s21] =	ssyncset.done $0x0  }
0xe7: {  	s17 =	simm.s32 $0x200;
	[sflag:s21] =	ssyncadd.s32 $0xFFFFE000  }
0xe8: {  	[tilespmem:s25], [sflag:$0x1] =	stream.indirect.gather [spmem:s3], $0x40, s17, s24, $0xb8;
	[tilespmem:$0x1E400] =	vst v63  }
0xe9: {  	_ =	swait.ge [sflag:s31], $0x4000  }
0xea: {  	[sflag:s31] =	ssyncset.done $0x0  }
0xeb: {  	s16 =	simm.s32 $0x1500;
	[sflag:s31] =	ssyncadd.s32 $0xFFFFC000  }
0xec: {  	[spmem:s1] =	stream.indirect.scatter.add.f32 [tilespmem:s26], [sflag:$0x3], $0x40, s16, s29, $0xb8;
	[tilespmem:$0x1E400] =	vst v63  }
0xed: {  	_ =	swait.ge [sflag:s21], $0x2000  }
0xee: {  	[sflag:s21] =	ssyncset.done $0x0  }
0xef: {  	s17 =	simm.s32 $0x1580;
	[sflag:s21] =	ssyncadd.s32 $0xFFFFE000  }
0xf0: {  	[spmem:s1] =	stream.indirect.scatter.add.f32 [tilespmem:s0], [sflag:$0x3], $0x40, s17, s29, $0xb8;
	[tilespmem:$0x1E400] =	vst v63  }
0xf1: {  	_ =	swait.ge [sflag:s21], $0x2000  }
0xf2: {  	[sflag:s21] =	ssyncset.done $0x0  }
0xf3: {  	s15 =	simm.s32 $0x800;
	s16 =	simm.s32 $0x300;
	[sflag:s21] =	ssyncadd.s32 $0xFFFFE000  }
.LBB2_3:
0xf4: {  	[tilespmem:s26], [sflag:$0x2] =	stream.indirect.gather [spmem:s3], $0x40, s16, s24, $0xb8;
	[tilespmem:$0x1E400] =	vst v63  }
0xf5: {  	s16 =	smov.u32 s15  }
0xf6: {  	p1 =	sne.s32 s15, $0x4000;
	s15 =	sadd.s32 $0x800, s15;
	_ =	swait.ge [sflag:s28], $0x4000  }
0xf7: {  	s16 =	sshra.s32 s16, $0x2;
	[sflag:s28] =	ssyncset.done $0x0  }
0xf8: {  	s17 =	sadd.s32 $0x1400, s16;
	[sflag:s28] =	ssyncadd.s32 $0xFFFFC000  }
0xf9: {  	[spmem:s1] =	stream.indirect.scatter.add.f32 [tilespmem:s25], [sflag:$0x3], $0x40, s17, s29, $0xb8;
	[tilespmem:$0x1E400] =	vst v63  }
0xfa: {  	_ =	swait.ge [sflag:s21], $0x2000  }
0xfb: {  	[sflag:s21] =	ssyncset.done $0x0  }
0xfc: {  	s17 =	sadd.s32 $0x1480, s16;
	[sflag:s21] =	ssyncadd.s32 $0xFFFFE000  }
0xfd: {  	[spmem:s1] =	stream.indirect.scatter.add.f32 [tilespmem:s30], [sflag:$0x3], $0x40, s17, s29, $0xb8;
	[tilespmem:$0x1E400] =	vst v63  }
0xfe: {  	_ =	swait.ge [sflag:s21], $0x2000  }
0xff: {  	[sflag:s21] =	ssyncset.done $0x0  }
0x100: {  	s17 =	sadd.s32 $0x200, s16;
	[sflag:s21] =	ssyncadd.s32 $0xFFFFE000  }
0x101: {  	[tilespmem:s25], [sflag:$0x1] =	stream.indirect.gather [spmem:s3], $0x40, s17, s24, $0xb8;
	[tilespmem:$0x1E400] =	vst v63  }
0x102: {  	_ =	swait.ge [sflag:s31], $0x4000  }
0x103: {  	[sflag:s31] =	ssyncset.done $0x0  }
0x104: {  	s17 =	sadd.s32 $0x1500, s16;
	[sflag:s31] =	ssyncadd.s32 $0xFFFFC000  }
0x105: {  	[spmem:s1] =	stream.indirect.scatter.add.f32 [tilespmem:s26], [sflag:$0x3], $0x40, s17, s29, $0xb8;
	[tilespmem:$0x1E400] =	vst v63  }
0x106: {  	_ =	swait.ge [sflag:s21], $0x2000  }
0x107: {  	[sflag:s21] =	ssyncset.done $0x0  }
.Ltmp6:
0x108: {  	s17 =	sadd.s32 $0x1580, s16;
	[sflag:s21] =	ssyncadd.s32 $0xFFFFE000;
	(pc) =	sbr.rel @p1 .LBB2_3-.Ltmp6, $4  }
0x109: {  	[spmem:s1] =	stream.indirect.scatter.add.f32 [tilespmem:s0], [sflag:$0x3], $0x40, s17, s29, $0xb8;
	[tilespmem:$0x1E400] =	vst v63  }
0x10a: {  	_ =	swait.ge [sflag:s21], $0x2000  }
0x10b: {  	[sflag:s21] =	ssyncset.done $0x0  }
0x10c: {  	s16 =	sadd.s32 $0x300, s16;
	[sflag:s21] =	ssyncadd.s32 $0xFFFFE000  }
0x10d: {  	[tilespmem:s26], [sflag:$0x2] =	stream.indirect.gather [spmem:s3], $0x40, s16, s24, $0xb8;
	[tilespmem:$0x1E400] =	vst v63  }
0x10e: {  	_ =	swait.ge [sflag:s28], $0x4000  }
0x10f: {  	[sflag:s28] =	ssyncset.done $0x0  }
0x110: {  	[sflag:s28] =	ssyncadd.s32 $0xFFFFC000  }
0x111: {  	[spmem:s1] =	stream.indirect.scatter.add.f32 [tilespmem:s25], [sflag:$0x3], $0x40, s2, s29, $0xb8;
	[tilespmem:$0x1E400] =	vst v63  }
0x112: {  	_ =	swait.ge [sflag:s21], $0x2000  }
0x113: {  	[sflag:s21] =	ssyncset.done $0x0  }
0x114: {  	[sflag:s21] =	ssyncadd.s32 $0xFFFFE000  }
0x115: {  	[spmem:s1] =	stream.indirect.scatter.add.f32 [tilespmem:s30], [sflag:$0x3], $0x40, s11, s29, $0xb8;
	[tilespmem:$0x1E400] =	vst v63  }
0x116: {  	_ =	swait.ge [sflag:s21], $0x2000  }
0x117: {  	[sflag:s21] =	ssyncset.done $0x0  }
0x118: {  	[sflag:s21] =	ssyncadd.s32 $0xFFFFE000  }
0x119: {  	_ =	swait.ge [sflag:s31], $0x4000  }
0x11a: {  	[sflag:s31] =	ssyncset.done $0x0  }
0x11b: {  	[sflag:s31] =	ssyncadd.s32 $0xFFFFC000  }
0x11c: {  	[spmem:s1] =	stream.indirect.scatter.add.f32 [tilespmem:s26], [sflag:$0x3], $0x40, s12, s29, $0xb8;
	[tilespmem:$0x1E400] =	vst v63  }
0x11d: {  	_ =	swait.ge [sflag:s21], $0x2000  }
0x11e: {  	[sflag:s21] =	ssyncset.done $0x0  }
0x11f: {  	[sflag:s21] =	ssyncadd.s32 $0xFFFFE000  }
0x120: {  	[spmem:s1] =	stream.indirect.scatter.add.f32 [tilespmem:s0], [sflag:$0x3], $0x40, s13, s29, $0xb8;
	[tilespmem:$0x1E400] =	vst v63  }
0x121: {  	_ =	swait.ge [sflag:s21], $0x2000  }
0x122: {  	[sflag:s21] =	ssyncset.done $0x0  }
0x123: {  	s15 =	simm.s32 $0x0;
	s17 =	rddreg [dreg:$0x7];
	[sflag:s21] =	ssyncadd.s32 $0xFFFFE000  }
0x124: {  	[tilespmem:s15], [sflag:$0x3] =	stream.linear.gather [hbm4b:s17+s15], $0x1400, $0x38;
	[tilespmem:$0x1E400] =	vst v63  }
0x125: {  	_ =	swait.ge [sflag:s21], $0x1400  }
0x126: {  	[sflag:s21] =	ssyncset.done $0x0  }
0x127: {  	s17 =	rddreg [dreg:$0x8];
	[sflag:s21] =	ssyncadd.s32 $0xFFFFEC00  }
0x128: {  	[tilespmem:s23], [sflag:$0x3] =	stream.linear.gather [hbm4b:s17+s15], $0x1400, $0x38;
	[tilespmem:$0x1E400] =	vst v63  }
0x129: {  	_ =	swait.ge [sflag:s21], $0x1400  }
0x12a: {  	[sflag:s21] =	ssyncset.done $0x0  }
0x12b: {  	[sflag:s21] =	ssyncadd.s32 $0xFFFFEC00  }
0x12c: {  	[tilespmem:s25], [sflag:$0x1] =	stream.indirect.gather [spmem:s3], $0x40, s15, s24, $0xb8;
	[tilespmem:$0x1E400] =	vst v63  }
0x12d: {  	_ = 	snop  }
0x12e: {  	[tilespmem:s26], [sflag:$0x2] =	stream.indirect.gather [spmem:s3], $0x40, s24, s24, $0xb8;
	[tilespmem:$0x1E400] =	vst v63  }
0x12f: {  	_ =	swait.ge [sflag:s28], $0x4000  }
0x130: {  	[sflag:s28] =	ssyncset.done $0x0  }
0x131: {  	s17 =	simm.s32 $0x1400;
	[sflag:s28] =	ssyncadd.s32 $0xFFFFC000  }
0x132: {  	[spmem:s1] =	stream.indirect.scatter.add.f32 [tilespmem:s25], [sflag:$0x3], $0x40, s17, s29, $0xb8;
	[tilespmem:$0x1E400] =	vst v63  }
0x133: {  	_ =	swait.ge [sflag:s21], $0x2000  }
0x134: {  	[sflag:s21] =	ssyncset.done $0x0  }
0x135: {  	s16 =	simm.s32 $0x1480;
	[sflag:s21] =	ssyncadd.s32 $0xFFFFE000  }
0x136: {  	[spmem:s1] =	stream.indirect.scatter.add.f32 [tilespmem:s30], [sflag:$0x3], $0x40, s16, s29, $0xb8;
	[tilespmem:$0x1E400] =	vst v63  }
0x137: {  	_ =	swait.ge [sflag:s21], $0x2000  }
0x138: {  	[sflag:s21] =	ssyncset.done $0x0  }
0x139: {  	s17 =	simm.s32 $0x200;
	[sflag:s21] =	ssyncadd.s32 $0xFFFFE000  }
0x13a: {  	[tilespmem:s25], [sflag:$0x1] =	stream.indirect.gather [spmem:s3], $0x40, s17, s24, $0xb8;
	[tilespmem:$0x1E400] =	vst v63  }
0x13b: {  	_ =	swait.ge [sflag:s31], $0x4000  }
0x13c: {  	[sflag:s31] =	ssyncset.done $0x0  }
0x13d: {  	s16 =	simm.s32 $0x1500;
	[sflag:s31] =	ssyncadd.s32 $0xFFFFC000  }
0x13e: {  	[spmem:s1] =	stream.indirect.scatter.add.f32 [tilespmem:s26], [sflag:$0x3], $0x40, s16, s29, $0xb8;
	[tilespmem:$0x1E400] =	vst v63  }
0x13f: {  	_ =	swait.ge [sflag:s21], $0x2000  }
0x140: {  	[sflag:s21] =	ssyncset.done $0x0  }
0x141: {  	s17 =	simm.s32 $0x1580;
	[sflag:s21] =	ssyncadd.s32 $0xFFFFE000  }
0x142: {  	[spmem:s1] =	stream.indirect.scatter.add.f32 [tilespmem:s0], [sflag:$0x3], $0x40, s17, s29, $0xb8;
	[tilespmem:$0x1E400] =	vst v63  }
0x143: {  	_ =	swait.ge [sflag:s21], $0x2000  }
0x144: {  	[sflag:s21] =	ssyncset.done $0x0  }
0x145: {  	s15 =	simm.s32 $0x800;
	s16 =	simm.s32 $0x300;
	[sflag:s21] =	ssyncadd.s32 $0xFFFFE000  }
.LBB2_5:
0x146: {  	[tilespmem:s26], [sflag:$0x2] =	stream.indirect.gather [spmem:s3], $0x40, s16, s24, $0xb8;
	[tilespmem:$0x1E400] =	vst v63  }
0x147: {  	s16 =	smov.u32 s15  }
0x148: {  	p1 =	seq.s32 s15, $0x4000;
	s15 =	sadd.s32 $0x800, s15;
	_ =	swait.ge [sflag:s28], $0x4000  }
0x149: {  	s16 =	sshra.s32 s16, $0x2;
	[sflag:s28] =	ssyncset.done $0x0  }
0x14a: {  	s17 =	sadd.s32 $0x1400, s16;
	[sflag:s28] =	ssyncadd.s32 $0xFFFFC000  }
0x14b: {  	[spmem:s1] =	stream.indirect.scatter.add.f32 [tilespmem:s25], [sflag:$0x3], $0x40, s17, s29, $0xb8;
	[tilespmem:$0x1E400] =	vst v63  }
0x14c: {  	_ =	swait.ge [sflag:s21], $0x2000  }
0x14d: {  	[sflag:s21] =	ssyncset.done $0x0  }
0x14e: {  	s17 =	sadd.s32 $0x1480, s16;
	[sflag:s21] =	ssyncadd.s32 $0xFFFFE000  }
0x14f: {  	[spmem:s1] =	stream.indirect.scatter.add.f32 [tilespmem:s30], [sflag:$0x3], $0x40, s17, s29, $0xb8;
	[tilespmem:$0x1E400] =	vst v63  }
0x150: {  	_ =	swait.ge [sflag:s21], $0x2000  }
0x151: {  	[sflag:s21] =	ssyncset.done $0x0  }
0x152: {  	s17 =	sadd.s32 $0x200, s16;
	[sflag:s21] =	ssyncadd.s32 $0xFFFFE000  }
0x153: {  	[tilespmem:s25], [sflag:$0x1] =	stream.indirect.gather [spmem:s3], $0x40, s17, s24, $0xb8;
	[tilespmem:$0x1E400] =	vst v63  }
0x154: {  	_ =	swait.ge [sflag:s31], $0x4000  }
0x155: {  	[sflag:s31] =	ssyncset.done $0x0  }
0x156: {  	s17 =	sadd.s32 $0x1500, s16;
	[sflag:s31] =	ssyncadd.s32 $0xFFFFC000  }
0x157: {  	[spmem:s1] =	stream.indirect.scatter.add.f32 [tilespmem:s26], [sflag:$0x3], $0x40, s17, s29, $0xb8;
	[tilespmem:$0x1E400] =	vst v63  }
0x158: {  	_ =	swait.ge [sflag:s21], $0x2000  }
0x159: {  	[sflag:s21] =	ssyncset.done $0x0  }
.Ltmp7:
0x15a: {  	s17 =	sadd.s32 $0x1580, s16;
	[sflag:s21] =	ssyncadd.s32 $0xFFFFE000;
	(pc) =	sbr.rel @!p1 .LBB2_5-.Ltmp7, $4  }
0x15b: {  	[spmem:s1] =	stream.indirect.scatter.add.f32 [tilespmem:s0], [sflag:$0x3], $0x40, s17, s29, $0xb8;
	[tilespmem:$0x1E400] =	vst v63  }
0x15c: {  	_ =	swait.ge [sflag:s21], $0x2000  }
0x15d: {  	[sflag:s21] =	ssyncset.done $0x0  }
0x15e: {  	s16 =	sadd.s32 $0x300, s16;
	[sflag:s21] =	ssyncadd.s32 $0xFFFFE000  }
.Ltmp8:
0x15f: {  	(pc) =	sbr.rel .LBB2_12-.Ltmp8, $3  }
0x160: {  	_ =	sdelay $0x1  }
0x161: {  	[tilespmem:s26], [sflag:$0x2] =	stream.indirect.gather [spmem:s3], $0x40, s16, s24, $0xb8;
	[tilespmem:$0x1E400] =	vst v63  }
0x162: {  	s15 =	smov.u32 s5  }
.LBB2_13:
0x163: {  	_ =	sfence.sel $0x180000  }
0x164: {  	[bflag:$0x0] =	sbarrier.arrive $0xFFFF  }
0x165: {  	_ =	strace $0x9000004D  }
0x166: {  	s0 =	stileid.u32;
	[bflag:$0x2] =	sbarrier.arrive $0xFFFF  }
0x167: {  	p0 =	sne.s32 s0, $0x0;
	s0 =	rddreg [dreg:$0x4]  }
0x168: {  	s0 =	sadd.s32 @!p0 $0x100000, s0  }
0x169: {  	[sflag:s0] =	ssyncadd.tile.s32 @!p0 $0x1;
	_ =	shalt  }
.Lfunc_end2:
_tile_overlayer_lowered:
.L_overlay_start_2:
0x16a: {  	(tag) =	ssettag $0x2  }
0x16b: {  	s0 =	rddreg [dreg:$0x0];
	s2 =	stileid.u32  }
0x16c: {  	s1 =	rddreg [dreg:$0x1];
	p0 =	sne.s32 s2, $0x0  }
0x16d: {  	s3 =	rddreg [dreg:$0x2];
	[bflag:$0x3] =	sbarrier.arrive $0xFFFF;
	s2 =	simm.s32 @!p0 $0x1C03  }
0x16e: {  	[timem:s3], [sflag:s2] =	dma.local @!p0 [hbm:s0], s1  }
0x16f: {  	s0 =	simm.s32 @!p0 $0x3  }
0x170: {  	_ =	swait.ge @!p0 [sflag:s0], s1  }
0x171: {  	s1 =	ssub.s32 @!p0 $0x0, s1;
	[sflag:s0] =	ssyncset.done @!p0 $0x0  }
0x172: {  	[sflag:s0] =	ssyncadd.s32 @!p0 s1  }
0x173: {  	[bflag:$0x3] =	sbarrier.arrive $0xFFFF  }
0x174: {  	_ =	shalt  }

// kernel: kernel.8.cloned.1.call-start
scs
__scs_entry_jumppad:
0x0: {  	(pc) =	sbr.rel $0x88, $3  }
0x1: {  	(tag) =	ssettag $0x0;
	lr =	simm.s32 $0x1  }
0x2: {  	[smem:$0x3F93] =	sst lr;
	_ =	strace $0xD0000000  }
0x3: {  	_ = 	snop  }
0x4: {  	_ = 	snop  }
0x5: {  	_ = 	snop  }
0x6: {  	_ = 	snop  }
0x7: {  	_ = 	snop  }
__scs_overlays_trampoline_lowered:
0x8: {  	[smem:$0x3FA2] =	sst s0  }
0x9: {  	[smem:$0x3FA3] =	sst s1  }
0xa: {  	[smem:$0x3FA4] =	sst s2  }
0xb: {  	[smem:$0x3FA5] =	sst s3  }
0xc: {  	[smem:$0x3FA6] =	sst s4  }
0xd: {  	[smem:$0x3FA7] =	sst s5  }
0xe: {  	[smem:$0x3FA8] =	sst s6  }
0xf: {  	[smem:$0x3FA9] =	sst s7  }
0x10: {  	[smem:$0x3FAA] =	sst s8  }
0x11: {  	[smem:$0x3FAB] =	sst s9;
	s0 =	simm.s32 @!p0 $0x0  }
0x12: {  	s1 =	sld [smem:$0x3F91];
	s0 =	simm.s32 @p0 $0x1  }
0x13: {  	[smem:$0x3FAC] =	sst s0;
	s0 =	simm.s32 @!p1 $0x0  }
0x14: {  	s2 =	sld [smem:$0x3F90];
	s0 =	simm.s32 @p1 $0x1  }
0x15: {  	[smem:$0x3FAD] =	sst s0;
	s0 =	simm.s32 @!p2 $0x0  }
0x16: {  	s3 =	sld [smem:$0x3FDB];
	s0 =	simm.s32 @p2 $0x1  }
0x17: {  	s4 =	simm.s32 $0x1BF5;
	[smem:$0x3FAF] =	sst s0  }
0x18: {  	s0 =	sld [smem:$0x3F92];
	_ =	swait.ge [sflag:s4], $0x0  }
0x19: {  	s7 =	sld [smem:$0x3F93]  }
0x1a: {  	s8 =	sadd.s32 $0xFFFFE003, lr  }
0x1b: {  	s9 =	sadd.s32 $0xFFFFFEF7, lr;
	s5 =	simm.s32 $0xFFFFFFFF;
	p2 =	slt.u32 s8, $0xFFFFF086  }
0x1c: {  	p1 =	slt.u32 s9, $0xF7A;
	s5 =	simm.s32 @!p2 $0x0  }
0x1d: {  	s5 =	simm.s32 @p1 $0x1;
	p0 =	seq.s32 s7, s2  }
0x1e: {  	s7 =	smul.u32 @!p0 $0xF7A, s2;
	p2 =	seq.s32 @!p0 s5, $0x0  }
0x1f: {  	s9 =	smul.u32 $0xF7A, s1;
	s8 =	simm.s32 @!p0 $0x1BF5;
	p2 =	por !p2, p0  }
0x20: {  	[sflag:s8] =	ssyncset.s32 @!p0 $0xFFFFF086;
	s6 =	sadd.s32 @!p0 s3, s7;
	s7 =	simm.s32 @!p0 $0x108  }
0x21: {  	s3 =	sadd.s32 s3, s9;
	s6 =	sadd.s32 @!p0 $0x88, s6;
	s7 =	simm.s32 @p2 $0x1082  }
0x22: {  	[simem:s7], [sflag:s8] =	dma.local @!p0 [hbm:s6], $0xF7A  }
0x23: {  	s9 =	sor.u32 $0xD0000000, s2;
	s6 =	simm.s32 $0x108;
	_ =	swait.ge @!p0 [sflag:s8], $0x0  }
0x24: {  	s3 =	sadd.s32 $0x88, s3;
	s6 =	simm.s32 @!p1 $0x1082;
	[sflag:s4] =	ssyncset.s32 $0xFFFFF086  }
0x25: {  	[simem:s6], [sflag:s4] =	dma.local [hbm:s3], $0xF7A  }
0x26: {  	[smem:$0x3F93] =	sst s1;
	(tag) =	ssettag s2;
	_ =	strace s9  }
0x27: {  	s1 =	sld [smem:$0x3FA3]  }
0x28: {  	s2 =	sld [smem:$0x3FA4]  }
0x29: {  	s4 =	sld [smem:$0x3FA6]  }
0x2a: {  	p0 =	seq.s32 s5, $0x0;
	s5 =	sld [smem:$0x3FA7]  }
0x2b: {  	s6 =	sld [smem:$0x3FA8]  }
0x2c: {  	s7 =	sld [smem:$0x3FA9]  }
0x2d: {  	s3 =	simm.s32 $0x108;
	s8 =	sld [smem:$0x3FAA]  }
0x2e: {  	s3 =	simm.s32 @!p0 $0x1082;
	s9 =	sld [smem:$0x3FAB]  }
0x2f: {  	lr =	sadd.s32 s0, s3;
	s0 =	sld [smem:$0x3FA2]  }
0x30: {  	s3 =	sld [smem:$0x3FA5]  }
0x31: {  	[smem:$0x3FAE] =	sst s10  }
0x32: {  	s10 =	sld [smem:$0x3FAC];
	_ =	sdelay $0x3  }
0x33: {  	p0 =	seq.s32 s10, $0x1;
	s10 =	sld [smem:$0x3FAE];
	_ =	sdelay $0x3  }
0x34: {  	[smem:$0x3FAE] =	sst s10  }
0x35: {  	s10 =	sld [smem:$0x3FAD];
	_ =	sdelay $0x3  }
0x36: {  	p1 =	seq.s32 s10, $0x1;
	s10 =	sld [smem:$0x3FAE];
	_ =	sdelay $0x3  }
0x37: {  	[smem:$0x3FAE] =	sst s10  }
0x38: {  	s10 =	sld [smem:$0x3FAF]  }
0x39: {  	_ = 	snop;
	(pc) =	sbr.ind lr, $3  }
0x3a: {  	_ = 	snop  }
0x3b: {  	_ = 	snop  }
0x3c: {  	p2 =	seq.s32 s10, $0x1;
	s10 =	sld [smem:$0x3FAE]  }
0x3d: {  	_ =	shalt  }
0x3e: {  	_ =	shalt  }
0x3f: {  	_ =	shalt  }
0x40: {  	_ =	shalt  }
0x41: {  	_ =	shalt  }
0x42: {  	_ =	shalt  }
0x43: {  	_ =	shalt  }
0x44: {  	_ =	shalt  }
0x45: {  	_ =	shalt  }
0x46: {  	_ =	shalt  }
0x47: {  	_ =	shalt  }
0x48: {  	_ =	shalt  }
0x49: {  	_ =	shalt  }
0x4a: {  	_ =	shalt  }
0x4b: {  	_ =	shalt  }
0x4c: {  	_ =	shalt  }
0x4d: {  	_ =	shalt  }
0x4e: {  	_ =	shalt  }
0x4f: {  	_ =	shalt  }
0x50: {  	_ =	shalt  }
0x51: {  	_ =	shalt  }
0x52: {  	_ =	shalt  }
0x53: {  	_ =	shalt  }
0x54: {  	_ =	shalt  }
0x55: {  	_ =	shalt  }
0x56: {  	_ =	shalt  }
0x57: {  	_ =	shalt  }
0x58: {  	_ =	shalt  }
0x59: {  	_ =	shalt  }
0x5a: {  	_ =	shalt  }
0x5b: {  	_ =	shalt  }
0x5c: {  	_ =	shalt  }
0x5d: {  	_ =	shalt  }
0x5e: {  	_ =	shalt  }
0x5f: {  	_ =	shalt  }
0x60: {  	_ =	shalt  }
0x61: {  	_ =	shalt  }
0x62: {  	_ =	shalt  }
0x63: {  	_ =	shalt  }
0x64: {  	_ =	shalt  }
0x65: {  	_ =	shalt  }
0x66: {  	_ =	shalt  }
0x67: {  	_ =	shalt  }
0x68: {  	_ =	shalt  }
0x69: {  	_ =	shalt  }
0x6a: {  	_ =	shalt  }
0x6b: {  	_ =	shalt  }
0x6c: {  	_ =	shalt  }
0x6d: {  	_ =	shalt  }
0x6e: {  	_ =	shalt  }
0x6f: {  	_ =	shalt  }
0x70: {  	_ =	shalt  }
0x71: {  	_ =	shalt  }
0x72: {  	_ =	shalt  }
0x73: {  	_ =	shalt  }
0x74: {  	_ =	shalt  }
0x75: {  	_ =	shalt  }
0x76: {  	_ =	shalt  }
0x77: {  	_ =	shalt  }
0x78: {  	_ =	shalt  }
0x79: {  	_ =	shalt  }
0x7a: {  	_ =	shalt  }
0x7b: {  	_ =	shalt  }
0x7c: {  	_ =	shalt  }
0x7d: {  	_ =	shalt  }
0x7e: {  	_ =	shalt  }
0x7f: {  	_ =	shalt  }
0x80: {  	_ =	shalt  }
0x81: {  	_ =	shalt  }
0x82: {  	_ =	shalt  }
0x83: {  	_ =	shalt  }
0x84: {  	_ =	shalt  }
0x85: {  	_ =	shalt  }
0x86: {  	_ =	shalt  }
0x87: {  	_ =	shalt  }
.Lfunc_end0:
.L_simem_size_0:
called_computation_lowered:
.L_overlay_start_0:
0x88: {  	s2 =	sld [smem:$0x3FD9]  }
0x89: {  	s3 =	sld [smem:$0x3FFE];
	_ =	sdelay $0x1  }
0x8a: {  	s1 =	srdreg.scid  }
0x8b: {  	s0 =	sand.u32 $0x1, s1  }
0x8c: {  	s14 =	sshll.u32 s0, $0xA;
	s2 =	sadd.s32 s3, s2  }
0x8d: {  	s2 =	sadd.s32 s2, s14  }
0x8e: {  	[smem:$0x3FBA] =	sst s2  }
0x8f: {  	_ = 	snop  }
0x90: {  	s2 =	sld [smem:$0x3FD0];
	_ =	sdelay $0x2  }
0x91: {  	s15 =	simm.s32 $0xA;
	s4 =	simm.s32 $0x10  }
0x92: {  	[smem:s4], [sflag:s15] =	dma.local [hbm:s2], $0x1  }
0x93: {  	_ =	swait.eq [sflag:s15], $0x1  }
0x94: {  	[sflag:s15] =	ssyncset.done $0x0  }
0x95: {  	s16 =	sld [smem:$0x10];
	[sflag:s15] =	ssyncadd.s32 $0xFFFFFFFF  }
0x96: {  	s17 =	sld [smem:$0x11];
	(tm) =	ssettm $0x1  }
0x97: {  	s18 =	sld [smem:$0x3FFB];
	_ =	sdelay $0x3  }
0x98: {  	_ =	strace s18  }
0x99: {  	s4 =	sld [smem:$0x3FFC];
	_ =	sdelay $0x3  }
0x9a: {  	_ =	strace s4  }
0x9b: {  	s4 =	sld [smem:$0x3FFD];
	_ =	sdelay $0x3  }
0x9c: {  	_ =	strace s4  }
0x9d: {  	_ =	strace $0x8FFFFFFF  }
0x9e: {  	s19 =	sld [smem:$0x3FDB];
	_ =	sdelay $0x1  }
0x9f: {  	s5 =	simm.s32 $_scs_section_size  }
0xa0: {  	s6 =	simm.s32 $_size__tile_overlayer_lowered;
	s7 =	simm.s32 $_tile_overlayer_lowered  }
0xa1: {  	s22 =	simm.s32 $0x1BFF;
	s21 =	sshll.u32 s7, $0x1;
	s4 =	sadd.s32 s5, s19  }
0xa2: {  	s8 =	simm.s32 $0x0;
	s20 =	sshll.u32 s6, $0x1;
	s6 =	sadd.s32 s21, s4  }
0xa3: {  	[timem:s8], [sflag:s22] =	dma.local [hbm:s6], s20  }
0xa4: {  	_ =	swait.ge [sflag:s22], s20  }
0xa5: {  	s5 =	ssub.s32 $0x0, s20;
	[sflag:s22] =	ssyncset.done $0x0  }
0xa6: {  	[sflag:s22] =	ssyncadd.s32 s5;
	_ =	sdelay $0x1  }
0xa7: {  	s23 =	simm.s32 $0x1B8B  }
0xa8: {  	_ =	swait.ge [sflag:s23], $0x1  }
0xa9: {  	[sflag:s23] =	ssyncset.done $0x0  }
0xaa: {  	s25 =	simm.s32 $0x1B8E;
	s24 =	sld [smem:$0x3FFE];
	[sflag:s23] =	ssyncadd.s32 $0xFFFFFFFF  }
0xab: {  	s26 =	simm.s32 $execute0_lowered;
	[smem:$0x3FD2] =	sst s25  }
0xac: {  	s6 =	sshll.u32 s26, $0x1;
	_ =	strace $0x80000046;
	[dreg:$0x1] =	wrdreg $0xFFFFFFFF  }
0xad: {  	s28 =	simm.s32 $_size_execute0_lowered;
	s4 =	sadd.s32 s4, s6;
	[dreg:$0x0] =	wrdreg $0x0  }
0xae: {  	s6 =	sshll.u32 s28, $0x1;
	[dreg:$0x2] =	wrdreg s4  }
0xaf: {  	[dreg:$0x3] =	wrdreg s6  }
0xb0: {  	[dreg:$0x4] =	wrdreg $0xC0  }
0xb1: {  	_ =	task [dreg:s8], $0x5FFFF  }
0xb2: {  	[dreg:$0x1] =	wrdreg $0xFFFFFFFF  }
0xb3: {  	[dreg:$0x0] =	wrdreg $0x60  }
0xb4: {  	[dreg:$0x2] =	wrdreg s24  }
0xb5: {  	[dreg:$0x3] =	wrdreg s16  }
0xb6: {  	[dreg:$0x4] =	wrdreg s17  }
0xb7: {  	[dreg:$0x5] =	wrdreg $0x30000  }
0xb8: {  	[dreg:$0x6] =	wrdreg $0x9  }
0xb9: {  	_ =	task.clear_ibuf [dreg:s8], $0x7FFFF;
	_ =	strace $0x90000046  }
0xba: {  	s29 =	simm.s32 $0x9;
	_ =	strace $0x80000048  }
0xbb: {  	_ =	swait.ge [sflag:s29], $0x1  }
0xbc: {  	[sflag:s29] =	ssyncadd.s32 $0xFFFFFFFF  }
0xbd: {  	_ =	strace $0x90000048  }
0xbe: {  	_ =	sfence  }
0xbf: {  	s30 =	sld [smem:$0x0];
	_ =	sdelay $0x2  }
0xc0: {  	s31 =	sshll.u32 s1, $0xD;
	s1 =	sshrl.u32 s1, $0x2  }
0xc1: {  	s3 =	sand.u32 $0x4000, s31;
	s1 =	sadd.s32 s1, s30  }
0xc2: {  	s0 =	sor.u32 s3, s0;
	s1 =	sshll.u32 s1, $0x11  }
0xc3: {  	s0 =	sor.u32 s1, s0  }
0xc4: {  	s0 =	sadd.s32 $0x8F2B, s0  }
0xc5: {  	[sflag:s0] =	ssyncadd.remote.s32 $0x1  }
0xc6: {  	_ =	sfence.sel $0xFFFF  }
0xc7: {  	[dreg:$0x0] =	wrdreg $0xFFFFFFFF;
	(pc) =	sbr.abs _section_cstart, $3  }
0xc8: {  	[dreg:$0x1] =	wrdreg $0xFFFFFFFF  }
0xc9: {  	_ =	task.clear_ibuf [dreg:s8], $0x2FFFF;
	_ =	strace $0x9FFFFFFF  }
0xca: {  	(tm) =	ssettm $0x7FFFFFFF  }
0xcb: {  	_ =	shalt  }
tec
execute0_lowered:
.L_overlay_start_1:
0x0: {  	(tag) =	ssettag $0x1  }
0x1: {  	s4 =	rddreg [dreg:$0x0]  }
0x2: {  	s5 =	rddreg [dreg:$0x1]  }
0x3: {  	s8 =	rddreg [dreg:$0x2]  }
0x4: {  	s0 =	srdreg.scid;
	s2 =	rddreg [dreg:$0x3];
	s3 =	simm.s32 $0x0  }
0x5: {  	s13 =	simm.s32 $0x80;
	s6 =	sand.u32 $0x1, s0;
	s0 =	stileid.u32  }
0x6: {  	s14 =	simm.s32 $0x0;
	[smem:$0x7FF] =	sst s3;
	s10 =	smul.u32 $0x2780, s0  }
0x7: {  	s1 =	sshll.u32 s6, $0x4;
	s9 =	ssub.s32 $0x2, s6;
	s6 =	smul.u32 $0x27800, s6  }
0x8: {  	s30 =	sshll.u32 s0, $0x6;
	s7 =	sor.u32 s0, s1;
	s1 =	rddreg [dreg:$0x4]  }
0x9: {  	_ =	strace $0x80000047;
	s11 =	sshrl.u32 s9, $0x1;
	s7 =	smul.u32 $0x500, s7  }
0xa: {  	s9 =	ssub.s32 s9, s11;
	s29 =	sadd.s32 s10, s2;
	s12 =	sshrl.u32 s10, $0x3  }
0xb: {  	s6 =	sadd.s32 s10, s6;
	s11 =	simm.s32 $0x1;
	s5 =	sadd.s32 s5, s12  }
0xc: {  	s31 =	sshrl.u32 s6, $0x3;
	s6 =	sor.u32 $0x1C01, s30;
	s9 =	smax.u32 s9, $0x1  }
0xd: {  	s10 =	sshrl.u32 s29, $0x3;
	s12 =	simm.s32 $0x2800;
	s7 =	sadd.s32 s7, s4  }
0xe: {  	s4 =	sadd.s32 $0xAE00, s4;
	s8 =	sadd.s32 s8, s31;
	s7 =	sadd.s32 $0xE00, s7  }
.LBB2_1:
0xf: {  	[spmem:s10], [sflag:s6] =	dma.local [hbm:s5], $0x4F0  }
0x10: {  	_ =	swait.ge [sflag:s11], $0x4F0  }
0x11: {  	[sflag:s11] =	ssyncset.done $0x0  }
0x12: {  	[sflag:s11] =	ssyncadd.s32 $0xFFFFFB10  }
0x13: {  	[tilespmem:s12], [sflag:$0x1] =	stream.linear.gather [hbm4b:s4+s3], $0x800, $0x38;
	[tilespmem:$0x5780] =	vst v63  }
0x14: {  	_ =	swait.ge [sflag:s11], $0x800  }
0x15: {  	[sflag:s11] =	ssyncset.done $0x0  }
0x16: {  	[sflag:s11] =	ssyncadd.s32 $0xFFFFF800  }
0x17: {  	[tilespmem:s3], [sflag:$0x1] =	stream.linear.gather [hbm4b:s7+s3], $0x2800, $0x38;
	[tilespmem:$0x5780] =	vst v63  }
0x18: {  	_ =	swait.ge [sflag:s11], $0x2800  }
0x19: {  	[sflag:s11] =	ssyncset.done $0x0  }
0x1a: {  	[sflag:s11] =	ssyncadd.s32 $0xFFFFD800  }
0x1b: {  	s15 =	simm.s32 $0x0;
	[bflag:$0x0] =	sbarrier.arrive $0xFFFF  }
0x1c: {  	[spmem:s2] =	stream.indirect.scatter.add.f32 [tilespmem:s12], [sflag:$0x1], $0x10, s15, s13, $0xb8;
	[tilespmem:$0x5780] =	vst v63  }
0x1d: {  	_ =	swait.ge [sflag:s11], $0x800  }
0x1e: {  	s15 =	simm.s32 $0x200;
	[sflag:s11] =	ssyncset.done $0x0  }
.LBB2_2:
0x1f: {  	s16 =	sshra.s32 s15, $0x2;
	[sflag:s11] =	ssyncadd.s32 $0xFFFFF800;
	p0 =	sne.s32 s15, $0x9E00  }
0x20: {  	[spmem:s2] =	stream.indirect.scatter.add.f32 [tilespmem:s12], [sflag:$0x1], $0x10, s16, s13, $0xb8;
	[tilespmem:$0x5780] =	vst v63  }
.Ltmp0:
0x21: {  	_ = 	snop;
	(pc) =	sbr.rel @p0 .LBB2_2-.Ltmp0, $4  }
0x22: {  	_ = 	snop  }
0x23: {  	s15 =	sadd.s32 $0x200, s15  }
0x24: {  	_ =	swait.ge [sflag:s11], $0x800  }
0x25: {  	[sflag:s11] =	ssyncset.done $0x0  }
0x26: {  	s14 =	sadd.s32 $0x1, s14  }
0x27: {  	[sflag:s11] =	ssyncadd.s32 $0xFFFFF800;
	p0 =	sne.s32 s14, s9  }
.Ltmp1:
0x28: {  	[bflag:$0x0] =	sbarrier.arrive $0xFFFF;
	(pc) =	sbr.rel @p0 .LBB2_1-.Ltmp1, $4  }
0x29: {  	[hbm:s8], [sflag:s6] =	dma.local [spmem:s10], $0x4F0  }
0x2a: {  	_ =	swait.ge [sflag:s11], $0x4F0  }
0x2b: {  	[sflag:s11] =	ssyncset.done $0x0  }
0x2c: {  	[sflag:s11] =	ssyncadd.s32 $0xFFFFFB10  }
0x2d: {  	_ =	sfence.sel $0x180000  }
0x2e: {  	[bflag:$0x0] =	sbarrier.arrive $0xFFFF  }
0x2f: {  	p0 =	sne.s32 s0, $0x0;
	_ =	strace $0x90000047  }
0x30: {  	s0 =	sadd.s32 @!p0 $0x100000, s1;
	[bflag:$0x2] =	sbarrier.arrive $0xFFFF  }
0x31: {  	[sflag:s0] =	ssyncadd.tile.s32 @!p0 $0x1;
	_ =	shalt  }
.Lfunc_end2:
_tile_overlayer_lowered:
.L_overlay_start_2:
0x32: {  	(tag) =	ssettag $0x2  }
0x33: {  	s0 =	rddreg [dreg:$0x0];
	s2 =	stileid.u32  }
0x34: {  	s1 =	rddreg [dreg:$0x1];
	p0 =	sne.s32 s2, $0x0  }
0x35: {  	s3 =	rddreg [dreg:$0x2];
	[bflag:$0x3] =	sbarrier.arrive $0xFFFF;
	s2 =	simm.s32 @!p0 $0x1C01  }
0x36: {  	[timem:s3], [sflag:s2] =	dma.local @!p0 [hbm:s0], s1  }
0x37: {  	s0 =	simm.s32 @!p0 $0x1  }
0x38: {  	_ =	swait.ge @!p0 [sflag:s0], s1  }
0x39: {  	s1 =	ssub.s32 @!p0 $0x0, s1;
	[sflag:s0] =	ssyncset.done @!p0 $0x0  }
0x3a: {  	[sflag:s0] =	ssyncadd.s32 @!p0 s1  }
0x3b: {  	[bflag:$0x3] =	sbarrier.arrive $0xFFFF  }
0x3c: {  	_ =	shalt  }

</sc_bundles>
